<compile_context>
chip_gen: v7x
topology: tpu7x:2x2x1
jax: 0.10.2.dev20260603
libtpu: 0.0.44.dev20260713+nightly
codegen_flags: <defaults>
</compile_context>

<pallas_src>
import functools

import jax
import jax.numpy as jnp
from jax import lax
from jax.experimental import pallas as pl
from jax.experimental.pallas import tpu as pltpu
from jax.experimental.pallas import tpu_sc as plsc

N = 10000
E = 320000
H = 128
F = 128
ROUNDS = 3

NC = 2
NS = 16
NW = NC * NS
EPW = E // NW
CHUNK = 80
NCHUNK = EPW // CHUNK
STRIPE = 624
TAIL = N - NS * STRIPE
ZROWS = 104


def _sc_scatter_make():
    mesh = plsc.VectorSubcoreMesh(core_axis_name="c", subcore_axis_name="s")

    @functools.partial(
        pl.kernel,
        out_type=jax.ShapeDtypeStruct((NC * N, H), jnp.float32),
        name="edge_scatter_add",
        mesh=mesh,
        scratch_types=[
            pltpu.VMEM((EPW,), jnp.int32),
            pltpu.VMEM((NCHUNK, CHUNK), jnp.int32),
            pltpu.VMEM((CHUNK, H), jnp.float32),
            pltpu.VMEM((CHUNK, H), jnp.float32),
            pltpu.VMEM_SHARED((N, H), jnp.float32),
            pltpu.SemaphoreType.DMA,
            pltpu.SemaphoreType.DMA,
        ],
    )
    def sc_scatter(m_hbm, gidx_hbm, sidx_hbm, zeros_hbm, out_hbm,
                   gi_v, si_v, rows0, rows1, acc, sem0, sem1):
        c = lax.axis_index("c")
        s = lax.axis_index("s")
        wid = s * NC + c

        pltpu.sync_copy(gidx_hbm.at[wid], gi_v)
        pltpu.sync_copy(sidx_hbm.at[wid], si_v)

        pltpu.sync_copy(zeros_hbm, acc.at[pl.ds(s * STRIPE, STRIPE)])

        @pl.when(s == NS - 1)
        def _zero_tail():
            pltpu.sync_copy(zeros_hbm.at[pl.ds(0, TAIL)],
                            acc.at[pl.ds(NS * STRIPE, TAIL)])

        plsc.subcore_barrier()

        bufs = (rows0, rows1)
        sems = (sem0, sem1)

        def start(g, buf, sem):
            pltpu.async_copy(m_hbm.at[gi_v.at[pl.ds(g * CHUNK, CHUNK)]],
                             buf, sem)

        def finish(g, buf, sem):
            pltpu.make_async_copy(m_hbm.at[gi_v.at[pl.ds(g * CHUNK, CHUNK)]],
                                  buf, sem).wait()
            pltpu.sync_copy(buf, acc.at[si_v.at[g]], add=True)

        start(0, bufs[0], sems[0])

        def body(i, carry):
            for b in range(2):
                g = 2 * i + b
                start(g + 1, bufs[1 - b], sems[1 - b])
                finish(g, bufs[b], sems[b])
            return carry

        lax.fori_loop(0, (NCHUNK - 1) // 2, body, 0)
        finish(NCHUNK - 1, bufs[0], sems[0])
        plsc.subcore_barrier()

        pltpu.sync_copy(acc.at[pl.ds(s * STRIPE, STRIPE)],
                        out_hbm.at[pl.ds(c * N + s * STRIPE, STRIPE)])

        @pl.when(s == NS - 1)
        def _copy_tail():
            pltpu.sync_copy(acc.at[pl.ds(NS * STRIPE, TAIL)],
                            out_hbm.at[pl.ds(c * N + NS * STRIPE, TAIL)])

    return sc_scatter


_sc_scatter = _sc_scatter_make()


R = 2000
G3 = 3 * H


def _rowsum(v):
    acc = v[:, 0:8] * 0.0
    for j in range(16):
        acc = acc + v[:, j * 8:(j + 1) * 8]
    a4 = acc[:, 0:4] + acc[:, 4:8]
    a2 = a4[:, 0:2] + a4[:, 2:4]
    return a2[:, 0:1] + a2[:, 1:2]


def _lnorm(hn, lng, lnb):
    mu = _rowsum(hn) * (1.0 / H)
    var = _rowsum((hn - mu) ** 2) * (1.0 / H)
    return (hn - mu) / jnp.sqrt(var + 1e-5) * lng + lnb


def _tc_step_body(s0_ref, s1_ref, x_ref, h_ref, wih_ref, whh_ref,
                  bih_ref, bhh_ref, lng_ref, lnb_ref, wn_ref, bn_ref,
                  h_out_ref, m_out_ref):
    msg = s0_ref[...] + s1_ref[...]
    x = x_ref[...]
    h = h_ref[...]
    xin = jnp.concatenate([msg, x], axis=-1)
    gi = jnp.dot(xin, wih_ref[...]) + bih_ref[...]
    gh = jnp.dot(h, whh_ref[...]) + bhh_ref[...]
    r = jax.nn.sigmoid(gi[:, :H] + gh[:, :H])
    z = jax.nn.sigmoid(gi[:, H:2 * H] + gh[:, H:2 * H])
    n = jnp.tanh(gi[:, 2 * H:] + r * gh[:, 2 * H:])
    hn = (1.0 - z) * n + z * h
    hn = _lnorm(hn, lng_ref[...], lnb_ref[...])
    h_out_ref[...] = hn
    m_out_ref[...] = jnp.dot(hn, wn_ref[...]) + bn_ref[...]


def _tc_step(s0, s1, x, h, wiht, whht, bih, bhh, lng, lnb, wnt, bn):
    row = lambda i: (i, 0)
    full = lambda i: (0, 0)
    return pl.pallas_call(
        _tc_step_body,
        grid=(N // R,),
        in_specs=[
            pl.BlockSpec((R, H), row),
            pl.BlockSpec((R, H), row),
            pl.BlockSpec((R, F), row),
            pl.BlockSpec((R, H), row),
            pl.BlockSpec((H + F, G3), full),
            pl.BlockSpec((H, G3), full),
            pl.BlockSpec((1, G3), full),
            pl.BlockSpec((1, G3), full),
            pl.BlockSpec((1, H), full),
            pl.BlockSpec((1, H), full),
            pl.BlockSpec((H, H), full),
            pl.BlockSpec((1, H), full),
        ],
        out_specs=[
            pl.BlockSpec((R, H), row),
            pl.BlockSpec((R, H), row),
        ],
        out_shape=[
            jax.ShapeDtypeStruct((N, H), jnp.float32),
            jax.ShapeDtypeStruct((N, H), jnp.float32),
        ],
    )(s0, s1, x, h, wiht, whht, bih, bhh, lng, lnb, wnt, bn)


def _tc_step1_body(s0_ref, s1_ref, x_ref, wih_ref, gh_ref, bih_ref,
                   lng_ref, lnb_ref, wn_ref, bn_ref, h_out_ref, m_out_ref):
    msg = s0_ref[...] + s1_ref[...]
    x = x_ref[...]
    xin = jnp.concatenate([msg, x], axis=-1)
    gi = jnp.dot(xin, wih_ref[...]) + bih_ref[...]
    gh = gh_ref[...]
    r = jax.nn.sigmoid(gi[:, :H] + gh[:, :H])
    z = jax.nn.sigmoid(gi[:, H:2 * H] + gh[:, H:2 * H])
    n = jnp.tanh(gi[:, 2 * H:] + r * gh[:, 2 * H:])
    hn = (1.0 - z) * n + z
    hn = _lnorm(hn, lng_ref[...], lnb_ref[...])
    h_out_ref[...] = hn
    m_out_ref[...] = jnp.dot(hn, wn_ref[...]) + bn_ref[...]


def _tc_step1(s0, s1, x, wiht, gh_row, bih, lng, lnb, wnt, bn):
    row = lambda i: (i, 0)
    full = lambda i: (0, 0)
    return pl.pallas_call(
        _tc_step1_body,
        grid=(N // R,),
        in_specs=[
            pl.BlockSpec((R, H), row),
            pl.BlockSpec((R, H), row),
            pl.BlockSpec((R, F), row),
            pl.BlockSpec((H + F, G3), full),
            pl.BlockSpec((1, G3), full),
            pl.BlockSpec((1, G3), full),
            pl.BlockSpec((1, H), full),
            pl.BlockSpec((1, H), full),
            pl.BlockSpec((H, H), full),
            pl.BlockSpec((1, H), full),
        ],
        out_specs=[
            pl.BlockSpec((R, H), row),
            pl.BlockSpec((R, H), row),
        ],
        out_shape=[
            jax.ShapeDtypeStruct((N, H), jnp.float32),
            jax.ShapeDtypeStruct((N, H), jnp.float32),
        ],
    )(s0, s1, x, wiht, gh_row, bih, lng, lnb, wnt, bn)


def kernel(x, edge_index, W_agg, b_agg, W_agg_r, b_agg_r, Wih, Whh, bih, bhh,
           Wih_r, Whh_r, bih_r, bhh_r, ln_g, ln_b):
    src = edge_index[0]
    dst = edge_index[1]
    zeros = jnp.zeros((STRIPE, H), jnp.float32)

    gshp = (NW, EPW)
    sshp = (NW, NCHUNK, CHUNK)
    ds_f, sg_f = lax.sort([dst, src], num_keys=1, is_stable=False)
    ds_r, sg_r = lax.sort([src, dst], num_keys=1, is_stable=False)
    sg_f, ds_f = sg_f.reshape(gshp), ds_f.reshape(sshp)
    sg_r, ds_r = sg_r.reshape(gshp), ds_r.reshape(sshp)

    wiht_f, wiht_r = Wih.T, Wih_r.T
    whht_f, whht_r = Whh.T, Whh_r.T
    wnt_f, wnt_r = W_agg.T, W_agg_r.T
    bih_f, bhh_f = bih.reshape(1, G3), bhh.reshape(1, G3)
    bih_r2, bhh_r2 = bih_r.reshape(1, G3), bhh_r.reshape(1, G3)
    lng, lnb = ln_g.reshape(1, H), ln_b.reshape(1, H)
    bn_f, bn_r = b_agg.reshape(1, H), b_agg_r.reshape(1, H)

    m = jnp.broadcast_to(W_agg.sum(axis=1) + b_agg, (N, H))
    gh_row = (Whh.sum(axis=1) + bhh).reshape(1, G3)

    p = _sc_scatter(m, sg_f, ds_f, zeros)
    h, m = _tc_step1(p[:N], p[N:], x, wiht_f, gh_row,
                     bih_f, lng, lnb, wnt_r, bn_r)
    p = _sc_scatter(m, sg_r, ds_r, zeros)
    h, m = _tc_step(p[:N], p[N:], x, h, wiht_r, whht_r,
                    bih_r2, bhh_r2, lng, lnb, wnt_f, bn_f)
    for _ in range(ROUNDS - 1):
        p = _sc_scatter(m, sg_f, ds_f, zeros)
        h, m = _tc_step(p[:N], p[N:], x, h, wiht_f, whht_f,
                        bih_f, bhh_f, lng, lnb, wnt_r, bn_r)
        p = _sc_scatter(m, sg_r, ds_r, zeros)
        h, m = _tc_step(p[:N], p[N:], x, h, wiht_r, whht_r,
                        bih_r2, bhh_r2, lng, lnb, wnt_f, bn_f)
    return h

# --- scband reference (transcript-rebuilt; emitter-appended) ---
"""Pipeline reference for scband-multi-gcnencoder-53566832116096 (READ-ONLY COPY).

The authoritative reference and input builder live on the scoring server;
editing this copy changes nothing except your own understanding.
"""

import jax, jax.numpy as jnp
import numpy as np

N = 10000
E = 320000
H = 128
F = 128
ROUNDS = 3


def setup_inputs(seed: int = 0) -> dict:
    key = jax.random.key(seed)
    ks = jax.random.split(key, 20)
    s_h = 1.0 / np.sqrt(H)
    s_in = 1.0 / np.sqrt(H + F)
    inp = {}
    inp['x'] = jax.random.normal(ks[0], (N, F), dtype=jnp.float32)
    inp['edge_index'] = jax.random.randint(ks[1], (2, E), 0, N, dtype=jnp.int32)
    # AggConv linear params (forward and reverse)
    inp['W_agg'] = jax.random.normal(ks[2], (H, H), dtype=jnp.float32) * s_h
    inp['b_agg'] = jnp.zeros((H,), dtype=jnp.float32)
    inp['W_agg_r'] = jax.random.normal(ks[3], (H, H), dtype=jnp.float32) * s_h
    inp['b_agg_r'] = jnp.zeros((H,), dtype=jnp.float32)
    # GRU params (PyTorch layout: W_ih [3H, H+F], W_hh [3H, H])
    inp['Wih'] = jax.random.normal(ks[4], (3 * H, H + F), dtype=jnp.float32) * s_in
    inp['Whh'] = jax.random.normal(ks[5], (3 * H, H), dtype=jnp.float32) * s_h
    inp['bih'] = jnp.zeros((3 * H,), dtype=jnp.float32)
    inp['bhh'] = jnp.zeros((3 * H,), dtype=jnp.float32)
    inp['Wih_r'] = jax.random.normal(ks[6], (3 * H, H + F), dtype=jnp.float32) * s_in
    inp['Whh_r'] = jax.random.normal(ks[7], (3 * H, H), dtype=jnp.float32) * s_h
    inp['bih_r'] = jnp.zeros((3 * H,), dtype=jnp.float32)
    inp['bhh_r'] = jnp.zeros((3 * H,), dtype=jnp.float32)
    # LayerNorm params
    inp['ln_g'] = jnp.ones((H,), dtype=jnp.float32)
    inp['ln_b'] = jnp.zeros((H,), dtype=jnp.float32)
    return inp


def _agg(h, src, dst, W, b):
    # AggConv: linear transform then scatter-add of messages src -> dst
    m = h @ W.T + b
    return jax.ops.segment_sum(m[src], dst, num_segments=h.shape[0])


def _gru_cell(xin, h, Wih, Whh, bih, bhh):
    gi = xin @ Wih.T + bih
    gh = h @ Whh.T + bhh
    ir, iz, inn = jnp.split(gi, 3, axis=-1)
    hr, hz, hn = jnp.split(gh, 3, axis=-1)
    r = jax.nn.sigmoid(ir + hr)
    z = jax.nn.sigmoid(iz + hz)
    n = jnp.tanh(inn + r * hn)
    return (1.0 - z) * n + z * h


def reference(x, edge_index, W_agg, b_agg, W_agg_r, b_agg_r, Wih, Whh, bih, bhh, Wih_r, Whh_r, bih_r, bhh_r, ln_g, ln_b):
    src = edge_index[0]
    dst = edge_index[1]

    def lnorm(h):
        mu = jnp.mean(h, axis=-1, keepdims=True)
        var = jnp.mean((h - mu) ** 2, axis=-1, keepdims=True)
        return (h - mu) / jnp.sqrt(var + 1e-5) * ln_g + ln_b

    h = jnp.ones((x.shape[0], H), dtype=x.dtype)
    for _ in range(ROUNDS):
        msg = _agg(h, src, dst, W_agg, b_agg)
        h = _gru_cell(jnp.concatenate([msg, x], axis=-1), h, Wih, Whh, bih, bhh)
        h = lnorm(h)
        # reverse direction: r_edge_index = stack([dst, src]) -> messages dst -> src
        msg = _agg(h, dst, src, W_agg_r, b_agg_r)
        h = _gru_cell(jnp.concatenate([msg, x], axis=-1), h, Wih_r, Whh_r, bih_r, bhh_r)
        h = lnorm(h)
    return h

if __name__ == "__main__":
    import jax
    _d = setup_inputs()
    print(jax.jit(kernel)(*tuple(_d.values())))

</pallas_src>

<mosaic_0001>
#map = affine_map<(d0, d1) -> (0, 0)>
#map1 = affine_map<(d0, d1) -> (0, 0, 0)>
module attributes {stable_mosaic.version = 14 : i64} {
  func.func @edge_scatter_add(%arg0: i32, %arg1: i32, %arg2: memref<10000x128xf32, #tpu.memory_space<hbm>>, %arg3: memref<32x10000xi32, #tpu.memory_space<hbm>>, %arg4: memref<32x125x80xi32, #tpu.memory_space<hbm>>, %arg5: memref<624x128xf32, #tpu.memory_space<hbm>>, %arg6: memref<20000x128xf32, #tpu.memory_space<hbm>>, %arg7: memref<10000xi32, #tpu.memory_space<vmem>>, %arg8: memref<125x80xi32, #tpu.memory_space<vmem>>, %arg9: memref<80x128xf32, #tpu.memory_space<vmem>>, %arg10: memref<80x128xf32, #tpu.memory_space<vmem>>, %arg11: memref<10000x128xf32, #tpu.memory_space<vmem_shared>>, %arg12: memref<!tpu.dma_semaphore, #tpu.memory_space<semaphore_mem>>, %arg13: memref<!tpu.dma_semaphore, #tpu.memory_space<semaphore_mem>>) attributes {dimension_semantics = [#tpu.dimension_semantics<core_parallel>, #tpu.dimension_semantics<subcore_parallel>], iteration_bounds = array<i64: 2, 16>, scalar_prefetch = 0 : i64, scratch_operands = 7 : i64, tpu.core_type = #tpu.core_type<sc_vector_subcore>, window_params = [{transform_indices = #map}, {transform_indices = #map}, {transform_indices = #map1}, {transform_indices = #map}, {transform_indices = #map}]} {
    %mul3A = arith.constant 2 : i32
    %mul3A_0 = arith.muli %arg1, %mul3A : i32
    %add3A = arith.addi %mul3A_0, %arg0 : i32
    "tpu.region"() ({
      %run_scoped3A_31 = tpu.sem_alloc : memref<!tpu.dma_semaphore, #tpu.memory_space<semaphore_mem>>
      %dma_start3A_32 = arith.constant 0 : i32
      %dma_start3A_33 = tpu.memref_slice %arg3[%add3A, %dma_start3A_32] : memref<32x10000xi32, #tpu.memory_space<hbm>> -> memref<1x10000xi32, #tpu.memory_space<hbm>>
      %dma_start3A_34 = tpu.memref_squeeze %dma_start3A_33 : memref<1x10000xi32, #tpu.memory_space<hbm>> -> memref<10000xi32, #tpu.memory_space<hbm>>
      %dma_start3A_35 = arith.constant 0 : i32
      %dma_start3A_36 = tpu.memref_slice %arg3[%add3A, %dma_start3A_35] : memref<32x10000xi32, #tpu.memory_space<hbm>> -> memref<1x10000xi32, #tpu.memory_space<hbm>>
      %dma_start3A_37 = tpu.memref_squeeze %dma_start3A_36 : memref<1x10000xi32, #tpu.memory_space<hbm>> -> memref<10000xi32, #tpu.memory_space<hbm>>
      tpu.enqueue_dma source(%dma_start3A_37 : memref<10000xi32, #tpu.memory_space<hbm>>) target(%arg7 : memref<10000xi32, #tpu.memory_space<vmem>>) target_semaphore(%run_scoped3A_31 : memref<!tpu.dma_semaphore, #tpu.memory_space<semaphore_mem>>)
      %dma_wait3A_38 = arith.constant 0 : i32
      %dma_wait3A_39 = tpu.memref_slice %arg3[%add3A, %dma_wait3A_38] : memref<32x10000xi32, #tpu.memory_space<hbm>> -> memref<1x10000xi32, #tpu.memory_space<hbm>>
      %dma_wait3A_40 = tpu.memref_squeeze %dma_wait3A_39 : memref<1x10000xi32, #tpu.memory_space<hbm>> -> memref<10000xi32, #tpu.memory_space<hbm>>
      %dma_wait3A_41 = arith.constant 0 : i32
      %dma_wait3A_42 = tpu.memref_slice %arg3[%add3A, %dma_wait3A_41] : memref<32x10000xi32, #tpu.memory_space<hbm>> -> memref<1x10000xi32, #tpu.memory_space<hbm>>
      %dma_wait3A_43 = tpu.memref_squeeze %dma_wait3A_42 : memref<1x10000xi32, #tpu.memory_space<hbm>> -> memref<10000xi32, #tpu.memory_space<hbm>>
      tpu.wait_dma2 semaphore(%run_scoped3A_31 : memref<!tpu.dma_semaphore, #tpu.memory_space<semaphore_mem>>) src(%dma_wait3A_43 : memref<10000xi32, #tpu.memory_space<hbm>>) dst(%arg7 : memref<10000xi32, #tpu.memory_space<vmem>>)
      tpu.yield
    }) : () -> ()
    "tpu.region"() ({
      %run_scoped3A_31 = tpu.sem_alloc : memref<!tpu.dma_semaphore, #tpu.memory_space<semaphore_mem>>
      %dma_start3A_32 = arith.constant 0 : i32
      %dma_start3A_33 = arith.constant 0 : i32
      %dma_start3A_34 = tpu.memref_slice %arg4[%add3A, %dma_start3A_32, %dma_start3A_33] : memref<32x125x80xi32, #tpu.memory_space<hbm>> -> memref<1x125x80xi32, #tpu.memory_space<hbm>>
      %dma_start3A_35 = tpu.memref_squeeze %dma_start3A_34 : memref<1x125x80xi32, #tpu.memory_space<hbm>> -> memref<125x80xi32, #tpu.memory_space<hbm>>
      %dma_start3A_36 = arith.constant 0 : i32
      %dma_start3A_37 = arith.constant 0 : i32
      %dma_start3A_38 = tpu.memref_slice %arg4[%add3A, %dma_start3A_36, %dma_start3A_37] : memref<32x125x80xi32, #tpu.memory_space<hbm>> -> memref<1x125x80xi32, #tpu.memory_space<hbm>>
      %dma_start3A_39 = tpu.memref_squeeze %dma_start3A_38 : memref<1x125x80xi32, #tpu.memory_space<hbm>> -> memref<125x80xi32, #tpu.memory_space<hbm>>
      tpu.enqueue_dma source(%dma_start3A_39 : memref<125x80xi32, #tpu.memory_space<hbm>>) target(%arg8 : memref<125x80xi32, #tpu.memory_space<vmem>>) target_semaphore(%run_scoped3A_31 : memref<!tpu.dma_semaphore, #tpu.memory_space<semaphore_mem>>)
      %dma_wait3A_40 = arith.constant 0 : i32
      %dma_wait3A_41 = arith.constant 0 : i32
      %dma_wait3A_42 = tpu.memref_slice %arg4[%add3A, %dma_wait3A_40, %dma_wait3A_41] : memref<32x125x80xi32, #tpu.memory_space<hbm>> -> memref<1x125x80xi32, #tpu.memory_space<hbm>>
      %dma_wait3A_43 = tpu.memref_squeeze %dma_wait3A_42 : memref<1x125x80xi32, #tpu.memory_space<hbm>> -> memref<125x80xi32, #tpu.memory_space<hbm>>
      %dma_wait3A_44 = arith.constant 0 : i32
      %dma_wait3A_45 = arith.constant 0 : i32
      %dma_wait3A_46 = tpu.memref_slice %arg4[%add3A, %dma_wait3A_44, %dma_wait3A_45] : memref<32x125x80xi32, #tpu.memory_space<hbm>> -> memref<1x125x80xi32, #tpu.memory_space<hbm>>
      %dma_wait3A_47 = tpu.memref_squeeze %dma_wait3A_46 : memref<1x125x80xi32, #tpu.memory_space<hbm>> -> memref<125x80xi32, #tpu.memory_space<hbm>>
      tpu.wait_dma2 semaphore(%run_scoped3A_31 : memref<!tpu.dma_semaphore, #tpu.memory_space<semaphore_mem>>) src(%dma_wait3A_47 : memref<125x80xi32, #tpu.memory_space<hbm>>) dst(%arg8 : memref<125x80xi32, #tpu.memory_space<vmem>>)
      tpu.yield
    }) : () -> ()
    %mul3A_1 = arith.constant 624 : i32
    %mul3A_2 = arith.muli %arg1, %mul3A_1 : i32
    "tpu.region"() ({
      %run_scoped3A_31 = tpu.sem_alloc : memref<!tpu.dma_semaphore, #tpu.memory_space<semaphore_mem>>
      %dma_start3A_32 = arith.constant 0 : i32
      %dma_start3A_33 = tpu.memref_slice %arg11[%mul3A_2, %dma_start3A_32] : memref<10000x128xf32, #tpu.memory_space<vmem_shared>> -> memref<624x128xf32, #tpu.memory_space<vmem_shared>>
      tpu.enqueue_dma source(%arg5 : memref<624x128xf32, #tpu.memory_space<hbm>>) target(%dma_start3A_33 : memref<624x128xf32, #tpu.memory_space<vmem_shared>>) target_semaphore(%run_scoped3A_31 : memref<!tpu.dma_semaphore, #tpu.memory_space<semaphore_mem>>)
      %dma_wait3A_34 = arith.constant 0 : i32
      %dma_wait3A_35 = tpu.memref_slice %arg11[%mul3A_2, %dma_wait3A_34] : memref<10000x128xf32, #tpu.memory_space<vmem_shared>> -> memref<624x128xf32, #tpu.memory_space<vmem_shared>>
      tpu.wait_dma2 semaphore(%run_scoped3A_31 : memref<!tpu.dma_semaphore, #tpu.memory_space<semaphore_mem>>) src(%arg5 : memref<624x128xf32, #tpu.memory_space<hbm>>) dst(%dma_wait3A_35 : memref<624x128xf32, #tpu.memory_space<vmem_shared>>)
      tpu.yield
    }) : () -> ()
    %eq3A = arith.constant 15 : i32
    %eq3A_3 = arith.cmpi eq, %arg1, %eq3A : i32
    %convert_element_type3A = arith.extui %eq3A_3 : i1 to i32
    %cond3A = arith.constant 0 : i32
    %cond3A_4 = arith.cmpi ne, %convert_element_type3A, %cond3A : i32
    scf.if %cond3A_4 {
      "tpu.region"() ({
        %run_scoped3A_31 = tpu.sem_alloc : memref<!tpu.dma_semaphore, #tpu.memory_space<semaphore_mem>>
        %dma_start3A_32 = arith.constant 9984 : i32
        %dma_start3A_33 = arith.constant 0 : i32
        %dma_start3A_34 = tpu.memref_slice %arg11[%dma_start3A_32, %dma_start3A_33] : memref<10000x128xf32, #tpu.memory_space<vmem_shared>> -> memref<16x128xf32, #tpu.memory_space<vmem_shared>>
        %dma_start3A_35 = arith.constant 0 : i32
        %dma_start3A_36 = arith.constant 0 : i32
        %dma_start3A_37 = tpu.memref_slice %arg5[%dma_start3A_35, %dma_start3A_36] : memref<624x128xf32, #tpu.memory_space<hbm>> -> memref<16x128xf32, #tpu.memory_space<hbm>>
        tpu.enqueue_dma source(%dma_start3A_37 : memref<16x128xf32, #tpu.memory_space<hbm>>) target(%dma_start3A_34 : memref<16x128xf32, #tpu.memory_space<vmem_shared>>) target_semaphore(%run_scoped3A_31 : memref<!tpu.dma_semaphore, #tpu.memory_space<semaphore_mem>>)
        %dma_wait3A_38 = arith.constant 9984 : i32
        %dma_wait3A_39 = arith.constant 0 : i32
        %dma_wait3A_40 = tpu.memref_slice %arg11[%dma_wait3A_38, %dma_wait3A_39] : memref<10000x128xf32, #tpu.memory_space<vmem_shared>> -> memref<16x128xf32, #tpu.memory_space<vmem_shared>>
        %dma_wait3A_41 = arith.constant 0 : i32
        %dma_wait3A_42 = arith.constant 0 : i32
        %dma_wait3A_43 = tpu.memref_slice %arg5[%dma_wait3A_41, %dma_wait3A_42] : memref<624x128xf32, #tpu.memory_space<hbm>> -> memref<16x128xf32, #tpu.memory_space<hbm>>
        tpu.wait_dma2 semaphore(%run_scoped3A_31 : memref<!tpu.dma_semaphore, #tpu.memory_space<semaphore_mem>>) src(%dma_wait3A_43 : memref<16x128xf32, #tpu.memory_space<hbm>>) dst(%dma_wait3A_40 : memref<16x128xf32, #tpu.memory_space<vmem_shared>>)
        tpu.yield
      }) : () -> ()
    } else {
    }
    %barrier3A = arith.constant 0 : index
    tpu.barrier barrier_id(%barrier3A)
    %dma_start3A = arith.constant 0 : i32
    %dma_start3A_5 = tpu.memref_slice %arg7[%dma_start3A] : memref<10000xi32, #tpu.memory_space<vmem>> -> memref<80xi32, #tpu.memory_space<vmem>>
    %dma_start3A_6 = arith.constant 0 : i32
    %dma_start3A_7 = arith.constant 0 : i32
    %dma_start3A_8 = tpu.memref_slice %arg2[%dma_start3A_6, %dma_start3A_7] : memref<10000x128xf32, #tpu.memory_space<hbm>> -> memref<10000x128xf32, #tpu.memory_space<hbm>>
    tpu.enqueue_indirect_dma source(%dma_start3A_8 : memref<10000x128xf32, #tpu.memory_space<hbm>>) target(%arg9 : memref<80x128xf32, #tpu.memory_space<vmem>>) offsets(%dma_start3A_5 : memref<80xi32, #tpu.memory_space<vmem>>) semaphore(%arg12 : memref<!tpu.dma_semaphore, #tpu.memory_space<semaphore_mem>>)
    %scan3A = arith.constant 0 : i32
    %scan3A_9 = arith.constant 0 : i32
    %scan3A_10 = arith.constant 62 : i32
    %scan3A_11 = arith.addi %scan3A_9, %scan3A_10 : i32
    %scan3A_12 = arith.constant 1 : i32
    scf.for %scan3A_31 = %scan3A_9 to %scan3A_11 step %scan3A_12  : i32 {
      %mul3A_32 = arith.constant 2 : i32
      %mul3A_33 = arith.muli %mul3A_32, %scan3A_31 : i32
      %add3A_34 = arith.constant 0 : i32
      %add3A_35 = arith.addi %mul3A_33, %add3A_34 : i32
      %add3A_36 = arith.constant 1 : i32
      %add3A_37 = arith.addi %add3A_35, %add3A_36 : i32
      %mul3A_38 = arith.constant 80 : i32
      %mul3A_39 = arith.muli %add3A_37, %mul3A_38 : i32
      %dma_start3A_40 = tpu.memref_slice %arg7[%mul3A_39] : memref<10000xi32, #tpu.memory_space<vmem>> -> memref<80xi32, #tpu.memory_space<vmem>>
      %dma_start3A_41 = arith.constant 0 : i32
      %dma_start3A_42 = arith.constant 0 : i32
      %dma_start3A_43 = tpu.memref_slice %arg2[%dma_start3A_41, %dma_start3A_42] : memref<10000x128xf32, #tpu.memory_space<hbm>> -> memref<10000x128xf32, #tpu.memory_space<hbm>>
      tpu.enqueue_indirect_dma source(%dma_start3A_43 : memref<10000x128xf32, #tpu.memory_space<hbm>>) target(%arg10 : memref<80x128xf32, #tpu.memory_space<vmem>>) offsets(%dma_start3A_40 : memref<80xi32, #tpu.memory_space<vmem>>) semaphore(%arg13 : memref<!tpu.dma_semaphore, #tpu.memory_space<semaphore_mem>>)
      %mul3A_44 = arith.constant 80 : i32
      %mul3A_45 = arith.muli %add3A_35, %mul3A_44 : i32
      %dma_wait3A_46 = tpu.memref_slice %arg7[%mul3A_45] : memref<10000xi32, #tpu.memory_space<vmem>> -> memref<80xi32, #tpu.memory_space<vmem>>
      %dma_wait3A_47 = arith.constant 0 : i32
      %dma_wait3A_48 = arith.constant 0 : i32
      %dma_wait3A_49 = tpu.memref_slice %arg2[%dma_wait3A_47, %dma_wait3A_48] : memref<10000x128xf32, #tpu.memory_space<hbm>> -> memref<10000x128xf32, #tpu.memory_space<hbm>>
      tpu.wait_indirect_dma semaphore(%arg12 : memref<!tpu.dma_semaphore, #tpu.memory_space<semaphore_mem>>) src(%dma_wait3A_49 : memref<10000x128xf32, #tpu.memory_space<hbm>>) dst(%arg9 : memref<80x128xf32, #tpu.memory_space<vmem>>)
      "tpu.region"() ({
        %run_scoped3A_68 = tpu.sem_alloc : memref<!tpu.dma_semaphore, #tpu.memory_space<semaphore_mem>>
        %dma_start3A_69 = arith.constant 0 : i32
        %dma_start3A_70 = tpu.memref_slice %arg8[%add3A_35, %dma_start3A_69] : memref<125x80xi32, #tpu.memory_space<vmem>> -> memref<1x80xi32, #tpu.memory_space<vmem>>
        %dma_start3A_71 = tpu.memref_squeeze %dma_start3A_70 : memref<1x80xi32, #tpu.memory_space<vmem>> -> memref<80xi32, #tpu.memory_space<vmem>>
        %dma_start3A_72 = arith.constant 0 : i32
        %dma_start3A_73 = arith.constant 0 : i32
        %dma_start3A_74 = tpu.memref_slice %arg11[%dma_start3A_72, %dma_start3A_73] : memref<10000x128xf32, #tpu.memory_space<vmem_shared>> -> memref<10000x128xf32, #tpu.memory_space<vmem_shared>>
        tpu.enqueue_indirect_dma source(%arg9 : memref<80x128xf32, #tpu.memory_space<vmem>>) target(%dma_start3A_74 : memref<10000x128xf32, #tpu.memory_space<vmem_shared>>) offsets(%dma_start3A_71 : memref<80xi32, #tpu.memory_space<vmem>>) semaphore(%run_scoped3A_68 : memref<!tpu.dma_semaphore, #tpu.memory_space<semaphore_mem>>) {add = true}
        %dma_wait3A_75 = arith.constant 0 : i32
        %dma_wait3A_76 = tpu.memref_slice %arg8[%add3A_35, %dma_wait3A_75] : memref<125x80xi32, #tpu.memory_space<vmem>> -> memref<1x80xi32, #tpu.memory_space<vmem>>
        %dma_wait3A_77 = tpu.memref_squeeze %dma_wait3A_76 : memref<1x80xi32, #tpu.memory_space<vmem>> -> memref<80xi32, #tpu.memory_space<vmem>>
        %dma_wait3A_78 = arith.constant 0 : i32
        %dma_wait3A_79 = arith.constant 0 : i32
        %dma_wait3A_80 = tpu.memref_slice %arg11[%dma_wait3A_78, %dma_wait3A_79] : memref<10000x128xf32, #tpu.memory_space<vmem_shared>> -> memref<10000x128xf32, #tpu.memory_space<vmem_shared>>
        tpu.wait_indirect_dma semaphore(%run_scoped3A_68 : memref<!tpu.dma_semaphore, #tpu.memory_space<semaphore_mem>>) src(%arg9 : memref<80x128xf32, #tpu.memory_space<vmem>>) dst(%dma_wait3A_80 : memref<10000x128xf32, #tpu.memory_space<vmem_shared>>)
        tpu.yield
      }) : () -> ()
      %mul3A_50 = arith.constant 2 : i32
      %mul3A_51 = arith.muli %mul3A_50, %scan3A_31 : i32
      %add3A_52 = arith.constant 1 : i32
      %add3A_53 = arith.addi %mul3A_51, %add3A_52 : i32
      %add3A_54 = arith.constant 1 : i32
      %add3A_55 = arith.addi %add3A_53, %add3A_54 : i32
      %mul3A_56 = arith.constant 80 : i32
      %mul3A_57 = arith.muli %add3A_55, %mul3A_56 : i32
      %dma_start3A_58 = tpu.memref_slice %arg7[%mul3A_57] : memref<10000xi32, #tpu.memory_space<vmem>> -> memref<80xi32, #tpu.memory_space<vmem>>
      %dma_start3A_59 = arith.constant 0 : i32
      %dma_start3A_60 = arith.constant 0 : i32
      %dma_start3A_61 = tpu.memref_slice %arg2[%dma_start3A_59, %dma_start3A_60] : memref<10000x128xf32, #tpu.memory_space<hbm>> -> memref<10000x128xf32, #tpu.memory_space<hbm>>
      tpu.enqueue_indirect_dma source(%dma_start3A_61 : memref<10000x128xf32, #tpu.memory_space<hbm>>) target(%arg9 : memref<80x128xf32, #tpu.memory_space<vmem>>) offsets(%dma_start3A_58 : memref<80xi32, #tpu.memory_space<vmem>>) semaphore(%arg12 : memref<!tpu.dma_semaphore, #tpu.memory_space<semaphore_mem>>)
      %mul3A_62 = arith.constant 80 : i32
      %mul3A_63 = arith.muli %add3A_53, %mul3A_62 : i32
      %dma_wait3A_64 = tpu.memref_slice %arg7[%mul3A_63] : memref<10000xi32, #tpu.memory_space<vmem>> -> memref<80xi32, #tpu.memory_space<vmem>>
      %dma_wait3A_65 = arith.constant 0 : i32
      %dma_wait3A_66 = arith.constant 0 : i32
      %dma_wait3A_67 = tpu.memref_slice %arg2[%dma_wait3A_65, %dma_wait3A_66] : memref<10000x128xf32, #tpu.memory_space<hbm>> -> memref<10000x128xf32, #tpu.memory_space<hbm>>
      tpu.wait_indirect_dma semaphore(%arg13 : memref<!tpu.dma_semaphore, #tpu.memory_space<semaphore_mem>>) src(%dma_wait3A_67 : memref<10000x128xf32, #tpu.memory_space<hbm>>) dst(%arg10 : memref<80x128xf32, #tpu.memory_space<vmem>>)
      "tpu.region"() ({
        %run_scoped3A_68 = tpu.sem_alloc : memref<!tpu.dma_semaphore, #tpu.memory_space<semaphore_mem>>
        %dma_start3A_69 = arith.constant 0 : i32
        %dma_start3A_70 = tpu.memref_slice %arg8[%add3A_53, %dma_start3A_69] : memref<125x80xi32, #tpu.memory_space<vmem>> -> memref<1x80xi32, #tpu.memory_space<vmem>>
        %dma_start3A_71 = tpu.memref_squeeze %dma_start3A_70 : memref<1x80xi32, #tpu.memory_space<vmem>> -> memref<80xi32, #tpu.memory_space<vmem>>
        %dma_start3A_72 = arith.constant 0 : i32
        %dma_start3A_73 = arith.constant 0 : i32
        %dma_start3A_74 = tpu.memref_slice %arg11[%dma_start3A_72, %dma_start3A_73] : memref<10000x128xf32, #tpu.memory_space<vmem_shared>> -> memref<10000x128xf32, #tpu.memory_space<vmem_shared>>
        tpu.enqueue_indirect_dma source(%arg10 : memref<80x128xf32, #tpu.memory_space<vmem>>) target(%dma_start3A_74 : memref<10000x128xf32, #tpu.memory_space<vmem_shared>>) offsets(%dma_start3A_71 : memref<80xi32, #tpu.memory_space<vmem>>) semaphore(%run_scoped3A_68 : memref<!tpu.dma_semaphore, #tpu.memory_space<semaphore_mem>>) {add = true}
        %dma_wait3A_75 = arith.constant 0 : i32
        %dma_wait3A_76 = tpu.memref_slice %arg8[%add3A_53, %dma_wait3A_75] : memref<125x80xi32, #tpu.memory_space<vmem>> -> memref<1x80xi32, #tpu.memory_space<vmem>>
        %dma_wait3A_77 = tpu.memref_squeeze %dma_wait3A_76 : memref<1x80xi32, #tpu.memory_space<vmem>> -> memref<80xi32, #tpu.memory_space<vmem>>
        %dma_wait3A_78 = arith.constant 0 : i32
        %dma_wait3A_79 = arith.constant 0 : i32
        %dma_wait3A_80 = tpu.memref_slice %arg11[%dma_wait3A_78, %dma_wait3A_79] : memref<10000x128xf32, #tpu.memory_space<vmem_shared>> -> memref<10000x128xf32, #tpu.memory_space<vmem_shared>>
        tpu.wait_indirect_dma semaphore(%run_scoped3A_68 : memref<!tpu.dma_semaphore, #tpu.memory_space<semaphore_mem>>) src(%arg10 : memref<80x128xf32, #tpu.memory_space<vmem>>) dst(%dma_wait3A_80 : memref<10000x128xf32, #tpu.memory_space<vmem_shared>>)
        tpu.yield
      }) : () -> ()
    }
    %scan3A_13 = arith.constant 62 : i32
    %dma_wait3A = arith.constant 9920 : i32
    %dma_wait3A_14 = tpu.memref_slice %arg7[%dma_wait3A] : memref<10000xi32, #tpu.memory_space<vmem>> -> memref<80xi32, #tpu.memory_space<vmem>>
    %dma_wait3A_15 = arith.constant 0 : i32
    %dma_wait3A_16 = arith.constant 0 : i32
    %dma_wait3A_17 = tpu.memref_slice %arg2[%dma_wait3A_15, %dma_wait3A_16] : memref<10000x128xf32, #tpu.memory_space<hbm>> -> memref<10000x128xf32, #tpu.memory_space<hbm>>
    tpu.wait_indirect_dma semaphore(%arg12 : memref<!tpu.dma_semaphore, #tpu.memory_space<semaphore_mem>>) src(%dma_wait3A_17 : memref<10000x128xf32, #tpu.memory_space<hbm>>) dst(%arg9 : memref<80x128xf32, #tpu.memory_space<vmem>>)
    %run_scoped3A = arith.constant 124 : i32
    "tpu.region"() ({
      %run_scoped3A_31 = tpu.sem_alloc : memref<!tpu.dma_semaphore, #tpu.memory_space<semaphore_mem>>
      %dma_start3A_32 = arith.constant 0 : i32
      %dma_start3A_33 = tpu.memref_slice %arg8[%run_scoped3A, %dma_start3A_32] : memref<125x80xi32, #tpu.memory_space<vmem>> -> memref<1x80xi32, #tpu.memory_space<vmem>>
      %dma_start3A_34 = tpu.memref_squeeze %dma_start3A_33 : memref<1x80xi32, #tpu.memory_space<vmem>> -> memref<80xi32, #tpu.memory_space<vmem>>
      %dma_start3A_35 = arith.constant 0 : i32
      %dma_start3A_36 = arith.constant 0 : i32
      %dma_start3A_37 = tpu.memref_slice %arg11[%dma_start3A_35, %dma_start3A_36] : memref<10000x128xf32, #tpu.memory_space<vmem_shared>> -> memref<10000x128xf32, #tpu.memory_space<vmem_shared>>
      tpu.enqueue_indirect_dma source(%arg9 : memref<80x128xf32, #tpu.memory_space<vmem>>) target(%dma_start3A_37 : memref<10000x128xf32, #tpu.memory_space<vmem_shared>>) offsets(%dma_start3A_34 : memref<80xi32, #tpu.memory_space<vmem>>) semaphore(%run_scoped3A_31 : memref<!tpu.dma_semaphore, #tpu.memory_space<semaphore_mem>>) {add = true}
      %dma_wait3A_38 = arith.constant 0 : i32
      %dma_wait3A_39 = tpu.memref_slice %arg8[%run_scoped3A, %dma_wait3A_38] : memref<125x80xi32, #tpu.memory_space<vmem>> -> memref<1x80xi32, #tpu.memory_space<vmem>>
      %dma_wait3A_40 = tpu.memref_squeeze %dma_wait3A_39 : memref<1x80xi32, #tpu.memory_space<vmem>> -> memref<80xi32, #tpu.memory_space<vmem>>
      %dma_wait3A_41 = arith.constant 0 : i32
      %dma_wait3A_42 = arith.constant 0 : i32
      %dma_wait3A_43 = tpu.memref_slice %arg11[%dma_wait3A_41, %dma_wait3A_42] : memref<10000x128xf32, #tpu.memory_space<vmem_shared>> -> memref<10000x128xf32, #tpu.memory_space<vmem_shared>>
      tpu.wait_indirect_dma semaphore(%run_scoped3A_31 : memref<!tpu.dma_semaphore, #tpu.memory_space<semaphore_mem>>) src(%arg9 : memref<80x128xf32, #tpu.memory_space<vmem>>) dst(%dma_wait3A_43 : memref<10000x128xf32, #tpu.memory_space<vmem_shared>>)
      tpu.yield
    }) : () -> ()
    %barrier3A_18 = arith.constant 0 : index
    tpu.barrier barrier_id(%barrier3A_18)
    %mul3A_19 = arith.constant 624 : i32
    %mul3A_20 = arith.muli %arg1, %mul3A_19 : i32
    %mul3A_21 = arith.constant 10000 : i32
    %mul3A_22 = arith.muli %arg0, %mul3A_21 : i32
    %mul3A_23 = arith.constant 624 : i32
    %mul3A_24 = arith.muli %arg1, %mul3A_23 : i32
    %add3A_25 = arith.addi %mul3A_22, %mul3A_24 : i32
    "tpu.region"() ({
      %run_scoped3A_31 = tpu.sem_alloc : memref<!tpu.dma_semaphore, #tpu.memory_space<semaphore_mem>>
      %dma_start3A_32 = arith.constant 0 : i32
      %dma_start3A_33 = tpu.memref_slice %arg6[%add3A_25, %dma_start3A_32] : memref<20000x128xf32, #tpu.memory_space<hbm>> -> memref<624x128xf32, #tpu.memory_space<hbm>>
      %dma_start3A_34 = arith.constant 0 : i32
      %dma_start3A_35 = tpu.memref_slice %arg11[%mul3A_20, %dma_start3A_34] : memref<10000x128xf32, #tpu.memory_space<vmem_shared>> -> memref<624x128xf32, #tpu.memory_space<vmem_shared>>
      tpu.enqueue_dma source(%dma_start3A_35 : memref<624x128xf32, #tpu.memory_space<vmem_shared>>) target(%dma_start3A_33 : memref<624x128xf32, #tpu.memory_space<hbm>>) target_semaphore(%run_scoped3A_31 : memref<!tpu.dma_semaphore, #tpu.memory_space<semaphore_mem>>)
      %dma_wait3A_36 = arith.constant 0 : i32
      %dma_wait3A_37 = tpu.memref_slice %arg6[%add3A_25, %dma_wait3A_36] : memref<20000x128xf32, #tpu.memory_space<hbm>> -> memref<624x128xf32, #tpu.memory_space<hbm>>
      %dma_wait3A_38 = arith.constant 0 : i32
      %dma_wait3A_39 = tpu.memref_slice %arg11[%mul3A_20, %dma_wait3A_38] : memref<10000x128xf32, #tpu.memory_space<vmem_shared>> -> memref<624x128xf32, #tpu.memory_space<vmem_shared>>
      tpu.wait_dma2 semaphore(%run_scoped3A_31 : memref<!tpu.dma_semaphore, #tpu.memory_space<semaphore_mem>>) src(%dma_wait3A_39 : memref<624x128xf32, #tpu.memory_space<vmem_shared>>) dst(%dma_wait3A_37 : memref<624x128xf32, #tpu.memory_space<hbm>>)
      tpu.yield
    }) : () -> ()
    %eq3A_26 = arith.constant 15 : i32
    %eq3A_27 = arith.cmpi eq, %arg1, %eq3A_26 : i32
    %convert_element_type3A_28 = arith.extui %eq3A_27 : i1 to i32
    %cond3A_29 = arith.constant 0 : i32
    %cond3A_30 = arith.cmpi ne, %convert_element_type3A_28, %cond3A_29 : i32
    scf.if %cond3A_30 {
      %mul3A_31 = arith.constant 10000 : i32
      %mul3A_32 = arith.muli %arg0, %mul3A_31 : i32
      %add3A_33 = arith.constant 9984 : i32
      %add3A_34 = arith.addi %mul3A_32, %add3A_33 : i32
      "tpu.region"() ({
        %run_scoped3A_35 = tpu.sem_alloc : memref<!tpu.dma_semaphore, #tpu.memory_space<semaphore_mem>>
        %dma_start3A_36 = arith.constant 0 : i32
        %dma_start3A_37 = tpu.memref_slice %arg6[%add3A_34, %dma_start3A_36] : memref<20000x128xf32, #tpu.memory_space<hbm>> -> memref<16x128xf32, #tpu.memory_space<hbm>>
        %dma_start3A_38 = arith.constant 9984 : i32
        %dma_start3A_39 = arith.constant 0 : i32
        %dma_start3A_40 = tpu.memref_slice %arg11[%dma_start3A_38, %dma_start3A_39] : memref<10000x128xf32, #tpu.memory_space<vmem_shared>> -> memref<16x128xf32, #tpu.memory_space<vmem_shared>>
        tpu.enqueue_dma source(%dma_start3A_40 : memref<16x128xf32, #tpu.memory_space<vmem_shared>>) target(%dma_start3A_37 : memref<16x128xf32, #tpu.memory_space<hbm>>) target_semaphore(%run_scoped3A_35 : memref<!tpu.dma_semaphore, #tpu.memory_space<semaphore_mem>>)
        %dma_wait3A_41 = arith.constant 0 : i32
        %dma_wait3A_42 = tpu.memref_slice %arg6[%add3A_34, %dma_wait3A_41] : memref<20000x128xf32, #tpu.memory_space<hbm>> -> memref<16x128xf32, #tpu.memory_space<hbm>>
        %dma_wait3A_43 = arith.constant 9984 : i32
        %dma_wait3A_44 = arith.constant 0 : i32
        %dma_wait3A_45 = tpu.memref_slice %arg11[%dma_wait3A_43, %dma_wait3A_44] : memref<10000x128xf32, #tpu.memory_space<vmem_shared>> -> memref<16x128xf32, #tpu.memory_space<vmem_shared>>
        tpu.wait_dma2 semaphore(%run_scoped3A_35 : memref<!tpu.dma_semaphore, #tpu.memory_space<semaphore_mem>>) src(%dma_wait3A_45 : memref<16x128xf32, #tpu.memory_space<vmem_shared>>) dst(%dma_wait3A_42 : memref<16x128xf32, #tpu.memory_space<hbm>>)
        tpu.yield
      }) : () -> ()
    } else {
    }
    return
  }
}

#map = affine_map<(d0, d1) -> (0, 0)>
#map1 = affine_map<(d0, d1) -> (0, 0, 0)>
module attributes {stable_mosaic.version = 14 : i64} {
  func.func @edge_scatter_add(%arg0: i32, %arg1: i32, %arg2: memref<10000x128xf32, #tpu.memory_space<hbm>>, %arg3: memref<32x10000xi32, #tpu.memory_space<hbm>>, %arg4: memref<32x125x80xi32, #tpu.memory_space<hbm>>, %arg5: memref<624x128xf32, #tpu.memory_space<hbm>>, %arg6: memref<20000x128xf32, #tpu.memory_space<hbm>>, %arg7: memref<10000xi32, #tpu.memory_space<vmem>>, %arg8: memref<125x80xi32, #tpu.memory_space<vmem>>, %arg9: memref<80x128xf32, #tpu.memory_space<vmem>>, %arg10: memref<80x128xf32, #tpu.memory_space<vmem>>, %arg11: memref<10000x128xf32, #tpu.memory_space<vmem_shared>>, %arg12: memref<!tpu.dma_semaphore, #tpu.memory_space<semaphore_mem>>, %arg13: memref<!tpu.dma_semaphore, #tpu.memory_space<semaphore_mem>>) attributes {dimension_semantics = [#tpu.dimension_semantics<core_parallel>, #tpu.dimension_semantics<subcore_parallel>], iteration_bounds = array<i64: 2, 16>, scalar_prefetch = 0 : i64, scratch_operands = 7 : i64, tpu.core_type = #tpu.core_type<sc_vector_subcore>, window_params = [{transform_indices = #map}, {transform_indices = #map}, {transform_indices = #map1}, {transform_indices = #map}, {transform_indices = #map}]} {
    %mul3A = arith.constant 2 : i32
    %mul3A_0 = arith.muli %arg1, %mul3A : i32
    %add3A = arith.addi %mul3A_0, %arg0 : i32
    "tpu.region"() ({
      %run_scoped3A_31 = tpu.sem_alloc : memref<!tpu.dma_semaphore, #tpu.memory_space<semaphore_mem>>
      %dma_start3A_32 = arith.constant 0 : i32
      %dma_start3A_33 = tpu.memref_slice %arg3[%add3A, %dma_start3A_32] : memref<32x10000xi32, #tpu.memory_space<hbm>> -> memref<1x10000xi32, #tpu.memory_space<hbm>>
      %dma_start3A_34 = tpu.memref_squeeze %dma_start3A_33 : memref<1x10000xi32, #tpu.memory_space<hbm>> -> memref<10000xi32, #tpu.memory_space<hbm>>
      %dma_start3A_35 = arith.constant 0 : i32
      %dma_start3A_36 = tpu.memref_slice %arg3[%add3A, %dma_start3A_35] : memref<32x10000xi32, #tpu.memory_space<hbm>> -> memref<1x10000xi32, #tpu.memory_space<hbm>>
      %dma_start3A_37 = tpu.memref_squeeze %dma_start3A_36 : memref<1x10000xi32, #tpu.memory_space<hbm>> -> memref<10000xi32, #tpu.memory_space<hbm>>
      tpu.enqueue_dma source(%dma_start3A_37 : memref<10000xi32, #tpu.memory_space<hbm>>) target(%arg7 : memref<10000xi32, #tpu.memory_space<vmem>>) target_semaphore(%run_scoped3A_31 : memref<!tpu.dma_semaphore, #tpu.memory_space<semaphore_mem>>)
      %dma_wait3A_38 = arith.constant 0 : i32
      %dma_wait3A_39 = tpu.memref_slice %arg3[%add3A, %dma_wait3A_38] : memref<32x10000xi32, #tpu.memory_space<hbm>> -> memref<1x10000xi32, #tpu.memory_space<hbm>>
      %dma_wait3A_40 = tpu.memref_squeeze %dma_wait3A_39 : memref<1x10000xi32, #tpu.memory_space<hbm>> -> memref<10000xi32, #tpu.memory_space<hbm>>
      %dma_wait3A_41 = arith.constant 0 : i32
      %dma_wait3A_42 = tpu.memref_slice %arg3[%add3A, %dma_wait3A_41] : memref<32x10000xi32, #tpu.memory_space<hbm>> -> memref<1x10000xi32, #tpu.memory_space<hbm>>
      %dma_wait3A_43 = tpu.memref_squeeze %dma_wait3A_42 : memref<1x10000xi32, #tpu.memory_space<hbm>> -> memref<10000xi32, #tpu.memory_space<hbm>>
      tpu.wait_dma2 semaphore(%run_scoped3A_31 : memref<!tpu.dma_semaphore, #tpu.memory_space<semaphore_mem>>) src(%dma_wait3A_43 : memref<10000xi32, #tpu.memory_space<hbm>>) dst(%arg7 : memref<10000xi32, #tpu.memory_space<vmem>>)
      tpu.yield
    }) : () -> ()
    "tpu.region"() ({
      %run_scoped3A_31 = tpu.sem_alloc : memref<!tpu.dma_semaphore, #tpu.memory_space<semaphore_mem>>
      %dma_start3A_32 = arith.constant 0 : i32
      %dma_start3A_33 = arith.constant 0 : i32
      %dma_start3A_34 = tpu.memref_slice %arg4[%add3A, %dma_start3A_32, %dma_start3A_33] : memref<32x125x80xi32, #tpu.memory_space<hbm>> -> memref<1x125x80xi32, #tpu.memory_space<hbm>>
      %dma_start3A_35 = tpu.memref_squeeze %dma_start3A_34 : memref<1x125x80xi32, #tpu.memory_space<hbm>> -> memref<125x80xi32, #tpu.memory_space<hbm>>
      %dma_start3A_36 = arith.constant 0 : i32
      %dma_start3A_37 = arith.constant 0 : i32
      %dma_start3A_38 = tpu.memref_slice %arg4[%add3A, %dma_start3A_36, %dma_start3A_37] : memref<32x125x80xi32, #tpu.memory_space<hbm>> -> memref<1x125x80xi32, #tpu.memory_space<hbm>>
      %dma_start3A_39 = tpu.memref_squeeze %dma_start3A_38 : memref<1x125x80xi32, #tpu.memory_space<hbm>> -> memref<125x80xi32, #tpu.memory_space<hbm>>
      tpu.enqueue_dma source(%dma_start3A_39 : memref<125x80xi32, #tpu.memory_space<hbm>>) target(%arg8 : memref<125x80xi32, #tpu.memory_space<vmem>>) target_semaphore(%run_scoped3A_31 : memref<!tpu.dma_semaphore, #tpu.memory_space<semaphore_mem>>)
      %dma_wait3A_40 = arith.constant 0 : i32
      %dma_wait3A_41 = arith.constant 0 : i32
      %dma_wait3A_42 = tpu.memref_slice %arg4[%add3A, %dma_wait3A_40, %dma_wait3A_41] : memref<32x125x80xi32, #tpu.memory_space<hbm>> -> memref<1x125x80xi32, #tpu.memory_space<hbm>>
      %dma_wait3A_43 = tpu.memref_squeeze %dma_wait3A_42 : memref<1x125x80xi32, #tpu.memory_space<hbm>> -> memref<125x80xi32, #tpu.memory_space<hbm>>
      %dma_wait3A_44 = arith.constant 0 : i32
      %dma_wait3A_45 = arith.constant 0 : i32
      %dma_wait3A_46 = tpu.memref_slice %arg4[%add3A, %dma_wait3A_44, %dma_wait3A_45] : memref<32x125x80xi32, #tpu.memory_space<hbm>> -> memref<1x125x80xi32, #tpu.memory_space<hbm>>
      %dma_wait3A_47 = tpu.memref_squeeze %dma_wait3A_46 : memref<1x125x80xi32, #tpu.memory_space<hbm>> -> memref<125x80xi32, #tpu.memory_space<hbm>>
      tpu.wait_dma2 semaphore(%run_scoped3A_31 : memref<!tpu.dma_semaphore, #tpu.memory_space<semaphore_mem>>) src(%dma_wait3A_47 : memref<125x80xi32, #tpu.memory_space<hbm>>) dst(%arg8 : memref<125x80xi32, #tpu.memory_space<vmem>>)
      tpu.yield
    }) : () -> ()
    %mul3A_1 = arith.constant 624 : i32
    %mul3A_2 = arith.muli %arg1, %mul3A_1 : i32
    "tpu.region"() ({
      %run_scoped3A_31 = tpu.sem_alloc : memref<!tpu.dma_semaphore, #tpu.memory_space<semaphore_mem>>
      %dma_start3A_32 = arith.constant 0 : i32
      %dma_start3A_33 = tpu.memref_slice %arg11[%mul3A_2, %dma_start3A_32] : memref<10000x128xf32, #tpu.memory_space<vmem_shared>> -> memref<624x128xf32, #tpu.memory_space<vmem_shared>>
      tpu.enqueue_dma source(%arg5 : memref<624x128xf32, #tpu.memory_space<hbm>>) target(%dma_start3A_33 : memref<624x128xf32, #tpu.memory_space<vmem_shared>>) target_semaphore(%run_scoped3A_31 : memref<!tpu.dma_semaphore, #tpu.memory_space<semaphore_mem>>)
      %dma_wait3A_34 = arith.constant 0 : i32
      %dma_wait3A_35 = tpu.memref_slice %arg11[%mul3A_2, %dma_wait3A_34] : memref<10000x128xf32, #tpu.memory_space<vmem_shared>> -> memref<624x128xf32, #tpu.memory_space<vmem_shared>>
      tpu.wait_dma2 semaphore(%run_scoped3A_31 : memref<!tpu.dma_semaphore, #tpu.memory_space<semaphore_mem>>) src(%arg5 : memref<624x128xf32, #tpu.memory_space<hbm>>) dst(%dma_wait3A_35 : memref<624x128xf32, #tpu.memory_space<vmem_shared>>)
      tpu.yield
    }) : () -> ()
    %eq3A = arith.constant 15 : i32
    %eq3A_3 = arith.cmpi eq, %arg1, %eq3A : i32
    %convert_element_type3A = arith.extui %eq3A_3 : i1 to i32
    %cond3A = arith.constant 0 : i32
    %cond3A_4 = arith.cmpi ne, %convert_element_type3A, %cond3A : i32
    scf.if %cond3A_4 {
      "tpu.region"() ({
        %run_scoped3A_31 = tpu.sem_alloc : memref<!tpu.dma_semaphore, #tpu.memory_space<semaphore_mem>>
        %dma_start3A_32 = arith.constant 9984 : i32
        %dma_start3A_33 = arith.constant 0 : i32
        %dma_start3A_34 = tpu.memref_slice %arg11[%dma_start3A_32, %dma_start3A_33] : memref<10000x128xf32, #tpu.memory_space<vmem_shared>> -> memref<16x128xf32, #tpu.memory_space<vmem_shared>>
        %dma_start3A_35 = arith.constant 0 : i32
        %dma_start3A_36 = arith.constant 0 : i32
        %dma_start3A_37 = tpu.memref_slice %arg5[%dma_start3A_35, %dma_start3A_36] : memref<624x128xf32, #tpu.memory_space<hbm>> -> memref<16x128xf32, #tpu.memory_space<hbm>>
        tpu.enqueue_dma source(%dma_start3A_37 : memref<16x128xf32, #tpu.memory_space<hbm>>) target(%dma_start3A_34 : memref<16x128xf32, #tpu.memory_space<vmem_shared>>) target_semaphore(%run_scoped3A_31 : memref<!tpu.dma_semaphore, #tpu.memory_space<semaphore_mem>>)
        %dma_wait3A_38 = arith.constant 9984 : i32
        %dma_wait3A_39 = arith.constant 0 : i32
        %dma_wait3A_40 = tpu.memref_slice %arg11[%dma_wait3A_38, %dma_wait3A_39] : memref<10000x128xf32, #tpu.memory_space<vmem_shared>> -> memref<16x128xf32, #tpu.memory_space<vmem_shared>>
        %dma_wait3A_41 = arith.constant 0 : i32
        %dma_wait3A_42 = arith.constant 0 : i32
        %dma_wait3A_43 = tpu.memref_slice %arg5[%dma_wait3A_41, %dma_wait3A_42] : memref<624x128xf32, #tpu.memory_space<hbm>> -> memref<16x128xf32, #tpu.memory_space<hbm>>
        tpu.wait_dma2 semaphore(%run_scoped3A_31 : memref<!tpu.dma_semaphore, #tpu.memory_space<semaphore_mem>>) src(%dma_wait3A_43 : memref<16x128xf32, #tpu.memory_space<hbm>>) dst(%dma_wait3A_40 : memref<16x128xf32, #tpu.memory_space<vmem_shared>>)
        tpu.yield
      }) : () -> ()
    } else {
    }
    %barrier3A = arith.constant 0 : index
    tpu.barrier barrier_id(%barrier3A)
    %dma_start3A = arith.constant 0 : i32
    %dma_start3A_5 = tpu.memref_slice %arg7[%dma_start3A] : memref<10000xi32, #tpu.memory_space<vmem>> -> memref<80xi32, #tpu.memory_space<vmem>>
    %dma_start3A_6 = arith.constant 0 : i32
    %dma_start3A_7 = arith.constant 0 : i32
    %dma_start3A_8 = tpu.memref_slice %arg2[%dma_start3A_6, %dma_start3A_7] : memref<10000x128xf32, #tpu.memory_space<hbm>> -> memref<10000x128xf32, #tpu.memory_space<hbm>>
    tpu.enqueue_indirect_dma source(%dma_start3A_8 : memref<10000x128xf32, #tpu.memory_space<hbm>>) target(%arg9 : memref<80x128xf32, #tpu.memory_space<vmem>>) offsets(%dma_start3A_5 : memref<80xi32, #tpu.memory_space<vmem>>) semaphore(%arg12 : memref<!tpu.dma_semaphore, #tpu.memory_space<semaphore_mem>>)
    %scan3A = arith.constant 0 : i32
    %scan3A_9 = arith.constant 0 : i32
    %scan3A_10 = arith.constant 62 : i32
    %scan3A_11 = arith.addi %scan3A_9, %scan3A_10 : i32
    %scan3A_12 = arith.constant 1 : i32
    scf.for %scan3A_31 = %scan3A_9 to %scan3A_11 step %scan3A_12  : i32 {
      %mul3A_32 = arith.constant 2 : i32
      %mul3A_33 = arith.muli %mul3A_32, %scan3A_31 : i32
      %add3A_34 = arith.constant 0 : i32
      %add3A_35 = arith.addi %mul3A_33, %add3A_34 : i32
      %add3A_36 = arith.constant 1 : i32
      %add3A_37 = arith.addi %add3A_35, %add3A_36 : i32
      %mul3A_38 = arith.constant 80 : i32
      %mul3A_39 = arith.muli %add3A_37, %mul3A_38 : i32
      %dma_start3A_40 = tpu.memref_slice %arg7[%mul3A_39] : memref<10000xi32, #tpu.memory_space<vmem>> -> memref<80xi32, #tpu.memory_space<vmem>>
      %dma_start3A_41 = arith.constant 0 : i32
      %dma_start3A_42 = arith.constant 0 : i32
      %dma_start3A_43 = tpu.memref_slice %arg2[%dma_start3A_41, %dma_start3A_42] : memref<10000x128xf32, #tpu.memory_space<hbm>> -> memref<10000x128xf32, #tpu.memory_space<hbm>>
      tpu.enqueue_indirect_dma source(%dma_start3A_43 : memref<10000x128xf32, #tpu.memory_space<hbm>>) target(%arg10 : memref<80x128xf32, #tpu.memory_space<vmem>>) offsets(%dma_start3A_40 : memref<80xi32, #tpu.memory_space<vmem>>) semaphore(%arg13 : memref<!tpu.dma_semaphore, #tpu.memory_space<semaphore_mem>>)
      %mul3A_44 = arith.constant 80 : i32
      %mul3A_45 = arith.muli %add3A_35, %mul3A_44 : i32
      %dma_wait3A_46 = tpu.memref_slice %arg7[%mul3A_45] : memref<10000xi32, #tpu.memory_space<vmem>> -> memref<80xi32, #tpu.memory_space<vmem>>
      %dma_wait3A_47 = arith.constant 0 : i32
      %dma_wait3A_48 = arith.constant 0 : i32
      %dma_wait3A_49 = tpu.memref_slice %arg2[%dma_wait3A_47, %dma_wait3A_48] : memref<10000x128xf32, #tpu.memory_space<hbm>> -> memref<10000x128xf32, #tpu.memory_space<hbm>>
      tpu.wait_indirect_dma semaphore(%arg12 : memref<!tpu.dma_semaphore, #tpu.memory_space<semaphore_mem>>) src(%dma_wait3A_49 : memref<10000x128xf32, #tpu.memory_space<hbm>>) dst(%arg9 : memref<80x128xf32, #tpu.memory_space<vmem>>)
      "tpu.region"() ({
        %run_scoped3A_68 = tpu.sem_alloc : memref<!tpu.dma_semaphore, #tpu.memory_space<semaphore_mem>>
        %dma_start3A_69 = arith.constant 0 : i32
        %dma_start3A_70 = tpu.memref_slice %arg8[%add3A_35, %dma_start3A_69] : memref<125x80xi32, #tpu.memory_space<vmem>> -> memref<1x80xi32, #tpu.memory_space<vmem>>
        %dma_start3A_71 = tpu.memref_squeeze %dma_start3A_70 : memref<1x80xi32, #tpu.memory_space<vmem>> -> memref<80xi32, #tpu.memory_space<vmem>>
        %dma_start3A_72 = arith.constant 0 : i32
        %dma_start3A_73 = arith.constant 0 : i32
        %dma_start3A_74 = tpu.memref_slice %arg11[%dma_start3A_72, %dma_start3A_73] : memref<10000x128xf32, #tpu.memory_space<vmem_shared>> -> memref<10000x128xf32, #tpu.memory_space<vmem_shared>>
        tpu.enqueue_indirect_dma source(%arg9 : memref<80x128xf32, #tpu.memory_space<vmem>>) target(%dma_start3A_74 : memref<10000x128xf32, #tpu.memory_space<vmem_shared>>) offsets(%dma_start3A_71 : memref<80xi32, #tpu.memory_space<vmem>>) semaphore(%run_scoped3A_68 : memref<!tpu.dma_semaphore, #tpu.memory_space<semaphore_mem>>) {add = true}
        %dma_wait3A_75 = arith.constant 0 : i32
        %dma_wait3A_76 = tpu.memref_slice %arg8[%add3A_35, %dma_wait3A_75] : memref<125x80xi32, #tpu.memory_space<vmem>> -> memref<1x80xi32, #tpu.memory_space<vmem>>
        %dma_wait3A_77 = tpu.memref_squeeze %dma_wait3A_76 : memref<1x80xi32, #tpu.memory_space<vmem>> -> memref<80xi32, #tpu.memory_space<vmem>>
        %dma_wait3A_78 = arith.constant 0 : i32
        %dma_wait3A_79 = arith.constant 0 : i32
        %dma_wait3A_80 = tpu.memref_slice %arg11[%dma_wait3A_78, %dma_wait3A_79] : memref<10000x128xf32, #tpu.memory_space<vmem_shared>> -> memref<10000x128xf32, #tpu.memory_space<vmem_shared>>
        tpu.wait_indirect_dma semaphore(%run_scoped3A_68 : memref<!tpu.dma_semaphore, #tpu.memory_space<semaphore_mem>>) src(%arg9 : memref<80x128xf32, #tpu.memory_space<vmem>>) dst(%dma_wait3A_80 : memref<10000x128xf32, #tpu.memory_space<vmem_shared>>)
        tpu.yield
      }) : () -> ()
      %mul3A_50 = arith.constant 2 : i32
      %mul3A_51 = arith.muli %mul3A_50, %scan3A_31 : i32
      %add3A_52 = arith.constant 1 : i32
      %add3A_53 = arith.addi %mul3A_51, %add3A_52 : i32
      %add3A_54 = arith.constant 1 : i32
      %add3A_55 = arith.addi %add3A_53, %add3A_54 : i32
      %mul3A_56 = arith.constant 80 : i32
      %mul3A_57 = arith.muli %add3A_55, %mul3A_56 : i32
      %dma_start3A_58 = tpu.memref_slice %arg7[%mul3A_57] : memref<10000xi32, #tpu.memory_space<vmem>> -> memref<80xi32, #tpu.memory_space<vmem>>
      %dma_start3A_59 = arith.constant 0 : i32
      %dma_start3A_60 = arith.constant 0 : i32
      %dma_start3A_61 = tpu.memref_slice %arg2[%dma_start3A_59, %dma_start3A_60] : memref<10000x128xf32, #tpu.memory_space<hbm>> -> memref<10000x128xf32, #tpu.memory_space<hbm>>
      tpu.enqueue_indirect_dma source(%dma_start3A_61 : memref<10000x128xf32, #tpu.memory_space<hbm>>) target(%arg9 : memref<80x128xf32, #tpu.memory_space<vmem>>) offsets(%dma_start3A_58 : memref<80xi32, #tpu.memory_space<vmem>>) semaphore(%arg12 : memref<!tpu.dma_semaphore, #tpu.memory_space<semaphore_mem>>)
      %mul3A_62 = arith.constant 80 : i32
      %mul3A_63 = arith.muli %add3A_53, %mul3A_62 : i32
      %dma_wait3A_64 = tpu.memref_slice %arg7[%mul3A_63] : memref<10000xi32, #tpu.memory_space<vmem>> -> memref<80xi32, #tpu.memory_space<vmem>>
      %dma_wait3A_65 = arith.constant 0 : i32
      %dma_wait3A_66 = arith.constant 0 : i32
      %dma_wait3A_67 = tpu.memref_slice %arg2[%dma_wait3A_65, %dma_wait3A_66] : memref<10000x128xf32, #tpu.memory_space<hbm>> -> memref<10000x128xf32, #tpu.memory_space<hbm>>
      tpu.wait_indirect_dma semaphore(%arg13 : memref<!tpu.dma_semaphore, #tpu.memory_space<semaphore_mem>>) src(%dma_wait3A_67 : memref<10000x128xf32, #tpu.memory_space<hbm>>) dst(%arg10 : memref<80x128xf32, #tpu.memory_space<vmem>>)
      "tpu.region"() ({
        %run_scoped3A_68 = tpu.sem_alloc : memref<!tpu.dma_semaphore, #tpu.memory_space<semaphore_mem>>
        %dma_start3A_69 = arith.constant 0 : i32
        %dma_start3A_70 = tpu.memref_slice %arg8[%add3A_53, %dma_start3A_69] : memref<125x80xi32, #tpu.memory_space<vmem>> -> memref<1x80xi32, #tpu.memory_space<vmem>>
        %dma_start3A_71 = tpu.memref_squeeze %dma_start3A_70 : memref<1x80xi32, #tpu.memory_space<vmem>> -> memref<80xi32, #tpu.memory_space<vmem>>
        %dma_start3A_72 = arith.constant 0 : i32
        %dma_start3A_73 = arith.constant 0 : i32
        %dma_start3A_74 = tpu.memref_slice %arg11[%dma_start3A_72, %dma_start3A_73] : memref<10000x128xf32, #tpu.memory_space<vmem_shared>> -> memref<10000x128xf32, #tpu.memory_space<vmem_shared>>
        tpu.enqueue_indirect_dma source(%arg10 : memref<80x128xf32, #tpu.memory_space<vmem>>) target(%dma_start3A_74 : memref<10000x128xf32, #tpu.memory_space<vmem_shared>>) offsets(%dma_start3A_71 : memref<80xi32, #tpu.memory_space<vmem>>) semaphore(%run_scoped3A_68 : memref<!tpu.dma_semaphore, #tpu.memory_space<semaphore_mem>>) {add = true}
        %dma_wait3A_75 = arith.constant 0 : i32
        %dma_wait3A_76 = tpu.memref_slice %arg8[%add3A_53, %dma_wait3A_75] : memref<125x80xi32, #tpu.memory_space<vmem>> -> memref<1x80xi32, #tpu.memory_space<vmem>>
        %dma_wait3A_77 = tpu.memref_squeeze %dma_wait3A_76 : memref<1x80xi32, #tpu.memory_space<vmem>> -> memref<80xi32, #tpu.memory_space<vmem>>
        %dma_wait3A_78 = arith.constant 0 : i32
        %dma_wait3A_79 = arith.constant 0 : i32
        %dma_wait3A_80 = tpu.memref_slice %arg11[%dma_wait3A_78, %dma_wait3A_79] : memref<10000x128xf32, #tpu.memory_space<vmem_shared>> -> memref<10000x128xf32, #tpu.memory_space<vmem_shared>>
        tpu.wait_indirect_dma semaphore(%run_scoped3A_68 : memref<!tpu.dma_semaphore, #tpu.memory_space<semaphore_mem>>) src(%arg10 : memref<80x128xf32, #tpu.memory_space<vmem>>) dst(%dma_wait3A_80 : memref<10000x128xf32, #tpu.memory_space<vmem_shared>>)
        tpu.yield
      }) : () -> ()
    }
    %scan3A_13 = arith.constant 62 : i32
    %dma_wait3A = arith.constant 9920 : i32
    %dma_wait3A_14 = tpu.memref_slice %arg7[%dma_wait3A] : memref<10000xi32, #tpu.memory_space<vmem>> -> memref<80xi32, #tpu.memory_space<vmem>>
    %dma_wait3A_15 = arith.constant 0 : i32
    %dma_wait3A_16 = arith.constant 0 : i32
    %dma_wait3A_17 = tpu.memref_slice %arg2[%dma_wait3A_15, %dma_wait3A_16] : memref<10000x128xf32, #tpu.memory_space<hbm>> -> memref<10000x128xf32, #tpu.memory_space<hbm>>
    tpu.wait_indirect_dma semaphore(%arg12 : memref<!tpu.dma_semaphore, #tpu.memory_space<semaphore_mem>>) src(%dma_wait3A_17 : memref<10000x128xf32, #tpu.memory_space<hbm>>) dst(%arg9 : memref<80x128xf32, #tpu.memory_space<vmem>>)
    %run_scoped3A = arith.constant 124 : i32
    "tpu.region"() ({
      %run_scoped3A_31 = tpu.sem_alloc : memref<!tpu.dma_semaphore, #tpu.memory_space<semaphore_mem>>
      %dma_start3A_32 = arith.constant 0 : i32
      %dma_start3A_33 = tpu.memref_slice %arg8[%run_scoped3A, %dma_start3A_32] : memref<125x80xi32, #tpu.memory_space<vmem>> -> memref<1x80xi32, #tpu.memory_space<vmem>>
      %dma_start3A_34 = tpu.memref_squeeze %dma_start3A_33 : memref<1x80xi32, #tpu.memory_space<vmem>> -> memref<80xi32, #tpu.memory_space<vmem>>
      %dma_start3A_35 = arith.constant 0 : i32
      %dma_start3A_36 = arith.constant 0 : i32
      %dma_start3A_37 = tpu.memref_slice %arg11[%dma_start3A_35, %dma_start3A_36] : memref<10000x128xf32, #tpu.memory_space<vmem_shared>> -> memref<10000x128xf32, #tpu.memory_space<vmem_shared>>
      tpu.enqueue_indirect_dma source(%arg9 : memref<80x128xf32, #tpu.memory_space<vmem>>) target(%dma_start3A_37 : memref<10000x128xf32, #tpu.memory_space<vmem_shared>>) offsets(%dma_start3A_34 : memref<80xi32, #tpu.memory_space<vmem>>) semaphore(%run_scoped3A_31 : memref<!tpu.dma_semaphore, #tpu.memory_space<semaphore_mem>>) {add = true}
      %dma_wait3A_38 = arith.constant 0 : i32
      %dma_wait3A_39 = tpu.memref_slice %arg8[%run_scoped3A, %dma_wait3A_38] : memref<125x80xi32, #tpu.memory_space<vmem>> -> memref<1x80xi32, #tpu.memory_space<vmem>>
      %dma_wait3A_40 = tpu.memref_squeeze %dma_wait3A_39 : memref<1x80xi32, #tpu.memory_space<vmem>> -> memref<80xi32, #tpu.memory_space<vmem>>
      %dma_wait3A_41 = arith.constant 0 : i32
      %dma_wait3A_42 = arith.constant 0 : i32
      %dma_wait3A_43 = tpu.memref_slice %arg11[%dma_wait3A_41, %dma_wait3A_42] : memref<10000x128xf32, #tpu.memory_space<vmem_shared>> -> memref<10000x128xf32, #tpu.memory_space<vmem_shared>>
      tpu.wait_indirect_dma semaphore(%run_scoped3A_31 : memref<!tpu.dma_semaphore, #tpu.memory_space<semaphore_mem>>) src(%arg9 : memref<80x128xf32, #tpu.memory_space<vmem>>) dst(%dma_wait3A_43 : memref<10000x128xf32, #tpu.memory_space<vmem_shared>>)
      tpu.yield
    }) : () -> ()
    %barrier3A_18 = arith.constant 0 : index
    tpu.barrier barrier_id(%barrier3A_18)
    %mul3A_19 = arith.constant 624 : i32
    %mul3A_20 = arith.muli %arg1, %mul3A_19 : i32
    %mul3A_21 = arith.constant 10000 : i32
    %mul3A_22 = arith.muli %arg0, %mul3A_21 : i32
    %mul3A_23 = arith.constant 624 : i32
    %mul3A_24 = arith.muli %arg1, %mul3A_23 : i32
    %add3A_25 = arith.addi %mul3A_22, %mul3A_24 : i32
    "tpu.region"() ({
      %run_scoped3A_31 = tpu.sem_alloc : memref<!tpu.dma_semaphore, #tpu.memory_space<semaphore_mem>>
      %dma_start3A_32 = arith.constant 0 : i32
      %dma_start3A_33 = tpu.memref_slice %arg6[%add3A_25, %dma_start3A_32] : memref<20000x128xf32, #tpu.memory_space<hbm>> -> memref<624x128xf32, #tpu.memory_space<hbm>>
      %dma_start3A_34 = arith.constant 0 : i32
      %dma_start3A_35 = tpu.memref_slice %arg11[%mul3A_20, %dma_start3A_34] : memref<10000x128xf32, #tpu.memory_space<vmem_shared>> -> memref<624x128xf32, #tpu.memory_space<vmem_shared>>
      tpu.enqueue_dma source(%dma_start3A_35 : memref<624x128xf32, #tpu.memory_space<vmem_shared>>) target(%dma_start3A_33 : memref<624x128xf32, #tpu.memory_space<hbm>>) target_semaphore(%run_scoped3A_31 : memref<!tpu.dma_semaphore, #tpu.memory_space<semaphore_mem>>)
      %dma_wait3A_36 = arith.constant 0 : i32
      %dma_wait3A_37 = tpu.memref_slice %arg6[%add3A_25, %dma_wait3A_36] : memref<20000x128xf32, #tpu.memory_space<hbm>> -> memref<624x128xf32, #tpu.memory_space<hbm>>
      %dma_wait3A_38 = arith.constant 0 : i32
      %dma_wait3A_39 = tpu.memref_slice %arg11[%mul3A_20, %dma_wait3A_38] : memref<10000x128xf32, #tpu.memory_space<vmem_shared>> -> memref<624x128xf32, #tpu.memory_space<vmem_shared>>
      tpu.wait_dma2 semaphore(%run_scoped3A_31 : memref<!tpu.dma_semaphore, #tpu.memory_space<semaphore_mem>>) src(%dma_wait3A_39 : memref<624x128xf32, #tpu.memory_space<vmem_shared>>) dst(%dma_wait3A_37 : memref<624x128xf32, #tpu.memory_space<hbm>>)
      tpu.yield
    }) : () -> ()
    %eq3A_26 = arith.constant 15 : i32
    %eq3A_27 = arith.cmpi eq, %arg1, %eq3A_26 : i32
    %convert_element_type3A_28 = arith.extui %eq3A_27 : i1 to i32
    %cond3A_29 = arith.constant 0 : i32
    %cond3A_30 = arith.cmpi ne, %convert_element_type3A_28, %cond3A_29 : i32
    scf.if %cond3A_30 {
      %mul3A_31 = arith.constant 10000 : i32
      %mul3A_32 = arith.muli %arg0, %mul3A_31 : i32
      %add3A_33 = arith.constant 9984 : i32
      %add3A_34 = arith.addi %mul3A_32, %add3A_33 : i32
      "tpu.region"() ({
        %run_scoped3A_35 = tpu.sem_alloc : memref<!tpu.dma_semaphore, #tpu.memory_space<semaphore_mem>>
        %dma_start3A_36 = arith.constant 0 : i32
        %dma_start3A_37 = tpu.memref_slice %arg6[%add3A_34, %dma_start3A_36] : memref<20000x128xf32, #tpu.memory_space<hbm>> -> memref<16x128xf32, #tpu.memory_space<hbm>>
        %dma_start3A_38 = arith.constant 9984 : i32
        %dma_start3A_39 = arith.constant 0 : i32
        %dma_start3A_40 = tpu.memref_slice %arg11[%dma_start3A_38, %dma_start3A_39] : memref<10000x128xf32, #tpu.memory_space<vmem_shared>> -> memref<16x128xf32, #tpu.memory_space<vmem_shared>>
        tpu.enqueue_dma source(%dma_start3A_40 : memref<16x128xf32, #tpu.memory_space<vmem_shared>>) target(%dma_start3A_37 : memref<16x128xf32, #tpu.memory_space<hbm>>) target_semaphore(%run_scoped3A_35 : memref<!tpu.dma_semaphore, #tpu.memory_space<semaphore_mem>>)
        %dma_wait3A_41 = arith.constant 0 : i32
        %dma_wait3A_42 = tpu.memref_slice %arg6[%add3A_34, %dma_wait3A_41] : memref<20000x128xf32, #tpu.memory_space<hbm>> -> memref<16x128xf32, #tpu.memory_space<hbm>>
        %dma_wait3A_43 = arith.constant 9984 : i32
        %dma_wait3A_44 = arith.constant 0 : i32
        %dma_wait3A_45 = tpu.memref_slice %arg11[%dma_wait3A_43, %dma_wait3A_44] : memref<10000x128xf32, #tpu.memory_space<vmem_shared>> -> memref<16x128xf32, #tpu.memory_space<vmem_shared>>
        tpu.wait_dma2 semaphore(%run_scoped3A_35 : memref<!tpu.dma_semaphore, #tpu.memory_space<semaphore_mem>>) src(%dma_wait3A_45 : memref<16x128xf32, #tpu.memory_space<vmem_shared>>) dst(%dma_wait3A_42 : memref<16x128xf32, #tpu.memory_space<hbm>>)
        tpu.yield
      }) : () -> ()
    } else {
    }
    return
  }
}

#map = affine_map<(d0, d1) -> (0, 0)>
#map1 = affine_map<(d0, d1) -> (0, 0, 0)>
module attributes {stable_mosaic.version = 14 : i64} {
  func.func @edge_scatter_add(%arg0: i32, %arg1: i32, %arg2: memref<10000x128xf32, #tpu.memory_space<hbm>>, %arg3: memref<32x10000xi32, #tpu.memory_space<hbm>>, %arg4: memref<32x125x80xi32, #tpu.memory_space<hbm>>, %arg5: memref<624x128xf32, #tpu.memory_space<hbm>>, %arg6: memref<20000x128xf32, #tpu.memory_space<hbm>>, %arg7: memref<10000xi32, #tpu.memory_space<vmem>>, %arg8: memref<125x80xi32, #tpu.memory_space<vmem>>, %arg9: memref<80x128xf32, #tpu.memory_space<vmem>>, %arg10: memref<80x128xf32, #tpu.memory_space<vmem>>, %arg11: memref<10000x128xf32, #tpu.memory_space<vmem_shared>>, %arg12: memref<!tpu.dma_semaphore, #tpu.memory_space<semaphore_mem>>, %arg13: memref<!tpu.dma_semaphore, #tpu.memory_space<semaphore_mem>>) attributes {dimension_semantics = [#tpu.dimension_semantics<core_parallel>, #tpu.dimension_semantics<subcore_parallel>], iteration_bounds = array<i64: 2, 16>, scalar_prefetch = 0 : i64, scratch_operands = 7 : i64, tpu.core_type = #tpu.core_type<sc_vector_subcore>, window_params = [{transform_indices = #map}, {transform_indices = #map}, {transform_indices = #map1}, {transform_indices = #map}, {transform_indices = #map}]} {
    %mul3A = arith.constant 2 : i32
    %mul3A_0 = arith.muli %arg1, %mul3A : i32
    %add3A = arith.addi %mul3A_0, %arg0 : i32
    "tpu.region"() ({
      %run_scoped3A_31 = tpu.sem_alloc : memref<!tpu.dma_semaphore, #tpu.memory_space<semaphore_mem>>
      %dma_start3A_32 = arith.constant 0 : i32
      %dma_start3A_33 = tpu.memref_slice %arg3[%add3A, %dma_start3A_32] : memref<32x10000xi32, #tpu.memory_space<hbm>> -> memref<1x10000xi32, #tpu.memory_space<hbm>>
      %dma_start3A_34 = tpu.memref_squeeze %dma_start3A_33 : memref<1x10000xi32, #tpu.memory_space<hbm>> -> memref<10000xi32, #tpu.memory_space<hbm>>
      %dma_start3A_35 = arith.constant 0 : i32
      %dma_start3A_36 = tpu.memref_slice %arg3[%add3A, %dma_start3A_35] : memref<32x10000xi32, #tpu.memory_space<hbm>> -> memref<1x10000xi32, #tpu.memory_space<hbm>>
      %dma_start3A_37 = tpu.memref_squeeze %dma_start3A_36 : memref<1x10000xi32, #tpu.memory_space<hbm>> -> memref<10000xi32, #tpu.memory_space<hbm>>
      tpu.enqueue_dma source(%dma_start3A_37 : memref<10000xi32, #tpu.memory_space<hbm>>) target(%arg7 : memref<10000xi32, #tpu.memory_space<vmem>>) target_semaphore(%run_scoped3A_31 : memref<!tpu.dma_semaphore, #tpu.memory_space<semaphore_mem>>)
      %dma_wait3A_38 = arith.constant 0 : i32
      %dma_wait3A_39 = tpu.memref_slice %arg3[%add3A, %dma_wait3A_38] : memref<32x10000xi32, #tpu.memory_space<hbm>> -> memref<1x10000xi32, #tpu.memory_space<hbm>>
      %dma_wait3A_40 = tpu.memref_squeeze %dma_wait3A_39 : memref<1x10000xi32, #tpu.memory_space<hbm>> -> memref<10000xi32, #tpu.memory_space<hbm>>
      %dma_wait3A_41 = arith.constant 0 : i32
      %dma_wait3A_42 = tpu.memref_slice %arg3[%add3A, %dma_wait3A_41] : memref<32x10000xi32, #tpu.memory_space<hbm>> -> memref<1x10000xi32, #tpu.memory_space<hbm>>
      %dma_wait3A_43 = tpu.memref_squeeze %dma_wait3A_42 : memref<1x10000xi32, #tpu.memory_space<hbm>> -> memref<10000xi32, #tpu.memory_space<hbm>>
      tpu.wait_dma2 semaphore(%run_scoped3A_31 : memref<!tpu.dma_semaphore, #tpu.memory_space<semaphore_mem>>) src(%dma_wait3A_43 : memref<10000xi32, #tpu.memory_space<hbm>>) dst(%arg7 : memref<10000xi32, #tpu.memory_space<vmem>>)
      tpu.yield
    }) : () -> ()
    "tpu.region"() ({
      %run_scoped3A_31 = tpu.sem_alloc : memref<!tpu.dma_semaphore, #tpu.memory_space<semaphore_mem>>
      %dma_start3A_32 = arith.constant 0 : i32
      %dma_start3A_33 = arith.constant 0 : i32
      %dma_start3A_34 = tpu.memref_slice %arg4[%add3A, %dma_start3A_32, %dma_start3A_33] : memref<32x125x80xi32, #tpu.memory_space<hbm>> -> memref<1x125x80xi32, #tpu.memory_space<hbm>>
      %dma_start3A_35 = tpu.memref_squeeze %dma_start3A_34 : memref<1x125x80xi32, #tpu.memory_space<hbm>> -> memref<125x80xi32, #tpu.memory_space<hbm>>
      %dma_start3A_36 = arith.constant 0 : i32
      %dma_start3A_37 = arith.constant 0 : i32
      %dma_start3A_38 = tpu.memref_slice %arg4[%add3A, %dma_start3A_36, %dma_start3A_37] : memref<32x125x80xi32, #tpu.memory_space<hbm>> -> memref<1x125x80xi32, #tpu.memory_space<hbm>>
      %dma_start3A_39 = tpu.memref_squeeze %dma_start3A_38 : memref<1x125x80xi32, #tpu.memory_space<hbm>> -> memref<125x80xi32, #tpu.memory_space<hbm>>
      tpu.enqueue_dma source(%dma_start3A_39 : memref<125x80xi32, #tpu.memory_space<hbm>>) target(%arg8 : memref<125x80xi32, #tpu.memory_space<vmem>>) target_semaphore(%run_scoped3A_31 : memref<!tpu.dma_semaphore, #tpu.memory_space<semaphore_mem>>)
      %dma_wait3A_40 = arith.constant 0 : i32
      %dma_wait3A_41 = arith.constant 0 : i32
      %dma_wait3A_42 = tpu.memref_slice %arg4[%add3A, %dma_wait3A_40, %dma_wait3A_41] : memref<32x125x80xi32, #tpu.memory_space<hbm>> -> memref<1x125x80xi32, #tpu.memory_space<hbm>>
      %dma_wait3A_43 = tpu.memref_squeeze %dma_wait3A_42 : memref<1x125x80xi32, #tpu.memory_space<hbm>> -> memref<125x80xi32, #tpu.memory_space<hbm>>
      %dma_wait3A_44 = arith.constant 0 : i32
      %dma_wait3A_45 = arith.constant 0 : i32
      %dma_wait3A_46 = tpu.memref_slice %arg4[%add3A, %dma_wait3A_44, %dma_wait3A_45] : memref<32x125x80xi32, #tpu.memory_space<hbm>> -> memref<1x125x80xi32, #tpu.memory_space<hbm>>
      %dma_wait3A_47 = tpu.memref_squeeze %dma_wait3A_46 : memref<1x125x80xi32, #tpu.memory_space<hbm>> -> memref<125x80xi32, #tpu.memory_space<hbm>>
      tpu.wait_dma2 semaphore(%run_scoped3A_31 : memref<!tpu.dma_semaphore, #tpu.memory_space<semaphore_mem>>) src(%dma_wait3A_47 : memref<125x80xi32, #tpu.memory_space<hbm>>) dst(%arg8 : memref<125x80xi32, #tpu.memory_space<vmem>>)
      tpu.yield
    }) : () -> ()
    %mul3A_1 = arith.constant 624 : i32
    %mul3A_2 = arith.muli %arg1, %mul3A_1 : i32
    "tpu.region"() ({
      %run_scoped3A_31 = tpu.sem_alloc : memref<!tpu.dma_semaphore, #tpu.memory_space<semaphore_mem>>
      %dma_start3A_32 = arith.constant 0 : i32
      %dma_start3A_33 = tpu.memref_slice %arg11[%mul3A_2, %dma_start3A_32] : memref<10000x128xf32, #tpu.memory_space<vmem_shared>> -> memref<624x128xf32, #tpu.memory_space<vmem_shared>>
      tpu.enqueue_dma source(%arg5 : memref<624x128xf32, #tpu.memory_space<hbm>>) target(%dma_start3A_33 : memref<624x128xf32, #tpu.memory_space<vmem_shared>>) target_semaphore(%run_scoped3A_31 : memref<!tpu.dma_semaphore, #tpu.memory_space<semaphore_mem>>)
      %dma_wait3A_34 = arith.constant 0 : i32
      %dma_wait3A_35 = tpu.memref_slice %arg11[%mul3A_2, %dma_wait3A_34] : memref<10000x128xf32, #tpu.memory_space<vmem_shared>> -> memref<624x128xf32, #tpu.memory_space<vmem_shared>>
      tpu.wait_dma2 semaphore(%run_scoped3A_31 : memref<!tpu.dma_semaphore, #tpu.memory_space<semaphore_mem>>) src(%arg5 : memref<624x128xf32, #tpu.memory_space<hbm>>) dst(%dma_wait3A_35 : memref<624x128xf32, #tpu.memory_space<vmem_shared>>)
      tpu.yield
    }) : () -> ()
    %eq3A = arith.constant 15 : i32
    %eq3A_3 = arith.cmpi eq, %arg1, %eq3A : i32
    %convert_element_type3A = arith.extui %eq3A_3 : i1 to i32
    %cond3A = arith.constant 0 : i32
    %cond3A_4 = arith.cmpi ne, %convert_element_type3A, %cond3A : i32
    scf.if %cond3A_4 {
      "tpu.region"() ({
        %run_scoped3A_31 = tpu.sem_alloc : memref<!tpu.dma_semaphore, #tpu.memory_space<semaphore_mem>>
        %dma_start3A_32 = arith.constant 9984 : i32
        %dma_start3A_33 = arith.constant 0 : i32
        %dma_start3A_34 = tpu.memref_slice %arg11[%dma_start3A_32, %dma_start3A_33] : memref<10000x128xf32, #tpu.memory_space<vmem_shared>> -> memref<16x128xf32, #tpu.memory_space<vmem_shared>>
        %dma_start3A_35 = arith.constant 0 : i32
        %dma_start3A_36 = arith.constant 0 : i32
        %dma_start3A_37 = tpu.memref_slice %arg5[%dma_start3A_35, %dma_start3A_36] : memref<624x128xf32, #tpu.memory_space<hbm>> -> memref<16x128xf32, #tpu.memory_space<hbm>>
        tpu.enqueue_dma source(%dma_start3A_37 : memref<16x128xf32, #tpu.memory_space<hbm>>) target(%dma_start3A_34 : memref<16x128xf32, #tpu.memory_space<vmem_shared>>) target_semaphore(%run_scoped3A_31 : memref<!tpu.dma_semaphore, #tpu.memory_space<semaphore_mem>>)
        %dma_wait3A_38 = arith.constant 9984 : i32
        %dma_wait3A_39 = arith.constant 0 : i32
        %dma_wait3A_40 = tpu.memref_slice %arg11[%dma_wait3A_38, %dma_wait3A_39] : memref<10000x128xf32, #tpu.memory_space<vmem_shared>> -> memref<16x128xf32, #tpu.memory_space<vmem_shared>>
        %dma_wait3A_41 = arith.constant 0 : i32
        %dma_wait3A_42 = arith.constant 0 : i32
        %dma_wait3A_43 = tpu.memref_slice %arg5[%dma_wait3A_41, %dma_wait3A_42] : memref<624x128xf32, #tpu.memory_space<hbm>> -> memref<16x128xf32, #tpu.memory_space<hbm>>
        tpu.wait_dma2 semaphore(%run_scoped3A_31 : memref<!tpu.dma_semaphore, #tpu.memory_space<semaphore_mem>>) src(%dma_wait3A_43 : memref<16x128xf32, #tpu.memory_space<hbm>>) dst(%dma_wait3A_40 : memref<16x128xf32, #tpu.memory_space<vmem_shared>>)
        tpu.yield
      }) : () -> ()
    } else {
    }
    %barrier3A = arith.constant 0 : index
    tpu.barrier barrier_id(%barrier3A)
    %dma_start3A = arith.constant 0 : i32
    %dma_start3A_5 = tpu.memref_slice %arg7[%dma_start3A] : memref<10000xi32, #tpu.memory_space<vmem>> -> memref<80xi32, #tpu.memory_space<vmem>>
    %dma_start3A_6 = arith.constant 0 : i32
    %dma_start3A_7 = arith.constant 0 : i32
    %dma_start3A_8 = tpu.memref_slice %arg2[%dma_start3A_6, %dma_start3A_7] : memref<10000x128xf32, #tpu.memory_space<hbm>> -> memref<10000x128xf32, #tpu.memory_space<hbm>>
    tpu.enqueue_indirect_dma source(%dma_start3A_8 : memref<10000x128xf32, #tpu.memory_space<hbm>>) target(%arg9 : memref<80x128xf32, #tpu.memory_space<vmem>>) offsets(%dma_start3A_5 : memref<80xi32, #tpu.memory_space<vmem>>) semaphore(%arg12 : memref<!tpu.dma_semaphore, #tpu.memory_space<semaphore_mem>>)
    %scan3A = arith.constant 0 : i32
    %scan3A_9 = arith.constant 0 : i32
    %scan3A_10 = arith.constant 62 : i32
    %scan3A_11 = arith.addi %scan3A_9, %scan3A_10 : i32
    %scan3A_12 = arith.constant 1 : i32
    scf.for %scan3A_31 = %scan3A_9 to %scan3A_11 step %scan3A_12  : i32 {
      %mul3A_32 = arith.constant 2 : i32
      %mul3A_33 = arith.muli %mul3A_32, %scan3A_31 : i32
      %add3A_34 = arith.constant 0 : i32
      %add3A_35 = arith.addi %mul3A_33, %add3A_34 : i32
      %add3A_36 = arith.constant 1 : i32
      %add3A_37 = arith.addi %add3A_35, %add3A_36 : i32
      %mul3A_38 = arith.constant 80 : i32
      %mul3A_39 = arith.muli %add3A_37, %mul3A_38 : i32
      %dma_start3A_40 = tpu.memref_slice %arg7[%mul3A_39] : memref<10000xi32, #tpu.memory_space<vmem>> -> memref<80xi32, #tpu.memory_space<vmem>>
      %dma_start3A_41 = arith.constant 0 : i32
      %dma_start3A_42 = arith.constant 0 : i32
      %dma_start3A_43 = tpu.memref_slice %arg2[%dma_start3A_41, %dma_start3A_42] : memref<10000x128xf32, #tpu.memory_space<hbm>> -> memref<10000x128xf32, #tpu.memory_space<hbm>>
      tpu.enqueue_indirect_dma source(%dma_start3A_43 : memref<10000x128xf32, #tpu.memory_space<hbm>>) target(%arg10 : memref<80x128xf32, #tpu.memory_space<vmem>>) offsets(%dma_start3A_40 : memref<80xi32, #tpu.memory_space<vmem>>) semaphore(%arg13 : memref<!tpu.dma_semaphore, #tpu.memory_space<semaphore_mem>>)
      %mul3A_44 = arith.constant 80 : i32
      %mul3A_45 = arith.muli %add3A_35, %mul3A_44 : i32
      %dma_wait3A_46 = tpu.memref_slice %arg7[%mul3A_45] : memref<10000xi32, #tpu.memory_space<vmem>> -> memref<80xi32, #tpu.memory_space<vmem>>
      %dma_wait3A_47 = arith.constant 0 : i32
      %dma_wait3A_48 = arith.constant 0 : i32
      %dma_wait3A_49 = tpu.memref_slice %arg2[%dma_wait3A_47, %dma_wait3A_48] : memref<10000x128xf32, #tpu.memory_space<hbm>> -> memref<10000x128xf32, #tpu.memory_space<hbm>>
      tpu.wait_indirect_dma semaphore(%arg12 : memref<!tpu.dma_semaphore, #tpu.memory_space<semaphore_mem>>) src(%dma_wait3A_49 : memref<10000x128xf32, #tpu.memory_space<hbm>>) dst(%arg9 : memref<80x128xf32, #tpu.memory_space<vmem>>)
      "tpu.region"() ({
        %run_scoped3A_68 = tpu.sem_alloc : memref<!tpu.dma_semaphore, #tpu.memory_space<semaphore_mem>>
        %dma_start3A_69 = arith.constant 0 : i32
        %dma_start3A_70 = tpu.memref_slice %arg8[%add3A_35, %dma_start3A_69] : memref<125x80xi32, #tpu.memory_space<vmem>> -> memref<1x80xi32, #tpu.memory_space<vmem>>
        %dma_start3A_71 = tpu.memref_squeeze %dma_start3A_70 : memref<1x80xi32, #tpu.memory_space<vmem>> -> memref<80xi32, #tpu.memory_space<vmem>>
        %dma_start3A_72 = arith.constant 0 : i32
        %dma_start3A_73 = arith.constant 0 : i32
        %dma_start3A_74 = tpu.memref_slice %arg11[%dma_start3A_72, %dma_start3A_73] : memref<10000x128xf32, #tpu.memory_space<vmem_shared>> -> memref<10000x128xf32, #tpu.memory_space<vmem_shared>>
        tpu.enqueue_indirect_dma source(%arg9 : memref<80x128xf32, #tpu.memory_space<vmem>>) target(%dma_start3A_74 : memref<10000x128xf32, #tpu.memory_space<vmem_shared>>) offsets(%dma_start3A_71 : memref<80xi32, #tpu.memory_space<vmem>>) semaphore(%run_scoped3A_68 : memref<!tpu.dma_semaphore, #tpu.memory_space<semaphore_mem>>) {add = true}
        %dma_wait3A_75 = arith.constant 0 : i32
        %dma_wait3A_76 = tpu.memref_slice %arg8[%add3A_35, %dma_wait3A_75] : memref<125x80xi32, #tpu.memory_space<vmem>> -> memref<1x80xi32, #tpu.memory_space<vmem>>
        %dma_wait3A_77 = tpu.memref_squeeze %dma_wait3A_76 : memref<1x80xi32, #tpu.memory_space<vmem>> -> memref<80xi32, #tpu.memory_space<vmem>>
        %dma_wait3A_78 = arith.constant 0 : i32
        %dma_wait3A_79 = arith.constant 0 : i32
        %dma_wait3A_80 = tpu.memref_slice %arg11[%dma_wait3A_78, %dma_wait3A_79] : memref<10000x128xf32, #tpu.memory_space<vmem_shared>> -> memref<10000x128xf32, #tpu.memory_space<vmem_shared>>
        tpu.wait_indirect_dma semaphore(%run_scoped3A_68 : memref<!tpu.dma_semaphore, #tpu.memory_space<semaphore_mem>>) src(%arg9 : memref<80x128xf32, #tpu.memory_space<vmem>>) dst(%dma_wait3A_80 : memref<10000x128xf32, #tpu.memory_space<vmem_shared>>)
        tpu.yield
      }) : () -> ()
      %mul3A_50 = arith.constant 2 : i32
      %mul3A_51 = arith.muli %mul3A_50, %scan3A_31 : i32
      %add3A_52 = arith.constant 1 : i32
      %add3A_53 = arith.addi %mul3A_51, %add3A_52 : i32
      %add3A_54 = arith.constant 1 : i32
      %add3A_55 = arith.addi %add3A_53, %add3A_54 : i32
      %mul3A_56 = arith.constant 80 : i32
      %mul3A_57 = arith.muli %add3A_55, %mul3A_56 : i32
      %dma_start3A_58 = tpu.memref_slice %arg7[%mul3A_57] : memref<10000xi32, #tpu.memory_space<vmem>> -> memref<80xi32, #tpu.memory_space<vmem>>
      %dma_start3A_59 = arith.constant 0 : i32
      %dma_start3A_60 = arith.constant 0 : i32
      %dma_start3A_61 = tpu.memref_slice %arg2[%dma_start3A_59, %dma_start3A_60] : memref<10000x128xf32, #tpu.memory_space<hbm>> -> memref<10000x128xf32, #tpu.memory_space<hbm>>
      tpu.enqueue_indirect_dma source(%dma_start3A_61 : memref<10000x128xf32, #tpu.memory_space<hbm>>) target(%arg9 : memref<80x128xf32, #tpu.memory_space<vmem>>) offsets(%dma_start3A_58 : memref<80xi32, #tpu.memory_space<vmem>>) semaphore(%arg12 : memref<!tpu.dma_semaphore, #tpu.memory_space<semaphore_mem>>)
      %mul3A_62 = arith.constant 80 : i32
      %mul3A_63 = arith.muli %add3A_53, %mul3A_62 : i32
      %dma_wait3A_64 = tpu.memref_slice %arg7[%mul3A_63] : memref<10000xi32, #tpu.memory_space<vmem>> -> memref<80xi32, #tpu.memory_space<vmem>>
      %dma_wait3A_65 = arith.constant 0 : i32
      %dma_wait3A_66 = arith.constant 0 : i32
      %dma_wait3A_67 = tpu.memref_slice %arg2[%dma_wait3A_65, %dma_wait3A_66] : memref<10000x128xf32, #tpu.memory_space<hbm>> -> memref<10000x128xf32, #tpu.memory_space<hbm>>
      tpu.wait_indirect_dma semaphore(%arg13 : memref<!tpu.dma_semaphore, #tpu.memory_space<semaphore_mem>>) src(%dma_wait3A_67 : memref<10000x128xf32, #tpu.memory_space<hbm>>) dst(%arg10 : memref<80x128xf32, #tpu.memory_space<vmem>>)
      "tpu.region"() ({
        %run_scoped3A_68 = tpu.sem_alloc : memref<!tpu.dma_semaphore, #tpu.memory_space<semaphore_mem>>
        %dma_start3A_69 = arith.constant 0 : i32
        %dma_start3A_70 = tpu.memref_slice %arg8[%add3A_53, %dma_start3A_69] : memref<125x80xi32, #tpu.memory_space<vmem>> -> memref<1x80xi32, #tpu.memory_space<vmem>>
        %dma_start3A_71 = tpu.memref_squeeze %dma_start3A_70 : memref<1x80xi32, #tpu.memory_space<vmem>> -> memref<80xi32, #tpu.memory_space<vmem>>
        %dma_start3A_72 = arith.constant 0 : i32
        %dma_start3A_73 = arith.constant 0 : i32
        %dma_start3A_74 = tpu.memref_slice %arg11[%dma_start3A_72, %dma_start3A_73] : memref<10000x128xf32, #tpu.memory_space<vmem_shared>> -> memref<10000x128xf32, #tpu.memory_space<vmem_shared>>
        tpu.enqueue_indirect_dma source(%arg10 : memref<80x128xf32, #tpu.memory_space<vmem>>) target(%dma_start3A_74 : memref<10000x128xf32, #tpu.memory_space<vmem_shared>>) offsets(%dma_start3A_71 : memref<80xi32, #tpu.memory_space<vmem>>) semaphore(%run_scoped3A_68 : memref<!tpu.dma_semaphore, #tpu.memory_space<semaphore_mem>>) {add = true}
        %dma_wait3A_75 = arith.constant 0 : i32
        %dma_wait3A_76 = tpu.memref_slice %arg8[%add3A_53, %dma_wait3A_75] : memref<125x80xi32, #tpu.memory_space<vmem>> -> memref<1x80xi32, #tpu.memory_space<vmem>>
        %dma_wait3A_77 = tpu.memref_squeeze %dma_wait3A_76 : memref<1x80xi32, #tpu.memory_space<vmem>> -> memref<80xi32, #tpu.memory_space<vmem>>
        %dma_wait3A_78 = arith.constant 0 : i32
        %dma_wait3A_79 = arith.constant 0 : i32
        %dma_wait3A_80 = tpu.memref_slice %arg11[%dma_wait3A_78, %dma_wait3A_79] : memref<10000x128xf32, #tpu.memory_space<vmem_shared>> -> memref<10000x128xf32, #tpu.memory_space<vmem_shared>>
        tpu.wait_indirect_dma semaphore(%run_scoped3A_68 : memref<!tpu.dma_semaphore, #tpu.memory_space<semaphore_mem>>) src(%arg10 : memref<80x128xf32, #tpu.memory_space<vmem>>) dst(%dma_wait3A_80 : memref<10000x128xf32, #tpu.memory_space<vmem_shared>>)
        tpu.yield
      }) : () -> ()
    }
    %scan3A_13 = arith.constant 62 : i32
    %dma_wait3A = arith.constant 9920 : i32
    %dma_wait3A_14 = tpu.memref_slice %arg7[%dma_wait3A] : memref<10000xi32, #tpu.memory_space<vmem>> -> memref<80xi32, #tpu.memory_space<vmem>>
    %dma_wait3A_15 = arith.constant 0 : i32
    %dma_wait3A_16 = arith.constant 0 : i32
    %dma_wait3A_17 = tpu.memref_slice %arg2[%dma_wait3A_15, %dma_wait3A_16] : memref<10000x128xf32, #tpu.memory_space<hbm>> -> memref<10000x128xf32, #tpu.memory_space<hbm>>
    tpu.wait_indirect_dma semaphore(%arg12 : memref<!tpu.dma_semaphore, #tpu.memory_space<semaphore_mem>>) src(%dma_wait3A_17 : memref<10000x128xf32, #tpu.memory_space<hbm>>) dst(%arg9 : memref<80x128xf32, #tpu.memory_space<vmem>>)
    %run_scoped3A = arith.constant 124 : i32
    "tpu.region"() ({
      %run_scoped3A_31 = tpu.sem_alloc : memref<!tpu.dma_semaphore, #tpu.memory_space<semaphore_mem>>
      %dma_start3A_32 = arith.constant 0 : i32
      %dma_start3A_33 = tpu.memref_slice %arg8[%run_scoped3A, %dma_start3A_32] : memref<125x80xi32, #tpu.memory_space<vmem>> -> memref<1x80xi32, #tpu.memory_space<vmem>>
      %dma_start3A_34 = tpu.memref_squeeze %dma_start3A_33 : memref<1x80xi32, #tpu.memory_space<vmem>> -> memref<80xi32, #tpu.memory_space<vmem>>
      %dma_start3A_35 = arith.constant 0 : i32
      %dma_start3A_36 = arith.constant 0 : i32
      %dma_start3A_37 = tpu.memref_slice %arg11[%dma_start3A_35, %dma_start3A_36] : memref<10000x128xf32, #tpu.memory_space<vmem_shared>> -> memref<10000x128xf32, #tpu.memory_space<vmem_shared>>
      tpu.enqueue_indirect_dma source(%arg9 : memref<80x128xf32, #tpu.memory_space<vmem>>) target(%dma_start3A_37 : memref<10000x128xf32, #tpu.memory_space<vmem_shared>>) offsets(%dma_start3A_34 : memref<80xi32, #tpu.memory_space<vmem>>) semaphore(%run_scoped3A_31 : memref<!tpu.dma_semaphore, #tpu.memory_space<semaphore_mem>>) {add = true}
      %dma_wait3A_38 = arith.constant 0 : i32
      %dma_wait3A_39 = tpu.memref_slice %arg8[%run_scoped3A, %dma_wait3A_38] : memref<125x80xi32, #tpu.memory_space<vmem>> -> memref<1x80xi32, #tpu.memory_space<vmem>>
      %dma_wait3A_40 = tpu.memref_squeeze %dma_wait3A_39 : memref<1x80xi32, #tpu.memory_space<vmem>> -> memref<80xi32, #tpu.memory_space<vmem>>
      %dma_wait3A_41 = arith.constant 0 : i32
      %dma_wait3A_42 = arith.constant 0 : i32
      %dma_wait3A_43 = tpu.memref_slice %arg11[%dma_wait3A_41, %dma_wait3A_42] : memref<10000x128xf32, #tpu.memory_space<vmem_shared>> -> memref<10000x128xf32, #tpu.memory_space<vmem_shared>>
      tpu.wait_indirect_dma semaphore(%run_scoped3A_31 : memref<!tpu.dma_semaphore, #tpu.memory_space<semaphore_mem>>) src(%arg9 : memref<80x128xf32, #tpu.memory_space<vmem>>) dst(%dma_wait3A_43 : memref<10000x128xf32, #tpu.memory_space<vmem_shared>>)
      tpu.yield
    }) : () -> ()
    %barrier3A_18 = arith.constant 0 : index
    tpu.barrier barrier_id(%barrier3A_18)
    %mul3A_19 = arith.constant 624 : i32
    %mul3A_20 = arith.muli %arg1, %mul3A_19 : i32
    %mul3A_21 = arith.constant 10000 : i32
    %mul3A_22 = arith.muli %arg0, %mul3A_21 : i32
    %mul3A_23 = arith.constant 624 : i32
    %mul3A_24 = arith.muli %arg1, %mul3A_23 : i32
    %add3A_25 = arith.addi %mul3A_22, %mul3A_24 : i32
    "tpu.region"() ({
      %run_scoped3A_31 = tpu.sem_alloc : memref<!tpu.dma_semaphore, #tpu.memory_space<semaphore_mem>>
      %dma_start3A_32 = arith.constant 0 : i32
      %dma_start3A_33 = tpu.memref_slice %arg6[%add3A_25, %dma_start3A_32] : memref<20000x128xf32, #tpu.memory_space<hbm>> -> memref<624x128xf32, #tpu.memory_space<hbm>>
      %dma_start3A_34 = arith.constant 0 : i32
      %dma_start3A_35 = tpu.memref_slice %arg11[%mul3A_20, %dma_start3A_34] : memref<10000x128xf32, #tpu.memory_space<vmem_shared>> -> memref<624x128xf32, #tpu.memory_space<vmem_shared>>
      tpu.enqueue_dma source(%dma_start3A_35 : memref<624x128xf32, #tpu.memory_space<vmem_shared>>) target(%dma_start3A_33 : memref<624x128xf32, #tpu.memory_space<hbm>>) target_semaphore(%run_scoped3A_31 : memref<!tpu.dma_semaphore, #tpu.memory_space<semaphore_mem>>)
      %dma_wait3A_36 = arith.constant 0 : i32
      %dma_wait3A_37 = tpu.memref_slice %arg6[%add3A_25, %dma_wait3A_36] : memref<20000x128xf32, #tpu.memory_space<hbm>> -> memref<624x128xf32, #tpu.memory_space<hbm>>
      %dma_wait3A_38 = arith.constant 0 : i32
      %dma_wait3A_39 = tpu.memref_slice %arg11[%mul3A_20, %dma_wait3A_38] : memref<10000x128xf32, #tpu.memory_space<vmem_shared>> -> memref<624x128xf32, #tpu.memory_space<vmem_shared>>
      tpu.wait_dma2 semaphore(%run_scoped3A_31 : memref<!tpu.dma_semaphore, #tpu.memory_space<semaphore_mem>>) src(%dma_wait3A_39 : memref<624x128xf32, #tpu.memory_space<vmem_shared>>) dst(%dma_wait3A_37 : memref<624x128xf32, #tpu.memory_space<hbm>>)
      tpu.yield
    }) : () -> ()
    %eq3A_26 = arith.constant 15 : i32
    %eq3A_27 = arith.cmpi eq, %arg1, %eq3A_26 : i32
    %convert_element_type3A_28 = arith.extui %eq3A_27 : i1 to i32
    %cond3A_29 = arith.constant 0 : i32
    %cond3A_30 = arith.cmpi ne, %convert_element_type3A_28, %cond3A_29 : i32
    scf.if %cond3A_30 {
      %mul3A_31 = arith.constant 10000 : i32
      %mul3A_32 = arith.muli %arg0, %mul3A_31 : i32
      %add3A_33 = arith.constant 9984 : i32
      %add3A_34 = arith.addi %mul3A_32, %add3A_33 : i32
      "tpu.region"() ({
        %run_scoped3A_35 = tpu.sem_alloc : memref<!tpu.dma_semaphore, #tpu.memory_space<semaphore_mem>>
        %dma_start3A_36 = arith.constant 0 : i32
        %dma_start3A_37 = tpu.memref_slice %arg6[%add3A_34, %dma_start3A_36] : memref<20000x128xf32, #tpu.memory_space<hbm>> -> memref<16x128xf32, #tpu.memory_space<hbm>>
        %dma_start3A_38 = arith.constant 9984 : i32
        %dma_start3A_39 = arith.constant 0 : i32
        %dma_start3A_40 = tpu.memref_slice %arg11[%dma_start3A_38, %dma_start3A_39] : memref<10000x128xf32, #tpu.memory_space<vmem_shared>> -> memref<16x128xf32, #tpu.memory_space<vmem_shared>>
        tpu.enqueue_dma source(%dma_start3A_40 : memref<16x128xf32, #tpu.memory_space<vmem_shared>>) target(%dma_start3A_37 : memref<16x128xf32, #tpu.memory_space<hbm>>) target_semaphore(%run_scoped3A_35 : memref<!tpu.dma_semaphore, #tpu.memory_space<semaphore_mem>>)
        %dma_wait3A_41 = arith.constant 0 : i32
        %dma_wait3A_42 = tpu.memref_slice %arg6[%add3A_34, %dma_wait3A_41] : memref<20000x128xf32, #tpu.memory_space<hbm>> -> memref<16x128xf32, #tpu.memory_space<hbm>>
        %dma_wait3A_43 = arith.constant 9984 : i32
        %dma_wait3A_44 = arith.constant 0 : i32
        %dma_wait3A_45 = tpu.memref_slice %arg11[%dma_wait3A_43, %dma_wait3A_44] : memref<10000x128xf32, #tpu.memory_space<vmem_shared>> -> memref<16x128xf32, #tpu.memory_space<vmem_shared>>
        tpu.wait_dma2 semaphore(%run_scoped3A_35 : memref<!tpu.dma_semaphore, #tpu.memory_space<semaphore_mem>>) src(%dma_wait3A_45 : memref<16x128xf32, #tpu.memory_space<vmem_shared>>) dst(%dma_wait3A_42 : memref<16x128xf32, #tpu.memory_space<hbm>>)
        tpu.yield
      }) : () -> ()
    } else {
    }
    return
  }
}

#map = affine_map<(d0, d1) -> (0, 0)>
#map1 = affine_map<(d0, d1) -> (0, 0, 0)>
module attributes {stable_mosaic.version = 14 : i64} {
  func.func @edge_scatter_add(%arg0: i32, %arg1: i32, %arg2: memref<10000x128xf32, #tpu.memory_space<hbm>>, %arg3: memref<32x10000xi32, #tpu.memory_space<hbm>>, %arg4: memref<32x125x80xi32, #tpu.memory_space<hbm>>, %arg5: memref<624x128xf32, #tpu.memory_space<hbm>>, %arg6: memref<20000x128xf32, #tpu.memory_space<hbm>>, %arg7: memref<10000xi32, #tpu.memory_space<vmem>>, %arg8: memref<125x80xi32, #tpu.memory_space<vmem>>, %arg9: memref<80x128xf32, #tpu.memory_space<vmem>>, %arg10: memref<80x128xf32, #tpu.memory_space<vmem>>, %arg11: memref<10000x128xf32, #tpu.memory_space<vmem_shared>>, %arg12: memref<!tpu.dma_semaphore, #tpu.memory_space<semaphore_mem>>, %arg13: memref<!tpu.dma_semaphore, #tpu.memory_space<semaphore_mem>>) attributes {dimension_semantics = [#tpu.dimension_semantics<core_parallel>, #tpu.dimension_semantics<subcore_parallel>], iteration_bounds = array<i64: 2, 16>, scalar_prefetch = 0 : i64, scratch_operands = 7 : i64, tpu.core_type = #tpu.core_type<sc_vector_subcore>, window_params = [{transform_indices = #map}, {transform_indices = #map}, {transform_indices = #map1}, {transform_indices = #map}, {transform_indices = #map}]} {
    %mul3A = arith.constant 2 : i32
    %mul3A_0 = arith.muli %arg1, %mul3A : i32
    %add3A = arith.addi %mul3A_0, %arg0 : i32
    "tpu.region"() ({
      %run_scoped3A_31 = tpu.sem_alloc : memref<!tpu.dma_semaphore, #tpu.memory_space<semaphore_mem>>
      %dma_start3A_32 = arith.constant 0 : i32
      %dma_start3A_33 = tpu.memref_slice %arg3[%add3A, %dma_start3A_32] : memref<32x10000xi32, #tpu.memory_space<hbm>> -> memref<1x10000xi32, #tpu.memory_space<hbm>>
      %dma_start3A_34 = tpu.memref_squeeze %dma_start3A_33 : memref<1x10000xi32, #tpu.memory_space<hbm>> -> memref<10000xi32, #tpu.memory_space<hbm>>
      %dma_start3A_35 = arith.constant 0 : i32
      %dma_start3A_36 = tpu.memref_slice %arg3[%add3A, %dma_start3A_35] : memref<32x10000xi32, #tpu.memory_space<hbm>> -> memref<1x10000xi32, #tpu.memory_space<hbm>>
      %dma_start3A_37 = tpu.memref_squeeze %dma_start3A_36 : memref<1x10000xi32, #tpu.memory_space<hbm>> -> memref<10000xi32, #tpu.memory_space<hbm>>
      tpu.enqueue_dma source(%dma_start3A_37 : memref<10000xi32, #tpu.memory_space<hbm>>) target(%arg7 : memref<10000xi32, #tpu.memory_space<vmem>>) target_semaphore(%run_scoped3A_31 : memref<!tpu.dma_semaphore, #tpu.memory_space<semaphore_mem>>)
      %dma_wait3A_38 = arith.constant 0 : i32
      %dma_wait3A_39 = tpu.memref_slice %arg3[%add3A, %dma_wait3A_38] : memref<32x10000xi32, #tpu.memory_space<hbm>> -> memref<1x10000xi32, #tpu.memory_space<hbm>>
      %dma_wait3A_40 = tpu.memref_squeeze %dma_wait3A_39 : memref<1x10000xi32, #tpu.memory_space<hbm>> -> memref<10000xi32, #tpu.memory_space<hbm>>
      %dma_wait3A_41 = arith.constant 0 : i32
      %dma_wait3A_42 = tpu.memref_slice %arg3[%add3A, %dma_wait3A_41] : memref<32x10000xi32, #tpu.memory_space<hbm>> -> memref<1x10000xi32, #tpu.memory_space<hbm>>
      %dma_wait3A_43 = tpu.memref_squeeze %dma_wait3A_42 : memref<1x10000xi32, #tpu.memory_space<hbm>> -> memref<10000xi32, #tpu.memory_space<hbm>>
      tpu.wait_dma2 semaphore(%run_scoped3A_31 : memref<!tpu.dma_semaphore, #tpu.memory_space<semaphore_mem>>) src(%dma_wait3A_43 : memref<10000xi32, #tpu.memory_space<hbm>>) dst(%arg7 : memref<10000xi32, #tpu.memory_space<vmem>>)
      tpu.yield
    }) : () -> ()
    "tpu.region"() ({
      %run_scoped3A_31 = tpu.sem_alloc : memref<!tpu.dma_semaphore, #tpu.memory_space<semaphore_mem>>
      %dma_start3A_32 = arith.constant 0 : i32
      %dma_start3A_33 = arith.constant 0 : i32
      %dma_start3A_34 = tpu.memref_slice %arg4[%add3A, %dma_start3A_32, %dma_start3A_33] : memref<32x125x80xi32, #tpu.memory_space<hbm>> -> memref<1x125x80xi32, #tpu.memory_space<hbm>>
      %dma_start3A_35 = tpu.memref_squeeze %dma_start3A_34 : memref<1x125x80xi32, #tpu.memory_space<hbm>> -> memref<125x80xi32, #tpu.memory_space<hbm>>
      %dma_start3A_36 = arith.constant 0 : i32
      %dma_start3A_37 = arith.constant 0 : i32
      %dma_start3A_38 = tpu.memref_slice %arg4[%add3A, %dma_start3A_36, %dma_start3A_37] : memref<32x125x80xi32, #tpu.memory_space<hbm>> -> memref<1x125x80xi32, #tpu.memory_space<hbm>>
      %dma_start3A_39 = tpu.memref_squeeze %dma_start3A_38 : memref<1x125x80xi32, #tpu.memory_space<hbm>> -> memref<125x80xi32, #tpu.memory_space<hbm>>
      tpu.enqueue_dma source(%dma_start3A_39 : memref<125x80xi32, #tpu.memory_space<hbm>>) target(%arg8 : memref<125x80xi32, #tpu.memory_space<vmem>>) target_semaphore(%run_scoped3A_31 : memref<!tpu.dma_semaphore, #tpu.memory_space<semaphore_mem>>)
      %dma_wait3A_40 = arith.constant 0 : i32
      %dma_wait3A_41 = arith.constant 0 : i32
      %dma_wait3A_42 = tpu.memref_slice %arg4[%add3A, %dma_wait3A_40, %dma_wait3A_41] : memref<32x125x80xi32, #tpu.memory_space<hbm>> -> memref<1x125x80xi32, #tpu.memory_space<hbm>>
      %dma_wait3A_43 = tpu.memref_squeeze %dma_wait3A_42 : memref<1x125x80xi32, #tpu.memory_space<hbm>> -> memref<125x80xi32, #tpu.memory_space<hbm>>
      %dma_wait3A_44 = arith.constant 0 : i32
      %dma_wait3A_45 = arith.constant 0 : i32
      %dma_wait3A_46 = tpu.memref_slice %arg4[%add3A, %dma_wait3A_44, %dma_wait3A_45] : memref<32x125x80xi32, #tpu.memory_space<hbm>> -> memref<1x125x80xi32, #tpu.memory_space<hbm>>
      %dma_wait3A_47 = tpu.memref_squeeze %dma_wait3A_46 : memref<1x125x80xi32, #tpu.memory_space<hbm>> -> memref<125x80xi32, #tpu.memory_space<hbm>>
      tpu.wait_dma2 semaphore(%run_scoped3A_31 : memref<!tpu.dma_semaphore, #tpu.memory_space<semaphore_mem>>) src(%dma_wait3A_47 : memref<125x80xi32, #tpu.memory_space<hbm>>) dst(%arg8 : memref<125x80xi32, #tpu.memory_space<vmem>>)
      tpu.yield
    }) : () -> ()
    %mul3A_1 = arith.constant 624 : i32
    %mul3A_2 = arith.muli %arg1, %mul3A_1 : i32
    "tpu.region"() ({
      %run_scoped3A_31 = tpu.sem_alloc : memref<!tpu.dma_semaphore, #tpu.memory_space<semaphore_mem>>
      %dma_start3A_32 = arith.constant 0 : i32
      %dma_start3A_33 = tpu.memref_slice %arg11[%mul3A_2, %dma_start3A_32] : memref<10000x128xf32, #tpu.memory_space<vmem_shared>> -> memref<624x128xf32, #tpu.memory_space<vmem_shared>>
      tpu.enqueue_dma source(%arg5 : memref<624x128xf32, #tpu.memory_space<hbm>>) target(%dma_start3A_33 : memref<624x128xf32, #tpu.memory_space<vmem_shared>>) target_semaphore(%run_scoped3A_31 : memref<!tpu.dma_semaphore, #tpu.memory_space<semaphore_mem>>)
      %dma_wait3A_34 = arith.constant 0 : i32
      %dma_wait3A_35 = tpu.memref_slice %arg11[%mul3A_2, %dma_wait3A_34] : memref<10000x128xf32, #tpu.memory_space<vmem_shared>> -> memref<624x128xf32, #tpu.memory_space<vmem_shared>>
      tpu.wait_dma2 semaphore(%run_scoped3A_31 : memref<!tpu.dma_semaphore, #tpu.memory_space<semaphore_mem>>) src(%arg5 : memref<624x128xf32, #tpu.memory_space<hbm>>) dst(%dma_wait3A_35 : memref<624x128xf32, #tpu.memory_space<vmem_shared>>)
      tpu.yield
    }) : () -> ()
    %eq3A = arith.constant 15 : i32
    %eq3A_3 = arith.cmpi eq, %arg1, %eq3A : i32
    %convert_element_type3A = arith.extui %eq3A_3 : i1 to i32
    %cond3A = arith.constant 0 : i32
    %cond3A_4 = arith.cmpi ne, %convert_element_type3A, %cond3A : i32
    scf.if %cond3A_4 {
      "tpu.region"() ({
        %run_scoped3A_31 = tpu.sem_alloc : memref<!tpu.dma_semaphore, #tpu.memory_space<semaphore_mem>>
        %dma_start3A_32 = arith.constant 9984 : i32
        %dma_start3A_33 = arith.constant 0 : i32
        %dma_start3A_34 = tpu.memref_slice %arg11[%dma_start3A_32, %dma_start3A_33] : memref<10000x128xf32, #tpu.memory_space<vmem_shared>> -> memref<16x128xf32, #tpu.memory_space<vmem_shared>>
        %dma_start3A_35 = arith.constant 0 : i32
        %dma_start3A_36 = arith.constant 0 : i32
        %dma_start3A_37 = tpu.memref_slice %arg5[%dma_start3A_35, %dma_start3A_36] : memref<624x128xf32, #tpu.memory_space<hbm>> -> memref<16x128xf32, #tpu.memory_space<hbm>>
        tpu.enqueue_dma source(%dma_start3A_37 : memref<16x128xf32, #tpu.memory_space<hbm>>) target(%dma_start3A_34 : memref<16x128xf32, #tpu.memory_space<vmem_shared>>) target_semaphore(%run_scoped3A_31 : memref<!tpu.dma_semaphore, #tpu.memory_space<semaphore_mem>>)
        %dma_wait3A_38 = arith.constant 9984 : i32
        %dma_wait3A_39 = arith.constant 0 : i32
        %dma_wait3A_40 = tpu.memref_slice %arg11[%dma_wait3A_38, %dma_wait3A_39] : memref<10000x128xf32, #tpu.memory_space<vmem_shared>> -> memref<16x128xf32, #tpu.memory_space<vmem_shared>>
        %dma_wait3A_41 = arith.constant 0 : i32
        %dma_wait3A_42 = arith.constant 0 : i32
        %dma_wait3A_43 = tpu.memref_slice %arg5[%dma_wait3A_41, %dma_wait3A_42] : memref<624x128xf32, #tpu.memory_space<hbm>> -> memref<16x128xf32, #tpu.memory_space<hbm>>
        tpu.wait_dma2 semaphore(%run_scoped3A_31 : memref<!tpu.dma_semaphore, #tpu.memory_space<semaphore_mem>>) src(%dma_wait3A_43 : memref<16x128xf32, #tpu.memory_space<hbm>>) dst(%dma_wait3A_40 : memref<16x128xf32, #tpu.memory_space<vmem_shared>>)
        tpu.yield
      }) : () -> ()
    } else {
    }
    %barrier3A = arith.constant 0 : index
    tpu.barrier barrier_id(%barrier3A)
    %dma_start3A = arith.constant 0 : i32
    %dma_start3A_5 = tpu.memref_slice %arg7[%dma_start3A] : memref<10000xi32, #tpu.memory_space<vmem>> -> memref<80xi32, #tpu.memory_space<vmem>>
    %dma_start3A_6 = arith.constant 0 : i32
    %dma_start3A_7 = arith.constant 0 : i32
    %dma_start3A_8 = tpu.memref_slice %arg2[%dma_start3A_6, %dma_start3A_7] : memref<10000x128xf32, #tpu.memory_space<hbm>> -> memref<10000x128xf32, #tpu.memory_space<hbm>>
    tpu.enqueue_indirect_dma source(%dma_start3A_8 : memref<10000x128xf32, #tpu.memory_space<hbm>>) target(%arg9 : memref<80x128xf32, #tpu.memory_space<vmem>>) offsets(%dma_start3A_5 : memref<80xi32, #tpu.memory_space<vmem>>) semaphore(%arg12 : memref<!tpu.dma_semaphore, #tpu.memory_space<semaphore_mem>>)
    %scan3A = arith.constant 0 : i32
    %scan3A_9 = arith.constant 0 : i32
    %scan3A_10 = arith.constant 62 : i32
    %scan3A_11 = arith.addi %scan3A_9, %scan3A_10 : i32
    %scan3A_12 = arith.constant 1 : i32
    scf.for %scan3A_31 = %scan3A_9 to %scan3A_11 step %scan3A_12  : i32 {
      %mul3A_32 = arith.constant 2 : i32
      %mul3A_33 = arith.muli %mul3A_32, %scan3A_31 : i32
      %add3A_34 = arith.constant 0 : i32
      %add3A_35 = arith.addi %mul3A_33, %add3A_34 : i32
      %add3A_36 = arith.constant 1 : i32
      %add3A_37 = arith.addi %add3A_35, %add3A_36 : i32
      %mul3A_38 = arith.constant 80 : i32
      %mul3A_39 = arith.muli %add3A_37, %mul3A_38 : i32
      %dma_start3A_40 = tpu.memref_slice %arg7[%mul3A_39] : memref<10000xi32, #tpu.memory_space<vmem>> -> memref<80xi32, #tpu.memory_space<vmem>>
      %dma_start3A_41 = arith.constant 0 : i32
      %dma_start3A_42 = arith.constant 0 : i32
      %dma_start3A_43 = tpu.memref_slice %arg2[%dma_start3A_41, %dma_start3A_42] : memref<10000x128xf32, #tpu.memory_space<hbm>> -> memref<10000x128xf32, #tpu.memory_space<hbm>>
      tpu.enqueue_indirect_dma source(%dma_start3A_43 : memref<10000x128xf32, #tpu.memory_space<hbm>>) target(%arg10 : memref<80x128xf32, #tpu.memory_space<vmem>>) offsets(%dma_start3A_40 : memref<80xi32, #tpu.memory_space<vmem>>) semaphore(%arg13 : memref<!tpu.dma_semaphore, #tpu.memory_space<semaphore_mem>>)
      %mul3A_44 = arith.constant 80 : i32
      %mul3A_45 = arith.muli %add3A_35, %mul3A_44 : i32
      %dma_wait3A_46 = tpu.memref_slice %arg7[%mul3A_45] : memref<10000xi32, #tpu.memory_space<vmem>> -> memref<80xi32, #tpu.memory_space<vmem>>
      %dma_wait3A_47 = arith.constant 0 : i32
      %dma_wait3A_48 = arith.constant 0 : i32
      %dma_wait3A_49 = tpu.memref_slice %arg2[%dma_wait3A_47, %dma_wait3A_48] : memref<10000x128xf32, #tpu.memory_space<hbm>> -> memref<10000x128xf32, #tpu.memory_space<hbm>>
      tpu.wait_indirect_dma semaphore(%arg12 : memref<!tpu.dma_semaphore, #tpu.memory_space<semaphore_mem>>) src(%dma_wait3A_49 : memref<10000x128xf32, #tpu.memory_space<hbm>>) dst(%arg9 : memref<80x128xf32, #tpu.memory_space<vmem>>)
      "tpu.region"() ({
        %run_scoped3A_68 = tpu.sem_alloc : memref<!tpu.dma_semaphore, #tpu.memory_space<semaphore_mem>>
        %dma_start3A_69 = arith.constant 0 : i32
        %dma_start3A_70 = tpu.memref_slice %arg8[%add3A_35, %dma_start3A_69] : memref<125x80xi32, #tpu.memory_space<vmem>> -> memref<1x80xi32, #tpu.memory_space<vmem>>
        %dma_start3A_71 = tpu.memref_squeeze %dma_start3A_70 : memref<1x80xi32, #tpu.memory_space<vmem>> -> memref<80xi32, #tpu.memory_space<vmem>>
        %dma_start3A_72 = arith.constant 0 : i32
        %dma_start3A_73 = arith.constant 0 : i32
        %dma_start3A_74 = tpu.memref_slice %arg11[%dma_start3A_72, %dma_start3A_73] : memref<10000x128xf32, #tpu.memory_space<vmem_shared>> -> memref<10000x128xf32, #tpu.memory_space<vmem_shared>>
        tpu.enqueue_indirect_dma source(%arg9 : memref<80x128xf32, #tpu.memory_space<vmem>>) target(%dma_start3A_74 : memref<10000x128xf32, #tpu.memory_space<vmem_shared>>) offsets(%dma_start3A_71 : memref<80xi32, #tpu.memory_space<vmem>>) semaphore(%run_scoped3A_68 : memref<!tpu.dma_semaphore, #tpu.memory_space<semaphore_mem>>) {add = true}
        %dma_wait3A_75 = arith.constant 0 : i32
        %dma_wait3A_76 = tpu.memref_slice %arg8[%add3A_35, %dma_wait3A_75] : memref<125x80xi32, #tpu.memory_space<vmem>> -> memref<1x80xi32, #tpu.memory_space<vmem>>
        %dma_wait3A_77 = tpu.memref_squeeze %dma_wait3A_76 : memref<1x80xi32, #tpu.memory_space<vmem>> -> memref<80xi32, #tpu.memory_space<vmem>>
        %dma_wait3A_78 = arith.constant 0 : i32
        %dma_wait3A_79 = arith.constant 0 : i32
        %dma_wait3A_80 = tpu.memref_slice %arg11[%dma_wait3A_78, %dma_wait3A_79] : memref<10000x128xf32, #tpu.memory_space<vmem_shared>> -> memref<10000x128xf32, #tpu.memory_space<vmem_shared>>
        tpu.wait_indirect_dma semaphore(%run_scoped3A_68 : memref<!tpu.dma_semaphore, #tpu.memory_space<semaphore_mem>>) src(%arg9 : memref<80x128xf32, #tpu.memory_space<vmem>>) dst(%dma_wait3A_80 : memref<10000x128xf32, #tpu.memory_space<vmem_shared>>)
        tpu.yield
      }) : () -> ()
      %mul3A_50 = arith.constant 2 : i32
      %mul3A_51 = arith.muli %mul3A_50, %scan3A_31 : i32
      %add3A_52 = arith.constant 1 : i32
      %add3A_53 = arith.addi %mul3A_51, %add3A_52 : i32
      %add3A_54 = arith.constant 1 : i32
      %add3A_55 = arith.addi %add3A_53, %add3A_54 : i32
      %mul3A_56 = arith.constant 80 : i32
      %mul3A_57 = arith.muli %add3A_55, %mul3A_56 : i32
      %dma_start3A_58 = tpu.memref_slice %arg7[%mul3A_57] : memref<10000xi32, #tpu.memory_space<vmem>> -> memref<80xi32, #tpu.memory_space<vmem>>
      %dma_start3A_59 = arith.constant 0 : i32
      %dma_start3A_60 = arith.constant 0 : i32
      %dma_start3A_61 = tpu.memref_slice %arg2[%dma_start3A_59, %dma_start3A_60] : memref<10000x128xf32, #tpu.memory_space<hbm>> -> memref<10000x128xf32, #tpu.memory_space<hbm>>
      tpu.enqueue_indirect_dma source(%dma_start3A_61 : memref<10000x128xf32, #tpu.memory_space<hbm>>) target(%arg9 : memref<80x128xf32, #tpu.memory_space<vmem>>) offsets(%dma_start3A_58 : memref<80xi32, #tpu.memory_space<vmem>>) semaphore(%arg12 : memref<!tpu.dma_semaphore, #tpu.memory_space<semaphore_mem>>)
      %mul3A_62 = arith.constant 80 : i32
      %mul3A_63 = arith.muli %add3A_53, %mul3A_62 : i32
      %dma_wait3A_64 = tpu.memref_slice %arg7[%mul3A_63] : memref<10000xi32, #tpu.memory_space<vmem>> -> memref<80xi32, #tpu.memory_space<vmem>>
      %dma_wait3A_65 = arith.constant 0 : i32
      %dma_wait3A_66 = arith.constant 0 : i32
      %dma_wait3A_67 = tpu.memref_slice %arg2[%dma_wait3A_65, %dma_wait3A_66] : memref<10000x128xf32, #tpu.memory_space<hbm>> -> memref<10000x128xf32, #tpu.memory_space<hbm>>
      tpu.wait_indirect_dma semaphore(%arg13 : memref<!tpu.dma_semaphore, #tpu.memory_space<semaphore_mem>>) src(%dma_wait3A_67 : memref<10000x128xf32, #tpu.memory_space<hbm>>) dst(%arg10 : memref<80x128xf32, #tpu.memory_space<vmem>>)
      "tpu.region"() ({
        %run_scoped3A_68 = tpu.sem_alloc : memref<!tpu.dma_semaphore, #tpu.memory_space<semaphore_mem>>
        %dma_start3A_69 = arith.constant 0 : i32
        %dma_start3A_70 = tpu.memref_slice %arg8[%add3A_53, %dma_start3A_69] : memref<125x80xi32, #tpu.memory_space<vmem>> -> memref<1x80xi32, #tpu.memory_space<vmem>>
        %dma_start3A_71 = tpu.memref_squeeze %dma_start3A_70 : memref<1x80xi32, #tpu.memory_space<vmem>> -> memref<80xi32, #tpu.memory_space<vmem>>
        %dma_start3A_72 = arith.constant 0 : i32
        %dma_start3A_73 = arith.constant 0 : i32
        %dma_start3A_74 = tpu.memref_slice %arg11[%dma_start3A_72, %dma_start3A_73] : memref<10000x128xf32, #tpu.memory_space<vmem_shared>> -> memref<10000x128xf32, #tpu.memory_space<vmem_shared>>
        tpu.enqueue_indirect_dma source(%arg10 : memref<80x128xf32, #tpu.memory_space<vmem>>) target(%dma_start3A_74 : memref<10000x128xf32, #tpu.memory_space<vmem_shared>>) offsets(%dma_start3A_71 : memref<80xi32, #tpu.memory_space<vmem>>) semaphore(%run_scoped3A_68 : memref<!tpu.dma_semaphore, #tpu.memory_space<semaphore_mem>>) {add = true}
        %dma_wait3A_75 = arith.constant 0 : i32
        %dma_wait3A_76 = tpu.memref_slice %arg8[%add3A_53, %dma_wait3A_75] : memref<125x80xi32, #tpu.memory_space<vmem>> -> memref<1x80xi32, #tpu.memory_space<vmem>>
        %dma_wait3A_77 = tpu.memref_squeeze %dma_wait3A_76 : memref<1x80xi32, #tpu.memory_space<vmem>> -> memref<80xi32, #tpu.memory_space<vmem>>
        %dma_wait3A_78 = arith.constant 0 : i32
        %dma_wait3A_79 = arith.constant 0 : i32
        %dma_wait3A_80 = tpu.memref_slice %arg11[%dma_wait3A_78, %dma_wait3A_79] : memref<10000x128xf32, #tpu.memory_space<vmem_shared>> -> memref<10000x128xf32, #tpu.memory_space<vmem_shared>>
        tpu.wait_indirect_dma semaphore(%run_scoped3A_68 : memref<!tpu.dma_semaphore, #tpu.memory_space<semaphore_mem>>) src(%arg10 : memref<80x128xf32, #tpu.memory_space<vmem>>) dst(%dma_wait3A_80 : memref<10000x128xf32, #tpu.memory_space<vmem_shared>>)
        tpu.yield
      }) : () -> ()
    }
    %scan3A_13 = arith.constant 62 : i32
    %dma_wait3A = arith.constant 9920 : i32
    %dma_wait3A_14 = tpu.memref_slice %arg7[%dma_wait3A] : memref<10000xi32, #tpu.memory_space<vmem>> -> memref<80xi32, #tpu.memory_space<vmem>>
    %dma_wait3A_15 = arith.constant 0 : i32
    %dma_wait3A_16 = arith.constant 0 : i32
    %dma_wait3A_17 = tpu.memref_slice %arg2[%dma_wait3A_15, %dma_wait3A_16] : memref<10000x128xf32, #tpu.memory_space<hbm>> -> memref<10000x128xf32, #tpu.memory_space<hbm>>
    tpu.wait_indirect_dma semaphore(%arg12 : memref<!tpu.dma_semaphore, #tpu.memory_space<semaphore_mem>>) src(%dma_wait3A_17 : memref<10000x128xf32, #tpu.memory_space<hbm>>) dst(%arg9 : memref<80x128xf32, #tpu.memory_space<vmem>>)
    %run_scoped3A = arith.constant 124 : i32
    "tpu.region"() ({
      %run_scoped3A_31 = tpu.sem_alloc : memref<!tpu.dma_semaphore, #tpu.memory_space<semaphore_mem>>
      %dma_start3A_32 = arith.constant 0 : i32
      %dma_start3A_33 = tpu.memref_slice %arg8[%run_scoped3A, %dma_start3A_32] : memref<125x80xi32, #tpu.memory_space<vmem>> -> memref<1x80xi32, #tpu.memory_space<vmem>>
      %dma_start3A_34 = tpu.memref_squeeze %dma_start3A_33 : memref<1x80xi32, #tpu.memory_space<vmem>> -> memref<80xi32, #tpu.memory_space<vmem>>
      %dma_start3A_35 = arith.constant 0 : i32
      %dma_start3A_36 = arith.constant 0 : i32
      %dma_start3A_37 = tpu.memref_slice %arg11[%dma_start3A_35, %dma_start3A_36] : memref<10000x128xf32, #tpu.memory_space<vmem_shared>> -> memref<10000x128xf32, #tpu.memory_space<vmem_shared>>
      tpu.enqueue_indirect_dma source(%arg9 : memref<80x128xf32, #tpu.memory_space<vmem>>) target(%dma_start3A_37 : memref<10000x128xf32, #tpu.memory_space<vmem_shared>>) offsets(%dma_start3A_34 : memref<80xi32, #tpu.memory_space<vmem>>) semaphore(%run_scoped3A_31 : memref<!tpu.dma_semaphore, #tpu.memory_space<semaphore_mem>>) {add = true}
      %dma_wait3A_38 = arith.constant 0 : i32
      %dma_wait3A_39 = tpu.memref_slice %arg8[%run_scoped3A, %dma_wait3A_38] : memref<125x80xi32, #tpu.memory_space<vmem>> -> memref<1x80xi32, #tpu.memory_space<vmem>>
      %dma_wait3A_40 = tpu.memref_squeeze %dma_wait3A_39 : memref<1x80xi32, #tpu.memory_space<vmem>> -> memref<80xi32, #tpu.memory_space<vmem>>
      %dma_wait3A_41 = arith.constant 0 : i32
      %dma_wait3A_42 = arith.constant 0 : i32
      %dma_wait3A_43 = tpu.memref_slice %arg11[%dma_wait3A_41, %dma_wait3A_42] : memref<10000x128xf32, #tpu.memory_space<vmem_shared>> -> memref<10000x128xf32, #tpu.memory_space<vmem_shared>>
      tpu.wait_indirect_dma semaphore(%run_scoped3A_31 : memref<!tpu.dma_semaphore, #tpu.memory_space<semaphore_mem>>) src(%arg9 : memref<80x128xf32, #tpu.memory_space<vmem>>) dst(%dma_wait3A_43 : memref<10000x128xf32, #tpu.memory_space<vmem_shared>>)
      tpu.yield
    }) : () -> ()
    %barrier3A_18 = arith.constant 0 : index
    tpu.barrier barrier_id(%barrier3A_18)
    %mul3A_19 = arith.constant 624 : i32
    %mul3A_20 = arith.muli %arg1, %mul3A_19 : i32
    %mul3A_21 = arith.constant 10000 : i32
    %mul3A_22 = arith.muli %arg0, %mul3A_21 : i32
    %mul3A_23 = arith.constant 624 : i32
    %mul3A_24 = arith.muli %arg1, %mul3A_23 : i32
    %add3A_25 = arith.addi %mul3A_22, %mul3A_24 : i32
    "tpu.region"() ({
      %run_scoped3A_31 = tpu.sem_alloc : memref<!tpu.dma_semaphore, #tpu.memory_space<semaphore_mem>>
      %dma_start3A_32 = arith.constant 0 : i32
      %dma_start3A_33 = tpu.memref_slice %arg6[%add3A_25, %dma_start3A_32] : memref<20000x128xf32, #tpu.memory_space<hbm>> -> memref<624x128xf32, #tpu.memory_space<hbm>>
      %dma_start3A_34 = arith.constant 0 : i32
      %dma_start3A_35 = tpu.memref_slice %arg11[%mul3A_20, %dma_start3A_34] : memref<10000x128xf32, #tpu.memory_space<vmem_shared>> -> memref<624x128xf32, #tpu.memory_space<vmem_shared>>
      tpu.enqueue_dma source(%dma_start3A_35 : memref<624x128xf32, #tpu.memory_space<vmem_shared>>) target(%dma_start3A_33 : memref<624x128xf32, #tpu.memory_space<hbm>>) target_semaphore(%run_scoped3A_31 : memref<!tpu.dma_semaphore, #tpu.memory_space<semaphore_mem>>)
      %dma_wait3A_36 = arith.constant 0 : i32
      %dma_wait3A_37 = tpu.memref_slice %arg6[%add3A_25, %dma_wait3A_36] : memref<20000x128xf32, #tpu.memory_space<hbm>> -> memref<624x128xf32, #tpu.memory_space<hbm>>
      %dma_wait3A_38 = arith.constant 0 : i32
      %dma_wait3A_39 = tpu.memref_slice %arg11[%mul3A_20, %dma_wait3A_38] : memref<10000x128xf32, #tpu.memory_space<vmem_shared>> -> memref<624x128xf32, #tpu.memory_space<vmem_shared>>
      tpu.wait_dma2 semaphore(%run_scoped3A_31 : memref<!tpu.dma_semaphore, #tpu.memory_space<semaphore_mem>>) src(%dma_wait3A_39 : memref<624x128xf32, #tpu.memory_space<vmem_shared>>) dst(%dma_wait3A_37 : memref<624x128xf32, #tpu.memory_space<hbm>>)
      tpu.yield
    }) : () -> ()
    %eq3A_26 = arith.constant 15 : i32
    %eq3A_27 = arith.cmpi eq, %arg1, %eq3A_26 : i32
    %convert_element_type3A_28 = arith.extui %eq3A_27 : i1 to i32
    %cond3A_29 = arith.constant 0 : i32
    %cond3A_30 = arith.cmpi ne, %convert_element_type3A_28, %cond3A_29 : i32
    scf.if %cond3A_30 {
      %mul3A_31 = arith.constant 10000 : i32
      %mul3A_32 = arith.muli %arg0, %mul3A_31 : i32
      %add3A_33 = arith.constant 9984 : i32
      %add3A_34 = arith.addi %mul3A_32, %add3A_33 : i32
      "tpu.region"() ({
        %run_scoped3A_35 = tpu.sem_alloc : memref<!tpu.dma_semaphore, #tpu.memory_space<semaphore_mem>>
        %dma_start3A_36 = arith.constant 0 : i32
        %dma_start3A_37 = tpu.memref_slice %arg6[%add3A_34, %dma_start3A_36] : memref<20000x128xf32, #tpu.memory_space<hbm>> -> memref<16x128xf32, #tpu.memory_space<hbm>>
        %dma_start3A_38 = arith.constant 9984 : i32
        %dma_start3A_39 = arith.constant 0 : i32
        %dma_start3A_40 = tpu.memref_slice %arg11[%dma_start3A_38, %dma_start3A_39] : memref<10000x128xf32, #tpu.memory_space<vmem_shared>> -> memref<16x128xf32, #tpu.memory_space<vmem_shared>>
        tpu.enqueue_dma source(%dma_start3A_40 : memref<16x128xf32, #tpu.memory_space<vmem_shared>>) target(%dma_start3A_37 : memref<16x128xf32, #tpu.memory_space<hbm>>) target_semaphore(%run_scoped3A_35 : memref<!tpu.dma_semaphore, #tpu.memory_space<semaphore_mem>>)
        %dma_wait3A_41 = arith.constant 0 : i32
        %dma_wait3A_42 = tpu.memref_slice %arg6[%add3A_34, %dma_wait3A_41] : memref<20000x128xf32, #tpu.memory_space<hbm>> -> memref<16x128xf32, #tpu.memory_space<hbm>>
        %dma_wait3A_43 = arith.constant 9984 : i32
        %dma_wait3A_44 = arith.constant 0 : i32
        %dma_wait3A_45 = tpu.memref_slice %arg11[%dma_wait3A_43, %dma_wait3A_44] : memref<10000x128xf32, #tpu.memory_space<vmem_shared>> -> memref<16x128xf32, #tpu.memory_space<vmem_shared>>
        tpu.wait_dma2 semaphore(%run_scoped3A_35 : memref<!tpu.dma_semaphore, #tpu.memory_space<semaphore_mem>>) src(%dma_wait3A_45 : memref<16x128xf32, #tpu.memory_space<vmem_shared>>) dst(%dma_wait3A_42 : memref<16x128xf32, #tpu.memory_space<hbm>>)
        tpu.yield
      }) : () -> ()
    } else {
    }
    return
  }
}

#map = affine_map<(d0, d1) -> (0, 0)>
#map1 = affine_map<(d0, d1) -> (0, 0, 0)>
module attributes {stable_mosaic.version = 14 : i64} {
  func.func @edge_scatter_add(%arg0: i32, %arg1: i32, %arg2: memref<10000x128xf32, #tpu.memory_space<hbm>>, %arg3: memref<32x10000xi32, #tpu.memory_space<hbm>>, %arg4: memref<32x125x80xi32, #tpu.memory_space<hbm>>, %arg5: memref<624x128xf32, #tpu.memory_space<hbm>>, %arg6: memref<20000x128xf32, #tpu.memory_space<hbm>>, %arg7: memref<10000xi32, #tpu.memory_space<vmem>>, %arg8: memref<125x80xi32, #tpu.memory_space<vmem>>, %arg9: memref<80x128xf32, #tpu.memory_space<vmem>>, %arg10: memref<80x128xf32, #tpu.memory_space<vmem>>, %arg11: memref<10000x128xf32, #tpu.memory_space<vmem_shared>>, %arg12: memref<!tpu.dma_semaphore, #tpu.memory_space<semaphore_mem>>, %arg13: memref<!tpu.dma_semaphore, #tpu.memory_space<semaphore_mem>>) attributes {dimension_semantics = [#tpu.dimension_semantics<core_parallel>, #tpu.dimension_semantics<subcore_parallel>], iteration_bounds = array<i64: 2, 16>, scalar_prefetch = 0 : i64, scratch_operands = 7 : i64, tpu.core_type = #tpu.core_type<sc_vector_subcore>, window_params = [{transform_indices = #map}, {transform_indices = #map}, {transform_indices = #map1}, {transform_indices = #map}, {transform_indices = #map}]} {
    %mul3A = arith.constant 2 : i32
    %mul3A_0 = arith.muli %arg1, %mul3A : i32
    %add3A = arith.addi %mul3A_0, %arg0 : i32
    "tpu.region"() ({
      %run_scoped3A_31 = tpu.sem_alloc : memref<!tpu.dma_semaphore, #tpu.memory_space<semaphore_mem>>
      %dma_start3A_32 = arith.constant 0 : i32
      %dma_start3A_33 = tpu.memref_slice %arg3[%add3A, %dma_start3A_32] : memref<32x10000xi32, #tpu.memory_space<hbm>> -> memref<1x10000xi32, #tpu.memory_space<hbm>>
      %dma_start3A_34 = tpu.memref_squeeze %dma_start3A_33 : memref<1x10000xi32, #tpu.memory_space<hbm>> -> memref<10000xi32, #tpu.memory_space<hbm>>
      %dma_start3A_35 = arith.constant 0 : i32
      %dma_start3A_36 = tpu.memref_slice %arg3[%add3A, %dma_start3A_35] : memref<32x10000xi32, #tpu.memory_space<hbm>> -> memref<1x10000xi32, #tpu.memory_space<hbm>>
      %dma_start3A_37 = tpu.memref_squeeze %dma_start3A_36 : memref<1x10000xi32, #tpu.memory_space<hbm>> -> memref<10000xi32, #tpu.memory_space<hbm>>
      tpu.enqueue_dma source(%dma_start3A_37 : memref<10000xi32, #tpu.memory_space<hbm>>) target(%arg7 : memref<10000xi32, #tpu.memory_space<vmem>>) target_semaphore(%run_scoped3A_31 : memref<!tpu.dma_semaphore, #tpu.memory_space<semaphore_mem>>)
      %dma_wait3A_38 = arith.constant 0 : i32
      %dma_wait3A_39 = tpu.memref_slice %arg3[%add3A, %dma_wait3A_38] : memref<32x10000xi32, #tpu.memory_space<hbm>> -> memref<1x10000xi32, #tpu.memory_space<hbm>>
      %dma_wait3A_40 = tpu.memref_squeeze %dma_wait3A_39 : memref<1x10000xi32, #tpu.memory_space<hbm>> -> memref<10000xi32, #tpu.memory_space<hbm>>
      %dma_wait3A_41 = arith.constant 0 : i32
      %dma_wait3A_42 = tpu.memref_slice %arg3[%add3A, %dma_wait3A_41] : memref<32x10000xi32, #tpu.memory_space<hbm>> -> memref<1x10000xi32, #tpu.memory_space<hbm>>
      %dma_wait3A_43 = tpu.memref_squeeze %dma_wait3A_42 : memref<1x10000xi32, #tpu.memory_space<hbm>> -> memref<10000xi32, #tpu.memory_space<hbm>>
      tpu.wait_dma2 semaphore(%run_scoped3A_31 : memref<!tpu.dma_semaphore, #tpu.memory_space<semaphore_mem>>) src(%dma_wait3A_43 : memref<10000xi32, #tpu.memory_space<hbm>>) dst(%arg7 : memref<10000xi32, #tpu.memory_space<vmem>>)
      tpu.yield
    }) : () -> ()
    "tpu.region"() ({
      %run_scoped3A_31 = tpu.sem_alloc : memref<!tpu.dma_semaphore, #tpu.memory_space<semaphore_mem>>
      %dma_start3A_32 = arith.constant 0 : i32
      %dma_start3A_33 = arith.constant 0 : i32
      %dma_start3A_34 = tpu.memref_slice %arg4[%add3A, %dma_start3A_32, %dma_start3A_33] : memref<32x125x80xi32, #tpu.memory_space<hbm>> -> memref<1x125x80xi32, #tpu.memory_space<hbm>>
      %dma_start3A_35 = tpu.memref_squeeze %dma_start3A_34 : memref<1x125x80xi32, #tpu.memory_space<hbm>> -> memref<125x80xi32, #tpu.memory_space<hbm>>
      %dma_start3A_36 = arith.constant 0 : i32
      %dma_start3A_37 = arith.constant 0 : i32
      %dma_start3A_38 = tpu.memref_slice %arg4[%add3A, %dma_start3A_36, %dma_start3A_37] : memref<32x125x80xi32, #tpu.memory_space<hbm>> -> memref<1x125x80xi32, #tpu.memory_space<hbm>>
      %dma_start3A_39 = tpu.memref_squeeze %dma_start3A_38 : memref<1x125x80xi32, #tpu.memory_space<hbm>> -> memref<125x80xi32, #tpu.memory_space<hbm>>
      tpu.enqueue_dma source(%dma_start3A_39 : memref<125x80xi32, #tpu.memory_space<hbm>>) target(%arg8 : memref<125x80xi32, #tpu.memory_space<vmem>>) target_semaphore(%run_scoped3A_31 : memref<!tpu.dma_semaphore, #tpu.memory_space<semaphore_mem>>)
      %dma_wait3A_40 = arith.constant 0 : i32
      %dma_wait3A_41 = arith.constant 0 : i32
      %dma_wait3A_42 = tpu.memref_slice %arg4[%add3A, %dma_wait3A_40, %dma_wait3A_41] : memref<32x125x80xi32, #tpu.memory_space<hbm>> -> memref<1x125x80xi32, #tpu.memory_space<hbm>>
      %dma_wait3A_43 = tpu.memref_squeeze %dma_wait3A_42 : memref<1x125x80xi32, #tpu.memory_space<hbm>> -> memref<125x80xi32, #tpu.memory_space<hbm>>
      %dma_wait3A_44 = arith.constant 0 : i32
      %dma_wait3A_45 = arith.constant 0 : i32
      %dma_wait3A_46 = tpu.memref_slice %arg4[%add3A, %dma_wait3A_44, %dma_wait3A_45] : memref<32x125x80xi32, #tpu.memory_space<hbm>> -> memref<1x125x80xi32, #tpu.memory_space<hbm>>
      %dma_wait3A_47 = tpu.memref_squeeze %dma_wait3A_46 : memref<1x125x80xi32, #tpu.memory_space<hbm>> -> memref<125x80xi32, #tpu.memory_space<hbm>>
      tpu.wait_dma2 semaphore(%run_scoped3A_31 : memref<!tpu.dma_semaphore, #tpu.memory_space<semaphore_mem>>) src(%dma_wait3A_47 : memref<125x80xi32, #tpu.memory_space<hbm>>) dst(%arg8 : memref<125x80xi32, #tpu.memory_space<vmem>>)
      tpu.yield
    }) : () -> ()
    %mul3A_1 = arith.constant 624 : i32
    %mul3A_2 = arith.muli %arg1, %mul3A_1 : i32
    "tpu.region"() ({
      %run_scoped3A_31 = tpu.sem_alloc : memref<!tpu.dma_semaphore, #tpu.memory_space<semaphore_mem>>
      %dma_start3A_32 = arith.constant 0 : i32
      %dma_start3A_33 = tpu.memref_slice %arg11[%mul3A_2, %dma_start3A_32] : memref<10000x128xf32, #tpu.memory_space<vmem_shared>> -> memref<624x128xf32, #tpu.memory_space<vmem_shared>>
      tpu.enqueue_dma source(%arg5 : memref<624x128xf32, #tpu.memory_space<hbm>>) target(%dma_start3A_33 : memref<624x128xf32, #tpu.memory_space<vmem_shared>>) target_semaphore(%run_scoped3A_31 : memref<!tpu.dma_semaphore, #tpu.memory_space<semaphore_mem>>)
      %dma_wait3A_34 = arith.constant 0 : i32
      %dma_wait3A_35 = tpu.memref_slice %arg11[%mul3A_2, %dma_wait3A_34] : memref<10000x128xf32, #tpu.memory_space<vmem_shared>> -> memref<624x128xf32, #tpu.memory_space<vmem_shared>>
      tpu.wait_dma2 semaphore(%run_scoped3A_31 : memref<!tpu.dma_semaphore, #tpu.memory_space<semaphore_mem>>) src(%arg5 : memref<624x128xf32, #tpu.memory_space<hbm>>) dst(%dma_wait3A_35 : memref<624x128xf32, #tpu.memory_space<vmem_shared>>)
      tpu.yield
    }) : () -> ()
    %eq3A = arith.constant 15 : i32
    %eq3A_3 = arith.cmpi eq, %arg1, %eq3A : i32
    %convert_element_type3A = arith.extui %eq3A_3 : i1 to i32
    %cond3A = arith.constant 0 : i32
    %cond3A_4 = arith.cmpi ne, %convert_element_type3A, %cond3A : i32
    scf.if %cond3A_4 {
      "tpu.region"() ({
        %run_scoped3A_31 = tpu.sem_alloc : memref<!tpu.dma_semaphore, #tpu.memory_space<semaphore_mem>>
        %dma_start3A_32 = arith.constant 9984 : i32
        %dma_start3A_33 = arith.constant 0 : i32
        %dma_start3A_34 = tpu.memref_slice %arg11[%dma_start3A_32, %dma_start3A_33] : memref<10000x128xf32, #tpu.memory_space<vmem_shared>> -> memref<16x128xf32, #tpu.memory_space<vmem_shared>>
        %dma_start3A_35 = arith.constant 0 : i32
        %dma_start3A_36 = arith.constant 0 : i32
        %dma_start3A_37 = tpu.memref_slice %arg5[%dma_start3A_35, %dma_start3A_36] : memref<624x128xf32, #tpu.memory_space<hbm>> -> memref<16x128xf32, #tpu.memory_space<hbm>>
        tpu.enqueue_dma source(%dma_start3A_37 : memref<16x128xf32, #tpu.memory_space<hbm>>) target(%dma_start3A_34 : memref<16x128xf32, #tpu.memory_space<vmem_shared>>) target_semaphore(%run_scoped3A_31 : memref<!tpu.dma_semaphore, #tpu.memory_space<semaphore_mem>>)
        %dma_wait3A_38 = arith.constant 9984 : i32
        %dma_wait3A_39 = arith.constant 0 : i32
        %dma_wait3A_40 = tpu.memref_slice %arg11[%dma_wait3A_38, %dma_wait3A_39] : memref<10000x128xf32, #tpu.memory_space<vmem_shared>> -> memref<16x128xf32, #tpu.memory_space<vmem_shared>>
        %dma_wait3A_41 = arith.constant 0 : i32
        %dma_wait3A_42 = arith.constant 0 : i32
        %dma_wait3A_43 = tpu.memref_slice %arg5[%dma_wait3A_41, %dma_wait3A_42] : memref<624x128xf32, #tpu.memory_space<hbm>> -> memref<16x128xf32, #tpu.memory_space<hbm>>
        tpu.wait_dma2 semaphore(%run_scoped3A_31 : memref<!tpu.dma_semaphore, #tpu.memory_space<semaphore_mem>>) src(%dma_wait3A_43 : memref<16x128xf32, #tpu.memory_space<hbm>>) dst(%dma_wait3A_40 : memref<16x128xf32, #tpu.memory_space<vmem_shared>>)
        tpu.yield
      }) : () -> ()
    } else {
    }
    %barrier3A = arith.constant 0 : index
    tpu.barrier barrier_id(%barrier3A)
    %dma_start3A = arith.constant 0 : i32
    %dma_start3A_5 = tpu.memref_slice %arg7[%dma_start3A] : memref<10000xi32, #tpu.memory_space<vmem>> -> memref<80xi32, #tpu.memory_space<vmem>>
    %dma_start3A_6 = arith.constant 0 : i32
    %dma_start3A_7 = arith.constant 0 : i32
    %dma_start3A_8 = tpu.memref_slice %arg2[%dma_start3A_6, %dma_start3A_7] : memref<10000x128xf32, #tpu.memory_space<hbm>> -> memref<10000x128xf32, #tpu.memory_space<hbm>>
    tpu.enqueue_indirect_dma source(%dma_start3A_8 : memref<10000x128xf32, #tpu.memory_space<hbm>>) target(%arg9 : memref<80x128xf32, #tpu.memory_space<vmem>>) offsets(%dma_start3A_5 : memref<80xi32, #tpu.memory_space<vmem>>) semaphore(%arg12 : memref<!tpu.dma_semaphore, #tpu.memory_space<semaphore_mem>>)
    %scan3A = arith.constant 0 : i32
    %scan3A_9 = arith.constant 0 : i32
    %scan3A_10 = arith.constant 62 : i32
    %scan3A_11 = arith.addi %scan3A_9, %scan3A_10 : i32
    %scan3A_12 = arith.constant 1 : i32
    scf.for %scan3A_31 = %scan3A_9 to %scan3A_11 step %scan3A_12  : i32 {
      %mul3A_32 = arith.constant 2 : i32
      %mul3A_33 = arith.muli %mul3A_32, %scan3A_31 : i32
      %add3A_34 = arith.constant 0 : i32
      %add3A_35 = arith.addi %mul3A_33, %add3A_34 : i32
      %add3A_36 = arith.constant 1 : i32
      %add3A_37 = arith.addi %add3A_35, %add3A_36 : i32
      %mul3A_38 = arith.constant 80 : i32
      %mul3A_39 = arith.muli %add3A_37, %mul3A_38 : i32
      %dma_start3A_40 = tpu.memref_slice %arg7[%mul3A_39] : memref<10000xi32, #tpu.memory_space<vmem>> -> memref<80xi32, #tpu.memory_space<vmem>>
      %dma_start3A_41 = arith.constant 0 : i32
      %dma_start3A_42 = arith.constant 0 : i32
      %dma_start3A_43 = tpu.memref_slice %arg2[%dma_start3A_41, %dma_start3A_42] : memref<10000x128xf32, #tpu.memory_space<hbm>> -> memref<10000x128xf32, #tpu.memory_space<hbm>>
      tpu.enqueue_indirect_dma source(%dma_start3A_43 : memref<10000x128xf32, #tpu.memory_space<hbm>>) target(%arg10 : memref<80x128xf32, #tpu.memory_space<vmem>>) offsets(%dma_start3A_40 : memref<80xi32, #tpu.memory_space<vmem>>) semaphore(%arg13 : memref<!tpu.dma_semaphore, #tpu.memory_space<semaphore_mem>>)
      %mul3A_44 = arith.constant 80 : i32
      %mul3A_45 = arith.muli %add3A_35, %mul3A_44 : i32
      %dma_wait3A_46 = tpu.memref_slice %arg7[%mul3A_45] : memref<10000xi32, #tpu.memory_space<vmem>> -> memref<80xi32, #tpu.memory_space<vmem>>
      %dma_wait3A_47 = arith.constant 0 : i32
      %dma_wait3A_48 = arith.constant 0 : i32
      %dma_wait3A_49 = tpu.memref_slice %arg2[%dma_wait3A_47, %dma_wait3A_48] : memref<10000x128xf32, #tpu.memory_space<hbm>> -> memref<10000x128xf32, #tpu.memory_space<hbm>>
      tpu.wait_indirect_dma semaphore(%arg12 : memref<!tpu.dma_semaphore, #tpu.memory_space<semaphore_mem>>) src(%dma_wait3A_49 : memref<10000x128xf32, #tpu.memory_space<hbm>>) dst(%arg9 : memref<80x128xf32, #tpu.memory_space<vmem>>)
      "tpu.region"() ({
        %run_scoped3A_68 = tpu.sem_alloc : memref<!tpu.dma_semaphore, #tpu.memory_space<semaphore_mem>>
        %dma_start3A_69 = arith.constant 0 : i32
        %dma_start3A_70 = tpu.memref_slice %arg8[%add3A_35, %dma_start3A_69] : memref<125x80xi32, #tpu.memory_space<vmem>> -> memref<1x80xi32, #tpu.memory_space<vmem>>
        %dma_start3A_71 = tpu.memref_squeeze %dma_start3A_70 : memref<1x80xi32, #tpu.memory_space<vmem>> -> memref<80xi32, #tpu.memory_space<vmem>>
        %dma_start3A_72 = arith.constant 0 : i32
        %dma_start3A_73 = arith.constant 0 : i32
        %dma_start3A_74 = tpu.memref_slice %arg11[%dma_start3A_72, %dma_start3A_73] : memref<10000x128xf32, #tpu.memory_space<vmem_shared>> -> memref<10000x128xf32, #tpu.memory_space<vmem_shared>>
        tpu.enqueue_indirect_dma source(%arg9 : memref<80x128xf32, #tpu.memory_space<vmem>>) target(%dma_start3A_74 : memref<10000x128xf32, #tpu.memory_space<vmem_shared>>) offsets(%dma_start3A_71 : memref<80xi32, #tpu.memory_space<vmem>>) semaphore(%run_scoped3A_68 : memref<!tpu.dma_semaphore, #tpu.memory_space<semaphore_mem>>) {add = true}
        %dma_wait3A_75 = arith.constant 0 : i32
        %dma_wait3A_76 = tpu.memref_slice %arg8[%add3A_35, %dma_wait3A_75] : memref<125x80xi32, #tpu.memory_space<vmem>> -> memref<1x80xi32, #tpu.memory_space<vmem>>
        %dma_wait3A_77 = tpu.memref_squeeze %dma_wait3A_76 : memref<1x80xi32, #tpu.memory_space<vmem>> -> memref<80xi32, #tpu.memory_space<vmem>>
        %dma_wait3A_78 = arith.constant 0 : i32
        %dma_wait3A_79 = arith.constant 0 : i32
        %dma_wait3A_80 = tpu.memref_slice %arg11[%dma_wait3A_78, %dma_wait3A_79] : memref<10000x128xf32, #tpu.memory_space<vmem_shared>> -> memref<10000x128xf32, #tpu.memory_space<vmem_shared>>
        tpu.wait_indirect_dma semaphore(%run_scoped3A_68 : memref<!tpu.dma_semaphore, #tpu.memory_space<semaphore_mem>>) src(%arg9 : memref<80x128xf32, #tpu.memory_space<vmem>>) dst(%dma_wait3A_80 : memref<10000x128xf32, #tpu.memory_space<vmem_shared>>)
        tpu.yield
      }) : () -> ()
      %mul3A_50 = arith.constant 2 : i32
      %mul3A_51 = arith.muli %mul3A_50, %scan3A_31 : i32
      %add3A_52 = arith.constant 1 : i32
      %add3A_53 = arith.addi %mul3A_51, %add3A_52 : i32
      %add3A_54 = arith.constant 1 : i32
      %add3A_55 = arith.addi %add3A_53, %add3A_54 : i32
      %mul3A_56 = arith.constant 80 : i32
      %mul3A_57 = arith.muli %add3A_55, %mul3A_56 : i32
      %dma_start3A_58 = tpu.memref_slice %arg7[%mul3A_57] : memref<10000xi32, #tpu.memory_space<vmem>> -> memref<80xi32, #tpu.memory_space<vmem>>
      %dma_start3A_59 = arith.constant 0 : i32
      %dma_start3A_60 = arith.constant 0 : i32
      %dma_start3A_61 = tpu.memref_slice %arg2[%dma_start3A_59, %dma_start3A_60] : memref<10000x128xf32, #tpu.memory_space<hbm>> -> memref<10000x128xf32, #tpu.memory_space<hbm>>
      tpu.enqueue_indirect_dma source(%dma_start3A_61 : memref<10000x128xf32, #tpu.memory_space<hbm>>) target(%arg9 : memref<80x128xf32, #tpu.memory_space<vmem>>) offsets(%dma_start3A_58 : memref<80xi32, #tpu.memory_space<vmem>>) semaphore(%arg12 : memref<!tpu.dma_semaphore, #tpu.memory_space<semaphore_mem>>)
      %mul3A_62 = arith.constant 80 : i32
      %mul3A_63 = arith.muli %add3A_53, %mul3A_62 : i32
      %dma_wait3A_64 = tpu.memref_slice %arg7[%mul3A_63] : memref<10000xi32, #tpu.memory_space<vmem>> -> memref<80xi32, #tpu.memory_space<vmem>>
      %dma_wait3A_65 = arith.constant 0 : i32
      %dma_wait3A_66 = arith.constant 0 : i32
      %dma_wait3A_67 = tpu.memref_slice %arg2[%dma_wait3A_65, %dma_wait3A_66] : memref<10000x128xf32, #tpu.memory_space<hbm>> -> memref<10000x128xf32, #tpu.memory_space<hbm>>
      tpu.wait_indirect_dma semaphore(%arg13 : memref<!tpu.dma_semaphore, #tpu.memory_space<semaphore_mem>>) src(%dma_wait3A_67 : memref<10000x128xf32, #tpu.memory_space<hbm>>) dst(%arg10 : memref<80x128xf32, #tpu.memory_space<vmem>>)
      "tpu.region"() ({
        %run_scoped3A_68 = tpu.sem_alloc : memref<!tpu.dma_semaphore, #tpu.memory_space<semaphore_mem>>
        %dma_start3A_69 = arith.constant 0 : i32
        %dma_start3A_70 = tpu.memref_slice %arg8[%add3A_53, %dma_start3A_69] : memref<125x80xi32, #tpu.memory_space<vmem>> -> memref<1x80xi32, #tpu.memory_space<vmem>>
        %dma_start3A_71 = tpu.memref_squeeze %dma_start3A_70 : memref<1x80xi32, #tpu.memory_space<vmem>> -> memref<80xi32, #tpu.memory_space<vmem>>
        %dma_start3A_72 = arith.constant 0 : i32
        %dma_start3A_73 = arith.constant 0 : i32
        %dma_start3A_74 = tpu.memref_slice %arg11[%dma_start3A_72, %dma_start3A_73] : memref<10000x128xf32, #tpu.memory_space<vmem_shared>> -> memref<10000x128xf32, #tpu.memory_space<vmem_shared>>
        tpu.enqueue_indirect_dma source(%arg10 : memref<80x128xf32, #tpu.memory_space<vmem>>) target(%dma_start3A_74 : memref<10000x128xf32, #tpu.memory_space<vmem_shared>>) offsets(%dma_start3A_71 : memref<80xi32, #tpu.memory_space<vmem>>) semaphore(%run_scoped3A_68 : memref<!tpu.dma_semaphore, #tpu.memory_space<semaphore_mem>>) {add = true}
        %dma_wait3A_75 = arith.constant 0 : i32
        %dma_wait3A_76 = tpu.memref_slice %arg8[%add3A_53, %dma_wait3A_75] : memref<125x80xi32, #tpu.memory_space<vmem>> -> memref<1x80xi32, #tpu.memory_space<vmem>>
        %dma_wait3A_77 = tpu.memref_squeeze %dma_wait3A_76 : memref<1x80xi32, #tpu.memory_space<vmem>> -> memref<80xi32, #tpu.memory_space<vmem>>
        %dma_wait3A_78 = arith.constant 0 : i32
        %dma_wait3A_79 = arith.constant 0 : i32
        %dma_wait3A_80 = tpu.memref_slice %arg11[%dma_wait3A_78, %dma_wait3A_79] : memref<10000x128xf32, #tpu.memory_space<vmem_shared>> -> memref<10000x128xf32, #tpu.memory_space<vmem_shared>>
        tpu.wait_indirect_dma semaphore(%run_scoped3A_68 : memref<!tpu.dma_semaphore, #tpu.memory_space<semaphore_mem>>) src(%arg10 : memref<80x128xf32, #tpu.memory_space<vmem>>) dst(%dma_wait3A_80 : memref<10000x128xf32, #tpu.memory_space<vmem_shared>>)
        tpu.yield
      }) : () -> ()
    }
    %scan3A_13 = arith.constant 62 : i32
    %dma_wait3A = arith.constant 9920 : i32
    %dma_wait3A_14 = tpu.memref_slice %arg7[%dma_wait3A] : memref<10000xi32, #tpu.memory_space<vmem>> -> memref<80xi32, #tpu.memory_space<vmem>>
    %dma_wait3A_15 = arith.constant 0 : i32
    %dma_wait3A_16 = arith.constant 0 : i32
    %dma_wait3A_17 = tpu.memref_slice %arg2[%dma_wait3A_15, %dma_wait3A_16] : memref<10000x128xf32, #tpu.memory_space<hbm>> -> memref<10000x128xf32, #tpu.memory_space<hbm>>
    tpu.wait_indirect_dma semaphore(%arg12 : memref<!tpu.dma_semaphore, #tpu.memory_space<semaphore_mem>>) src(%dma_wait3A_17 : memref<10000x128xf32, #tpu.memory_space<hbm>>) dst(%arg9 : memref<80x128xf32, #tpu.memory_space<vmem>>)
    %run_scoped3A = arith.constant 124 : i32
    "tpu.region"() ({
      %run_scoped3A_31 = tpu.sem_alloc : memref<!tpu.dma_semaphore, #tpu.memory_space<semaphore_mem>>
      %dma_start3A_32 = arith.constant 0 : i32
      %dma_start3A_33 = tpu.memref_slice %arg8[%run_scoped3A, %dma_start3A_32] : memref<125x80xi32, #tpu.memory_space<vmem>> -> memref<1x80xi32, #tpu.memory_space<vmem>>
      %dma_start3A_34 = tpu.memref_squeeze %dma_start3A_33 : memref<1x80xi32, #tpu.memory_space<vmem>> -> memref<80xi32, #tpu.memory_space<vmem>>
      %dma_start3A_35 = arith.constant 0 : i32
      %dma_start3A_36 = arith.constant 0 : i32
      %dma_start3A_37 = tpu.memref_slice %arg11[%dma_start3A_35, %dma_start3A_36] : memref<10000x128xf32, #tpu.memory_space<vmem_shared>> -> memref<10000x128xf32, #tpu.memory_space<vmem_shared>>
      tpu.enqueue_indirect_dma source(%arg9 : memref<80x128xf32, #tpu.memory_space<vmem>>) target(%dma_start3A_37 : memref<10000x128xf32, #tpu.memory_space<vmem_shared>>) offsets(%dma_start3A_34 : memref<80xi32, #tpu.memory_space<vmem>>) semaphore(%run_scoped3A_31 : memref<!tpu.dma_semaphore, #tpu.memory_space<semaphore_mem>>) {add = true}
      %dma_wait3A_38 = arith.constant 0 : i32
      %dma_wait3A_39 = tpu.memref_slice %arg8[%run_scoped3A, %dma_wait3A_38] : memref<125x80xi32, #tpu.memory_space<vmem>> -> memref<1x80xi32, #tpu.memory_space<vmem>>
      %dma_wait3A_40 = tpu.memref_squeeze %dma_wait3A_39 : memref<1x80xi32, #tpu.memory_space<vmem>> -> memref<80xi32, #tpu.memory_space<vmem>>
      %dma_wait3A_41 = arith.constant 0 : i32
      %dma_wait3A_42 = arith.constant 0 : i32
      %dma_wait3A_43 = tpu.memref_slice %arg11[%dma_wait3A_41, %dma_wait3A_42] : memref<10000x128xf32, #tpu.memory_space<vmem_shared>> -> memref<10000x128xf32, #tpu.memory_space<vmem_shared>>
      tpu.wait_indirect_dma semaphore(%run_scoped3A_31 : memref<!tpu.dma_semaphore, #tpu.memory_space<semaphore_mem>>) src(%arg9 : memref<80x128xf32, #tpu.memory_space<vmem>>) dst(%dma_wait3A_43 : memref<10000x128xf32, #tpu.memory_space<vmem_shared>>)
      tpu.yield
    }) : () -> ()
    %barrier3A_18 = arith.constant 0 : index
    tpu.barrier barrier_id(%barrier3A_18)
    %mul3A_19 = arith.constant 624 : i32
    %mul3A_20 = arith.muli %arg1, %mul3A_19 : i32
    %mul3A_21 = arith.constant 10000 : i32
    %mul3A_22 = arith.muli %arg0, %mul3A_21 : i32
    %mul3A_23 = arith.constant 624 : i32
    %mul3A_24 = arith.muli %arg1, %mul3A_23 : i32
    %add3A_25 = arith.addi %mul3A_22, %mul3A_24 : i32
    "tpu.region"() ({
      %run_scoped3A_31 = tpu.sem_alloc : memref<!tpu.dma_semaphore, #tpu.memory_space<semaphore_mem>>
      %dma_start3A_32 = arith.constant 0 : i32
      %dma_start3A_33 = tpu.memref_slice %arg6[%add3A_25, %dma_start3A_32] : memref<20000x128xf32, #tpu.memory_space<hbm>> -> memref<624x128xf32, #tpu.memory_space<hbm>>
      %dma_start3A_34 = arith.constant 0 : i32
      %dma_start3A_35 = tpu.memref_slice %arg11[%mul3A_20, %dma_start3A_34] : memref<10000x128xf32, #tpu.memory_space<vmem_shared>> -> memref<624x128xf32, #tpu.memory_space<vmem_shared>>
      tpu.enqueue_dma source(%dma_start3A_35 : memref<624x128xf32, #tpu.memory_space<vmem_shared>>) target(%dma_start3A_33 : memref<624x128xf32, #tpu.memory_space<hbm>>) target_semaphore(%run_scoped3A_31 : memref<!tpu.dma_semaphore, #tpu.memory_space<semaphore_mem>>)
      %dma_wait3A_36 = arith.constant 0 : i32
      %dma_wait3A_37 = tpu.memref_slice %arg6[%add3A_25, %dma_wait3A_36] : memref<20000x128xf32, #tpu.memory_space<hbm>> -> memref<624x128xf32, #tpu.memory_space<hbm>>
      %dma_wait3A_38 = arith.constant 0 : i32
      %dma_wait3A_39 = tpu.memref_slice %arg11[%mul3A_20, %dma_wait3A_38] : memref<10000x128xf32, #tpu.memory_space<vmem_shared>> -> memref<624x128xf32, #tpu.memory_space<vmem_shared>>
      tpu.wait_dma2 semaphore(%run_scoped3A_31 : memref<!tpu.dma_semaphore, #tpu.memory_space<semaphore_mem>>) src(%dma_wait3A_39 : memref<624x128xf32, #tpu.memory_space<vmem_shared>>) dst(%dma_wait3A_37 : memref<624x128xf32, #tpu.memory_space<hbm>>)
      tpu.yield
    }) : () -> ()
    %eq3A_26 = arith.constant 15 : i32
    %eq3A_27 = arith.cmpi eq, %arg1, %eq3A_26 : i32
    %convert_element_type3A_28 = arith.extui %eq3A_27 : i1 to i32
    %cond3A_29 = arith.constant 0 : i32
    %cond3A_30 = arith.cmpi ne, %convert_element_type3A_28, %cond3A_29 : i32
    scf.if %cond3A_30 {
      %mul3A_31 = arith.constant 10000 : i32
      %mul3A_32 = arith.muli %arg0, %mul3A_31 : i32
      %add3A_33 = arith.constant 9984 : i32
      %add3A_34 = arith.addi %mul3A_32, %add3A_33 : i32
      "tpu.region"() ({
        %run_scoped3A_35 = tpu.sem_alloc : memref<!tpu.dma_semaphore, #tpu.memory_space<semaphore_mem>>
        %dma_start3A_36 = arith.constant 0 : i32
        %dma_start3A_37 = tpu.memref_slice %arg6[%add3A_34, %dma_start3A_36] : memref<20000x128xf32, #tpu.memory_space<hbm>> -> memref<16x128xf32, #tpu.memory_space<hbm>>
        %dma_start3A_38 = arith.constant 9984 : i32
        %dma_start3A_39 = arith.constant 0 : i32
        %dma_start3A_40 = tpu.memref_slice %arg11[%dma_start3A_38, %dma_start3A_39] : memref<10000x128xf32, #tpu.memory_space<vmem_shared>> -> memref<16x128xf32, #tpu.memory_space<vmem_shared>>
        tpu.enqueue_dma source(%dma_start3A_40 : memref<16x128xf32, #tpu.memory_space<vmem_shared>>) target(%dma_start3A_37 : memref<16x128xf32, #tpu.memory_space<hbm>>) target_semaphore(%run_scoped3A_35 : memref<!tpu.dma_semaphore, #tpu.memory_space<semaphore_mem>>)
        %dma_wait3A_41 = arith.constant 0 : i32
        %dma_wait3A_42 = tpu.memref_slice %arg6[%add3A_34, %dma_wait3A_41] : memref<20000x128xf32, #tpu.memory_space<hbm>> -> memref<16x128xf32, #tpu.memory_space<hbm>>
        %dma_wait3A_43 = arith.constant 9984 : i32
        %dma_wait3A_44 = arith.constant 0 : i32
        %dma_wait3A_45 = tpu.memref_slice %arg11[%dma_wait3A_43, %dma_wait3A_44] : memref<10000x128xf32, #tpu.memory_space<vmem_shared>> -> memref<16x128xf32, #tpu.memory_space<vmem_shared>>
        tpu.wait_dma2 semaphore(%run_scoped3A_35 : memref<!tpu.dma_semaphore, #tpu.memory_space<semaphore_mem>>) src(%dma_wait3A_45 : memref<16x128xf32, #tpu.memory_space<vmem_shared>>) dst(%dma_wait3A_42 : memref<16x128xf32, #tpu.memory_space<hbm>>)
        tpu.yield
      }) : () -> ()
    } else {
    }
    return
  }
}

#map = affine_map<(d0, d1) -> (0, 0)>
#map1 = affine_map<(d0, d1) -> (0, 0, 0)>
module attributes {stable_mosaic.version = 14 : i64} {
  func.func @edge_scatter_add(%arg0: i32, %arg1: i32, %arg2: memref<10000x128xf32, #tpu.memory_space<hbm>>, %arg3: memref<32x10000xi32, #tpu.memory_space<hbm>>, %arg4: memref<32x125x80xi32, #tpu.memory_space<hbm>>, %arg5: memref<624x128xf32, #tpu.memory_space<hbm>>, %arg6: memref<20000x128xf32, #tpu.memory_space<hbm>>, %arg7: memref<10000xi32, #tpu.memory_space<vmem>>, %arg8: memref<125x80xi32, #tpu.memory_space<vmem>>, %arg9: memref<80x128xf32, #tpu.memory_space<vmem>>, %arg10: memref<80x128xf32, #tpu.memory_space<vmem>>, %arg11: memref<10000x128xf32, #tpu.memory_space<vmem_shared>>, %arg12: memref<!tpu.dma_semaphore, #tpu.memory_space<semaphore_mem>>, %arg13: memref<!tpu.dma_semaphore, #tpu.memory_space<semaphore_mem>>) attributes {dimension_semantics = [#tpu.dimension_semantics<core_parallel>, #tpu.dimension_semantics<subcore_parallel>], iteration_bounds = array<i64: 2, 16>, scalar_prefetch = 0 : i64, scratch_operands = 7 : i64, tpu.core_type = #tpu.core_type<sc_vector_subcore>, window_params = [{transform_indices = #map}, {transform_indices = #map}, {transform_indices = #map1}, {transform_indices = #map}, {transform_indices = #map}]} {
    %mul3A = arith.constant 2 : i32
    %mul3A_0 = arith.muli %arg1, %mul3A : i32
    %add3A = arith.addi %mul3A_0, %arg0 : i32
    "tpu.region"() ({
      %run_scoped3A_31 = tpu.sem_alloc : memref<!tpu.dma_semaphore, #tpu.memory_space<semaphore_mem>>
      %dma_start3A_32 = arith.constant 0 : i32
      %dma_start3A_33 = tpu.memref_slice %arg3[%add3A, %dma_start3A_32] : memref<32x10000xi32, #tpu.memory_space<hbm>> -> memref<1x10000xi32, #tpu.memory_space<hbm>>
      %dma_start3A_34 = tpu.memref_squeeze %dma_start3A_33 : memref<1x10000xi32, #tpu.memory_space<hbm>> -> memref<10000xi32, #tpu.memory_space<hbm>>
      %dma_start3A_35 = arith.constant 0 : i32
      %dma_start3A_36 = tpu.memref_slice %arg3[%add3A, %dma_start3A_35] : memref<32x10000xi32, #tpu.memory_space<hbm>> -> memref<1x10000xi32, #tpu.memory_space<hbm>>
      %dma_start3A_37 = tpu.memref_squeeze %dma_start3A_36 : memref<1x10000xi32, #tpu.memory_space<hbm>> -> memref<10000xi32, #tpu.memory_space<hbm>>
      tpu.enqueue_dma source(%dma_start3A_37 : memref<10000xi32, #tpu.memory_space<hbm>>) target(%arg7 : memref<10000xi32, #tpu.memory_space<vmem>>) target_semaphore(%run_scoped3A_31 : memref<!tpu.dma_semaphore, #tpu.memory_space<semaphore_mem>>)
      %dma_wait3A_38 = arith.constant 0 : i32
      %dma_wait3A_39 = tpu.memref_slice %arg3[%add3A, %dma_wait3A_38] : memref<32x10000xi32, #tpu.memory_space<hbm>> -> memref<1x10000xi32, #tpu.memory_space<hbm>>
      %dma_wait3A_40 = tpu.memref_squeeze %dma_wait3A_39 : memref<1x10000xi32, #tpu.memory_space<hbm>> -> memref<10000xi32, #tpu.memory_space<hbm>>
      %dma_wait3A_41 = arith.constant 0 : i32
      %dma_wait3A_42 = tpu.memref_slice %arg3[%add3A, %dma_wait3A_41] : memref<32x10000xi32, #tpu.memory_space<hbm>> -> memref<1x10000xi32, #tpu.memory_space<hbm>>
      %dma_wait3A_43 = tpu.memref_squeeze %dma_wait3A_42 : memref<1x10000xi32, #tpu.memory_space<hbm>> -> memref<10000xi32, #tpu.memory_space<hbm>>
      tpu.wait_dma2 semaphore(%run_scoped3A_31 : memref<!tpu.dma_semaphore, #tpu.memory_space<semaphore_mem>>) src(%dma_wait3A_43 : memref<10000xi32, #tpu.memory_space<hbm>>) dst(%arg7 : memref<10000xi32, #tpu.memory_space<vmem>>)
      tpu.yield
    }) : () -> ()
    "tpu.region"() ({
      %run_scoped3A_31 = tpu.sem_alloc : memref<!tpu.dma_semaphore, #tpu.memory_space<semaphore_mem>>
      %dma_start3A_32 = arith.constant 0 : i32
      %dma_start3A_33 = arith.constant 0 : i32
      %dma_start3A_34 = tpu.memref_slice %arg4[%add3A, %dma_start3A_32, %dma_start3A_33] : memref<32x125x80xi32, #tpu.memory_space<hbm>> -> memref<1x125x80xi32, #tpu.memory_space<hbm>>
      %dma_start3A_35 = tpu.memref_squeeze %dma_start3A_34 : memref<1x125x80xi32, #tpu.memory_space<hbm>> -> memref<125x80xi32, #tpu.memory_space<hbm>>
      %dma_start3A_36 = arith.constant 0 : i32
      %dma_start3A_37 = arith.constant 0 : i32
      %dma_start3A_38 = tpu.memref_slice %arg4[%add3A, %dma_start3A_36, %dma_start3A_37] : memref<32x125x80xi32, #tpu.memory_space<hbm>> -> memref<1x125x80xi32, #tpu.memory_space<hbm>>
      %dma_start3A_39 = tpu.memref_squeeze %dma_start3A_38 : memref<1x125x80xi32, #tpu.memory_space<hbm>> -> memref<125x80xi32, #tpu.memory_space<hbm>>
      tpu.enqueue_dma source(%dma_start3A_39 : memref<125x80xi32, #tpu.memory_space<hbm>>) target(%arg8 : memref<125x80xi32, #tpu.memory_space<vmem>>) target_semaphore(%run_scoped3A_31 : memref<!tpu.dma_semaphore, #tpu.memory_space<semaphore_mem>>)
      %dma_wait3A_40 = arith.constant 0 : i32
      %dma_wait3A_41 = arith.constant 0 : i32
      %dma_wait3A_42 = tpu.memref_slice %arg4[%add3A, %dma_wait3A_40, %dma_wait3A_41] : memref<32x125x80xi32, #tpu.memory_space<hbm>> -> memref<1x125x80xi32, #tpu.memory_space<hbm>>
      %dma_wait3A_43 = tpu.memref_squeeze %dma_wait3A_42 : memref<1x125x80xi32, #tpu.memory_space<hbm>> -> memref<125x80xi32, #tpu.memory_space<hbm>>
      %dma_wait3A_44 = arith.constant 0 : i32
      %dma_wait3A_45 = arith.constant 0 : i32
      %dma_wait3A_46 = tpu.memref_slice %arg4[%add3A, %dma_wait3A_44, %dma_wait3A_45] : memref<32x125x80xi32, #tpu.memory_space<hbm>> -> memref<1x125x80xi32, #tpu.memory_space<hbm>>
      %dma_wait3A_47 = tpu.memref_squeeze %dma_wait3A_46 : memref<1x125x80xi32, #tpu.memory_space<hbm>> -> memref<125x80xi32, #tpu.memory_space<hbm>>
      tpu.wait_dma2 semaphore(%run_scoped3A_31 : memref<!tpu.dma_semaphore, #tpu.memory_space<semaphore_mem>>) src(%dma_wait3A_47 : memref<125x80xi32, #tpu.memory_space<hbm>>) dst(%arg8 : memref<125x80xi32, #tpu.memory_space<vmem>>)
      tpu.yield
    }) : () -> ()
    %mul3A_1 = arith.constant 624 : i32
    %mul3A_2 = arith.muli %arg1, %mul3A_1 : i32
    "tpu.region"() ({
      %run_scoped3A_31 = tpu.sem_alloc : memref<!tpu.dma_semaphore, #tpu.memory_space<semaphore_mem>>
      %dma_start3A_32 = arith.constant 0 : i32
      %dma_start3A_33 = tpu.memref_slice %arg11[%mul3A_2, %dma_start3A_32] : memref<10000x128xf32, #tpu.memory_space<vmem_shared>> -> memref<624x128xf32, #tpu.memory_space<vmem_shared>>
      tpu.enqueue_dma source(%arg5 : memref<624x128xf32, #tpu.memory_space<hbm>>) target(%dma_start3A_33 : memref<624x128xf32, #tpu.memory_space<vmem_shared>>) target_semaphore(%run_scoped3A_31 : memref<!tpu.dma_semaphore, #tpu.memory_space<semaphore_mem>>)
      %dma_wait3A_34 = arith.constant 0 : i32
      %dma_wait3A_35 = tpu.memref_slice %arg11[%mul3A_2, %dma_wait3A_34] : memref<10000x128xf32, #tpu.memory_space<vmem_shared>> -> memref<624x128xf32, #tpu.memory_space<vmem_shared>>
      tpu.wait_dma2 semaphore(%run_scoped3A_31 : memref<!tpu.dma_semaphore, #tpu.memory_space<semaphore_mem>>) src(%arg5 : memref<624x128xf32, #tpu.memory_space<hbm>>) dst(%dma_wait3A_35 : memref<624x128xf32, #tpu.memory_space<vmem_shared>>)
      tpu.yield
    }) : () -> ()
    %eq3A = arith.constant 15 : i32
    %eq3A_3 = arith.cmpi eq, %arg1, %eq3A : i32
    %convert_element_type3A = arith.extui %eq3A_3 : i1 to i32
    %cond3A = arith.constant 0 : i32
    %cond3A_4 = arith.cmpi ne, %convert_element_type3A, %cond3A : i32
    scf.if %cond3A_4 {
      "tpu.region"() ({
        %run_scoped3A_31 = tpu.sem_alloc : memref<!tpu.dma_semaphore, #tpu.memory_space<semaphore_mem>>
        %dma_start3A_32 = arith.constant 9984 : i32
        %dma_start3A_33 = arith.constant 0 : i32
        %dma_start3A_34 = tpu.memref_slice %arg11[%dma_start3A_32, %dma_start3A_33] : memref<10000x128xf32, #tpu.memory_space<vmem_shared>> -> memref<16x128xf32, #tpu.memory_space<vmem_shared>>
        %dma_start3A_35 = arith.constant 0 : i32
        %dma_start3A_36 = arith.constant 0 : i32
        %dma_start3A_37 = tpu.memref_slice %arg5[%dma_start3A_35, %dma_start3A_36] : memref<624x128xf32, #tpu.memory_space<hbm>> -> memref<16x128xf32, #tpu.memory_space<hbm>>
        tpu.enqueue_dma source(%dma_start3A_37 : memref<16x128xf32, #tpu.memory_space<hbm>>) target(%dma_start3A_34 : memref<16x128xf32, #tpu.memory_space<vmem_shared>>) target_semaphore(%run_scoped3A_31 : memref<!tpu.dma_semaphore, #tpu.memory_space<semaphore_mem>>)
        %dma_wait3A_38 = arith.constant 9984 : i32
        %dma_wait3A_39 = arith.constant 0 : i32
        %dma_wait3A_40 = tpu.memref_slice %arg11[%dma_wait3A_38, %dma_wait3A_39] : memref<10000x128xf32, #tpu.memory_space<vmem_shared>> -> memref<16x128xf32, #tpu.memory_space<vmem_shared>>
        %dma_wait3A_41 = arith.constant 0 : i32
        %dma_wait3A_42 = arith.constant 0 : i32
        %dma_wait3A_43 = tpu.memref_slice %arg5[%dma_wait3A_41, %dma_wait3A_42] : memref<624x128xf32, #tpu.memory_space<hbm>> -> memref<16x128xf32, #tpu.memory_space<hbm>>
        tpu.wait_dma2 semaphore(%run_scoped3A_31 : memref<!tpu.dma_semaphore, #tpu.memory_space<semaphore_mem>>) src(%dma_wait3A_43 : memref<16x128xf32, #tpu.memory_space<hbm>>) dst(%dma_wait3A_40 : memref<16x128xf32, #tpu.memory_space<vmem_shared>>)
        tpu.yield
      }) : () -> ()
    } else {
    }
    %barrier3A = arith.constant 0 : index
    tpu.barrier barrier_id(%barrier3A)
    %dma_start3A = arith.constant 0 : i32
    %dma_start3A_5 = tpu.memref_slice %arg7[%dma_start3A] : memref<10000xi32, #tpu.memory_space<vmem>> -> memref<80xi32, #tpu.memory_space<vmem>>
    %dma_start3A_6 = arith.constant 0 : i32
    %dma_start3A_7 = arith.constant 0 : i32
    %dma_start3A_8 = tpu.memref_slice %arg2[%dma_start3A_6, %dma_start3A_7] : memref<10000x128xf32, #tpu.memory_space<hbm>> -> memref<10000x128xf32, #tpu.memory_space<hbm>>
    tpu.enqueue_indirect_dma source(%dma_start3A_8 : memref<10000x128xf32, #tpu.memory_space<hbm>>) target(%arg9 : memref<80x128xf32, #tpu.memory_space<vmem>>) offsets(%dma_start3A_5 : memref<80xi32, #tpu.memory_space<vmem>>) semaphore(%arg12 : memref<!tpu.dma_semaphore, #tpu.memory_space<semaphore_mem>>)
    %scan3A = arith.constant 0 : i32
    %scan3A_9 = arith.constant 0 : i32
    %scan3A_10 = arith.constant 62 : i32
    %scan3A_11 = arith.addi %scan3A_9, %scan3A_10 : i32
    %scan3A_12 = arith.constant 1 : i32
    scf.for %scan3A_31 = %scan3A_9 to %scan3A_11 step %scan3A_12  : i32 {
      %mul3A_32 = arith.constant 2 : i32
      %mul3A_33 = arith.muli %mul3A_32, %scan3A_31 : i32
      %add3A_34 = arith.constant 0 : i32
      %add3A_35 = arith.addi %mul3A_33, %add3A_34 : i32
      %add3A_36 = arith.constant 1 : i32
      %add3A_37 = arith.addi %add3A_35, %add3A_36 : i32
      %mul3A_38 = arith.constant 80 : i32
      %mul3A_39 = arith.muli %add3A_37, %mul3A_38 : i32
      %dma_start3A_40 = tpu.memref_slice %arg7[%mul3A_39] : memref<10000xi32, #tpu.memory_space<vmem>> -> memref<80xi32, #tpu.memory_space<vmem>>
      %dma_start3A_41 = arith.constant 0 : i32
      %dma_start3A_42 = arith.constant 0 : i32
      %dma_start3A_43 = tpu.memref_slice %arg2[%dma_start3A_41, %dma_start3A_42] : memref<10000x128xf32, #tpu.memory_space<hbm>> -> memref<10000x128xf32, #tpu.memory_space<hbm>>
      tpu.enqueue_indirect_dma source(%dma_start3A_43 : memref<10000x128xf32, #tpu.memory_space<hbm>>) target(%arg10 : memref<80x128xf32, #tpu.memory_space<vmem>>) offsets(%dma_start3A_40 : memref<80xi32, #tpu.memory_space<vmem>>) semaphore(%arg13 : memref<!tpu.dma_semaphore, #tpu.memory_space<semaphore_mem>>)
      %mul3A_44 = arith.constant 80 : i32
      %mul3A_45 = arith.muli %add3A_35, %mul3A_44 : i32
      %dma_wait3A_46 = tpu.memref_slice %arg7[%mul3A_45] : memref<10000xi32, #tpu.memory_space<vmem>> -> memref<80xi32, #tpu.memory_space<vmem>>
      %dma_wait3A_47 = arith.constant 0 : i32
      %dma_wait3A_48 = arith.constant 0 : i32
      %dma_wait3A_49 = tpu.memref_slice %arg2[%dma_wait3A_47, %dma_wait3A_48] : memref<10000x128xf32, #tpu.memory_space<hbm>> -> memref<10000x128xf32, #tpu.memory_space<hbm>>
      tpu.wait_indirect_dma semaphore(%arg12 : memref<!tpu.dma_semaphore, #tpu.memory_space<semaphore_mem>>) src(%dma_wait3A_49 : memref<10000x128xf32, #tpu.memory_space<hbm>>) dst(%arg9 : memref<80x128xf32, #tpu.memory_space<vmem>>)
      "tpu.region"() ({
        %run_scoped3A_68 = tpu.sem_alloc : memref<!tpu.dma_semaphore, #tpu.memory_space<semaphore_mem>>
        %dma_start3A_69 = arith.constant 0 : i32
        %dma_start3A_70 = tpu.memref_slice %arg8[%add3A_35, %dma_start3A_69] : memref<125x80xi32, #tpu.memory_space<vmem>> -> memref<1x80xi32, #tpu.memory_space<vmem>>
        %dma_start3A_71 = tpu.memref_squeeze %dma_start3A_70 : memref<1x80xi32, #tpu.memory_space<vmem>> -> memref<80xi32, #tpu.memory_space<vmem>>
        %dma_start3A_72 = arith.constant 0 : i32
        %dma_start3A_73 = arith.constant 0 : i32
        %dma_start3A_74 = tpu.memref_slice %arg11[%dma_start3A_72, %dma_start3A_73] : memref<10000x128xf32, #tpu.memory_space<vmem_shared>> -> memref<10000x128xf32, #tpu.memory_space<vmem_shared>>
        tpu.enqueue_indirect_dma source(%arg9 : memref<80x128xf32, #tpu.memory_space<vmem>>) target(%dma_start3A_74 : memref<10000x128xf32, #tpu.memory_space<vmem_shared>>) offsets(%dma_start3A_71 : memref<80xi32, #tpu.memory_space<vmem>>) semaphore(%run_scoped3A_68 : memref<!tpu.dma_semaphore, #tpu.memory_space<semaphore_mem>>) {add = true}
        %dma_wait3A_75 = arith.constant 0 : i32
        %dma_wait3A_76 = tpu.memref_slice %arg8[%add3A_35, %dma_wait3A_75] : memref<125x80xi32, #tpu.memory_space<vmem>> -> memref<1x80xi32, #tpu.memory_space<vmem>>
        %dma_wait3A_77 = tpu.memref_squeeze %dma_wait3A_76 : memref<1x80xi32, #tpu.memory_space<vmem>> -> memref<80xi32, #tpu.memory_space<vmem>>
        %dma_wait3A_78 = arith.constant 0 : i32
        %dma_wait3A_79 = arith.constant 0 : i32
        %dma_wait3A_80 = tpu.memref_slice %arg11[%dma_wait3A_78, %dma_wait3A_79] : memref<10000x128xf32, #tpu.memory_space<vmem_shared>> -> memref<10000x128xf32, #tpu.memory_space<vmem_shared>>
        tpu.wait_indirect_dma semaphore(%run_scoped3A_68 : memref<!tpu.dma_semaphore, #tpu.memory_space<semaphore_mem>>) src(%arg9 : memref<80x128xf32, #tpu.memory_space<vmem>>) dst(%dma_wait3A_80 : memref<10000x128xf32, #tpu.memory_space<vmem_shared>>)
        tpu.yield
      }) : () -> ()
      %mul3A_50 = arith.constant 2 : i32
      %mul3A_51 = arith.muli %mul3A_50, %scan3A_31 : i32
      %add3A_52 = arith.constant 1 : i32
      %add3A_53 = arith.addi %mul3A_51, %add3A_52 : i32
      %add3A_54 = arith.constant 1 : i32
      %add3A_55 = arith.addi %add3A_53, %add3A_54 : i32
      %mul3A_56 = arith.constant 80 : i32
      %mul3A_57 = arith.muli %add3A_55, %mul3A_56 : i32
      %dma_start3A_58 = tpu.memref_slice %arg7[%mul3A_57] : memref<10000xi32, #tpu.memory_space<vmem>> -> memref<80xi32, #tpu.memory_space<vmem>>
      %dma_start3A_59 = arith.constant 0 : i32
      %dma_start3A_60 = arith.constant 0 : i32
      %dma_start3A_61 = tpu.memref_slice %arg2[%dma_start3A_59, %dma_start3A_60] : memref<10000x128xf32, #tpu.memory_space<hbm>> -> memref<10000x128xf32, #tpu.memory_space<hbm>>
      tpu.enqueue_indirect_dma source(%dma_start3A_61 : memref<10000x128xf32, #tpu.memory_space<hbm>>) target(%arg9 : memref<80x128xf32, #tpu.memory_space<vmem>>) offsets(%dma_start3A_58 : memref<80xi32, #tpu.memory_space<vmem>>) semaphore(%arg12 : memref<!tpu.dma_semaphore, #tpu.memory_space<semaphore_mem>>)
      %mul3A_62 = arith.constant 80 : i32
      %mul3A_63 = arith.muli %add3A_53, %mul3A_62 : i32
      %dma_wait3A_64 = tpu.memref_slice %arg7[%mul3A_63] : memref<10000xi32, #tpu.memory_space<vmem>> -> memref<80xi32, #tpu.memory_space<vmem>>
      %dma_wait3A_65 = arith.constant 0 : i32
      %dma_wait3A_66 = arith.constant 0 : i32
      %dma_wait3A_67 = tpu.memref_slice %arg2[%dma_wait3A_65, %dma_wait3A_66] : memref<10000x128xf32, #tpu.memory_space<hbm>> -> memref<10000x128xf32, #tpu.memory_space<hbm>>
      tpu.wait_indirect_dma semaphore(%arg13 : memref<!tpu.dma_semaphore, #tpu.memory_space<semaphore_mem>>) src(%dma_wait3A_67 : memref<10000x128xf32, #tpu.memory_space<hbm>>) dst(%arg10 : memref<80x128xf32, #tpu.memory_space<vmem>>)
      "tpu.region"() ({
        %run_scoped3A_68 = tpu.sem_alloc : memref<!tpu.dma_semaphore, #tpu.memory_space<semaphore_mem>>
        %dma_start3A_69 = arith.constant 0 : i32
        %dma_start3A_70 = tpu.memref_slice %arg8[%add3A_53, %dma_start3A_69] : memref<125x80xi32, #tpu.memory_space<vmem>> -> memref<1x80xi32, #tpu.memory_space<vmem>>
        %dma_start3A_71 = tpu.memref_squeeze %dma_start3A_70 : memref<1x80xi32, #tpu.memory_space<vmem>> -> memref<80xi32, #tpu.memory_space<vmem>>
        %dma_start3A_72 = arith.constant 0 : i32
        %dma_start3A_73 = arith.constant 0 : i32
        %dma_start3A_74 = tpu.memref_slice %arg11[%dma_start3A_72, %dma_start3A_73] : memref<10000x128xf32, #tpu.memory_space<vmem_shared>> -> memref<10000x128xf32, #tpu.memory_space<vmem_shared>>
        tpu.enqueue_indirect_dma source(%arg10 : memref<80x128xf32, #tpu.memory_space<vmem>>) target(%dma_start3A_74 : memref<10000x128xf32, #tpu.memory_space<vmem_shared>>) offsets(%dma_start3A_71 : memref<80xi32, #tpu.memory_space<vmem>>) semaphore(%run_scoped3A_68 : memref<!tpu.dma_semaphore, #tpu.memory_space<semaphore_mem>>) {add = true}
        %dma_wait3A_75 = arith.constant 0 : i32
        %dma_wait3A_76 = tpu.memref_slice %arg8[%add3A_53, %dma_wait3A_75] : memref<125x80xi32, #tpu.memory_space<vmem>> -> memref<1x80xi32, #tpu.memory_space<vmem>>
        %dma_wait3A_77 = tpu.memref_squeeze %dma_wait3A_76 : memref<1x80xi32, #tpu.memory_space<vmem>> -> memref<80xi32, #tpu.memory_space<vmem>>
        %dma_wait3A_78 = arith.constant 0 : i32
        %dma_wait3A_79 = arith.constant 0 : i32
        %dma_wait3A_80 = tpu.memref_slice %arg11[%dma_wait3A_78, %dma_wait3A_79] : memref<10000x128xf32, #tpu.memory_space<vmem_shared>> -> memref<10000x128xf32, #tpu.memory_space<vmem_shared>>
        tpu.wait_indirect_dma semaphore(%run_scoped3A_68 : memref<!tpu.dma_semaphore, #tpu.memory_space<semaphore_mem>>) src(%arg10 : memref<80x128xf32, #tpu.memory_space<vmem>>) dst(%dma_wait3A_80 : memref<10000x128xf32, #tpu.memory_space<vmem_shared>>)
        tpu.yield
      }) : () -> ()
    }
    %scan3A_13 = arith.constant 62 : i32
    %dma_wait3A = arith.constant 9920 : i32
    %dma_wait3A_14 = tpu.memref_slice %arg7[%dma_wait3A] : memref<10000xi32, #tpu.memory_space<vmem>> -> memref<80xi32, #tpu.memory_space<vmem>>
    %dma_wait3A_15 = arith.constant 0 : i32
    %dma_wait3A_16 = arith.constant 0 : i32
    %dma_wait3A_17 = tpu.memref_slice %arg2[%dma_wait3A_15, %dma_wait3A_16] : memref<10000x128xf32, #tpu.memory_space<hbm>> -> memref<10000x128xf32, #tpu.memory_space<hbm>>
    tpu.wait_indirect_dma semaphore(%arg12 : memref<!tpu.dma_semaphore, #tpu.memory_space<semaphore_mem>>) src(%dma_wait3A_17 : memref<10000x128xf32, #tpu.memory_space<hbm>>) dst(%arg9 : memref<80x128xf32, #tpu.memory_space<vmem>>)
    %run_scoped3A = arith.constant 124 : i32
    "tpu.region"() ({
      %run_scoped3A_31 = tpu.sem_alloc : memref<!tpu.dma_semaphore, #tpu.memory_space<semaphore_mem>>
      %dma_start3A_32 = arith.constant 0 : i32
      %dma_start3A_33 = tpu.memref_slice %arg8[%run_scoped3A, %dma_start3A_32] : memref<125x80xi32, #tpu.memory_space<vmem>> -> memref<1x80xi32, #tpu.memory_space<vmem>>
      %dma_start3A_34 = tpu.memref_squeeze %dma_start3A_33 : memref<1x80xi32, #tpu.memory_space<vmem>> -> memref<80xi32, #tpu.memory_space<vmem>>
      %dma_start3A_35 = arith.constant 0 : i32
      %dma_start3A_36 = arith.constant 0 : i32
      %dma_start3A_37 = tpu.memref_slice %arg11[%dma_start3A_35, %dma_start3A_36] : memref<10000x128xf32, #tpu.memory_space<vmem_shared>> -> memref<10000x128xf32, #tpu.memory_space<vmem_shared>>
      tpu.enqueue_indirect_dma source(%arg9 : memref<80x128xf32, #tpu.memory_space<vmem>>) target(%dma_start3A_37 : memref<10000x128xf32, #tpu.memory_space<vmem_shared>>) offsets(%dma_start3A_34 : memref<80xi32, #tpu.memory_space<vmem>>) semaphore(%run_scoped3A_31 : memref<!tpu.dma_semaphore, #tpu.memory_space<semaphore_mem>>) {add = true}
      %dma_wait3A_38 = arith.constant 0 : i32
      %dma_wait3A_39 = tpu.memref_slice %arg8[%run_scoped3A, %dma_wait3A_38] : memref<125x80xi32, #tpu.memory_space<vmem>> -> memref<1x80xi32, #tpu.memory_space<vmem>>
      %dma_wait3A_40 = tpu.memref_squeeze %dma_wait3A_39 : memref<1x80xi32, #tpu.memory_space<vmem>> -> memref<80xi32, #tpu.memory_space<vmem>>
      %dma_wait3A_41 = arith.constant 0 : i32
      %dma_wait3A_42 = arith.constant 0 : i32
      %dma_wait3A_43 = tpu.memref_slice %arg11[%dma_wait3A_41, %dma_wait3A_42] : memref<10000x128xf32, #tpu.memory_space<vmem_shared>> -> memref<10000x128xf32, #tpu.memory_space<vmem_shared>>
      tpu.wait_indirect_dma semaphore(%run_scoped3A_31 : memref<!tpu.dma_semaphore, #tpu.memory_space<semaphore_mem>>) src(%arg9 : memref<80x128xf32, #tpu.memory_space<vmem>>) dst(%dma_wait3A_43 : memref<10000x128xf32, #tpu.memory_space<vmem_shared>>)
      tpu.yield
    }) : () -> ()
    %barrier3A_18 = arith.constant 0 : index
    tpu.barrier barrier_id(%barrier3A_18)
    %mul3A_19 = arith.constant 624 : i32
    %mul3A_20 = arith.muli %arg1, %mul3A_19 : i32
    %mul3A_21 = arith.constant 10000 : i32
    %mul3A_22 = arith.muli %arg0, %mul3A_21 : i32
    %mul3A_23 = arith.constant 624 : i32
    %mul3A_24 = arith.muli %arg1, %mul3A_23 : i32
    %add3A_25 = arith.addi %mul3A_22, %mul3A_24 : i32
    "tpu.region"() ({
      %run_scoped3A_31 = tpu.sem_alloc : memref<!tpu.dma_semaphore, #tpu.memory_space<semaphore_mem>>
      %dma_start3A_32 = arith.constant 0 : i32
      %dma_start3A_33 = tpu.memref_slice %arg6[%add3A_25, %dma_start3A_32] : memref<20000x128xf32, #tpu.memory_space<hbm>> -> memref<624x128xf32, #tpu.memory_space<hbm>>
      %dma_start3A_34 = arith.constant 0 : i32
      %dma_start3A_35 = tpu.memref_slice %arg11[%mul3A_20, %dma_start3A_34] : memref<10000x128xf32, #tpu.memory_space<vmem_shared>> -> memref<624x128xf32, #tpu.memory_space<vmem_shared>>
      tpu.enqueue_dma source(%dma_start3A_35 : memref<624x128xf32, #tpu.memory_space<vmem_shared>>) target(%dma_start3A_33 : memref<624x128xf32, #tpu.memory_space<hbm>>) target_semaphore(%run_scoped3A_31 : memref<!tpu.dma_semaphore, #tpu.memory_space<semaphore_mem>>)
      %dma_wait3A_36 = arith.constant 0 : i32
      %dma_wait3A_37 = tpu.memref_slice %arg6[%add3A_25, %dma_wait3A_36] : memref<20000x128xf32, #tpu.memory_space<hbm>> -> memref<624x128xf32, #tpu.memory_space<hbm>>
      %dma_wait3A_38 = arith.constant 0 : i32
      %dma_wait3A_39 = tpu.memref_slice %arg11[%mul3A_20, %dma_wait3A_38] : memref<10000x128xf32, #tpu.memory_space<vmem_shared>> -> memref<624x128xf32, #tpu.memory_space<vmem_shared>>
      tpu.wait_dma2 semaphore(%run_scoped3A_31 : memref<!tpu.dma_semaphore, #tpu.memory_space<semaphore_mem>>) src(%dma_wait3A_39 : memref<624x128xf32, #tpu.memory_space<vmem_shared>>) dst(%dma_wait3A_37 : memref<624x128xf32, #tpu.memory_space<hbm>>)
      tpu.yield
    }) : () -> ()
    %eq3A_26 = arith.constant 15 : i32
    %eq3A_27 = arith.cmpi eq, %arg1, %eq3A_26 : i32
    %convert_element_type3A_28 = arith.extui %eq3A_27 : i1 to i32
    %cond3A_29 = arith.constant 0 : i32
    %cond3A_30 = arith.cmpi ne, %convert_element_type3A_28, %cond3A_29 : i32
    scf.if %cond3A_30 {
      %mul3A_31 = arith.constant 10000 : i32
      %mul3A_32 = arith.muli %arg0, %mul3A_31 : i32
      %add3A_33 = arith.constant 9984 : i32
      %add3A_34 = arith.addi %mul3A_32, %add3A_33 : i32
      "tpu.region"() ({
        %run_scoped3A_35 = tpu.sem_alloc : memref<!tpu.dma_semaphore, #tpu.memory_space<semaphore_mem>>
        %dma_start3A_36 = arith.constant 0 : i32
        %dma_start3A_37 = tpu.memref_slice %arg6[%add3A_34, %dma_start3A_36] : memref<20000x128xf32, #tpu.memory_space<hbm>> -> memref<16x128xf32, #tpu.memory_space<hbm>>
        %dma_start3A_38 = arith.constant 9984 : i32
        %dma_start3A_39 = arith.constant 0 : i32
        %dma_start3A_40 = tpu.memref_slice %arg11[%dma_start3A_38, %dma_start3A_39] : memref<10000x128xf32, #tpu.memory_space<vmem_shared>> -> memref<16x128xf32, #tpu.memory_space<vmem_shared>>
        tpu.enqueue_dma source(%dma_start3A_40 : memref<16x128xf32, #tpu.memory_space<vmem_shared>>) target(%dma_start3A_37 : memref<16x128xf32, #tpu.memory_space<hbm>>) target_semaphore(%run_scoped3A_35 : memref<!tpu.dma_semaphore, #tpu.memory_space<semaphore_mem>>)
        %dma_wait3A_41 = arith.constant 0 : i32
        %dma_wait3A_42 = tpu.memref_slice %arg6[%add3A_34, %dma_wait3A_41] : memref<20000x128xf32, #tpu.memory_space<hbm>> -> memref<16x128xf32, #tpu.memory_space<hbm>>
        %dma_wait3A_43 = arith.constant 9984 : i32
        %dma_wait3A_44 = arith.constant 0 : i32
        %dma_wait3A_45 = tpu.memref_slice %arg11[%dma_wait3A_43, %dma_wait3A_44] : memref<10000x128xf32, #tpu.memory_space<vmem_shared>> -> memref<16x128xf32, #tpu.memory_space<vmem_shared>>
        tpu.wait_dma2 semaphore(%run_scoped3A_35 : memref<!tpu.dma_semaphore, #tpu.memory_space<semaphore_mem>>) src(%dma_wait3A_45 : memref<16x128xf32, #tpu.memory_space<vmem_shared>>) dst(%dma_wait3A_42 : memref<16x128xf32, #tpu.memory_space<hbm>>)
        tpu.yield
      }) : () -> ()
    } else {
    }
    return
  }
}

module attributes {stable_mosaic.version = 14 : i64} {
  func.func @_tc_step1_body(%arg0: i32, %arg1: memref<2000x128xf32, #tpu.memory_space<vmem>>, %arg2: memref<2000x128xf32, #tpu.memory_space<vmem>>, %arg3: memref<2000x128xf32, #tpu.memory_space<vmem>>, %arg4: memref<256x384xf32, #tpu.memory_space<vmem>>, %arg5: memref<1x384xf32, #tpu.memory_space<vmem>>, %arg6: memref<1x384xf32, #tpu.memory_space<vmem>>, %arg7: memref<1x128xf32, #tpu.memory_space<vmem>>, %arg8: memref<1x128xf32, #tpu.memory_space<vmem>>, %arg9: memref<128x128xf32, #tpu.memory_space<vmem>>, %arg10: memref<1x128xf32, #tpu.memory_space<vmem>>, %arg11: memref<2000x128xf32, #tpu.memory_space<vmem>>, %arg12: memref<2000x128xf32, #tpu.memory_space<vmem>>) attributes {dimension_semantics = [#tpu.dimension_semantics<arbitrary>], iteration_bounds = array<i64: 5>, scalar_prefetch = 0 : i64, scratch_operands = 0 : i64, tpu.core_type = #tpu.core_type<tc>, window_params = [{transform_indices = @transform_0, window_bounds = array<i64: 2000, 128>}, {transform_indices = @transform_1, window_bounds = array<i64: 2000, 128>}, {transform_indices = @transform_2, window_bounds = array<i64: 2000, 128>}, {pipeline_mode = #tpu.pipeline_mode<synchronous>, transform_indices = @transform_3, window_bounds = array<i64: 256, 384>}, {pipeline_mode = #tpu.pipeline_mode<synchronous>, transform_indices = @transform_4, window_bounds = array<i64: 1, 384>}, {pipeline_mode = #tpu.pipeline_mode<synchronous>, transform_indices = @transform_5, window_bounds = array<i64: 1, 384>}, {pipeline_mode = #tpu.pipeline_mode<synchronous>, transform_indices = @transform_6, window_bounds = array<i64: 1, 128>}, {pipeline_mode = #tpu.pipeline_mode<synchronous>, transform_indices = @transform_7, window_bounds = array<i64: 1, 128>}, {pipeline_mode = #tpu.pipeline_mode<synchronous>, transform_indices = @transform_8, window_bounds = array<i64: 128, 128>}, {pipeline_mode = #tpu.pipeline_mode<synchronous>, transform_indices = @transform_9, window_bounds = array<i64: 1, 128>}, {transform_indices = @transform_10, window_bounds = array<i64: 2000, 128>}, {transform_indices = @transform_11, window_bounds = array<i64: 2000, 128>}]} {
    %get3A = arith.constant 0 : index
    %get3A_0 = arith.constant 0 : index
    %get3A_1 = vector.load %arg1[%get3A, %get3A_0] : memref<2000x128xf32, #tpu.memory_space<vmem>>, vector<2000x128xf32>
    %get3A_2 = arith.constant 0 : index
    %get3A_3 = arith.constant 0 : index
    %get3A_4 = vector.load %arg2[%get3A_2, %get3A_3] : memref<2000x128xf32, #tpu.memory_space<vmem>>, vector<2000x128xf32>
    %add3A = arith.addf %get3A_1, %get3A_4 : vector<2000x128xf32>
    %get3A_5 = arith.constant 0 : index
    %get3A_6 = arith.constant 0 : index
    %get3A_7 = vector.load %arg3[%get3A_5, %get3A_6] : memref<2000x128xf32, #tpu.memory_space<vmem>>, vector<2000x128xf32>
    %concatenate3A = tpu.concatenate %add3A, %get3A_7 in 1 : vector<2000x128xf32>, vector<2000x128xf32> -> vector<2000x256xf32>
    %get3A_8 = arith.constant 0 : index
    %get3A_9 = arith.constant 0 : index
    %get3A_10 = vector.load %arg4[%get3A_8, %get3A_9] : memref<256x384xf32, #tpu.memory_space<vmem>>, vector<256x384xf32>
    %dot_general3A = arith.constant dense<0.000000e+00> : vector<2000x384xf32>
    %dot_general3A_11 = tpu.matmul %concatenate3A, %get3A_10, %dot_general3A {dimension_numbers = #tpu.dot_dimension_numbers<[1], [0], [0], [1], [0, 0, 1, 1], [], []>, transpose_lhs_hint = false} : vector<2000x256xf32>, vector<256x384xf32>, vector<2000x384xf32> -> vector<2000x384xf32>
    %get3A_12 = arith.constant 0 : index
    %get3A_13 = arith.constant 0 : index
    %get3A_14 = vector.load %arg6[%get3A_12, %get3A_13] : memref<1x384xf32, #tpu.memory_space<vmem>>, vector<1x384xf32>
    %add3A_15 = vector.broadcast %get3A_14 : vector<1x384xf32> to vector<2000x384xf32>
    %add3A_16 = arith.addf %dot_general3A_11, %add3A_15 : vector<2000x384xf32>
    %get3A_17 = arith.constant 0 : index
    %get3A_18 = arith.constant 0 : index
    %get3A_19 = vector.load %arg5[%get3A_17, %get3A_18] : memref<1x384xf32, #tpu.memory_space<vmem>>, vector<1x384xf32>
    %slice3A = vector.extract_strided_slice %add3A_16 {offsets = [0, 0], sizes = [2000, 128], strides = [1, 1]} : vector<2000x384xf32> to vector<2000x128xf32>
    %slice3A_20 = vector.extract_strided_slice %get3A_19 {offsets = [0, 0], sizes = [1, 128], strides = [1, 1]} : vector<1x384xf32> to vector<1x128xf32>
    %add3A_21 = vector.broadcast %slice3A_20 : vector<1x128xf32> to vector<2000x128xf32>
    %add3A_22 = arith.addf %slice3A, %add3A_21 : vector<2000x128xf32>
    %logistic3A = arith.negf %add3A_22 : vector<2000x128xf32>
    %logistic3A_23 = math.exp %logistic3A : vector<2000x128xf32>
    %logistic3A_24 = arith.constant 1.000000e+00 : f32
    %logistic3A_25 = vector.broadcast %logistic3A_24 : f32 to vector<2000x128xf32>
    %logistic3A_26 = arith.addf %logistic3A_25, %logistic3A_23 : vector<2000x128xf32>
    %logistic3A_27 = arith.divf %logistic3A_25, %logistic3A_26 : vector<2000x128xf32>
    %slice3A_28 = vector.extract_strided_slice %add3A_16 {offsets = [0, 128], sizes = [2000, 128], strides = [1, 1]} : vector<2000x384xf32> to vector<2000x128xf32>
    %slice3A_29 = vector.extract_strided_slice %get3A_19 {offsets = [0, 128], sizes = [1, 128], strides = [1, 1]} : vector<1x384xf32> to vector<1x128xf32>
    %add3A_30 = vector.broadcast %slice3A_29 : vector<1x128xf32> to vector<2000x128xf32>
    %add3A_31 = arith.addf %slice3A_28, %add3A_30 : vector<2000x128xf32>
    %logistic3A_32 = arith.negf %add3A_31 : vector<2000x128xf32>
    %logistic3A_33 = math.exp %logistic3A_32 : vector<2000x128xf32>
    %logistic3A_34 = arith.constant 1.000000e+00 : f32
    %logistic3A_35 = vector.broadcast %logistic3A_34 : f32 to vector<2000x128xf32>
    %logistic3A_36 = arith.addf %logistic3A_35, %logistic3A_33 : vector<2000x128xf32>
    %logistic3A_37 = arith.divf %logistic3A_35, %logistic3A_36 : vector<2000x128xf32>
    %slice3A_38 = vector.extract_strided_slice %add3A_16 {offsets = [0, 256], sizes = [2000, 128], strides = [1, 1]} : vector<2000x384xf32> to vector<2000x128xf32>
    %slice3A_39 = vector.extract_strided_slice %get3A_19 {offsets = [0, 256], sizes = [1, 128], strides = [1, 1]} : vector<1x384xf32> to vector<1x128xf32>
    %mul3A = vector.broadcast %slice3A_39 : vector<1x128xf32> to vector<2000x128xf32>
    %mul3A_40 = arith.mulf %logistic3A_27, %mul3A : vector<2000x128xf32>
    %add3A_41 = arith.addf %slice3A_38, %mul3A_40 : vector<2000x128xf32>
    %tanh3A = math.tanh %add3A_41 : vector<2000x128xf32>
    %sub3A = arith.constant 1.000000e+00 : f32
    %sub3A_42 = vector.broadcast %sub3A : f32 to vector<2000x128xf32>
    %sub3A_43 = arith.subf %sub3A_42, %logistic3A_37 : vector<2000x128xf32>
    %mul3A_44 = arith.mulf %sub3A_43, %tanh3A : vector<2000x128xf32>
    %add3A_45 = arith.addf %mul3A_44, %logistic3A_37 : vector<2000x128xf32>
    %get3A_46 = arith.constant 0 : index
    %get3A_47 = arith.constant 0 : index
    %get3A_48 = vector.load %arg7[%get3A_46, %get3A_47] : memref<1x128xf32, #tpu.memory_space<vmem>>, vector<1x128xf32>
    %get3A_49 = arith.constant 0 : index
    %get3A_50 = arith.constant 0 : index
    %get3A_51 = vector.load %arg8[%get3A_49, %get3A_50] : memref<1x128xf32, #tpu.memory_space<vmem>>, vector<1x128xf32>
    %slice3A_52 = vector.extract_strided_slice %add3A_45 {offsets = [0, 0], sizes = [2000, 8], strides = [1, 1]} : vector<2000x128xf32> to vector<2000x8xf32>
    %mul3A_53 = arith.constant 0.000000e+00 : f32
    %mul3A_54 = vector.broadcast %mul3A_53 : f32 to vector<2000x8xf32>
    %mul3A_55 = arith.mulf %slice3A_52, %mul3A_54 : vector<2000x8xf32>
    %slice3A_56 = vector.extract_strided_slice %add3A_45 {offsets = [0, 0], sizes = [2000, 8], strides = [1, 1]} : vector<2000x128xf32> to vector<2000x8xf32>
    %add3A_57 = arith.addf %mul3A_55, %slice3A_56 : vector<2000x8xf32>
    %slice3A_58 = vector.extract_strided_slice %add3A_45 {offsets = [0, 8], sizes = [2000, 8], strides = [1, 1]} : vector<2000x128xf32> to vector<2000x8xf32>
    %add3A_59 = arith.addf %add3A_57, %slice3A_58 : vector<2000x8xf32>
    %slice3A_60 = vector.extract_strided_slice %add3A_45 {offsets = [0, 16], sizes = [2000, 8], strides = [1, 1]} : vector<2000x128xf32> to vector<2000x8xf32>
    %add3A_61 = arith.addf %add3A_59, %slice3A_60 : vector<2000x8xf32>
    %slice3A_62 = vector.extract_strided_slice %add3A_45 {offsets = [0, 24], sizes = [2000, 8], strides = [1, 1]} : vector<2000x128xf32> to vector<2000x8xf32>
    %add3A_63 = arith.addf %add3A_61, %slice3A_62 : vector<2000x8xf32>
    %slice3A_64 = vector.extract_strided_slice %add3A_45 {offsets = [0, 32], sizes = [2000, 8], strides = [1, 1]} : vector<2000x128xf32> to vector<2000x8xf32>
    %add3A_65 = arith.addf %add3A_63, %slice3A_64 : vector<2000x8xf32>
    %slice3A_66 = vector.extract_strided_slice %add3A_45 {offsets = [0, 40], sizes = [2000, 8], strides = [1, 1]} : vector<2000x128xf32> to vector<2000x8xf32>
    %add3A_67 = arith.addf %add3A_65, %slice3A_66 : vector<2000x8xf32>
    %slice3A_68 = vector.extract_strided_slice %add3A_45 {offsets = [0, 48], sizes = [2000, 8], strides = [1, 1]} : vector<2000x128xf32> to vector<2000x8xf32>
    %add3A_69 = arith.addf %add3A_67, %slice3A_68 : vector<2000x8xf32>
    %slice3A_70 = vector.extract_strided_slice %add3A_45 {offsets = [0, 56], sizes = [2000, 8], strides = [1, 1]} : vector<2000x128xf32> to vector<2000x8xf32>
    %add3A_71 = arith.addf %add3A_69, %slice3A_70 : vector<2000x8xf32>
    %slice3A_72 = vector.extract_strided_slice %add3A_45 {offsets = [0, 64], sizes = [2000, 8], strides = [1, 1]} : vector<2000x128xf32> to vector<2000x8xf32>
    %add3A_73 = arith.addf %add3A_71, %slice3A_72 : vector<2000x8xf32>
    %slice3A_74 = vector.extract_strided_slice %add3A_45 {offsets = [0, 72], sizes = [2000, 8], strides = [1, 1]} : vector<2000x128xf32> to vector<2000x8xf32>
    %add3A_75 = arith.addf %add3A_73, %slice3A_74 : vector<2000x8xf32>
    %slice3A_76 = vector.extract_strided_slice %add3A_45 {offsets = [0, 80], sizes = [2000, 8], strides = [1, 1]} : vector<2000x128xf32> to vector<2000x8xf32>
    %add3A_77 = arith.addf %add3A_75, %slice3A_76 : vector<2000x8xf32>
    %slice3A_78 = vector.extract_strided_slice %add3A_45 {offsets = [0, 88], sizes = [2000, 8], strides = [1, 1]} : vector<2000x128xf32> to vector<2000x8xf32>
    %add3A_79 = arith.addf %add3A_77, %slice3A_78 : vector<2000x8xf32>
    %slice3A_80 = vector.extract_strided_slice %add3A_45 {offsets = [0, 96], sizes = [2000, 8], strides = [1, 1]} : vector<2000x128xf32> to vector<2000x8xf32>
    %add3A_81 = arith.addf %add3A_79, %slice3A_80 : vector<2000x8xf32>
    %slice3A_82 = vector.extract_strided_slice %add3A_45 {offsets = [0, 104], sizes = [2000, 8], strides = [1, 1]} : vector<2000x128xf32> to vector<2000x8xf32>
    %add3A_83 = arith.addf %add3A_81, %slice3A_82 : vector<2000x8xf32>
    %slice3A_84 = vector.extract_strided_slice %add3A_45 {offsets = [0, 112], sizes = [2000, 8], strides = [1, 1]} : vector<2000x128xf32> to vector<2000x8xf32>
    %add3A_85 = arith.addf %add3A_83, %slice3A_84 : vector<2000x8xf32>
    %slice3A_86 = vector.extract_strided_slice %add3A_45 {offsets = [0, 120], sizes = [2000, 8], strides = [1, 1]} : vector<2000x128xf32> to vector<2000x8xf32>
    %add3A_87 = arith.addf %add3A_85, %slice3A_86 : vector<2000x8xf32>
    %slice3A_88 = vector.extract_strided_slice %add3A_87 {offsets = [0, 0], sizes = [2000, 4], strides = [1, 1]} : vector<2000x8xf32> to vector<2000x4xf32>
    %slice3A_89 = vector.extract_strided_slice %add3A_87 {offsets = [0, 4], sizes = [2000, 4], strides = [1, 1]} : vector<2000x8xf32> to vector<2000x4xf32>
    %add3A_90 = arith.addf %slice3A_88, %slice3A_89 : vector<2000x4xf32>
    %slice3A_91 = vector.extract_strided_slice %add3A_90 {offsets = [0, 0], sizes = [2000, 2], strides = [1, 1]} : vector<2000x4xf32> to vector<2000x2xf32>
    %slice3A_92 = vector.extract_strided_slice %add3A_90 {offsets = [0, 2], sizes = [2000, 2], strides = [1, 1]} : vector<2000x4xf32> to vector<2000x2xf32>
    %add3A_93 = arith.addf %slice3A_91, %slice3A_92 : vector<2000x2xf32>
    %slice3A_94 = vector.extract_strided_slice %add3A_93 {offsets = [0, 0], sizes = [2000, 1], strides = [1, 1]} : vector<2000x2xf32> to vector<2000x1xf32>
    %slice3A_95 = vector.extract_strided_slice %add3A_93 {offsets = [0, 1], sizes = [2000, 1], strides = [1, 1]} : vector<2000x2xf32> to vector<2000x1xf32>
    %add3A_96 = arith.addf %slice3A_94, %slice3A_95 : vector<2000x1xf32>
    %mul3A_97 = arith.constant 7.812500e-03 : f32
    %mul3A_98 = vector.broadcast %mul3A_97 : f32 to vector<2000x1xf32>
    %mul3A_99 = arith.mulf %add3A_96, %mul3A_98 : vector<2000x1xf32>
    %sub3A_100 = vector.broadcast %mul3A_99 : vector<2000x1xf32> to vector<2000x128xf32>
    %sub3A_101 = arith.subf %add3A_45, %sub3A_100 : vector<2000x128xf32>
    %integer_pow3A = arith.mulf %sub3A_101, %sub3A_101 : vector<2000x128xf32>
    %slice3A_102 = vector.extract_strided_slice %integer_pow3A {offsets = [0, 0], sizes = [2000, 8], strides = [1, 1]} : vector<2000x128xf32> to vector<2000x8xf32>
    %mul3A_103 = arith.constant 0.000000e+00 : f32
    %mul3A_104 = vector.broadcast %mul3A_103 : f32 to vector<2000x8xf32>
    %mul3A_105 = arith.mulf %slice3A_102, %mul3A_104 : vector<2000x8xf32>
    %slice3A_106 = vector.extract_strided_slice %integer_pow3A {offsets = [0, 0], sizes = [2000, 8], strides = [1, 1]} : vector<2000x128xf32> to vector<2000x8xf32>
    %add3A_107 = arith.addf %mul3A_105, %slice3A_106 : vector<2000x8xf32>
    %slice3A_108 = vector.extract_strided_slice %integer_pow3A {offsets = [0, 8], sizes = [2000, 8], strides = [1, 1]} : vector<2000x128xf32> to vector<2000x8xf32>
    %add3A_109 = arith.addf %add3A_107, %slice3A_108 : vector<2000x8xf32>
    %slice3A_110 = vector.extract_strided_slice %integer_pow3A {offsets = [0, 16], sizes = [2000, 8], strides = [1, 1]} : vector<2000x128xf32> to vector<2000x8xf32>
    %add3A_111 = arith.addf %add3A_109, %slice3A_110 : vector<2000x8xf32>
    %slice3A_112 = vector.extract_strided_slice %integer_pow3A {offsets = [0, 24], sizes = [2000, 8], strides = [1, 1]} : vector<2000x128xf32> to vector<2000x8xf32>
    %add3A_113 = arith.addf %add3A_111, %slice3A_112 : vector<2000x8xf32>
    %slice3A_114 = vector.extract_strided_slice %integer_pow3A {offsets = [0, 32], sizes = [2000, 8], strides = [1, 1]} : vector<2000x128xf32> to vector<2000x8xf32>
    %add3A_115 = arith.addf %add3A_113, %slice3A_114 : vector<2000x8xf32>
    %slice3A_116 = vector.extract_strided_slice %integer_pow3A {offsets = [0, 40], sizes = [2000, 8], strides = [1, 1]} : vector<2000x128xf32> to vector<2000x8xf32>
    %add3A_117 = arith.addf %add3A_115, %slice3A_116 : vector<2000x8xf32>
    %slice3A_118 = vector.extract_strided_slice %integer_pow3A {offsets = [0, 48], sizes = [2000, 8], strides = [1, 1]} : vector<2000x128xf32> to vector<2000x8xf32>
    %add3A_119 = arith.addf %add3A_117, %slice3A_118 : vector<2000x8xf32>
    %slice3A_120 = vector.extract_strided_slice %integer_pow3A {offsets = [0, 56], sizes = [2000, 8], strides = [1, 1]} : vector<2000x128xf32> to vector<2000x8xf32>
    %add3A_121 = arith.addf %add3A_119, %slice3A_120 : vector<2000x8xf32>
    %slice3A_122 = vector.extract_strided_slice %integer_pow3A {offsets = [0, 64], sizes = [2000, 8], strides = [1, 1]} : vector<2000x128xf32> to vector<2000x8xf32>
    %add3A_123 = arith.addf %add3A_121, %slice3A_122 : vector<2000x8xf32>
    %slice3A_124 = vector.extract_strided_slice %integer_pow3A {offsets = [0, 72], sizes = [2000, 8], strides = [1, 1]} : vector<2000x128xf32> to vector<2000x8xf32>
    %add3A_125 = arith.addf %add3A_123, %slice3A_124 : vector<2000x8xf32>
    %slice3A_126 = vector.extract_strided_slice %integer_pow3A {offsets = [0, 80], sizes = [2000, 8], strides = [1, 1]} : vector<2000x128xf32> to vector<2000x8xf32>
    %add3A_127 = arith.addf %add3A_125, %slice3A_126 : vector<2000x8xf32>
    %slice3A_128 = vector.extract_strided_slice %integer_pow3A {offsets = [0, 88], sizes = [2000, 8], strides = [1, 1]} : vector<2000x128xf32> to vector<2000x8xf32>
    %add3A_129 = arith.addf %add3A_127, %slice3A_128 : vector<2000x8xf32>
    %slice3A_130 = vector.extract_strided_slice %integer_pow3A {offsets = [0, 96], sizes = [2000, 8], strides = [1, 1]} : vector<2000x128xf32> to vector<2000x8xf32>
    %add3A_131 = arith.addf %add3A_129, %slice3A_130 : vector<2000x8xf32>
    %slice3A_132 = vector.extract_strided_slice %integer_pow3A {offsets = [0, 104], sizes = [2000, 8], strides = [1, 1]} : vector<2000x128xf32> to vector<2000x8xf32>
    %add3A_133 = arith.addf %add3A_131, %slice3A_132 : vector<2000x8xf32>
    %slice3A_134 = vector.extract_strided_slice %integer_pow3A {offsets = [0, 112], sizes = [2000, 8], strides = [1, 1]} : vector<2000x128xf32> to vector<2000x8xf32>
    %add3A_135 = arith.addf %add3A_133, %slice3A_134 : vector<2000x8xf32>
    %slice3A_136 = vector.extract_strided_slice %integer_pow3A {offsets = [0, 120], sizes = [2000, 8], strides = [1, 1]} : vector<2000x128xf32> to vector<2000x8xf32>
    %add3A_137 = arith.addf %add3A_135, %slice3A_136 : vector<2000x8xf32>
    %slice3A_138 = vector.extract_strided_slice %add3A_137 {offsets = [0, 0], sizes = [2000, 4], strides = [1, 1]} : vector<2000x8xf32> to vector<2000x4xf32>
    %slice3A_139 = vector.extract_strided_slice %add3A_137 {offsets = [0, 4], sizes = [2000, 4], strides = [1, 1]} : vector<2000x8xf32> to vector<2000x4xf32>
    %add3A_140 = arith.addf %slice3A_138, %slice3A_139 : vector<2000x4xf32>
    %slice3A_141 = vector.extract_strided_slice %add3A_140 {offsets = [0, 0], sizes = [2000, 2], strides = [1, 1]} : vector<2000x4xf32> to vector<2000x2xf32>
    %slice3A_142 = vector.extract_strided_slice %add3A_140 {offsets = [0, 2], sizes = [2000, 2], strides = [1, 1]} : vector<2000x4xf32> to vector<2000x2xf32>
    %add3A_143 = arith.addf %slice3A_141, %slice3A_142 : vector<2000x2xf32>
    %slice3A_144 = vector.extract_strided_slice %add3A_143 {offsets = [0, 0], sizes = [2000, 1], strides = [1, 1]} : vector<2000x2xf32> to vector<2000x1xf32>
    %slice3A_145 = vector.extract_strided_slice %add3A_143 {offsets = [0, 1], sizes = [2000, 1], strides = [1, 1]} : vector<2000x2xf32> to vector<2000x1xf32>
    %add3A_146 = arith.addf %slice3A_144, %slice3A_145 : vector<2000x1xf32>
    %mul3A_147 = arith.constant 7.812500e-03 : f32
    %mul3A_148 = vector.broadcast %mul3A_147 : f32 to vector<2000x1xf32>
    %mul3A_149 = arith.mulf %add3A_146, %mul3A_148 : vector<2000x1xf32>
    %sub3A_150 = vector.broadcast %mul3A_99 : vector<2000x1xf32> to vector<2000x128xf32>
    %sub3A_151 = arith.subf %add3A_45, %sub3A_150 : vector<2000x128xf32>
    %add3A_152 = arith.constant 9.99999974E-6 : f32
    %add3A_153 = vector.broadcast %add3A_152 : f32 to vector<2000x1xf32>
    %add3A_154 = arith.addf %mul3A_149, %add3A_153 : vector<2000x1xf32>
    %sqrt3A = math.sqrt %add3A_154 : vector<2000x1xf32>
    %div3A = vector.broadcast %sqrt3A : vector<2000x1xf32> to vector<2000x128xf32>
    %div3A_155 = arith.divf %sub3A_151, %div3A : vector<2000x128xf32>
    %mul3A_156 = vector.broadcast %get3A_48 : vector<1x128xf32> to vector<2000x128xf32>
    %mul3A_157 = arith.mulf %div3A_155, %mul3A_156 : vector<2000x128xf32>
    %add3A_158 = vector.broadcast %get3A_51 : vector<1x128xf32> to vector<2000x128xf32>
    %add3A_159 = arith.addf %mul3A_157, %add3A_158 : vector<2000x128xf32>
    %swap3A = arith.constant 0 : index
    %swap3A_160 = arith.constant 0 : index
    %swap3A_161 = vector.load %arg11[%swap3A, %swap3A_160] : memref<2000x128xf32, #tpu.memory_space<vmem>>, vector<2000x128xf32>
    tpu.vector_store %arg11[%swap3A, %swap3A_160], %add3A_159 {strides = array<i32>} : memref<2000x128xf32, #tpu.memory_space<vmem>>, vector<2000x128xf32>,
    %get3A_162 = arith.constant 0 : index
    %get3A_163 = arith.constant 0 : index
    %get3A_164 = vector.load %arg9[%get3A_162, %get3A_163] : memref<128x128xf32, #tpu.memory_space<vmem>>, vector<128x128xf32>
    %dot_general3A_165 = arith.constant dense<0.000000e+00> : vector<2000x128xf32>
    %dot_general3A_166 = tpu.matmul %add3A_159, %get3A_164, %dot_general3A_165 {dimension_numbers = #tpu.dot_dimension_numbers<[1], [0], [0], [1], [0, 0, 1, 1], [], []>, transpose_lhs_hint = false} : vector<2000x128xf32>, vector<128x128xf32>, vector<2000x128xf32> -> vector<2000x128xf32>
    %get3A_167 = arith.constant 0 : index
    %get3A_168 = arith.constant 0 : index
    %get3A_169 = vector.load %arg10[%get3A_167, %get3A_168] : memref<1x128xf32, #tpu.memory_space<vmem>>, vector<1x128xf32>
    %add3A_170 = vector.broadcast %get3A_169 : vector<1x128xf32> to vector<2000x128xf32>
    %add3A_171 = arith.addf %dot_general3A_166, %add3A_170 : vector<2000x128xf32>
    %swap3A_172 = arith.constant 0 : index
    %swap3A_173 = arith.constant 0 : index
    %swap3A_174 = vector.load %arg12[%swap3A_172, %swap3A_173] : memref<2000x128xf32, #tpu.memory_space<vmem>>, vector<2000x128xf32>
    tpu.vector_store %arg12[%swap3A_172, %swap3A_173], %add3A_171 {strides = array<i32>} : memref<2000x128xf32, #tpu.memory_space<vmem>>, vector<2000x128xf32>,
    return
  }
  func.func @transform_0(%arg0: i32) -> (i32, i32) {
    %c0_i32 = arith.constant 0 : i32
    %c0_i32_0 = arith.constant 0 : i32
    return %arg0, %c0_i32 : i32, i32
  }
  func.func @transform_1(%arg0: i32) -> (i32, i32) {
    %c0_i32 = arith.constant 0 : i32
    %c0_i32_0 = arith.constant 0 : i32
    return %arg0, %c0_i32 : i32, i32
  }
  func.func @transform_2(%arg0: i32) -> (i32, i32) {
    %c0_i32 = arith.constant 0 : i32
    %c0_i32_0 = arith.constant 0 : i32
    return %arg0, %c0_i32 : i32, i32
  }
  func.func @transform_3(%arg0: i32) -> (i32, i32) {
    %c0_i32 = arith.constant 0 : i32
    %c0_i32_0 = arith.constant 0 : i32
    %c0_i32_1 = arith.constant 0 : i32
    return %c0_i32, %c0_i32_0 : i32, i32
  }
  func.func @transform_4(%arg0: i32) -> (i32, i32) {
    %c0_i32 = arith.constant 0 : i32
    %c0_i32_0 = arith.constant 0 : i32
    %c0_i32_1 = arith.constant 0 : i32
    return %c0_i32, %c0_i32_0 : i32, i32
  }
  func.func @transform_5(%arg0: i32) -> (i32, i32) {
    %c0_i32 = arith.constant 0 : i32
    %c0_i32_0 = arith.constant 0 : i32
    %c0_i32_1 = arith.constant 0 : i32
    return %c0_i32, %c0_i32_0 : i32, i32
  }
  func.func @transform_6(%arg0: i32) -> (i32, i32) {
    %c0_i32 = arith.constant 0 : i32
    %c0_i32_0 = arith.constant 0 : i32
    %c0_i32_1 = arith.constant 0 : i32
    return %c0_i32, %c0_i32_0 : i32, i32
  }
  func.func @transform_7(%arg0: i32) -> (i32, i32) {
    %c0_i32 = arith.constant 0 : i32
    %c0_i32_0 = arith.constant 0 : i32
    %c0_i32_1 = arith.constant 0 : i32
    return %c0_i32, %c0_i32_0 : i32, i32
  }
  func.func @transform_8(%arg0: i32) -> (i32, i32) {
    %c0_i32 = arith.constant 0 : i32
    %c0_i32_0 = arith.constant 0 : i32
    %c0_i32_1 = arith.constant 0 : i32
    return %c0_i32, %c0_i32_0 : i32, i32
  }
  func.func @transform_9(%arg0: i32) -> (i32, i32) {
    %c0_i32 = arith.constant 0 : i32
    %c0_i32_0 = arith.constant 0 : i32
    %c0_i32_1 = arith.constant 0 : i32
    return %c0_i32, %c0_i32_0 : i32, i32
  }
  func.func @transform_10(%arg0: i32) -> (i32, i32) {
    %c0_i32 = arith.constant 0 : i32
    %c0_i32_0 = arith.constant 0 : i32
    return %arg0, %c0_i32 : i32, i32
  }
  func.func @transform_11(%arg0: i32) -> (i32, i32) {
    %c0_i32 = arith.constant 0 : i32
    %c0_i32_0 = arith.constant 0 : i32
    return %arg0, %c0_i32 : i32, i32
  }
}

module attributes {stable_mosaic.version = 14 : i64} {
  func.func @_tc_step_body(%arg0: i32, %arg1: memref<2000x128xf32, #tpu.memory_space<vmem>>, %arg2: memref<2000x128xf32, #tpu.memory_space<vmem>>, %arg3: memref<2000x128xf32, #tpu.memory_space<vmem>>, %arg4: memref<2000x128xf32, #tpu.memory_space<vmem>>, %arg5: memref<256x384xf32, #tpu.memory_space<vmem>>, %arg6: memref<128x384xf32, #tpu.memory_space<vmem>>, %arg7: memref<1x384xf32, #tpu.memory_space<vmem>>, %arg8: memref<1x384xf32, #tpu.memory_space<vmem>>, %arg9: memref<1x128xf32, #tpu.memory_space<vmem>>, %arg10: memref<1x128xf32, #tpu.memory_space<vmem>>, %arg11: memref<128x128xf32, #tpu.memory_space<vmem>>, %arg12: memref<1x128xf32, #tpu.memory_space<vmem>>, %arg13: memref<2000x128xf32, #tpu.memory_space<vmem>>, %arg14: memref<2000x128xf32, #tpu.memory_space<vmem>>) attributes {dimension_semantics = [#tpu.dimension_semantics<arbitrary>], iteration_bounds = array<i64: 5>, scalar_prefetch = 0 : i64, scratch_operands = 0 : i64, tpu.core_type = #tpu.core_type<tc>, window_params = [{transform_indices = @transform_0, window_bounds = array<i64: 2000, 128>}, {transform_indices = @transform_1, window_bounds = array<i64: 2000, 128>}, {transform_indices = @transform_2, window_bounds = array<i64: 2000, 128>}, {transform_indices = @transform_3, window_bounds = array<i64: 2000, 128>}, {pipeline_mode = #tpu.pipeline_mode<synchronous>, transform_indices = @transform_4, window_bounds = array<i64: 256, 384>}, {pipeline_mode = #tpu.pipeline_mode<synchronous>, transform_indices = @transform_5, window_bounds = array<i64: 128, 384>}, {pipeline_mode = #tpu.pipeline_mode<synchronous>, transform_indices = @transform_6, window_bounds = array<i64: 1, 384>}, {pipeline_mode = #tpu.pipeline_mode<synchronous>, transform_indices = @transform_7, window_bounds = array<i64: 1, 384>}, {pipeline_mode = #tpu.pipeline_mode<synchronous>, transform_indices = @transform_8, window_bounds = array<i64: 1, 128>}, {pipeline_mode = #tpu.pipeline_mode<synchronous>, transform_indices = @transform_9, window_bounds = array<i64: 1, 128>}, {pipeline_mode = #tpu.pipeline_mode<synchronous>, transform_indices = @transform_10, window_bounds = array<i64: 128, 128>}, {pipeline_mode = #tpu.pipeline_mode<synchronous>, transform_indices = @transform_11, window_bounds = array<i64: 1, 128>}, {transform_indices = @transform_12, window_bounds = array<i64: 2000, 128>}, {transform_indices = @transform_13, window_bounds = array<i64: 2000, 128>}]} {
    %get3A = arith.constant 0 : index
    %get3A_0 = arith.constant 0 : index
    %get3A_1 = vector.load %arg1[%get3A, %get3A_0] : memref<2000x128xf32, #tpu.memory_space<vmem>>, vector<2000x128xf32>
    %get3A_2 = arith.constant 0 : index
    %get3A_3 = arith.constant 0 : index
    %get3A_4 = vector.load %arg2[%get3A_2, %get3A_3] : memref<2000x128xf32, #tpu.memory_space<vmem>>, vector<2000x128xf32>
    %add3A = arith.addf %get3A_1, %get3A_4 : vector<2000x128xf32>
    %get3A_5 = arith.constant 0 : index
    %get3A_6 = arith.constant 0 : index
    %get3A_7 = vector.load %arg3[%get3A_5, %get3A_6] : memref<2000x128xf32, #tpu.memory_space<vmem>>, vector<2000x128xf32>
    %get3A_8 = arith.constant 0 : index
    %get3A_9 = arith.constant 0 : index
    %get3A_10 = vector.load %arg4[%get3A_8, %get3A_9] : memref<2000x128xf32, #tpu.memory_space<vmem>>, vector<2000x128xf32>
    %concatenate3A = tpu.concatenate %add3A, %get3A_7 in 1 : vector<2000x128xf32>, vector<2000x128xf32> -> vector<2000x256xf32>
    %get3A_11 = arith.constant 0 : index
    %get3A_12 = arith.constant 0 : index
    %get3A_13 = vector.load %arg5[%get3A_11, %get3A_12] : memref<256x384xf32, #tpu.memory_space<vmem>>, vector<256x384xf32>
    %dot_general3A = arith.constant dense<0.000000e+00> : vector<2000x384xf32>
    %dot_general3A_14 = tpu.matmul %concatenate3A, %get3A_13, %dot_general3A {dimension_numbers = #tpu.dot_dimension_numbers<[1], [0], [0], [1], [0, 0, 1, 1], [], []>, transpose_lhs_hint = false} : vector<2000x256xf32>, vector<256x384xf32>, vector<2000x384xf32> -> vector<2000x384xf32>
    %get3A_15 = arith.constant 0 : index
    %get3A_16 = arith.constant 0 : index
    %get3A_17 = vector.load %arg7[%get3A_15, %get3A_16] : memref<1x384xf32, #tpu.memory_space<vmem>>, vector<1x384xf32>
    %add3A_18 = vector.broadcast %get3A_17 : vector<1x384xf32> to vector<2000x384xf32>
    %add3A_19 = arith.addf %dot_general3A_14, %add3A_18 : vector<2000x384xf32>
    %get3A_20 = arith.constant 0 : index
    %get3A_21 = arith.constant 0 : index
    %get3A_22 = vector.load %arg6[%get3A_20, %get3A_21] : memref<128x384xf32, #tpu.memory_space<vmem>>, vector<128x384xf32>
    %dot_general3A_23 = arith.constant dense<0.000000e+00> : vector<2000x384xf32>
    %dot_general3A_24 = tpu.matmul %get3A_10, %get3A_22, %dot_general3A_23 {dimension_numbers = #tpu.dot_dimension_numbers<[1], [0], [0], [1], [0, 0, 1, 1], [], []>, transpose_lhs_hint = false} : vector<2000x128xf32>, vector<128x384xf32>, vector<2000x384xf32> -> vector<2000x384xf32>
    %get3A_25 = arith.constant 0 : index
    %get3A_26 = arith.constant 0 : index
    %get3A_27 = vector.load %arg8[%get3A_25, %get3A_26] : memref<1x384xf32, #tpu.memory_space<vmem>>, vector<1x384xf32>
    %add3A_28 = vector.broadcast %get3A_27 : vector<1x384xf32> to vector<2000x384xf32>
    %add3A_29 = arith.addf %dot_general3A_24, %add3A_28 : vector<2000x384xf32>
    %slice3A = vector.extract_strided_slice %add3A_19 {offsets = [0, 0], sizes = [2000, 128], strides = [1, 1]} : vector<2000x384xf32> to vector<2000x128xf32>
    %slice3A_30 = vector.extract_strided_slice %add3A_29 {offsets = [0, 0], sizes = [2000, 128], strides = [1, 1]} : vector<2000x384xf32> to vector<2000x128xf32>
    %add3A_31 = arith.addf %slice3A, %slice3A_30 : vector<2000x128xf32>
    %logistic3A = arith.negf %add3A_31 : vector<2000x128xf32>
    %logistic3A_32 = math.exp %logistic3A : vector<2000x128xf32>
    %logistic3A_33 = arith.constant 1.000000e+00 : f32
    %logistic3A_34 = vector.broadcast %logistic3A_33 : f32 to vector<2000x128xf32>
    %logistic3A_35 = arith.addf %logistic3A_34, %logistic3A_32 : vector<2000x128xf32>
    %logistic3A_36 = arith.divf %logistic3A_34, %logistic3A_35 : vector<2000x128xf32>
    %slice3A_37 = vector.extract_strided_slice %add3A_19 {offsets = [0, 128], sizes = [2000, 128], strides = [1, 1]} : vector<2000x384xf32> to vector<2000x128xf32>
    %slice3A_38 = vector.extract_strided_slice %add3A_29 {offsets = [0, 128], sizes = [2000, 128], strides = [1, 1]} : vector<2000x384xf32> to vector<2000x128xf32>
    %add3A_39 = arith.addf %slice3A_37, %slice3A_38 : vector<2000x128xf32>
    %logistic3A_40 = arith.negf %add3A_39 : vector<2000x128xf32>
    %logistic3A_41 = math.exp %logistic3A_40 : vector<2000x128xf32>
    %logistic3A_42 = arith.constant 1.000000e+00 : f32
    %logistic3A_43 = vector.broadcast %logistic3A_42 : f32 to vector<2000x128xf32>
    %logistic3A_44 = arith.addf %logistic3A_43, %logistic3A_41 : vector<2000x128xf32>
    %logistic3A_45 = arith.divf %logistic3A_43, %logistic3A_44 : vector<2000x128xf32>
    %slice3A_46 = vector.extract_strided_slice %add3A_19 {offsets = [0, 256], sizes = [2000, 128], strides = [1, 1]} : vector<2000x384xf32> to vector<2000x128xf32>
    %slice3A_47 = vector.extract_strided_slice %add3A_29 {offsets = [0, 256], sizes = [2000, 128], strides = [1, 1]} : vector<2000x384xf32> to vector<2000x128xf32>
    %mul3A = arith.mulf %logistic3A_36, %slice3A_47 : vector<2000x128xf32>
    %add3A_48 = arith.addf %slice3A_46, %mul3A : vector<2000x128xf32>
    %tanh3A = math.tanh %add3A_48 : vector<2000x128xf32>
    %sub3A = arith.constant 1.000000e+00 : f32
    %sub3A_49 = vector.broadcast %sub3A : f32 to vector<2000x128xf32>
    %sub3A_50 = arith.subf %sub3A_49, %logistic3A_45 : vector<2000x128xf32>
    %mul3A_51 = arith.mulf %sub3A_50, %tanh3A : vector<2000x128xf32>
    %mul3A_52 = arith.mulf %logistic3A_45, %get3A_10 : vector<2000x128xf32>
    %add3A_53 = arith.addf %mul3A_51, %mul3A_52 : vector<2000x128xf32>
    %get3A_54 = arith.constant 0 : index
    %get3A_55 = arith.constant 0 : index
    %get3A_56 = vector.load %arg9[%get3A_54, %get3A_55] : memref<1x128xf32, #tpu.memory_space<vmem>>, vector<1x128xf32>
    %get3A_57 = arith.constant 0 : index
    %get3A_58 = arith.constant 0 : index
    %get3A_59 = vector.load %arg10[%get3A_57, %get3A_58] : memref<1x128xf32, #tpu.memory_space<vmem>>, vector<1x128xf32>
    %slice3A_60 = vector.extract_strided_slice %add3A_53 {offsets = [0, 0], sizes = [2000, 8], strides = [1, 1]} : vector<2000x128xf32> to vector<2000x8xf32>
    %mul3A_61 = arith.constant 0.000000e+00 : f32
    %mul3A_62 = vector.broadcast %mul3A_61 : f32 to vector<2000x8xf32>
    %mul3A_63 = arith.mulf %slice3A_60, %mul3A_62 : vector<2000x8xf32>
    %slice3A_64 = vector.extract_strided_slice %add3A_53 {offsets = [0, 0], sizes = [2000, 8], strides = [1, 1]} : vector<2000x128xf32> to vector<2000x8xf32>
    %add3A_65 = arith.addf %mul3A_63, %slice3A_64 : vector<2000x8xf32>
    %slice3A_66 = vector.extract_strided_slice %add3A_53 {offsets = [0, 8], sizes = [2000, 8], strides = [1, 1]} : vector<2000x128xf32> to vector<2000x8xf32>
    %add3A_67 = arith.addf %add3A_65, %slice3A_66 : vector<2000x8xf32>
    %slice3A_68 = vector.extract_strided_slice %add3A_53 {offsets = [0, 16], sizes = [2000, 8], strides = [1, 1]} : vector<2000x128xf32> to vector<2000x8xf32>
    %add3A_69 = arith.addf %add3A_67, %slice3A_68 : vector<2000x8xf32>
    %slice3A_70 = vector.extract_strided_slice %add3A_53 {offsets = [0, 24], sizes = [2000, 8], strides = [1, 1]} : vector<2000x128xf32> to vector<2000x8xf32>
    %add3A_71 = arith.addf %add3A_69, %slice3A_70 : vector<2000x8xf32>
    %slice3A_72 = vector.extract_strided_slice %add3A_53 {offsets = [0, 32], sizes = [2000, 8], strides = [1, 1]} : vector<2000x128xf32> to vector<2000x8xf32>
    %add3A_73 = arith.addf %add3A_71, %slice3A_72 : vector<2000x8xf32>
    %slice3A_74 = vector.extract_strided_slice %add3A_53 {offsets = [0, 40], sizes = [2000, 8], strides = [1, 1]} : vector<2000x128xf32> to vector<2000x8xf32>
    %add3A_75 = arith.addf %add3A_73, %slice3A_74 : vector<2000x8xf32>
    %slice3A_76 = vector.extract_strided_slice %add3A_53 {offsets = [0, 48], sizes = [2000, 8], strides = [1, 1]} : vector<2000x128xf32> to vector<2000x8xf32>
    %add3A_77 = arith.addf %add3A_75, %slice3A_76 : vector<2000x8xf32>
    %slice3A_78 = vector.extract_strided_slice %add3A_53 {offsets = [0, 56], sizes = [2000, 8], strides = [1, 1]} : vector<2000x128xf32> to vector<2000x8xf32>
    %add3A_79 = arith.addf %add3A_77, %slice3A_78 : vector<2000x8xf32>
    %slice3A_80 = vector.extract_strided_slice %add3A_53 {offsets = [0, 64], sizes = [2000, 8], strides = [1, 1]} : vector<2000x128xf32> to vector<2000x8xf32>
    %add3A_81 = arith.addf %add3A_79, %slice3A_80 : vector<2000x8xf32>
    %slice3A_82 = vector.extract_strided_slice %add3A_53 {offsets = [0, 72], sizes = [2000, 8], strides = [1, 1]} : vector<2000x128xf32> to vector<2000x8xf32>
    %add3A_83 = arith.addf %add3A_81, %slice3A_82 : vector<2000x8xf32>
    %slice3A_84 = vector.extract_strided_slice %add3A_53 {offsets = [0, 80], sizes = [2000, 8], strides = [1, 1]} : vector<2000x128xf32> to vector<2000x8xf32>
    %add3A_85 = arith.addf %add3A_83, %slice3A_84 : vector<2000x8xf32>
    %slice3A_86 = vector.extract_strided_slice %add3A_53 {offsets = [0, 88], sizes = [2000, 8], strides = [1, 1]} : vector<2000x128xf32> to vector<2000x8xf32>
    %add3A_87 = arith.addf %add3A_85, %slice3A_86 : vector<2000x8xf32>
    %slice3A_88 = vector.extract_strided_slice %add3A_53 {offsets = [0, 96], sizes = [2000, 8], strides = [1, 1]} : vector<2000x128xf32> to vector<2000x8xf32>
    %add3A_89 = arith.addf %add3A_87, %slice3A_88 : vector<2000x8xf32>
    %slice3A_90 = vector.extract_strided_slice %add3A_53 {offsets = [0, 104], sizes = [2000, 8], strides = [1, 1]} : vector<2000x128xf32> to vector<2000x8xf32>
    %add3A_91 = arith.addf %add3A_89, %slice3A_90 : vector<2000x8xf32>
    %slice3A_92 = vector.extract_strided_slice %add3A_53 {offsets = [0, 112], sizes = [2000, 8], strides = [1, 1]} : vector<2000x128xf32> to vector<2000x8xf32>
    %add3A_93 = arith.addf %add3A_91, %slice3A_92 : vector<2000x8xf32>
    %slice3A_94 = vector.extract_strided_slice %add3A_53 {offsets = [0, 120], sizes = [2000, 8], strides = [1, 1]} : vector<2000x128xf32> to vector<2000x8xf32>
    %add3A_95 = arith.addf %add3A_93, %slice3A_94 : vector<2000x8xf32>
    %slice3A_96 = vector.extract_strided_slice %add3A_95 {offsets = [0, 0], sizes = [2000, 4], strides = [1, 1]} : vector<2000x8xf32> to vector<2000x4xf32>
    %slice3A_97 = vector.extract_strided_slice %add3A_95 {offsets = [0, 4], sizes = [2000, 4], strides = [1, 1]} : vector<2000x8xf32> to vector<2000x4xf32>
    %add3A_98 = arith.addf %slice3A_96, %slice3A_97 : vector<2000x4xf32>
    %slice3A_99 = vector.extract_strided_slice %add3A_98 {offsets = [0, 0], sizes = [2000, 2], strides = [1, 1]} : vector<2000x4xf32> to vector<2000x2xf32>
    %slice3A_100 = vector.extract_strided_slice %add3A_98 {offsets = [0, 2], sizes = [2000, 2], strides = [1, 1]} : vector<2000x4xf32> to vector<2000x2xf32>
    %add3A_101 = arith.addf %slice3A_99, %slice3A_100 : vector<2000x2xf32>
    %slice3A_102 = vector.extract_strided_slice %add3A_101 {offsets = [0, 0], sizes = [2000, 1], strides = [1, 1]} : vector<2000x2xf32> to vector<2000x1xf32>
    %slice3A_103 = vector.extract_strided_slice %add3A_101 {offsets = [0, 1], sizes = [2000, 1], strides = [1, 1]} : vector<2000x2xf32> to vector<2000x1xf32>
    %add3A_104 = arith.addf %slice3A_102, %slice3A_103 : vector<2000x1xf32>
    %mul3A_105 = arith.constant 7.812500e-03 : f32
    %mul3A_106 = vector.broadcast %mul3A_105 : f32 to vector<2000x1xf32>
    %mul3A_107 = arith.mulf %add3A_104, %mul3A_106 : vector<2000x1xf32>
    %sub3A_108 = vector.broadcast %mul3A_107 : vector<2000x1xf32> to vector<2000x128xf32>
    %sub3A_109 = arith.subf %add3A_53, %sub3A_108 : vector<2000x128xf32>
    %integer_pow3A = arith.mulf %sub3A_109, %sub3A_109 : vector<2000x128xf32>
    %slice3A_110 = vector.extract_strided_slice %integer_pow3A {offsets = [0, 0], sizes = [2000, 8], strides = [1, 1]} : vector<2000x128xf32> to vector<2000x8xf32>
    %mul3A_111 = arith.constant 0.000000e+00 : f32
    %mul3A_112 = vector.broadcast %mul3A_111 : f32 to vector<2000x8xf32>
    %mul3A_113 = arith.mulf %slice3A_110, %mul3A_112 : vector<2000x8xf32>
    %slice3A_114 = vector.extract_strided_slice %integer_pow3A {offsets = [0, 0], sizes = [2000, 8], strides = [1, 1]} : vector<2000x128xf32> to vector<2000x8xf32>
    %add3A_115 = arith.addf %mul3A_113, %slice3A_114 : vector<2000x8xf32>
    %slice3A_116 = vector.extract_strided_slice %integer_pow3A {offsets = [0, 8], sizes = [2000, 8], strides = [1, 1]} : vector<2000x128xf32> to vector<2000x8xf32>
    %add3A_117 = arith.addf %add3A_115, %slice3A_116 : vector<2000x8xf32>
    %slice3A_118 = vector.extract_strided_slice %integer_pow3A {offsets = [0, 16], sizes = [2000, 8], strides = [1, 1]} : vector<2000x128xf32> to vector<2000x8xf32>
    %add3A_119 = arith.addf %add3A_117, %slice3A_118 : vector<2000x8xf32>
    %slice3A_120 = vector.extract_strided_slice %integer_pow3A {offsets = [0, 24], sizes = [2000, 8], strides = [1, 1]} : vector<2000x128xf32> to vector<2000x8xf32>
    %add3A_121 = arith.addf %add3A_119, %slice3A_120 : vector<2000x8xf32>
    %slice3A_122 = vector.extract_strided_slice %integer_pow3A {offsets = [0, 32], sizes = [2000, 8], strides = [1, 1]} : vector<2000x128xf32> to vector<2000x8xf32>
    %add3A_123 = arith.addf %add3A_121, %slice3A_122 : vector<2000x8xf32>
    %slice3A_124 = vector.extract_strided_slice %integer_pow3A {offsets = [0, 40], sizes = [2000, 8], strides = [1, 1]} : vector<2000x128xf32> to vector<2000x8xf32>
    %add3A_125 = arith.addf %add3A_123, %slice3A_124 : vector<2000x8xf32>
    %slice3A_126 = vector.extract_strided_slice %integer_pow3A {offsets = [0, 48], sizes = [2000, 8], strides = [1, 1]} : vector<2000x128xf32> to vector<2000x8xf32>
    %add3A_127 = arith.addf %add3A_125, %slice3A_126 : vector<2000x8xf32>
    %slice3A_128 = vector.extract_strided_slice %integer_pow3A {offsets = [0, 56], sizes = [2000, 8], strides = [1, 1]} : vector<2000x128xf32> to vector<2000x8xf32>
    %add3A_129 = arith.addf %add3A_127, %slice3A_128 : vector<2000x8xf32>
    %slice3A_130 = vector.extract_strided_slice %integer_pow3A {offsets = [0, 64], sizes = [2000, 8], strides = [1, 1]} : vector<2000x128xf32> to vector<2000x8xf32>
    %add3A_131 = arith.addf %add3A_129, %slice3A_130 : vector<2000x8xf32>
    %slice3A_132 = vector.extract_strided_slice %integer_pow3A {offsets = [0, 72], sizes = [2000, 8], strides = [1, 1]} : vector<2000x128xf32> to vector<2000x8xf32>
    %add3A_133 = arith.addf %add3A_131, %slice3A_132 : vector<2000x8xf32>
    %slice3A_134 = vector.extract_strided_slice %integer_pow3A {offsets = [0, 80], sizes = [2000, 8], strides = [1, 1]} : vector<2000x128xf32> to vector<2000x8xf32>
    %add3A_135 = arith.addf %add3A_133, %slice3A_134 : vector<2000x8xf32>
    %slice3A_136 = vector.extract_strided_slice %integer_pow3A {offsets = [0, 88], sizes = [2000, 8], strides = [1, 1]} : vector<2000x128xf32> to vector<2000x8xf32>
    %add3A_137 = arith.addf %add3A_135, %slice3A_136 : vector<2000x8xf32>
    %slice3A_138 = vector.extract_strided_slice %integer_pow3A {offsets = [0, 96], sizes = [2000, 8], strides = [1, 1]} : vector<2000x128xf32> to vector<2000x8xf32>
    %add3A_139 = arith.addf %add3A_137, %slice3A_138 : vector<2000x8xf32>
    %slice3A_140 = vector.extract_strided_slice %integer_pow3A {offsets = [0, 104], sizes = [2000, 8], strides = [1, 1]} : vector<2000x128xf32> to vector<2000x8xf32>
    %add3A_141 = arith.addf %add3A_139, %slice3A_140 : vector<2000x8xf32>
    %slice3A_142 = vector.extract_strided_slice %integer_pow3A {offsets = [0, 112], sizes = [2000, 8], strides = [1, 1]} : vector<2000x128xf32> to vector<2000x8xf32>
    %add3A_143 = arith.addf %add3A_141, %slice3A_142 : vector<2000x8xf32>
    %slice3A_144 = vector.extract_strided_slice %integer_pow3A {offsets = [0, 120], sizes = [2000, 8], strides = [1, 1]} : vector<2000x128xf32> to vector<2000x8xf32>
    %add3A_145 = arith.addf %add3A_143, %slice3A_144 : vector<2000x8xf32>
    %slice3A_146 = vector.extract_strided_slice %add3A_145 {offsets = [0, 0], sizes = [2000, 4], strides = [1, 1]} : vector<2000x8xf32> to vector<2000x4xf32>
    %slice3A_147 = vector.extract_strided_slice %add3A_145 {offsets = [0, 4], sizes = [2000, 4], strides = [1, 1]} : vector<2000x8xf32> to vector<2000x4xf32>
    %add3A_148 = arith.addf %slice3A_146, %slice3A_147 : vector<2000x4xf32>
    %slice3A_149 = vector.extract_strided_slice %add3A_148 {offsets = [0, 0], sizes = [2000, 2], strides = [1, 1]} : vector<2000x4xf32> to vector<2000x2xf32>
    %slice3A_150 = vector.extract_strided_slice %add3A_148 {offsets = [0, 2], sizes = [2000, 2], strides = [1, 1]} : vector<2000x4xf32> to vector<2000x2xf32>
    %add3A_151 = arith.addf %slice3A_149, %slice3A_150 : vector<2000x2xf32>
    %slice3A_152 = vector.extract_strided_slice %add3A_151 {offsets = [0, 0], sizes = [2000, 1], strides = [1, 1]} : vector<2000x2xf32> to vector<2000x1xf32>
    %slice3A_153 = vector.extract_strided_slice %add3A_151 {offsets = [0, 1], sizes = [2000, 1], strides = [1, 1]} : vector<2000x2xf32> to vector<2000x1xf32>
    %add3A_154 = arith.addf %slice3A_152, %slice3A_153 : vector<2000x1xf32>
    %mul3A_155 = arith.constant 7.812500e-03 : f32
    %mul3A_156 = vector.broadcast %mul3A_155 : f32 to vector<2000x1xf32>
    %mul3A_157 = arith.mulf %add3A_154, %mul3A_156 : vector<2000x1xf32>
    %sub3A_158 = vector.broadcast %mul3A_107 : vector<2000x1xf32> to vector<2000x128xf32>
    %sub3A_159 = arith.subf %add3A_53, %sub3A_158 : vector<2000x128xf32>
    %add3A_160 = arith.constant 9.99999974E-6 : f32
    %add3A_161 = vector.broadcast %add3A_160 : f32 to vector<2000x1xf32>
    %add3A_162 = arith.addf %mul3A_157, %add3A_161 : vector<2000x1xf32>
    %sqrt3A = math.sqrt %add3A_162 : vector<2000x1xf32>
    %div3A = vector.broadcast %sqrt3A : vector<2000x1xf32> to vector<2000x128xf32>
    %div3A_163 = arith.divf %sub3A_159, %div3A : vector<2000x128xf32>
    %mul3A_164 = vector.broadcast %get3A_56 : vector<1x128xf32> to vector<2000x128xf32>
    %mul3A_165 = arith.mulf %div3A_163, %mul3A_164 : vector<2000x128xf32>
    %add3A_166 = vector.broadcast %get3A_59 : vector<1x128xf32> to vector<2000x128xf32>
    %add3A_167 = arith.addf %mul3A_165, %add3A_166 : vector<2000x128xf32>
    %swap3A = arith.constant 0 : index
    %swap3A_168 = arith.constant 0 : index
    %swap3A_169 = vector.load %arg13[%swap3A, %swap3A_168] : memref<2000x128xf32, #tpu.memory_space<vmem>>, vector<2000x128xf32>
    tpu.vector_store %arg13[%swap3A, %swap3A_168], %add3A_167 {strides = array<i32>} : memref<2000x128xf32, #tpu.memory_space<vmem>>, vector<2000x128xf32>,
    %get3A_170 = arith.constant 0 : index
    %get3A_171 = arith.constant 0 : index
    %get3A_172 = vector.load %arg11[%get3A_170, %get3A_171] : memref<128x128xf32, #tpu.memory_space<vmem>>, vector<128x128xf32>
    %dot_general3A_173 = arith.constant dense<0.000000e+00> : vector<2000x128xf32>
    %dot_general3A_174 = tpu.matmul %add3A_167, %get3A_172, %dot_general3A_173 {dimension_numbers = #tpu.dot_dimension_numbers<[1], [0], [0], [1], [0, 0, 1, 1], [], []>, transpose_lhs_hint = false} : vector<2000x128xf32>, vector<128x128xf32>, vector<2000x128xf32> -> vector<2000x128xf32>
    %get3A_175 = arith.constant 0 : index
    %get3A_176 = arith.constant 0 : index
    %get3A_177 = vector.load %arg12[%get3A_175, %get3A_176] : memref<1x128xf32, #tpu.memory_space<vmem>>, vector<1x128xf32>
    %add3A_178 = vector.broadcast %get3A_177 : vector<1x128xf32> to vector<2000x128xf32>
    %add3A_179 = arith.addf %dot_general3A_174, %add3A_178 : vector<2000x128xf32>
    %swap3A_180 = arith.constant 0 : index
    %swap3A_181 = arith.constant 0 : index
    %swap3A_182 = vector.load %arg14[%swap3A_180, %swap3A_181] : memref<2000x128xf32, #tpu.memory_space<vmem>>, vector<2000x128xf32>
    tpu.vector_store %arg14[%swap3A_180, %swap3A_181], %add3A_179 {strides = array<i32>} : memref<2000x128xf32, #tpu.memory_space<vmem>>, vector<2000x128xf32>,
    return
  }
  func.func @transform_0(%arg0: i32) -> (i32, i32) {
    %c0_i32 = arith.constant 0 : i32
    %c0_i32_0 = arith.constant 0 : i32
    return %arg0, %c0_i32 : i32, i32
  }
  func.func @transform_1(%arg0: i32) -> (i32, i32) {
    %c0_i32 = arith.constant 0 : i32
    %c0_i32_0 = arith.constant 0 : i32
    return %arg0, %c0_i32 : i32, i32
  }
  func.func @transform_2(%arg0: i32) -> (i32, i32) {
    %c0_i32 = arith.constant 0 : i32
    %c0_i32_0 = arith.constant 0 : i32
    return %arg0, %c0_i32 : i32, i32
  }
  func.func @transform_3(%arg0: i32) -> (i32, i32) {
    %c0_i32 = arith.constant 0 : i32
    %c0_i32_0 = arith.constant 0 : i32
    return %arg0, %c0_i32 : i32, i32
  }
  func.func @transform_4(%arg0: i32) -> (i32, i32) {
    %c0_i32 = arith.constant 0 : i32
    %c0_i32_0 = arith.constant 0 : i32
    %c0_i32_1 = arith.constant 0 : i32
    return %c0_i32, %c0_i32_0 : i32, i32
  }
  func.func @transform_5(%arg0: i32) -> (i32, i32) {
    %c0_i32 = arith.constant 0 : i32
    %c0_i32_0 = arith.constant 0 : i32
    %c0_i32_1 = arith.constant 0 : i32
    return %c0_i32, %c0_i32_0 : i32, i32
  }
  func.func @transform_6(%arg0: i32) -> (i32, i32) {
    %c0_i32 = arith.constant 0 : i32
    %c0_i32_0 = arith.constant 0 : i32
    %c0_i32_1 = arith.constant 0 : i32
    return %c0_i32, %c0_i32_0 : i32, i32
  }
  func.func @transform_7(%arg0: i32) -> (i32, i32) {
    %c0_i32 = arith.constant 0 : i32
    %c0_i32_0 = arith.constant 0 : i32
    %c0_i32_1 = arith.constant 0 : i32
    return %c0_i32, %c0_i32_0 : i32, i32
  }
  func.func @transform_8(%arg0: i32) -> (i32, i32) {
    %c0_i32 = arith.constant 0 : i32
    %c0_i32_0 = arith.constant 0 : i32
    %c0_i32_1 = arith.constant 0 : i32
    return %c0_i32, %c0_i32_0 : i32, i32
  }
  func.func @transform_9(%arg0: i32) -> (i32, i32) {
    %c0_i32 = arith.constant 0 : i32
    %c0_i32_0 = arith.constant 0 : i32
    %c0_i32_1 = arith.constant 0 : i32
    return %c0_i32, %c0_i32_0 : i32, i32
  }
  func.func @transform_10(%arg0: i32) -> (i32, i32) {
    %c0_i32 = arith.constant 0 : i32
    %c0_i32_0 = arith.constant 0 : i32
    %c0_i32_1 = arith.constant 0 : i32
    return %c0_i32, %c0_i32_0 : i32, i32
  }
  func.func @transform_11(%arg0: i32) -> (i32, i32) {
    %c0_i32 = arith.constant 0 : i32
    %c0_i32_0 = arith.constant 0 : i32
    %c0_i32_1 = arith.constant 0 : i32
    return %c0_i32, %c0_i32_0 : i32, i32
  }
  func.func @transform_12(%arg0: i32) -> (i32, i32) {
    %c0_i32 = arith.constant 0 : i32
    %c0_i32_0 = arith.constant 0 : i32
    return %arg0, %c0_i32 : i32, i32
  }
  func.func @transform_13(%arg0: i32) -> (i32, i32) {
    %c0_i32 = arith.constant 0 : i32
    %c0_i32_0 = arith.constant 0 : i32
    return %arg0, %c0_i32 : i32, i32
  }
}

module attributes {stable_mosaic.version = 14 : i64} {
  func.func @_tc_step_body(%arg0: i32, %arg1: memref<2000x128xf32, #tpu.memory_space<vmem>>, %arg2: memref<2000x128xf32, #tpu.memory_space<vmem>>, %arg3: memref<2000x128xf32, #tpu.memory_space<vmem>>, %arg4: memref<2000x128xf32, #tpu.memory_space<vmem>>, %arg5: memref<256x384xf32, #tpu.memory_space<vmem>>, %arg6: memref<128x384xf32, #tpu.memory_space<vmem>>, %arg7: memref<1x384xf32, #tpu.memory_space<vmem>>, %arg8: memref<1x384xf32, #tpu.memory_space<vmem>>, %arg9: memref<1x128xf32, #tpu.memory_space<vmem>>, %arg10: memref<1x128xf32, #tpu.memory_space<vmem>>, %arg11: memref<128x128xf32, #tpu.memory_space<vmem>>, %arg12: memref<1x128xf32, #tpu.memory_space<vmem>>, %arg13: memref<2000x128xf32, #tpu.memory_space<vmem>>, %arg14: memref<2000x128xf32, #tpu.memory_space<vmem>>) attributes {dimension_semantics = [#tpu.dimension_semantics<arbitrary>], iteration_bounds = array<i64: 5>, scalar_prefetch = 0 : i64, scratch_operands = 0 : i64, tpu.core_type = #tpu.core_type<tc>, window_params = [{transform_indices = @transform_0, window_bounds = array<i64: 2000, 128>}, {transform_indices = @transform_1, window_bounds = array<i64: 2000, 128>}, {transform_indices = @transform_2, window_bounds = array<i64: 2000, 128>}, {transform_indices = @transform_3, window_bounds = array<i64: 2000, 128>}, {pipeline_mode = #tpu.pipeline_mode<synchronous>, transform_indices = @transform_4, window_bounds = array<i64: 256, 384>}, {pipeline_mode = #tpu.pipeline_mode<synchronous>, transform_indices = @transform_5, window_bounds = array<i64: 128, 384>}, {pipeline_mode = #tpu.pipeline_mode<synchronous>, transform_indices = @transform_6, window_bounds = array<i64: 1, 384>}, {pipeline_mode = #tpu.pipeline_mode<synchronous>, transform_indices = @transform_7, window_bounds = array<i64: 1, 384>}, {pipeline_mode = #tpu.pipeline_mode<synchronous>, transform_indices = @transform_8, window_bounds = array<i64: 1, 128>}, {pipeline_mode = #tpu.pipeline_mode<synchronous>, transform_indices = @transform_9, window_bounds = array<i64: 1, 128>}, {pipeline_mode = #tpu.pipeline_mode<synchronous>, transform_indices = @transform_10, window_bounds = array<i64: 128, 128>}, {pipeline_mode = #tpu.pipeline_mode<synchronous>, transform_indices = @transform_11, window_bounds = array<i64: 1, 128>}, {transform_indices = @transform_12, window_bounds = array<i64: 2000, 128>}, {transform_indices = @transform_13, window_bounds = array<i64: 2000, 128>}]} {
    %get3A = arith.constant 0 : index
    %get3A_0 = arith.constant 0 : index
    %get3A_1 = vector.load %arg1[%get3A, %get3A_0] : memref<2000x128xf32, #tpu.memory_space<vmem>>, vector<2000x128xf32>
    %get3A_2 = arith.constant 0 : index
    %get3A_3 = arith.constant 0 : index
    %get3A_4 = vector.load %arg2[%get3A_2, %get3A_3] : memref<2000x128xf32, #tpu.memory_space<vmem>>, vector<2000x128xf32>
    %add3A = arith.addf %get3A_1, %get3A_4 : vector<2000x128xf32>
    %get3A_5 = arith.constant 0 : index
    %get3A_6 = arith.constant 0 : index
    %get3A_7 = vector.load %arg3[%get3A_5, %get3A_6] : memref<2000x128xf32, #tpu.memory_space<vmem>>, vector<2000x128xf32>
    %get3A_8 = arith.constant 0 : index
    %get3A_9 = arith.constant 0 : index
    %get3A_10 = vector.load %arg4[%get3A_8, %get3A_9] : memref<2000x128xf32, #tpu.memory_space<vmem>>, vector<2000x128xf32>
    %concatenate3A = tpu.concatenate %add3A, %get3A_7 in 1 : vector<2000x128xf32>, vector<2000x128xf32> -> vector<2000x256xf32>
    %get3A_11 = arith.constant 0 : index
    %get3A_12 = arith.constant 0 : index
    %get3A_13 = vector.load %arg5[%get3A_11, %get3A_12] : memref<256x384xf32, #tpu.memory_space<vmem>>, vector<256x384xf32>
    %dot_general3A = arith.constant dense<0.000000e+00> : vector<2000x384xf32>
    %dot_general3A_14 = tpu.matmul %concatenate3A, %get3A_13, %dot_general3A {dimension_numbers = #tpu.dot_dimension_numbers<[1], [0], [0], [1], [0, 0, 1, 1], [], []>, transpose_lhs_hint = false} : vector<2000x256xf32>, vector<256x384xf32>, vector<2000x384xf32> -> vector<2000x384xf32>
    %get3A_15 = arith.constant 0 : index
    %get3A_16 = arith.constant 0 : index
    %get3A_17 = vector.load %arg7[%get3A_15, %get3A_16] : memref<1x384xf32, #tpu.memory_space<vmem>>, vector<1x384xf32>
    %add3A_18 = vector.broadcast %get3A_17 : vector<1x384xf32> to vector<2000x384xf32>
    %add3A_19 = arith.addf %dot_general3A_14, %add3A_18 : vector<2000x384xf32>
    %get3A_20 = arith.constant 0 : index
    %get3A_21 = arith.constant 0 : index
    %get3A_22 = vector.load %arg6[%get3A_20, %get3A_21] : memref<128x384xf32, #tpu.memory_space<vmem>>, vector<128x384xf32>
    %dot_general3A_23 = arith.constant dense<0.000000e+00> : vector<2000x384xf32>
    %dot_general3A_24 = tpu.matmul %get3A_10, %get3A_22, %dot_general3A_23 {dimension_numbers = #tpu.dot_dimension_numbers<[1], [0], [0], [1], [0, 0, 1, 1], [], []>, transpose_lhs_hint = false} : vector<2000x128xf32>, vector<128x384xf32>, vector<2000x384xf32> -> vector<2000x384xf32>
    %get3A_25 = arith.constant 0 : index
    %get3A_26 = arith.constant 0 : index
    %get3A_27 = vector.load %arg8[%get3A_25, %get3A_26] : memref<1x384xf32, #tpu.memory_space<vmem>>, vector<1x384xf32>
    %add3A_28 = vector.broadcast %get3A_27 : vector<1x384xf32> to vector<2000x384xf32>
    %add3A_29 = arith.addf %dot_general3A_24, %add3A_28 : vector<2000x384xf32>
    %slice3A = vector.extract_strided_slice %add3A_19 {offsets = [0, 0], sizes = [2000, 128], strides = [1, 1]} : vector<2000x384xf32> to vector<2000x128xf32>
    %slice3A_30 = vector.extract_strided_slice %add3A_29 {offsets = [0, 0], sizes = [2000, 128], strides = [1, 1]} : vector<2000x384xf32> to vector<2000x128xf32>
    %add3A_31 = arith.addf %slice3A, %slice3A_30 : vector<2000x128xf32>
    %logistic3A = arith.negf %add3A_31 : vector<2000x128xf32>
    %logistic3A_32 = math.exp %logistic3A : vector<2000x128xf32>
    %logistic3A_33 = arith.constant 1.000000e+00 : f32
    %logistic3A_34 = vector.broadcast %logistic3A_33 : f32 to vector<2000x128xf32>
    %logistic3A_35 = arith.addf %logistic3A_34, %logistic3A_32 : vector<2000x128xf32>
    %logistic3A_36 = arith.divf %logistic3A_34, %logistic3A_35 : vector<2000x128xf32>
    %slice3A_37 = vector.extract_strided_slice %add3A_19 {offsets = [0, 128], sizes = [2000, 128], strides = [1, 1]} : vector<2000x384xf32> to vector<2000x128xf32>
    %slice3A_38 = vector.extract_strided_slice %add3A_29 {offsets = [0, 128], sizes = [2000, 128], strides = [1, 1]} : vector<2000x384xf32> to vector<2000x128xf32>
    %add3A_39 = arith.addf %slice3A_37, %slice3A_38 : vector<2000x128xf32>
    %logistic3A_40 = arith.negf %add3A_39 : vector<2000x128xf32>
    %logistic3A_41 = math.exp %logistic3A_40 : vector<2000x128xf32>
    %logistic3A_42 = arith.constant 1.000000e+00 : f32
    %logistic3A_43 = vector.broadcast %logistic3A_42 : f32 to vector<2000x128xf32>
    %logistic3A_44 = arith.addf %logistic3A_43, %logistic3A_41 : vector<2000x128xf32>
    %logistic3A_45 = arith.divf %logistic3A_43, %logistic3A_44 : vector<2000x128xf32>
    %slice3A_46 = vector.extract_strided_slice %add3A_19 {offsets = [0, 256], sizes = [2000, 128], strides = [1, 1]} : vector<2000x384xf32> to vector<2000x128xf32>
    %slice3A_47 = vector.extract_strided_slice %add3A_29 {offsets = [0, 256], sizes = [2000, 128], strides = [1, 1]} : vector<2000x384xf32> to vector<2000x128xf32>
    %mul3A = arith.mulf %logistic3A_36, %slice3A_47 : vector<2000x128xf32>
    %add3A_48 = arith.addf %slice3A_46, %mul3A : vector<2000x128xf32>
    %tanh3A = math.tanh %add3A_48 : vector<2000x128xf32>
    %sub3A = arith.constant 1.000000e+00 : f32
    %sub3A_49 = vector.broadcast %sub3A : f32 to vector<2000x128xf32>
    %sub3A_50 = arith.subf %sub3A_49, %logistic3A_45 : vector<2000x128xf32>
    %mul3A_51 = arith.mulf %sub3A_50, %tanh3A : vector<2000x128xf32>
    %mul3A_52 = arith.mulf %logistic3A_45, %get3A_10 : vector<2000x128xf32>
    %add3A_53 = arith.addf %mul3A_51, %mul3A_52 : vector<2000x128xf32>
    %get3A_54 = arith.constant 0 : index
    %get3A_55 = arith.constant 0 : index
    %get3A_56 = vector.load %arg9[%get3A_54, %get3A_55] : memref<1x128xf32, #tpu.memory_space<vmem>>, vector<1x128xf32>
    %get3A_57 = arith.constant 0 : index
    %get3A_58 = arith.constant 0 : index
    %get3A_59 = vector.load %arg10[%get3A_57, %get3A_58] : memref<1x128xf32, #tpu.memory_space<vmem>>, vector<1x128xf32>
    %slice3A_60 = vector.extract_strided_slice %add3A_53 {offsets = [0, 0], sizes = [2000, 8], strides = [1, 1]} : vector<2000x128xf32> to vector<2000x8xf32>
    %mul3A_61 = arith.constant 0.000000e+00 : f32
    %mul3A_62 = vector.broadcast %mul3A_61 : f32 to vector<2000x8xf32>
    %mul3A_63 = arith.mulf %slice3A_60, %mul3A_62 : vector<2000x8xf32>
    %slice3A_64 = vector.extract_strided_slice %add3A_53 {offsets = [0, 0], sizes = [2000, 8], strides = [1, 1]} : vector<2000x128xf32> to vector<2000x8xf32>
    %add3A_65 = arith.addf %mul3A_63, %slice3A_64 : vector<2000x8xf32>
    %slice3A_66 = vector.extract_strided_slice %add3A_53 {offsets = [0, 8], sizes = [2000, 8], strides = [1, 1]} : vector<2000x128xf32> to vector<2000x8xf32>
    %add3A_67 = arith.addf %add3A_65, %slice3A_66 : vector<2000x8xf32>
    %slice3A_68 = vector.extract_strided_slice %add3A_53 {offsets = [0, 16], sizes = [2000, 8], strides = [1, 1]} : vector<2000x128xf32> to vector<2000x8xf32>
    %add3A_69 = arith.addf %add3A_67, %slice3A_68 : vector<2000x8xf32>
    %slice3A_70 = vector.extract_strided_slice %add3A_53 {offsets = [0, 24], sizes = [2000, 8], strides = [1, 1]} : vector<2000x128xf32> to vector<2000x8xf32>
    %add3A_71 = arith.addf %add3A_69, %slice3A_70 : vector<2000x8xf32>
    %slice3A_72 = vector.extract_strided_slice %add3A_53 {offsets = [0, 32], sizes = [2000, 8], strides = [1, 1]} : vector<2000x128xf32> to vector<2000x8xf32>
    %add3A_73 = arith.addf %add3A_71, %slice3A_72 : vector<2000x8xf32>
    %slice3A_74 = vector.extract_strided_slice %add3A_53 {offsets = [0, 40], sizes = [2000, 8], strides = [1, 1]} : vector<2000x128xf32> to vector<2000x8xf32>
    %add3A_75 = arith.addf %add3A_73, %slice3A_74 : vector<2000x8xf32>
    %slice3A_76 = vector.extract_strided_slice %add3A_53 {offsets = [0, 48], sizes = [2000, 8], strides = [1, 1]} : vector<2000x128xf32> to vector<2000x8xf32>
    %add3A_77 = arith.addf %add3A_75, %slice3A_76 : vector<2000x8xf32>
    %slice3A_78 = vector.extract_strided_slice %add3A_53 {offsets = [0, 56], sizes = [2000, 8], strides = [1, 1]} : vector<2000x128xf32> to vector<2000x8xf32>
    %add3A_79 = arith.addf %add3A_77, %slice3A_78 : vector<2000x8xf32>
    %slice3A_80 = vector.extract_strided_slice %add3A_53 {offsets = [0, 64], sizes = [2000, 8], strides = [1, 1]} : vector<2000x128xf32> to vector<2000x8xf32>
    %add3A_81 = arith.addf %add3A_79, %slice3A_80 : vector<2000x8xf32>
    %slice3A_82 = vector.extract_strided_slice %add3A_53 {offsets = [0, 72], sizes = [2000, 8], strides = [1, 1]} : vector<2000x128xf32> to vector<2000x8xf32>
    %add3A_83 = arith.addf %add3A_81, %slice3A_82 : vector<2000x8xf32>
    %slice3A_84 = vector.extract_strided_slice %add3A_53 {offsets = [0, 80], sizes = [2000, 8], strides = [1, 1]} : vector<2000x128xf32> to vector<2000x8xf32>
    %add3A_85 = arith.addf %add3A_83, %slice3A_84 : vector<2000x8xf32>
    %slice3A_86 = vector.extract_strided_slice %add3A_53 {offsets = [0, 88], sizes = [2000, 8], strides = [1, 1]} : vector<2000x128xf32> to vector<2000x8xf32>
    %add3A_87 = arith.addf %add3A_85, %slice3A_86 : vector<2000x8xf32>
    %slice3A_88 = vector.extract_strided_slice %add3A_53 {offsets = [0, 96], sizes = [2000, 8], strides = [1, 1]} : vector<2000x128xf32> to vector<2000x8xf32>
    %add3A_89 = arith.addf %add3A_87, %slice3A_88 : vector<2000x8xf32>
    %slice3A_90 = vector.extract_strided_slice %add3A_53 {offsets = [0, 104], sizes = [2000, 8], strides = [1, 1]} : vector<2000x128xf32> to vector<2000x8xf32>
    %add3A_91 = arith.addf %add3A_89, %slice3A_90 : vector<2000x8xf32>
    %slice3A_92 = vector.extract_strided_slice %add3A_53 {offsets = [0, 112], sizes = [2000, 8], strides = [1, 1]} : vector<2000x128xf32> to vector<2000x8xf32>
    %add3A_93 = arith.addf %add3A_91, %slice3A_92 : vector<2000x8xf32>
    %slice3A_94 = vector.extract_strided_slice %add3A_53 {offsets = [0, 120], sizes = [2000, 8], strides = [1, 1]} : vector<2000x128xf32> to vector<2000x8xf32>
    %add3A_95 = arith.addf %add3A_93, %slice3A_94 : vector<2000x8xf32>
    %slice3A_96 = vector.extract_strided_slice %add3A_95 {offsets = [0, 0], sizes = [2000, 4], strides = [1, 1]} : vector<2000x8xf32> to vector<2000x4xf32>
    %slice3A_97 = vector.extract_strided_slice %add3A_95 {offsets = [0, 4], sizes = [2000, 4], strides = [1, 1]} : vector<2000x8xf32> to vector<2000x4xf32>
    %add3A_98 = arith.addf %slice3A_96, %slice3A_97 : vector<2000x4xf32>
    %slice3A_99 = vector.extract_strided_slice %add3A_98 {offsets = [0, 0], sizes = [2000, 2], strides = [1, 1]} : vector<2000x4xf32> to vector<2000x2xf32>
    %slice3A_100 = vector.extract_strided_slice %add3A_98 {offsets = [0, 2], sizes = [2000, 2], strides = [1, 1]} : vector<2000x4xf32> to vector<2000x2xf32>
    %add3A_101 = arith.addf %slice3A_99, %slice3A_100 : vector<2000x2xf32>
    %slice3A_102 = vector.extract_strided_slice %add3A_101 {offsets = [0, 0], sizes = [2000, 1], strides = [1, 1]} : vector<2000x2xf32> to vector<2000x1xf32>
    %slice3A_103 = vector.extract_strided_slice %add3A_101 {offsets = [0, 1], sizes = [2000, 1], strides = [1, 1]} : vector<2000x2xf32> to vector<2000x1xf32>
    %add3A_104 = arith.addf %slice3A_102, %slice3A_103 : vector<2000x1xf32>
    %mul3A_105 = arith.constant 7.812500e-03 : f32
    %mul3A_106 = vector.broadcast %mul3A_105 : f32 to vector<2000x1xf32>
    %mul3A_107 = arith.mulf %add3A_104, %mul3A_106 : vector<2000x1xf32>
    %sub3A_108 = vector.broadcast %mul3A_107 : vector<2000x1xf32> to vector<2000x128xf32>
    %sub3A_109 = arith.subf %add3A_53, %sub3A_108 : vector<2000x128xf32>
    %integer_pow3A = arith.mulf %sub3A_109, %sub3A_109 : vector<2000x128xf32>
    %slice3A_110 = vector.extract_strided_slice %integer_pow3A {offsets = [0, 0], sizes = [2000, 8], strides = [1, 1]} : vector<2000x128xf32> to vector<2000x8xf32>
    %mul3A_111 = arith.constant 0.000000e+00 : f32
    %mul3A_112 = vector.broadcast %mul3A_111 : f32 to vector<2000x8xf32>
    %mul3A_113 = arith.mulf %slice3A_110, %mul3A_112 : vector<2000x8xf32>
    %slice3A_114 = vector.extract_strided_slice %integer_pow3A {offsets = [0, 0], sizes = [2000, 8], strides = [1, 1]} : vector<2000x128xf32> to vector<2000x8xf32>
    %add3A_115 = arith.addf %mul3A_113, %slice3A_114 : vector<2000x8xf32>
    %slice3A_116 = vector.extract_strided_slice %integer_pow3A {offsets = [0, 8], sizes = [2000, 8], strides = [1, 1]} : vector<2000x128xf32> to vector<2000x8xf32>
    %add3A_117 = arith.addf %add3A_115, %slice3A_116 : vector<2000x8xf32>
    %slice3A_118 = vector.extract_strided_slice %integer_pow3A {offsets = [0, 16], sizes = [2000, 8], strides = [1, 1]} : vector<2000x128xf32> to vector<2000x8xf32>
    %add3A_119 = arith.addf %add3A_117, %slice3A_118 : vector<2000x8xf32>
    %slice3A_120 = vector.extract_strided_slice %integer_pow3A {offsets = [0, 24], sizes = [2000, 8], strides = [1, 1]} : vector<2000x128xf32> to vector<2000x8xf32>
    %add3A_121 = arith.addf %add3A_119, %slice3A_120 : vector<2000x8xf32>
    %slice3A_122 = vector.extract_strided_slice %integer_pow3A {offsets = [0, 32], sizes = [2000, 8], strides = [1, 1]} : vector<2000x128xf32> to vector<2000x8xf32>
    %add3A_123 = arith.addf %add3A_121, %slice3A_122 : vector<2000x8xf32>
    %slice3A_124 = vector.extract_strided_slice %integer_pow3A {offsets = [0, 40], sizes = [2000, 8], strides = [1, 1]} : vector<2000x128xf32> to vector<2000x8xf32>
    %add3A_125 = arith.addf %add3A_123, %slice3A_124 : vector<2000x8xf32>
    %slice3A_126 = vector.extract_strided_slice %integer_pow3A {offsets = [0, 48], sizes = [2000, 8], strides = [1, 1]} : vector<2000x128xf32> to vector<2000x8xf32>
    %add3A_127 = arith.addf %add3A_125, %slice3A_126 : vector<2000x8xf32>
    %slice3A_128 = vector.extract_strided_slice %integer_pow3A {offsets = [0, 56], sizes = [2000, 8], strides = [1, 1]} : vector<2000x128xf32> to vector<2000x8xf32>
    %add3A_129 = arith.addf %add3A_127, %slice3A_128 : vector<2000x8xf32>
    %slice3A_130 = vector.extract_strided_slice %integer_pow3A {offsets = [0, 64], sizes = [2000, 8], strides = [1, 1]} : vector<2000x128xf32> to vector<2000x8xf32>
    %add3A_131 = arith.addf %add3A_129, %slice3A_130 : vector<2000x8xf32>
    %slice3A_132 = vector.extract_strided_slice %integer_pow3A {offsets = [0, 72], sizes = [2000, 8], strides = [1, 1]} : vector<2000x128xf32> to vector<2000x8xf32>
    %add3A_133 = arith.addf %add3A_131, %slice3A_132 : vector<2000x8xf32>
    %slice3A_134 = vector.extract_strided_slice %integer_pow3A {offsets = [0, 80], sizes = [2000, 8], strides = [1, 1]} : vector<2000x128xf32> to vector<2000x8xf32>
    %add3A_135 = arith.addf %add3A_133, %slice3A_134 : vector<2000x8xf32>
    %slice3A_136 = vector.extract_strided_slice %integer_pow3A {offsets = [0, 88], sizes = [2000, 8], strides = [1, 1]} : vector<2000x128xf32> to vector<2000x8xf32>
    %add3A_137 = arith.addf %add3A_135, %slice3A_136 : vector<2000x8xf32>
    %slice3A_138 = vector.extract_strided_slice %integer_pow3A {offsets = [0, 96], sizes = [2000, 8], strides = [1, 1]} : vector<2000x128xf32> to vector<2000x8xf32>
    %add3A_139 = arith.addf %add3A_137, %slice3A_138 : vector<2000x8xf32>
    %slice3A_140 = vector.extract_strided_slice %integer_pow3A {offsets = [0, 104], sizes = [2000, 8], strides = [1, 1]} : vector<2000x128xf32> to vector<2000x8xf32>
    %add3A_141 = arith.addf %add3A_139, %slice3A_140 : vector<2000x8xf32>
    %slice3A_142 = vector.extract_strided_slice %integer_pow3A {offsets = [0, 112], sizes = [2000, 8], strides = [1, 1]} : vector<2000x128xf32> to vector<2000x8xf32>
    %add3A_143 = arith.addf %add3A_141, %slice3A_142 : vector<2000x8xf32>
    %slice3A_144 = vector.extract_strided_slice %integer_pow3A {offsets = [0, 120], sizes = [2000, 8], strides = [1, 1]} : vector<2000x128xf32> to vector<2000x8xf32>
    %add3A_145 = arith.addf %add3A_143, %slice3A_144 : vector<2000x8xf32>
    %slice3A_146 = vector.extract_strided_slice %add3A_145 {offsets = [0, 0], sizes = [2000, 4], strides = [1, 1]} : vector<2000x8xf32> to vector<2000x4xf32>
    %slice3A_147 = vector.extract_strided_slice %add3A_145 {offsets = [0, 4], sizes = [2000, 4], strides = [1, 1]} : vector<2000x8xf32> to vector<2000x4xf32>
    %add3A_148 = arith.addf %slice3A_146, %slice3A_147 : vector<2000x4xf32>
    %slice3A_149 = vector.extract_strided_slice %add3A_148 {offsets = [0, 0], sizes = [2000, 2], strides = [1, 1]} : vector<2000x4xf32> to vector<2000x2xf32>
    %slice3A_150 = vector.extract_strided_slice %add3A_148 {offsets = [0, 2], sizes = [2000, 2], strides = [1, 1]} : vector<2000x4xf32> to vector<2000x2xf32>
    %add3A_151 = arith.addf %slice3A_149, %slice3A_150 : vector<2000x2xf32>
    %slice3A_152 = vector.extract_strided_slice %add3A_151 {offsets = [0, 0], sizes = [2000, 1], strides = [1, 1]} : vector<2000x2xf32> to vector<2000x1xf32>
    %slice3A_153 = vector.extract_strided_slice %add3A_151 {offsets = [0, 1], sizes = [2000, 1], strides = [1, 1]} : vector<2000x2xf32> to vector<2000x1xf32>
    %add3A_154 = arith.addf %slice3A_152, %slice3A_153 : vector<2000x1xf32>
    %mul3A_155 = arith.constant 7.812500e-03 : f32
    %mul3A_156 = vector.broadcast %mul3A_155 : f32 to vector<2000x1xf32>
    %mul3A_157 = arith.mulf %add3A_154, %mul3A_156 : vector<2000x1xf32>
    %sub3A_158 = vector.broadcast %mul3A_107 : vector<2000x1xf32> to vector<2000x128xf32>
    %sub3A_159 = arith.subf %add3A_53, %sub3A_158 : vector<2000x128xf32>
    %add3A_160 = arith.constant 9.99999974E-6 : f32
    %add3A_161 = vector.broadcast %add3A_160 : f32 to vector<2000x1xf32>
    %add3A_162 = arith.addf %mul3A_157, %add3A_161 : vector<2000x1xf32>
    %sqrt3A = math.sqrt %add3A_162 : vector<2000x1xf32>
    %div3A = vector.broadcast %sqrt3A : vector<2000x1xf32> to vector<2000x128xf32>
    %div3A_163 = arith.divf %sub3A_159, %div3A : vector<2000x128xf32>
    %mul3A_164 = vector.broadcast %get3A_56 : vector<1x128xf32> to vector<2000x128xf32>
    %mul3A_165 = arith.mulf %div3A_163, %mul3A_164 : vector<2000x128xf32>
    %add3A_166 = vector.broadcast %get3A_59 : vector<1x128xf32> to vector<2000x128xf32>
    %add3A_167 = arith.addf %mul3A_165, %add3A_166 : vector<2000x128xf32>
    %swap3A = arith.constant 0 : index
    %swap3A_168 = arith.constant 0 : index
    %swap3A_169 = vector.load %arg13[%swap3A, %swap3A_168] : memref<2000x128xf32, #tpu.memory_space<vmem>>, vector<2000x128xf32>
    tpu.vector_store %arg13[%swap3A, %swap3A_168], %add3A_167 {strides = array<i32>} : memref<2000x128xf32, #tpu.memory_space<vmem>>, vector<2000x128xf32>,
    %get3A_170 = arith.constant 0 : index
    %get3A_171 = arith.constant 0 : index
    %get3A_172 = vector.load %arg11[%get3A_170, %get3A_171] : memref<128x128xf32, #tpu.memory_space<vmem>>, vector<128x128xf32>
    %dot_general3A_173 = arith.constant dense<0.000000e+00> : vector<2000x128xf32>
    %dot_general3A_174 = tpu.matmul %add3A_167, %get3A_172, %dot_general3A_173 {dimension_numbers = #tpu.dot_dimension_numbers<[1], [0], [0], [1], [0, 0, 1, 1], [], []>, transpose_lhs_hint = false} : vector<2000x128xf32>, vector<128x128xf32>, vector<2000x128xf32> -> vector<2000x128xf32>
    %get3A_175 = arith.constant 0 : index
    %get3A_176 = arith.constant 0 : index
    %get3A_177 = vector.load %arg12[%get3A_175, %get3A_176] : memref<1x128xf32, #tpu.memory_space<vmem>>, vector<1x128xf32>
    %add3A_178 = vector.broadcast %get3A_177 : vector<1x128xf32> to vector<2000x128xf32>
    %add3A_179 = arith.addf %dot_general3A_174, %add3A_178 : vector<2000x128xf32>
    %swap3A_180 = arith.constant 0 : index
    %swap3A_181 = arith.constant 0 : index
    %swap3A_182 = vector.load %arg14[%swap3A_180, %swap3A_181] : memref<2000x128xf32, #tpu.memory_space<vmem>>, vector<2000x128xf32>
    tpu.vector_store %arg14[%swap3A_180, %swap3A_181], %add3A_179 {strides = array<i32>} : memref<2000x128xf32, #tpu.memory_space<vmem>>, vector<2000x128xf32>,
    return
  }
  func.func @transform_0(%arg0: i32) -> (i32, i32) {
    %c0_i32 = arith.constant 0 : i32
    %c0_i32_0 = arith.constant 0 : i32
    return %arg0, %c0_i32 : i32, i32
  }
  func.func @transform_1(%arg0: i32) -> (i32, i32) {
    %c0_i32 = arith.constant 0 : i32
    %c0_i32_0 = arith.constant 0 : i32
    return %arg0, %c0_i32 : i32, i32
  }
  func.func @transform_2(%arg0: i32) -> (i32, i32) {
    %c0_i32 = arith.constant 0 : i32
    %c0_i32_0 = arith.constant 0 : i32
    return %arg0, %c0_i32 : i32, i32
  }
  func.func @transform_3(%arg0: i32) -> (i32, i32) {
    %c0_i32 = arith.constant 0 : i32
    %c0_i32_0 = arith.constant 0 : i32
    return %arg0, %c0_i32 : i32, i32
  }
  func.func @transform_4(%arg0: i32) -> (i32, i32) {
    %c0_i32 = arith.constant 0 : i32
    %c0_i32_0 = arith.constant 0 : i32
    %c0_i32_1 = arith.constant 0 : i32
    return %c0_i32, %c0_i32_0 : i32, i32
  }
  func.func @transform_5(%arg0: i32) -> (i32, i32) {
    %c0_i32 = arith.constant 0 : i32
    %c0_i32_0 = arith.constant 0 : i32
    %c0_i32_1 = arith.constant 0 : i32
    return %c0_i32, %c0_i32_0 : i32, i32
  }
  func.func @transform_6(%arg0: i32) -> (i32, i32) {
    %c0_i32 = arith.constant 0 : i32
    %c0_i32_0 = arith.constant 0 : i32
    %c0_i32_1 = arith.constant 0 : i32
    return %c0_i32, %c0_i32_0 : i32, i32
  }
  func.func @transform_7(%arg0: i32) -> (i32, i32) {
    %c0_i32 = arith.constant 0 : i32
    %c0_i32_0 = arith.constant 0 : i32
    %c0_i32_1 = arith.constant 0 : i32
    return %c0_i32, %c0_i32_0 : i32, i32
  }
  func.func @transform_8(%arg0: i32) -> (i32, i32) {
    %c0_i32 = arith.constant 0 : i32
    %c0_i32_0 = arith.constant 0 : i32
    %c0_i32_1 = arith.constant 0 : i32
    return %c0_i32, %c0_i32_0 : i32, i32
  }
  func.func @transform_9(%arg0: i32) -> (i32, i32) {
    %c0_i32 = arith.constant 0 : i32
    %c0_i32_0 = arith.constant 0 : i32
    %c0_i32_1 = arith.constant 0 : i32
    return %c0_i32, %c0_i32_0 : i32, i32
  }
  func.func @transform_10(%arg0: i32) -> (i32, i32) {
    %c0_i32 = arith.constant 0 : i32
    %c0_i32_0 = arith.constant 0 : i32
    %c0_i32_1 = arith.constant 0 : i32
    return %c0_i32, %c0_i32_0 : i32, i32
  }
  func.func @transform_11(%arg0: i32) -> (i32, i32) {
    %c0_i32 = arith.constant 0 : i32
    %c0_i32_0 = arith.constant 0 : i32
    %c0_i32_1 = arith.constant 0 : i32
    return %c0_i32, %c0_i32_0 : i32, i32
  }
  func.func @transform_12(%arg0: i32) -> (i32, i32) {
    %c0_i32 = arith.constant 0 : i32
    %c0_i32_0 = arith.constant 0 : i32
    return %arg0, %c0_i32 : i32, i32
  }
  func.func @transform_13(%arg0: i32) -> (i32, i32) {
    %c0_i32 = arith.constant 0 : i32
    %c0_i32_0 = arith.constant 0 : i32
    return %arg0, %c0_i32 : i32, i32
  }
}

</mosaic_0001>

<sc_bundles>
// kernel: edge_scatter_add.11.cloned.1.call-start
scs
__scs_entry_jumppad:
0x0: {  	(pc) =	sbr.rel $0x88, $3  }
0x1: {  	(tag) =	ssettag $0x0;
	lr =	simm.s32 $0x1  }
0x2: {  	[smem:$0x3F91] =	sst lr;
	_ =	strace $0xD0000000  }
0x3: {  	_ = 	snop  }
0x4: {  	_ = 	snop  }
0x5: {  	_ = 	snop  }
0x6: {  	_ = 	snop  }
0x7: {  	_ = 	snop  }
__scs_overlays_trampoline_lowered:
0x8: {  	[smem:$0x3FA0] =	sst s0  }
0x9: {  	[smem:$0x3FA1] =	sst s1  }
0xa: {  	[smem:$0x3FA2] =	sst s2  }
0xb: {  	[smem:$0x3FA3] =	sst s3  }
0xc: {  	[smem:$0x3FA4] =	sst s4  }
0xd: {  	[smem:$0x3FA5] =	sst s5  }
0xe: {  	[smem:$0x3FA6] =	sst s6  }
0xf: {  	[smem:$0x3FA7] =	sst s7  }
0x10: {  	[smem:$0x3FA8] =	sst s8  }
0x11: {  	[smem:$0x3FA9] =	sst s9;
	s0 =	simm.s32 @!p0 $0x0  }
0x12: {  	s1 =	sld [smem:$0x3F8F];
	s0 =	simm.s32 @p0 $0x1  }
0x13: {  	[smem:$0x3FAA] =	sst s0;
	s0 =	simm.s32 @!p1 $0x0  }
0x14: {  	s2 =	sld [smem:$0x3F8E];
	s0 =	simm.s32 @p1 $0x1  }
0x15: {  	[smem:$0x3FAB] =	sst s0;
	s0 =	simm.s32 @!p2 $0x0  }
0x16: {  	s3 =	sld [smem:$0x3FDB];
	s0 =	simm.s32 @p2 $0x1  }
0x17: {  	s4 =	simm.s32 $0x1BF5;
	[smem:$0x3FAD] =	sst s0  }
0x18: {  	s0 =	sld [smem:$0x3F90];
	_ =	swait.ge [sflag:s4], $0x0  }
0x19: {  	s7 =	sld [smem:$0x3F91]  }
0x1a: {  	s8 =	sadd.s32 $0xFFFFE003, lr  }
0x1b: {  	s9 =	sadd.s32 $0xFFFFFEF7, lr;
	s5 =	simm.s32 $0xFFFFFFFF;
	p2 =	slt.u32 s8, $0xFFFFF086  }
0x1c: {  	p1 =	slt.u32 s9, $0xF7A;
	s5 =	simm.s32 @!p2 $0x0  }
0x1d: {  	s5 =	simm.s32 @p1 $0x1;
	p0 =	seq.s32 s7, s2  }
0x1e: {  	s7 =	smul.u32 @!p0 $0xF7A, s2;
	p2 =	seq.s32 @!p0 s5, $0x0  }
0x1f: {  	s9 =	smul.u32 $0xF7A, s1;
	s8 =	simm.s32 @!p0 $0x1BF5;
	p2 =	por !p2, p0  }
0x20: {  	[sflag:s8] =	ssyncset.s32 @!p0 $0xFFFFF086;
	s6 =	sadd.s32 @!p0 s3, s7;
	s7 =	simm.s32 @!p0 $0x108  }
0x21: {  	s3 =	sadd.s32 s3, s9;
	s6 =	sadd.s32 @!p0 $0x88, s6;
	s7 =	simm.s32 @p2 $0x1082  }
0x22: {  	[simem:s7], [sflag:s8] =	dma.local @!p0 [hbm:s6], $0xF7A  }
0x23: {  	s9 =	sor.u32 $0xD0000000, s2;
	s6 =	simm.s32 $0x108;
	_ =	swait.ge @!p0 [sflag:s8], $0x0  }
0x24: {  	s3 =	sadd.s32 $0x88, s3;
	s6 =	simm.s32 @!p1 $0x1082;
	[sflag:s4] =	ssyncset.s32 $0xFFFFF086  }
0x25: {  	[simem:s6], [sflag:s4] =	dma.local [hbm:s3], $0xF7A  }
0x26: {  	[smem:$0x3F91] =	sst s1;
	(tag) =	ssettag s2;
	_ =	strace s9  }
0x27: {  	s1 =	sld [smem:$0x3FA1]  }
0x28: {  	s2 =	sld [smem:$0x3FA2]  }
0x29: {  	s4 =	sld [smem:$0x3FA4]  }
0x2a: {  	p0 =	seq.s32 s5, $0x0;
	s5 =	sld [smem:$0x3FA5]  }
0x2b: {  	s6 =	sld [smem:$0x3FA6]  }
0x2c: {  	s7 =	sld [smem:$0x3FA7]  }
0x2d: {  	s3 =	simm.s32 $0x108;
	s8 =	sld [smem:$0x3FA8]  }
0x2e: {  	s3 =	simm.s32 @!p0 $0x1082;
	s9 =	sld [smem:$0x3FA9]  }
0x2f: {  	lr =	sadd.s32 s0, s3;
	s0 =	sld [smem:$0x3FA0]  }
0x30: {  	s3 =	sld [smem:$0x3FA3]  }
0x31: {  	[smem:$0x3FAC] =	sst s10  }
0x32: {  	s10 =	sld [smem:$0x3FAA];
	_ =	sdelay $0x3  }
0x33: {  	p0 =	seq.s32 s10, $0x1;
	s10 =	sld [smem:$0x3FAC];
	_ =	sdelay $0x3  }
0x34: {  	[smem:$0x3FAC] =	sst s10  }
0x35: {  	s10 =	sld [smem:$0x3FAB];
	_ =	sdelay $0x3  }
0x36: {  	p1 =	seq.s32 s10, $0x1;
	s10 =	sld [smem:$0x3FAC];
	_ =	sdelay $0x3  }
0x37: {  	[smem:$0x3FAC] =	sst s10  }
0x38: {  	s10 =	sld [smem:$0x3FAD]  }
0x39: {  	_ = 	snop;
	(pc) =	sbr.ind lr, $3  }
0x3a: {  	_ = 	snop  }
0x3b: {  	_ = 	snop  }
0x3c: {  	p2 =	seq.s32 s10, $0x1;
	s10 =	sld [smem:$0x3FAC]  }
0x3d: {  	_ =	shalt  }
0x3e: {  	_ =	shalt  }
0x3f: {  	_ =	shalt  }
0x40: {  	_ =	shalt  }
0x41: {  	_ =	shalt  }
0x42: {  	_ =	shalt  }
0x43: {  	_ =	shalt  }
0x44: {  	_ =	shalt  }
0x45: {  	_ =	shalt  }
0x46: {  	_ =	shalt  }
0x47: {  	_ =	shalt  }
0x48: {  	_ =	shalt  }
0x49: {  	_ =	shalt  }
0x4a: {  	_ =	shalt  }
0x4b: {  	_ =	shalt  }
0x4c: {  	_ =	shalt  }
0x4d: {  	_ =	shalt  }
0x4e: {  	_ =	shalt  }
0x4f: {  	_ =	shalt  }
0x50: {  	_ =	shalt  }
0x51: {  	_ =	shalt  }
0x52: {  	_ =	shalt  }
0x53: {  	_ =	shalt  }
0x54: {  	_ =	shalt  }
0x55: {  	_ =	shalt  }
0x56: {  	_ =	shalt  }
0x57: {  	_ =	shalt  }
0x58: {  	_ =	shalt  }
0x59: {  	_ =	shalt  }
0x5a: {  	_ =	shalt  }
0x5b: {  	_ =	shalt  }
0x5c: {  	_ =	shalt  }
0x5d: {  	_ =	shalt  }
0x5e: {  	_ =	shalt  }
0x5f: {  	_ =	shalt  }
0x60: {  	_ =	shalt  }
0x61: {  	_ =	shalt  }
0x62: {  	_ =	shalt  }
0x63: {  	_ =	shalt  }
0x64: {  	_ =	shalt  }
0x65: {  	_ =	shalt  }
0x66: {  	_ =	shalt  }
0x67: {  	_ =	shalt  }
0x68: {  	_ =	shalt  }
0x69: {  	_ =	shalt  }
0x6a: {  	_ =	shalt  }
0x6b: {  	_ =	shalt  }
0x6c: {  	_ =	shalt  }
0x6d: {  	_ =	shalt  }
0x6e: {  	_ =	shalt  }
0x6f: {  	_ =	shalt  }
0x70: {  	_ =	shalt  }
0x71: {  	_ =	shalt  }
0x72: {  	_ =	shalt  }
0x73: {  	_ =	shalt  }
0x74: {  	_ =	shalt  }
0x75: {  	_ =	shalt  }
0x76: {  	_ =	shalt  }
0x77: {  	_ =	shalt  }
0x78: {  	_ =	shalt  }
0x79: {  	_ =	shalt  }
0x7a: {  	_ =	shalt  }
0x7b: {  	_ =	shalt  }
0x7c: {  	_ =	shalt  }
0x7d: {  	_ =	shalt  }
0x7e: {  	_ =	shalt  }
0x7f: {  	_ =	shalt  }
0x80: {  	_ =	shalt  }
0x81: {  	_ =	shalt  }
0x82: {  	_ =	shalt  }
0x83: {  	_ =	shalt  }
0x84: {  	_ =	shalt  }
0x85: {  	_ =	shalt  }
0x86: {  	_ =	shalt  }
0x87: {  	_ =	shalt  }
.Lfunc_end0:
.L_simem_size_0:
called_computation.1_lowered:
.L_overlay_start_0:
0x88: {  	s2 =	sld [smem:$0x3FD9]  }
0x89: {  	s3 =	sld [smem:$0x3FFE];
	_ =	sdelay $0x1  }
0x8a: {  	s1 =	srdreg.scid  }
0x8b: {  	s0 =	sand.u32 $0x1, s1  }
0x8c: {  	s17 =	sshll.u32 s0, $0xA;
	s2 =	sadd.s32 s3, s2  }
0x8d: {  	s2 =	sadd.s32 s2, s17  }
0x8e: {  	[smem:$0x3FB8] =	sst s2  }
0x8f: {  	_ = 	snop  }
0x90: {  	s2 =	sld [smem:$0x3FD0];
	(tm) =	ssettm $0x1  }
0x91: {  	s18 =	sld [smem:$0x3FFB];
	_ =	sdelay $0x3  }
0x92: {  	_ =	strace s18  }
0x93: {  	s3 =	sld [smem:$0x3FFC];
	_ =	sdelay $0x3  }
0x94: {  	_ =	strace s3  }
0x95: {  	s3 =	sld [smem:$0x3FFD];
	_ =	sdelay $0x3  }
0x96: {  	_ =	strace s3  }
0x97: {  	_ =	strace $0x8FFFFFFF  }
0x98: {  	s19 =	sld [smem:$0x3FDB];
	_ =	sdelay $0x1  }
0x99: {  	s4 =	simm.s32 $_scs_section_size  }
0x9a: {  	s5 =	simm.s32 $_size__tile_overlayer_lowered;
	s6 =	simm.s32 $_tile_overlayer_lowered  }
0x9b: {  	s22 =	simm.s32 $0x1BFF;
	s21 =	sshll.u32 s6, $0x1;
	s3 =	sadd.s32 s4, s19  }
0x9c: {  	s7 =	simm.s32 $0x0;
	s20 =	sshll.u32 s5, $0x1;
	s5 =	sadd.s32 s21, s3  }
0x9d: {  	[timem:s7], [sflag:s22] =	dma.local [hbm:s5], s20  }
0x9e: {  	_ =	swait.ge [sflag:s22], s20  }
0x9f: {  	s4 =	ssub.s32 $0x0, s20;
	[sflag:s22] =	ssyncset.done $0x0  }
0xa0: {  	[sflag:s22] =	ssyncadd.s32 s4;
	_ =	sdelay $0x1  }
0xa1: {  	s23 =	simm.s32 $0x1B8B  }
0xa2: {  	_ =	swait.ge [sflag:s23], $0x1  }
0xa3: {  	[sflag:s23] =	ssyncset.done $0x0  }
0xa4: {  	s25 =	simm.s32 $0x1B8E;
	s24 =	sld [smem:$0x3FFE];
	[sflag:s23] =	ssyncadd.s32 $0xFFFFFFFF  }
0xa5: {  	s26 =	simm.s32 $execute0_lowered;
	[smem:$0x3FD2] =	sst s25  }
0xa6: {  	s5 =	sshll.u32 s26, $0x1;
	_ =	strace $0x80000049;
	[dreg:$0x1] =	wrdreg $0xFFFFFFFF  }
0xa7: {  	s28 =	simm.s32 $_size_execute0_lowered;
	s3 =	sadd.s32 s3, s5;
	[dreg:$0x0] =	wrdreg $0x0  }
0xa8: {  	s5 =	sshll.u32 s28, $0x1;
	[dreg:$0x2] =	wrdreg s3  }
0xa9: {  	[dreg:$0x3] =	wrdreg s5  }
0xaa: {  	[dreg:$0x4] =	wrdreg $0xC0  }
0xab: {  	_ =	task [dreg:s7], $0x5FFFF  }
0xac: {  	[dreg:$0x1] =	wrdreg $0xFFFFFFFF  }
0xad: {  	[dreg:$0x0] =	wrdreg $0x60  }
0xae: {  	[dreg:$0x2] =	wrdreg s2  }
0xaf: {  	[dreg:$0x3] =	wrdreg s24  }
0xb0: {  	[dreg:$0x4] =	wrdreg $0xB7800  }
0xb1: {  	[dreg:$0x5] =	wrdreg $0x9  }
0xb2: {  	_ =	task.clear_ibuf [dreg:s7], $0x6FFFF;
	_ =	strace $0x90000049  }
0xb3: {  	s29 =	simm.s32 $0x9;
	_ =	strace $0x8000004B  }
0xb4: {  	_ =	swait.ge [sflag:s29], $0x1  }
0xb5: {  	[sflag:s29] =	ssyncadd.s32 $0xFFFFFFFF  }
0xb6: {  	_ =	strace $0x9000004B  }
0xb7: {  	_ =	sfence  }
0xb8: {  	s30 =	sld [smem:$0x0];
	_ =	sdelay $0x2  }
0xb9: {  	s31 =	sshll.u32 s1, $0xD;
	s1 =	sshrl.u32 s1, $0x2  }
0xba: {  	s3 =	sand.u32 $0x4000, s31;
	s1 =	sadd.s32 s1, s30  }
0xbb: {  	s0 =	sor.u32 s3, s0;
	s1 =	sshll.u32 s1, $0x11  }
0xbc: {  	s0 =	sor.u32 s1, s0  }
0xbd: {  	s0 =	sadd.s32 $0x8F2B, s0  }
0xbe: {  	[sflag:s0] =	ssyncadd.remote.s32 $0x1  }
0xbf: {  	_ =	sfence.sel $0xFFFF  }
0xc0: {  	[dreg:$0x0] =	wrdreg $0xFFFFFFFF;
	(pc) =	sbr.abs _section_cstart, $3  }
0xc1: {  	[dreg:$0x1] =	wrdreg $0xFFFFFFFF  }
0xc2: {  	_ =	task.clear_ibuf [dreg:s7], $0x2FFFF;
	_ =	strace $0x9FFFFFFF  }
0xc3: {  	(tm) =	ssettm $0x7FFFFFFF  }
tec
execute0_lowered:
.L_overlay_start_1:
0x0: {  	(tag) =	ssettag $0x1  }
0x1: {  	s1 =	rddreg [dreg:$0x0]  }
0x2: {  	s2 =	srdreg.scid;
	s7 =	rddreg [dreg:$0x1]  }
0x3: {  	s0 =	stileid.u32;
	s3 =	rddreg [dreg:$0x2];
	s4 =	simm.s32 $0x0  }
0x4: {  	s18 =	simm.s32 $0x50;
	s19 =	simm.s32 $0x6780;
	s20 =	simm.s32 $0x8F80  }
0x5: {  	s21 =	simm.s32 $0x1;
	s22 =	simm.s32 $0x2;
	s6 =	sand.u32 $0x1, s2  }
0x6: {  	s23 =	sshll.u32 s0, $0x1;
	s2 =	rddreg [dreg:$0x3];
	s25 =	smul.u32 $0x2700, s0  }
0x7: {  	s24 =	sshrl.u32 s0, $0x2;
	[smem:$0x7FF] =	sst s4;
	s12 =	smul.u32 $0x4E000, s0  }
0x8: {  	s15 =	sadd.s32 $0x88A00, s7;
	s17 =	sadd.s32 $0x138000, s3;
	p0 =	sne.s32 s0, $0xF  }
0x9: {  	s31 =	sshll.u32 s0, $0x6;
	s5 =	sor.u32 s6, s23;
	s8 =	smul.u32 $0x13C00, s24  }
0xa: {  	_ =	strace $0x8000004A;
	s11 =	ssub.s32 $0x2, s6;
	s14 =	smul.u32 $0x27100, s6  }
0xb: {  	s26 =	smul.u32 $0x138800, s6;
	s17 =	sshrl.u32 @!p0 s17, $0x3;
	s23 =	simm.s32 $0x6580  }
0xc: {  	s24 =	simm.s32 $0x0;
	s9 =	sshll.u32 s5, $0x7;
	s5 =	sshll.u32 s5, $0xB  }
0xd: {  	s13 =	sshrl.u32 s11, $0x1;
	s28 =	sshrl.u32 s12, $0x2;
	s12 =	simm.s32 $0x400  }
0xe: {  	s9 =	sand.u32 $0x380, s9;
	s10 =	sadd.s32 s5, s7;
	s5 =	sadd.s32 $0x1E200, s7  }
0xf: {  	s11 =	ssub.s32 s11, s13;
	s16 =	sadd.s32 s28, s3;
	s29 =	sadd.s32 s25, s14  }
0x10: {  	s30 =	sshrl.u32 s26, $0x3;
	s13 =	simm.s32 $0x3;
	s8 =	sor.u32 s8, s9  }
0x11: {  	s14 =	simm.s32 $0x2780;
	s9 =	sadd.s32 s15, s30;
	s8 =	sshrl.u32 s8, $0x3  }
0x12: {  	s16 =	sshrl.u32 s16, $0x3;
	s9 =	sadd.s32 $0x27000, s9;
	s8 =	sadd.s32 s8, s7  }
0x13: {  	s7 =	sadd.s32 $0x78A00, s10;
	s10 =	smax.u32 s11, $0x1;
	s11 =	simm.s32 $0x80  }
0x14: {  	s6 =	sadd.s32 $0x6EC00, s8;
	s8 =	sadd.s32 s15, s29;
	s15 =	sor.u32 $0x1C03, s31  }
.LBB2_1:
0x15: {  	[tilespmem:s4], [sflag:$0x3] =	stream.strided.gather [hbm4b:s6+s11], $0x2780, s12, s11, $0x38;
	[tilespmem:$0x1F000] =	vst v63  }
0x16: {  	_ =	swait.ge [sflag:s13], $0x2780  }
0x17: {  	[sflag:s13] =	ssyncset.done $0x0  }
0x18: {  	[sflag:s13] =	ssyncadd.s32 $0xFFFFD880  }
0x19: {  	[tilespmem:s14], [sflag:$0x3] =	stream.linear.gather [hbm4b:s7+s4], $0x3E80, $0x38;
	[tilespmem:$0x1F000] =	vst v63  }
0x1a: {  	_ =	swait.ge [sflag:s13], $0x3E80  }
0x1b: {  	[sflag:s13] =	ssyncset.done $0x0  }
0x1c: {  	[sflag:s13] =	ssyncadd.s32 $0xFFFFC180  }
0x1d: {  	[spmem:s16], [sflag:s15] =	dma.local [hbm:s5], $0x2700  }
0x1e: {  	_ =	swait.ge [sflag:s13], $0x2700  }
0x1f: {  	[sflag:s13] =	ssyncset.done $0x0  }
0x20: {  	s25 =	simm.s32 @!p0 $0x3;
	[sflag:s13] =	ssyncadd.s32 $0xFFFFD900  }
0x21: {  	[spmem:s17], [sflag:s15] =	dma.local @!p0 [hbm:s5], $0x100  }
0x22: {  	_ =	swait.ge @!p0 [sflag:s25], $0x100  }
0x23: {  	[sflag:s25] =	ssyncset.done @!p0 $0x0  }
0x24: {  	[sflag:s25] =	ssyncadd.s32 @!p0 $0xFFFFFF00  }
0x25: {  	[bflag:$0x0] =	sbarrier.arrive $0xFFFF  }
0x26: {  	[tilespmem:s19], [sflag:$0x1] =	stream.indirect.gather [hbm4b:s1+s18], $0x80, s4, s18, $0xb8;
	[tilespmem:$0x1F000] =	vst v63  }
0x27: {  	s26 =	simm.s32 $0x50  }
0x28: {  	[tilespmem:s20], [sflag:$0x2] =	stream.indirect.gather [hbm4b:s1+s18], $0x80, s26, s18, $0xb8;
	[tilespmem:$0x1F000] =	vst v63  }
0x29: {  	_ =	swait.ge [sflag:s21], $0x2800  }
0x2a: {  	[sflag:s21] =	ssyncset.done $0x0  }
0x2b: {  	s29 =	simm.s32 $0x2780;
	[sflag:s21] =	ssyncadd.s32 $0xFFFFD800  }
0x2c: {  	[spmem:s3] =	stream.indirect.scatter.add.f32 [tilespmem:s19], [sflag:$0x3], $0x80, s29, s18, $0xb8;
	[tilespmem:$0x1F000] =	vst v63  }
0x2d: {  	_ =	swait.ge [sflag:s13], $0x2800  }
0x2e: {  	[sflag:s13] =	ssyncset.done $0x0  }
0x2f: {  	s30 =	simm.s32 $0xA0;
	[sflag:s13] =	ssyncadd.s32 $0xFFFFD800  }
0x30: {  	[tilespmem:s19], [sflag:$0x1] =	stream.indirect.gather [hbm4b:s1+s18], $0x80, s30, s18, $0xb8;
	[tilespmem:$0x1F000] =	vst v63  }
0x31: {  	_ =	swait.ge [sflag:s22], $0x2800  }
0x32: {  	[sflag:s22] =	ssyncset.done $0x0  }
0x33: {  	s31 =	simm.s32 $0x2800;
	[sflag:s22] =	ssyncadd.s32 $0xFFFFD800  }
0x34: {  	[spmem:s3] =	stream.indirect.scatter.add.f32 [tilespmem:s20], [sflag:$0x3], $0x80, s31, s18, $0xb8;
	[tilespmem:$0x1F000] =	vst v63  }
0x35: {  	s28 =	simm.s32 $0x800;
	_ =	swait.ge [sflag:s13], $0x2800  }
0x36: {  	s25 =	simm.s32 $0x140;
	s26 =	simm.s32 $0x400;
	[sflag:s13] =	ssyncset.done $0x0  }
.LBB2_2:
0x37: {  	p1 =	sne.s32 s28, $0xF400;
	s29 =	sadd.s32 $0xFFFFFFB0, s25;
	[sflag:s13] =	ssyncadd.s32 $0xFFFFD800  }
0x38: {  	[tilespmem:s20], [sflag:$0x2] =	stream.indirect.gather [hbm4b:s1+s18], $0x80, s29, s18, $0xb8;
	[tilespmem:$0x1F000] =	vst v63  }
0x39: {  	s29 =	smov.u32 s28;
	s28 =	sadd.s32 $0x400, s28;
	_ =	swait.ge [sflag:s21], $0x2800  }
0x3a: {  	s30 =	sshra.s32 s26, $0x2;
	s26 =	smov.u32 s29;
	[sflag:s21] =	ssyncset.done $0x0  }
0x3b: {  	s29 =	sadd.s32 $0x2780, s30;
	[sflag:s21] =	ssyncadd.s32 $0xFFFFD800  }
0x3c: {  	[spmem:s3] =	stream.indirect.scatter.add.f32 [tilespmem:s19], [sflag:$0x3], $0x80, s29, s18, $0xb8;
	[tilespmem:$0x1F000] =	vst v63  }
0x3d: {  	_ =	swait.ge [sflag:s13], $0x2800  }
0x3e: {  	[sflag:s13] =	ssyncset.done $0x0  }
0x3f: {  	[sflag:s13] =	ssyncadd.s32 $0xFFFFD800  }
0x40: {  	[tilespmem:s19], [sflag:$0x1] =	stream.indirect.gather [hbm4b:s1+s18], $0x80, s25, s18, $0xb8;
	[tilespmem:$0x1F000] =	vst v63  }
0x41: {  	_ =	swait.ge [sflag:s22], $0x2800  }
.Ltmp0:
0x42: {  	[sflag:s22] =	ssyncset.done $0x0;
	(pc) =	sbr.rel @p1 .LBB2_2-.Ltmp0, $4  }
0x43: {  	s29 =	sadd.s32 $0x2800, s30;
	[sflag:s22] =	ssyncadd.s32 $0xFFFFD800  }
0x44: {  	[spmem:s3] =	stream.indirect.scatter.add.f32 [tilespmem:s20], [sflag:$0x3], $0x80, s29, s18, $0xb8;
	[tilespmem:$0x1F000] =	vst v63  }
0x45: {  	_ =	swait.ge [sflag:s13], $0x2800  }
0x46: {  	s25 =	sadd.s32 $0xA0, s25;
	[sflag:s13] =	ssyncset.done $0x0  }
0x47: {  	s28 =	sadd.s32 $0xFFFFFFB0, s25;
	[sflag:s13] =	ssyncadd.s32 $0xFFFFD800  }
0x48: {  	[tilespmem:s20], [sflag:$0x2] =	stream.indirect.gather [hbm4b:s1+s18], $0x80, s28, s18, $0xb8;
	[tilespmem:$0x1F000] =	vst v63  }
0x49: {  	_ =	swait.ge [sflag:s21], $0x2800  }
0x4a: {  	s26 =	sshra.s32 s26, $0x2;
	[sflag:s21] =	ssyncset.done $0x0  }
0x4b: {  	s30 =	sadd.s32 $0x2780, s26;
	[sflag:s21] =	ssyncadd.s32 $0xFFFFD800  }
0x4c: {  	[spmem:s3] =	stream.indirect.scatter.add.f32 [tilespmem:s19], [sflag:$0x3], $0x80, s30, s18, $0xb8;
	[tilespmem:$0x1F000] =	vst v63  }
0x4d: {  	_ =	swait.ge [sflag:s13], $0x2800  }
0x4e: {  	[sflag:s13] =	ssyncset.done $0x0  }
0x4f: {  	[sflag:s13] =	ssyncadd.s32 $0xFFFFD800  }
0x50: {  	[tilespmem:s19], [sflag:$0x1] =	stream.indirect.gather [hbm4b:s1+s18], $0x80, s25, s18, $0xb8;
	[tilespmem:$0x1F000] =	vst v63  }
0x51: {  	_ =	swait.ge [sflag:s22], $0x2800  }
0x52: {  	[sflag:s22] =	ssyncset.done $0x0  }
0x53: {  	s31 =	sadd.s32 $0x2800, s26;
	[sflag:s22] =	ssyncadd.s32 $0xFFFFD800  }
0x54: {  	[spmem:s3] =	stream.indirect.scatter.add.f32 [tilespmem:s20], [sflag:$0x3], $0x80, s31, s18, $0xb8;
	[tilespmem:$0x1F000] =	vst v63  }
0x55: {  	_ =	swait.ge [sflag:s13], $0x2800  }
0x56: {  	[sflag:s13] =	ssyncset.done $0x0  }
0x57: {  	[sflag:s13] =	ssyncadd.s32 $0xFFFFD800  }
0x58: {  	_ =	swait.ge [sflag:s21], $0x2800  }
0x59: {  	[sflag:s21] =	ssyncset.done $0x0  }
0x5a: {  	[sflag:s21] =	ssyncadd.s32 $0xFFFFD800  }
0x5b: {  	[spmem:s3] =	stream.indirect.scatter.add.f32 [tilespmem:s19], [sflag:$0x3], $0x80, s23, s18, $0xb8;
	[tilespmem:$0x1F000] =	vst v63  }
0x5c: {  	_ =	swait.ge [sflag:s13], $0x2800  }
0x5d: {  	[sflag:s13] =	ssyncset.done $0x0  }
0x5e: {  	[sflag:s13] =	ssyncadd.s32 $0xFFFFD800  }
0x5f: {  	[bflag:$0x0] =	sbarrier.arrive $0xFFFF  }
0x60: {  	[hbm:s8], [sflag:s15] =	dma.local [spmem:s16], $0x2700  }
0x61: {  	s24 =	sadd.s32 $0x1, s24;
	_ =	swait.ge [sflag:s13], $0x2700  }
0x62: {  	p1 =	sne.s32 s24, s10;
	[sflag:s13] =	ssyncset.done $0x0  }
.Ltmp1:
0x63: {  	s25 =	simm.s32 @!p0 $0x3;
	[sflag:s13] =	ssyncadd.s32 $0xFFFFD900;
	(pc) =	sbr.rel @p1 .LBB2_1-.Ltmp1, $4  }
0x64: {  	[hbm:s9], [sflag:s15] =	dma.local @!p0 [spmem:s17], $0x100  }
0x65: {  	_ =	swait.ge @!p0 [sflag:s25], $0x100  }
0x66: {  	[sflag:s25] =	ssyncset.done @!p0 $0x0  }
0x67: {  	[sflag:s25] =	ssyncadd.s32 @!p0 $0xFFFFFF00  }
0x68: {  	_ =	sfence.sel $0x180000  }
0x69: {  	[bflag:$0x0] =	sbarrier.arrive $0xFFFF  }
0x6a: {  	p0 =	sne.s32 s0, $0x0;
	_ =	strace $0x9000004A  }
0x6b: {  	s0 =	sadd.s32 @!p0 $0x100000, s2;
	[bflag:$0x2] =	sbarrier.arrive $0xFFFF  }
0x6c: {  	[sflag:s0] =	ssyncadd.tile.s32 @!p0 $0x1;
	_ =	shalt  }
.Lfunc_end2:
_tile_overlayer_lowered:
.L_overlay_start_2:
0x6d: {  	(tag) =	ssettag $0x2  }
0x6e: {  	s0 =	rddreg [dreg:$0x0];
	s2 =	stileid.u32  }
0x6f: {  	s1 =	rddreg [dreg:$0x1];
	p0 =	sne.s32 s2, $0x0  }
0x70: {  	s3 =	rddreg [dreg:$0x2];
	[bflag:$0x3] =	sbarrier.arrive $0xFFFF;
	s2 =	simm.s32 @!p0 $0x1C03  }
0x71: {  	[timem:s3], [sflag:s2] =	dma.local @!p0 [hbm:s0], s1  }
0x72: {  	s0 =	simm.s32 @!p0 $0x3  }
0x73: {  	_ =	swait.ge @!p0 [sflag:s0], s1  }
0x74: {  	s1 =	ssub.s32 @!p0 $0x0, s1;
	[sflag:s0] =	ssyncset.done @!p0 $0x0  }
0x75: {  	[sflag:s0] =	ssyncadd.s32 @!p0 s1  }
0x76: {  	[bflag:$0x3] =	sbarrier.arrive $0xFFFF  }
0x77: {  	_ =	shalt  }

// kernel: edge_scatter_add.14.cloned.1.call-start
scs
__scs_entry_jumppad:
0x0: {  	(pc) =	sbr.rel $0x88, $3  }
0x1: {  	(tag) =	ssettag $0x0;
	lr =	simm.s32 $0x1  }
0x2: {  	[smem:$0x3F91] =	sst lr;
	_ =	strace $0xD0000000  }
0x3: {  	_ = 	snop  }
0x4: {  	_ = 	snop  }
0x5: {  	_ = 	snop  }
0x6: {  	_ = 	snop  }
0x7: {  	_ = 	snop  }
__scs_overlays_trampoline_lowered:
0x8: {  	[smem:$0x3FA0] =	sst s0  }
0x9: {  	[smem:$0x3FA1] =	sst s1  }
0xa: {  	[smem:$0x3FA2] =	sst s2  }
0xb: {  	[smem:$0x3FA3] =	sst s3  }
0xc: {  	[smem:$0x3FA4] =	sst s4  }
0xd: {  	[smem:$0x3FA5] =	sst s5  }
0xe: {  	[smem:$0x3FA6] =	sst s6  }
0xf: {  	[smem:$0x3FA7] =	sst s7  }
0x10: {  	[smem:$0x3FA8] =	sst s8  }
0x11: {  	[smem:$0x3FA9] =	sst s9;
	s0 =	simm.s32 @!p0 $0x0  }
0x12: {  	s1 =	sld [smem:$0x3F8F];
	s0 =	simm.s32 @p0 $0x1  }
0x13: {  	[smem:$0x3FAA] =	sst s0;
	s0 =	simm.s32 @!p1 $0x0  }
0x14: {  	s2 =	sld [smem:$0x3F8E];
	s0 =	simm.s32 @p1 $0x1  }
0x15: {  	[smem:$0x3FAB] =	sst s0;
	s0 =	simm.s32 @!p2 $0x0  }
0x16: {  	s3 =	sld [smem:$0x3FDB];
	s0 =	simm.s32 @p2 $0x1  }
0x17: {  	s4 =	simm.s32 $0x1BF5;
	[smem:$0x3FAD] =	sst s0  }
0x18: {  	s0 =	sld [smem:$0x3F90];
	_ =	swait.ge [sflag:s4], $0x0  }
0x19: {  	s7 =	sld [smem:$0x3F91]  }
0x1a: {  	s8 =	sadd.s32 $0xFFFFE003, lr  }
0x1b: {  	s9 =	sadd.s32 $0xFFFFFEF7, lr;
	s5 =	simm.s32 $0xFFFFFFFF;
	p2 =	slt.u32 s8, $0xFFFFF086  }
0x1c: {  	p1 =	slt.u32 s9, $0xF7A;
	s5 =	simm.s32 @!p2 $0x0  }
0x1d: {  	s5 =	simm.s32 @p1 $0x1;
	p0 =	seq.s32 s7, s2  }
0x1e: {  	s7 =	smul.u32 @!p0 $0xF7A, s2;
	p2 =	seq.s32 @!p0 s5, $0x0  }
0x1f: {  	s9 =	smul.u32 $0xF7A, s1;
	s8 =	simm.s32 @!p0 $0x1BF5;
	p2 =	por !p2, p0  }
0x20: {  	[sflag:s8] =	ssyncset.s32 @!p0 $0xFFFFF086;
	s6 =	sadd.s32 @!p0 s3, s7;
	s7 =	simm.s32 @!p0 $0x108  }
0x21: {  	s3 =	sadd.s32 s3, s9;
	s6 =	sadd.s32 @!p0 $0x88, s6;
	s7 =	simm.s32 @p2 $0x1082  }
0x22: {  	[simem:s7], [sflag:s8] =	dma.local @!p0 [hbm:s6], $0xF7A  }
0x23: {  	s9 =	sor.u32 $0xD0000000, s2;
	s6 =	simm.s32 $0x108;
	_ =	swait.ge @!p0 [sflag:s8], $0x0  }
0x24: {  	s3 =	sadd.s32 $0x88, s3;
	s6 =	simm.s32 @!p1 $0x1082;
	[sflag:s4] =	ssyncset.s32 $0xFFFFF086  }
0x25: {  	[simem:s6], [sflag:s4] =	dma.local [hbm:s3], $0xF7A  }
0x26: {  	[smem:$0x3F91] =	sst s1;
	(tag) =	ssettag s2;
	_ =	strace s9  }
0x27: {  	s1 =	sld [smem:$0x3FA1]  }
0x28: {  	s2 =	sld [smem:$0x3FA2]  }
0x29: {  	s4 =	sld [smem:$0x3FA4]  }
0x2a: {  	p0 =	seq.s32 s5, $0x0;
	s5 =	sld [smem:$0x3FA5]  }
0x2b: {  	s6 =	sld [smem:$0x3FA6]  }
0x2c: {  	s7 =	sld [smem:$0x3FA7]  }
0x2d: {  	s3 =	simm.s32 $0x108;
	s8 =	sld [smem:$0x3FA8]  }
0x2e: {  	s3 =	simm.s32 @!p0 $0x1082;
	s9 =	sld [smem:$0x3FA9]  }
0x2f: {  	lr =	sadd.s32 s0, s3;
	s0 =	sld [smem:$0x3FA0]  }
0x30: {  	s3 =	sld [smem:$0x3FA3]  }
0x31: {  	[smem:$0x3FAC] =	sst s10  }
0x32: {  	s10 =	sld [smem:$0x3FAA];
	_ =	sdelay $0x3  }
0x33: {  	p0 =	seq.s32 s10, $0x1;
	s10 =	sld [smem:$0x3FAC];
	_ =	sdelay $0x3  }
0x34: {  	[smem:$0x3FAC] =	sst s10  }
0x35: {  	s10 =	sld [smem:$0x3FAB];
	_ =	sdelay $0x3  }
0x36: {  	p1 =	seq.s32 s10, $0x1;
	s10 =	sld [smem:$0x3FAC];
	_ =	sdelay $0x3  }
0x37: {  	[smem:$0x3FAC] =	sst s10  }
0x38: {  	s10 =	sld [smem:$0x3FAD]  }
0x39: {  	_ = 	snop;
	(pc) =	sbr.ind lr, $3  }
0x3a: {  	_ = 	snop  }
0x3b: {  	_ = 	snop  }
0x3c: {  	p2 =	seq.s32 s10, $0x1;
	s10 =	sld [smem:$0x3FAC]  }
0x3d: {  	_ =	shalt  }
0x3e: {  	_ =	shalt  }
0x3f: {  	_ =	shalt  }
0x40: {  	_ =	shalt  }
0x41: {  	_ =	shalt  }
0x42: {  	_ =	shalt  }
0x43: {  	_ =	shalt  }
0x44: {  	_ =	shalt  }
0x45: {  	_ =	shalt  }
0x46: {  	_ =	shalt  }
0x47: {  	_ =	shalt  }
0x48: {  	_ =	shalt  }
0x49: {  	_ =	shalt  }
0x4a: {  	_ =	shalt  }
0x4b: {  	_ =	shalt  }
0x4c: {  	_ =	shalt  }
0x4d: {  	_ =	shalt  }
0x4e: {  	_ =	shalt  }
0x4f: {  	_ =	shalt  }
0x50: {  	_ =	shalt  }
0x51: {  	_ =	shalt  }
0x52: {  	_ =	shalt  }
0x53: {  	_ =	shalt  }
0x54: {  	_ =	shalt  }
0x55: {  	_ =	shalt  }
0x56: {  	_ =	shalt  }
0x57: {  	_ =	shalt  }
0x58: {  	_ =	shalt  }
0x59: {  	_ =	shalt  }
0x5a: {  	_ =	shalt  }
0x5b: {  	_ =	shalt  }
0x5c: {  	_ =	shalt  }
0x5d: {  	_ =	shalt  }
0x5e: {  	_ =	shalt  }
0x5f: {  	_ =	shalt  }
0x60: {  	_ =	shalt  }
0x61: {  	_ =	shalt  }
0x62: {  	_ =	shalt  }
0x63: {  	_ =	shalt  }
0x64: {  	_ =	shalt  }
0x65: {  	_ =	shalt  }
0x66: {  	_ =	shalt  }
0x67: {  	_ =	shalt  }
0x68: {  	_ =	shalt  }
0x69: {  	_ =	shalt  }
0x6a: {  	_ =	shalt  }
0x6b: {  	_ =	shalt  }
0x6c: {  	_ =	shalt  }
0x6d: {  	_ =	shalt  }
0x6e: {  	_ =	shalt  }
0x6f: {  	_ =	shalt  }
0x70: {  	_ =	shalt  }
0x71: {  	_ =	shalt  }
0x72: {  	_ =	shalt  }
0x73: {  	_ =	shalt  }
0x74: {  	_ =	shalt  }
0x75: {  	_ =	shalt  }
0x76: {  	_ =	shalt  }
0x77: {  	_ =	shalt  }
0x78: {  	_ =	shalt  }
0x79: {  	_ =	shalt  }
0x7a: {  	_ =	shalt  }
0x7b: {  	_ =	shalt  }
0x7c: {  	_ =	shalt  }
0x7d: {  	_ =	shalt  }
0x7e: {  	_ =	shalt  }
0x7f: {  	_ =	shalt  }
0x80: {  	_ =	shalt  }
0x81: {  	_ =	shalt  }
0x82: {  	_ =	shalt  }
0x83: {  	_ =	shalt  }
0x84: {  	_ =	shalt  }
0x85: {  	_ =	shalt  }
0x86: {  	_ =	shalt  }
0x87: {  	_ =	shalt  }
.Lfunc_end0:
.L_simem_size_0:
called_computation.2_lowered:
.L_overlay_start_0:
0x88: {  	s2 =	sld [smem:$0x3FD9]  }
0x89: {  	s3 =	sld [smem:$0x3FFE];
	_ =	sdelay $0x1  }
0x8a: {  	s1 =	srdreg.scid  }
0x8b: {  	s0 =	sand.u32 $0x1, s1  }
0x8c: {  	s17 =	sshll.u32 s0, $0xA;
	s2 =	sadd.s32 s3, s2  }
0x8d: {  	s2 =	sadd.s32 s2, s17  }
0x8e: {  	[smem:$0x3FB8] =	sst s2  }
0x8f: {  	_ = 	snop  }
0x90: {  	s2 =	sld [smem:$0x3FD0];
	(tm) =	ssettm $0x1  }
0x91: {  	s18 =	sld [smem:$0x3FFB];
	_ =	sdelay $0x3  }
0x92: {  	_ =	strace s18  }
0x93: {  	s3 =	sld [smem:$0x3FFC];
	_ =	sdelay $0x3  }
0x94: {  	_ =	strace s3  }
0x95: {  	s3 =	sld [smem:$0x3FFD];
	_ =	sdelay $0x3  }
0x96: {  	_ =	strace s3  }
0x97: {  	_ =	strace $0x8FFFFFFF  }
0x98: {  	s19 =	sld [smem:$0x3FDB];
	_ =	sdelay $0x1  }
0x99: {  	s4 =	simm.s32 $_scs_section_size  }
0x9a: {  	s5 =	simm.s32 $_size__tile_overlayer_lowered;
	s6 =	simm.s32 $_tile_overlayer_lowered  }
0x9b: {  	s22 =	simm.s32 $0x1BFF;
	s21 =	sshll.u32 s6, $0x1;
	s3 =	sadd.s32 s4, s19  }
0x9c: {  	s7 =	simm.s32 $0x0;
	s20 =	sshll.u32 s5, $0x1;
	s5 =	sadd.s32 s21, s3  }
0x9d: {  	[timem:s7], [sflag:s22] =	dma.local [hbm:s5], s20  }
0x9e: {  	_ =	swait.ge [sflag:s22], s20  }
0x9f: {  	s4 =	ssub.s32 $0x0, s20;
	[sflag:s22] =	ssyncset.done $0x0  }
0xa0: {  	[sflag:s22] =	ssyncadd.s32 s4;
	_ =	sdelay $0x1  }
0xa1: {  	s23 =	simm.s32 $0x1B8B  }
0xa2: {  	_ =	swait.ge [sflag:s23], $0x1  }
0xa3: {  	[sflag:s23] =	ssyncset.done $0x0  }
0xa4: {  	s25 =	simm.s32 $0x1B8E;
	s24 =	sld [smem:$0x3FFE];
	[sflag:s23] =	ssyncadd.s32 $0xFFFFFFFF  }
0xa5: {  	s26 =	simm.s32 $execute0_lowered;
	[smem:$0x3FD2] =	sst s25  }
0xa6: {  	s5 =	sshll.u32 s26, $0x1;
	_ =	strace $0x8000004C;
	[dreg:$0x1] =	wrdreg $0xFFFFFFFF  }
0xa7: {  	s28 =	simm.s32 $_size_execute0_lowered;
	s3 =	sadd.s32 s3, s5;
	[dreg:$0x0] =	wrdreg $0x0  }
0xa8: {  	s5 =	sshll.u32 s28, $0x1;
	[dreg:$0x2] =	wrdreg s3  }
0xa9: {  	[dreg:$0x3] =	wrdreg s5  }
0xaa: {  	[dreg:$0x4] =	wrdreg $0xC0  }
0xab: {  	_ =	task [dreg:s7], $0x5FFFF  }
0xac: {  	[dreg:$0x1] =	wrdreg $0xFFFFFFFF  }
0xad: {  	[dreg:$0x0] =	wrdreg $0x60  }
0xae: {  	[dreg:$0x2] =	wrdreg s2  }
0xaf: {  	[dreg:$0x3] =	wrdreg s24  }
0xb0: {  	[dreg:$0x4] =	wrdreg $0xB7800  }
0xb1: {  	[dreg:$0x5] =	wrdreg $0x9  }
0xb2: {  	_ =	task.clear_ibuf [dreg:s7], $0x6FFFF;
	_ =	strace $0x9000004C  }
0xb3: {  	s29 =	simm.s32 $0x9;
	_ =	strace $0x8000004E  }
0xb4: {  	_ =	swait.ge [sflag:s29], $0x1  }
0xb5: {  	[sflag:s29] =	ssyncadd.s32 $0xFFFFFFFF  }
0xb6: {  	_ =	strace $0x9000004E  }
0xb7: {  	_ =	sfence  }
0xb8: {  	s30 =	sld [smem:$0x0];
	_ =	sdelay $0x2  }
0xb9: {  	s31 =	sshll.u32 s1, $0xD;
	s1 =	sshrl.u32 s1, $0x2  }
0xba: {  	s3 =	sand.u32 $0x4000, s31;
	s1 =	sadd.s32 s1, s30  }
0xbb: {  	s0 =	sor.u32 s3, s0;
	s1 =	sshll.u32 s1, $0x11  }
0xbc: {  	s0 =	sor.u32 s1, s0  }
0xbd: {  	s0 =	sadd.s32 $0x8F2B, s0  }
0xbe: {  	[sflag:s0] =	ssyncadd.remote.s32 $0x1  }
0xbf: {  	_ =	sfence.sel $0xFFFF  }
0xc0: {  	[dreg:$0x0] =	wrdreg $0xFFFFFFFF;
	(pc) =	sbr.abs _section_cstart, $3  }
0xc1: {  	[dreg:$0x1] =	wrdreg $0xFFFFFFFF  }
0xc2: {  	_ =	task.clear_ibuf [dreg:s7], $0x2FFFF;
	_ =	strace $0x9FFFFFFF  }
0xc3: {  	(tm) =	ssettm $0x7FFFFFFF  }
tec
execute0_lowered:
.L_overlay_start_1:
0x0: {  	(tag) =	ssettag $0x1  }
0x1: {  	s1 =	rddreg [dreg:$0x0]  }
0x2: {  	s2 =	srdreg.scid;
	s7 =	rddreg [dreg:$0x1]  }
0x3: {  	s0 =	stileid.u32;
	s3 =	rddreg [dreg:$0x2];
	s4 =	simm.s32 $0x0  }
0x4: {  	s18 =	simm.s32 $0x50;
	s19 =	simm.s32 $0x6780;
	s20 =	simm.s32 $0x8F80  }
0x5: {  	s21 =	simm.s32 $0x1;
	s22 =	simm.s32 $0x2;
	s6 =	sand.u32 $0x1, s2  }
0x6: {  	s23 =	sshll.u32 s0, $0x1;
	s2 =	rddreg [dreg:$0x3];
	s25 =	smul.u32 $0x2700, s0  }
0x7: {  	s24 =	sshrl.u32 s0, $0x2;
	[smem:$0x7FF] =	sst s4;
	s12 =	smul.u32 $0x4E000, s0  }
0x8: {  	s15 =	sadd.s32 $0x88A00, s7;
	s17 =	sadd.s32 $0x138000, s3;
	p0 =	sne.s32 s0, $0xF  }
0x9: {  	s31 =	sshll.u32 s0, $0x6;
	s5 =	sor.u32 s6, s23;
	s8 =	smul.u32 $0x13C00, s24  }
0xa: {  	_ =	strace $0x8000004D;
	s11 =	ssub.s32 $0x2, s6;
	s14 =	smul.u32 $0x27100, s6  }
0xb: {  	s26 =	smul.u32 $0x138800, s6;
	s17 =	sshrl.u32 @!p0 s17, $0x3;
	s23 =	simm.s32 $0x6580  }
0xc: {  	s24 =	simm.s32 $0x0;
	s9 =	sshll.u32 s5, $0x7;
	s5 =	sshll.u32 s5, $0xB  }
0xd: {  	s13 =	sshrl.u32 s11, $0x1;
	s28 =	sshrl.u32 s12, $0x2;
	s12 =	simm.s32 $0x400  }
0xe: {  	s9 =	sand.u32 $0x380, s9;
	s10 =	sadd.s32 s5, s7;
	s5 =	sadd.s32 $0x1E200, s7  }
0xf: {  	s11 =	ssub.s32 s11, s13;
	s16 =	sadd.s32 s28, s3;
	s29 =	sadd.s32 s25, s14  }
0x10: {  	s30 =	sshrl.u32 s26, $0x3;
	s13 =	simm.s32 $0x3;
	s8 =	sor.u32 s8, s9  }
0x11: {  	s14 =	simm.s32 $0x2780;
	s9 =	sadd.s32 s15, s30;
	s8 =	sshrl.u32 s8, $0x3  }
0x12: {  	s16 =	sshrl.u32 s16, $0x3;
	s9 =	sadd.s32 $0x27000, s9;
	s8 =	sadd.s32 s8, s7  }
0x13: {  	s7 =	sadd.s32 $0xE200, s10;
	s10 =	smax.u32 s11, $0x1;
	s11 =	simm.s32 $0x80  }
0x14: {  	s6 =	sadd.s32 $0x4400, s8;
	s8 =	sadd.s32 s15, s29;
	s15 =	sor.u32 $0x1C03, s31  }
.LBB2_1:
0x15: {  	[tilespmem:s4], [sflag:$0x3] =	stream.strided.gather [hbm4b:s6+s11], $0x2780, s12, s11, $0x38;
	[tilespmem:$0x1F000] =	vst v63  }
0x16: {  	_ =	swait.ge [sflag:s13], $0x2780  }
0x17: {  	[sflag:s13] =	ssyncset.done $0x0  }
0x18: {  	[sflag:s13] =	ssyncadd.s32 $0xFFFFD880  }
0x19: {  	[tilespmem:s14], [sflag:$0x3] =	stream.linear.gather [hbm4b:s7+s4], $0x3E80, $0x38;
	[tilespmem:$0x1F000] =	vst v63  }
0x1a: {  	_ =	swait.ge [sflag:s13], $0x3E80  }
0x1b: {  	[sflag:s13] =	ssyncset.done $0x0  }
0x1c: {  	[sflag:s13] =	ssyncadd.s32 $0xFFFFC180  }
0x1d: {  	[spmem:s16], [sflag:s15] =	dma.local [hbm:s5], $0x2700  }
0x1e: {  	_ =	swait.ge [sflag:s13], $0x2700  }
0x1f: {  	[sflag:s13] =	ssyncset.done $0x0  }
0x20: {  	s25 =	simm.s32 @!p0 $0x3;
	[sflag:s13] =	ssyncadd.s32 $0xFFFFD900  }
0x21: {  	[spmem:s17], [sflag:s15] =	dma.local @!p0 [hbm:s5], $0x100  }
0x22: {  	_ =	swait.ge @!p0 [sflag:s25], $0x100  }
0x23: {  	[sflag:s25] =	ssyncset.done @!p0 $0x0  }
0x24: {  	[sflag:s25] =	ssyncadd.s32 @!p0 $0xFFFFFF00  }
0x25: {  	[bflag:$0x0] =	sbarrier.arrive $0xFFFF  }
0x26: {  	[tilespmem:s19], [sflag:$0x1] =	stream.indirect.gather [hbm4b:s1+s18], $0x80, s4, s18, $0xb8;
	[tilespmem:$0x1F000] =	vst v63  }
0x27: {  	s26 =	simm.s32 $0x50  }
0x28: {  	[tilespmem:s20], [sflag:$0x2] =	stream.indirect.gather [hbm4b:s1+s18], $0x80, s26, s18, $0xb8;
	[tilespmem:$0x1F000] =	vst v63  }
0x29: {  	_ =	swait.ge [sflag:s21], $0x2800  }
0x2a: {  	[sflag:s21] =	ssyncset.done $0x0  }
0x2b: {  	s29 =	simm.s32 $0x2780;
	[sflag:s21] =	ssyncadd.s32 $0xFFFFD800  }
0x2c: {  	[spmem:s3] =	stream.indirect.scatter.add.f32 [tilespmem:s19], [sflag:$0x3], $0x80, s29, s18, $0xb8;
	[tilespmem:$0x1F000] =	vst v63  }
0x2d: {  	_ =	swait.ge [sflag:s13], $0x2800  }
0x2e: {  	[sflag:s13] =	ssyncset.done $0x0  }
0x2f: {  	s30 =	simm.s32 $0xA0;
	[sflag:s13] =	ssyncadd.s32 $0xFFFFD800  }
0x30: {  	[tilespmem:s19], [sflag:$0x1] =	stream.indirect.gather [hbm4b:s1+s18], $0x80, s30, s18, $0xb8;
	[tilespmem:$0x1F000] =	vst v63  }
0x31: {  	_ =	swait.ge [sflag:s22], $0x2800  }
0x32: {  	[sflag:s22] =	ssyncset.done $0x0  }
0x33: {  	s31 =	simm.s32 $0x2800;
	[sflag:s22] =	ssyncadd.s32 $0xFFFFD800  }
0x34: {  	[spmem:s3] =	stream.indirect.scatter.add.f32 [tilespmem:s20], [sflag:$0x3], $0x80, s31, s18, $0xb8;
	[tilespmem:$0x1F000] =	vst v63  }
0x35: {  	s28 =	simm.s32 $0x800;
	_ =	swait.ge [sflag:s13], $0x2800  }
0x36: {  	s25 =	simm.s32 $0x140;
	s26 =	simm.s32 $0x400;
	[sflag:s13] =	ssyncset.done $0x0  }
.LBB2_2:
0x37: {  	p1 =	sne.s32 s28, $0xF400;
	s29 =	sadd.s32 $0xFFFFFFB0, s25;
	[sflag:s13] =	ssyncadd.s32 $0xFFFFD800  }
0x38: {  	[tilespmem:s20], [sflag:$0x2] =	stream.indirect.gather [hbm4b:s1+s18], $0x80, s29, s18, $0xb8;
	[tilespmem:$0x1F000] =	vst v63  }
0x39: {  	s29 =	smov.u32 s28;
	s28 =	sadd.s32 $0x400, s28;
	_ =	swait.ge [sflag:s21], $0x2800  }
0x3a: {  	s30 =	sshra.s32 s26, $0x2;
	s26 =	smov.u32 s29;
	[sflag:s21] =	ssyncset.done $0x0  }
0x3b: {  	s29 =	sadd.s32 $0x2780, s30;
	[sflag:s21] =	ssyncadd.s32 $0xFFFFD800  }
0x3c: {  	[spmem:s3] =	stream.indirect.scatter.add.f32 [tilespmem:s19], [sflag:$0x3], $0x80, s29, s18, $0xb8;
	[tilespmem:$0x1F000] =	vst v63  }
0x3d: {  	_ =	swait.ge [sflag:s13], $0x2800  }
0x3e: {  	[sflag:s13] =	ssyncset.done $0x0  }
0x3f: {  	[sflag:s13] =	ssyncadd.s32 $0xFFFFD800  }
0x40: {  	[tilespmem:s19], [sflag:$0x1] =	stream.indirect.gather [hbm4b:s1+s18], $0x80, s25, s18, $0xb8;
	[tilespmem:$0x1F000] =	vst v63  }
0x41: {  	_ =	swait.ge [sflag:s22], $0x2800  }
.Ltmp0:
0x42: {  	[sflag:s22] =	ssyncset.done $0x0;
	(pc) =	sbr.rel @p1 .LBB2_2-.Ltmp0, $4  }
0x43: {  	s29 =	sadd.s32 $0x2800, s30;
	[sflag:s22] =	ssyncadd.s32 $0xFFFFD800  }
0x44: {  	[spmem:s3] =	stream.indirect.scatter.add.f32 [tilespmem:s20], [sflag:$0x3], $0x80, s29, s18, $0xb8;
	[tilespmem:$0x1F000] =	vst v63  }
0x45: {  	_ =	swait.ge [sflag:s13], $0x2800  }
0x46: {  	s25 =	sadd.s32 $0xA0, s25;
	[sflag:s13] =	ssyncset.done $0x0  }
0x47: {  	s28 =	sadd.s32 $0xFFFFFFB0, s25;
	[sflag:s13] =	ssyncadd.s32 $0xFFFFD800  }
0x48: {  	[tilespmem:s20], [sflag:$0x2] =	stream.indirect.gather [hbm4b:s1+s18], $0x80, s28, s18, $0xb8;
	[tilespmem:$0x1F000] =	vst v63  }
0x49: {  	_ =	swait.ge [sflag:s21], $0x2800  }
0x4a: {  	s26 =	sshra.s32 s26, $0x2;
	[sflag:s21] =	ssyncset.done $0x0  }
0x4b: {  	s30 =	sadd.s32 $0x2780, s26;
	[sflag:s21] =	ssyncadd.s32 $0xFFFFD800  }
0x4c: {  	[spmem:s3] =	stream.indirect.scatter.add.f32 [tilespmem:s19], [sflag:$0x3], $0x80, s30, s18, $0xb8;
	[tilespmem:$0x1F000] =	vst v63  }
0x4d: {  	_ =	swait.ge [sflag:s13], $0x2800  }
0x4e: {  	[sflag:s13] =	ssyncset.done $0x0  }
0x4f: {  	[sflag:s13] =	ssyncadd.s32 $0xFFFFD800  }
0x50: {  	[tilespmem:s19], [sflag:$0x1] =	stream.indirect.gather [hbm4b:s1+s18], $0x80, s25, s18, $0xb8;
	[tilespmem:$0x1F000] =	vst v63  }
0x51: {  	_ =	swait.ge [sflag:s22], $0x2800  }
0x52: {  	[sflag:s22] =	ssyncset.done $0x0  }
0x53: {  	s31 =	sadd.s32 $0x2800, s26;
	[sflag:s22] =	ssyncadd.s32 $0xFFFFD800  }
0x54: {  	[spmem:s3] =	stream.indirect.scatter.add.f32 [tilespmem:s20], [sflag:$0x3], $0x80, s31, s18, $0xb8;
	[tilespmem:$0x1F000] =	vst v63  }
0x55: {  	_ =	swait.ge [sflag:s13], $0x2800  }
0x56: {  	[sflag:s13] =	ssyncset.done $0x0  }
0x57: {  	[sflag:s13] =	ssyncadd.s32 $0xFFFFD800  }
0x58: {  	_ =	swait.ge [sflag:s21], $0x2800  }
0x59: {  	[sflag:s21] =	ssyncset.done $0x0  }
0x5a: {  	[sflag:s21] =	ssyncadd.s32 $0xFFFFD800  }
0x5b: {  	[spmem:s3] =	stream.indirect.scatter.add.f32 [tilespmem:s19], [sflag:$0x3], $0x80, s23, s18, $0xb8;
	[tilespmem:$0x1F000] =	vst v63  }
0x5c: {  	_ =	swait.ge [sflag:s13], $0x2800  }
0x5d: {  	[sflag:s13] =	ssyncset.done $0x0  }
0x5e: {  	[sflag:s13] =	ssyncadd.s32 $0xFFFFD800  }
0x5f: {  	[bflag:$0x0] =	sbarrier.arrive $0xFFFF  }
0x60: {  	[hbm:s8], [sflag:s15] =	dma.local [spmem:s16], $0x2700  }
0x61: {  	s24 =	sadd.s32 $0x1, s24;
	_ =	swait.ge [sflag:s13], $0x2700  }
0x62: {  	p1 =	sne.s32 s24, s10;
	[sflag:s13] =	ssyncset.done $0x0  }
.Ltmp1:
0x63: {  	s25 =	simm.s32 @!p0 $0x3;
	[sflag:s13] =	ssyncadd.s32 $0xFFFFD900;
	(pc) =	sbr.rel @p1 .LBB2_1-.Ltmp1, $4  }
0x64: {  	[hbm:s9], [sflag:s15] =	dma.local @!p0 [spmem:s17], $0x100  }
0x65: {  	_ =	swait.ge @!p0 [sflag:s25], $0x100  }
0x66: {  	[sflag:s25] =	ssyncset.done @!p0 $0x0  }
0x67: {  	[sflag:s25] =	ssyncadd.s32 @!p0 $0xFFFFFF00  }
0x68: {  	_ =	sfence.sel $0x180000  }
0x69: {  	[bflag:$0x0] =	sbarrier.arrive $0xFFFF  }
0x6a: {  	p0 =	sne.s32 s0, $0x0;
	_ =	strace $0x9000004D  }
0x6b: {  	s0 =	sadd.s32 @!p0 $0x100000, s2;
	[bflag:$0x2] =	sbarrier.arrive $0xFFFF  }
0x6c: {  	[sflag:s0] =	ssyncadd.tile.s32 @!p0 $0x1;
	_ =	shalt  }
.Lfunc_end2:
_tile_overlayer_lowered:
.L_overlay_start_2:
0x6d: {  	(tag) =	ssettag $0x2  }
0x6e: {  	s0 =	rddreg [dreg:$0x0];
	s2 =	stileid.u32  }
0x6f: {  	s1 =	rddreg [dreg:$0x1];
	p0 =	sne.s32 s2, $0x0  }
0x70: {  	s3 =	rddreg [dreg:$0x2];
	[bflag:$0x3] =	sbarrier.arrive $0xFFFF;
	s2 =	simm.s32 @!p0 $0x1C03  }
0x71: {  	[timem:s3], [sflag:s2] =	dma.local @!p0 [hbm:s0], s1  }
0x72: {  	s0 =	simm.s32 @!p0 $0x3  }
0x73: {  	_ =	swait.ge @!p0 [sflag:s0], s1  }
0x74: {  	s1 =	ssub.s32 @!p0 $0x0, s1;
	[sflag:s0] =	ssyncset.done @!p0 $0x0  }
0x75: {  	[sflag:s0] =	ssyncadd.s32 @!p0 s1  }
0x76: {  	[bflag:$0x3] =	sbarrier.arrive $0xFFFF  }
0x77: {  	_ =	shalt  }

// kernel: edge_scatter_add.17.cloned.1.call-start
scs
__scs_entry_jumppad:
0x0: {  	(pc) =	sbr.rel $0x88, $3  }
0x1: {  	(tag) =	ssettag $0x0;
	lr =	simm.s32 $0x1  }
0x2: {  	[smem:$0x3F91] =	sst lr;
	_ =	strace $0xD0000000  }
0x3: {  	_ = 	snop  }
0x4: {  	_ = 	snop  }
0x5: {  	_ = 	snop  }
0x6: {  	_ = 	snop  }
0x7: {  	_ = 	snop  }
__scs_overlays_trampoline_lowered:
0x8: {  	[smem:$0x3FA0] =	sst s0  }
0x9: {  	[smem:$0x3FA1] =	sst s1  }
0xa: {  	[smem:$0x3FA2] =	sst s2  }
0xb: {  	[smem:$0x3FA3] =	sst s3  }
0xc: {  	[smem:$0x3FA4] =	sst s4  }
0xd: {  	[smem:$0x3FA5] =	sst s5  }
0xe: {  	[smem:$0x3FA6] =	sst s6  }
0xf: {  	[smem:$0x3FA7] =	sst s7  }
0x10: {  	[smem:$0x3FA8] =	sst s8  }
0x11: {  	[smem:$0x3FA9] =	sst s9;
	s0 =	simm.s32 @!p0 $0x0  }
0x12: {  	s1 =	sld [smem:$0x3F8F];
	s0 =	simm.s32 @p0 $0x1  }
0x13: {  	[smem:$0x3FAA] =	sst s0;
	s0 =	simm.s32 @!p1 $0x0  }
0x14: {  	s2 =	sld [smem:$0x3F8E];
	s0 =	simm.s32 @p1 $0x1  }
0x15: {  	[smem:$0x3FAB] =	sst s0;
	s0 =	simm.s32 @!p2 $0x0  }
0x16: {  	s3 =	sld [smem:$0x3FDB];
	s0 =	simm.s32 @p2 $0x1  }
0x17: {  	s4 =	simm.s32 $0x1BF5;
	[smem:$0x3FAD] =	sst s0  }
0x18: {  	s0 =	sld [smem:$0x3F90];
	_ =	swait.ge [sflag:s4], $0x0  }
0x19: {  	s7 =	sld [smem:$0x3F91]  }
0x1a: {  	s8 =	sadd.s32 $0xFFFFE003, lr  }
0x1b: {  	s9 =	sadd.s32 $0xFFFFFEF7, lr;
	s5 =	simm.s32 $0xFFFFFFFF;
	p2 =	slt.u32 s8, $0xFFFFF086  }
0x1c: {  	p1 =	slt.u32 s9, $0xF7A;
	s5 =	simm.s32 @!p2 $0x0  }
0x1d: {  	s5 =	simm.s32 @p1 $0x1;
	p0 =	seq.s32 s7, s2  }
0x1e: {  	s7 =	smul.u32 @!p0 $0xF7A, s2;
	p2 =	seq.s32 @!p0 s5, $0x0  }
0x1f: {  	s9 =	smul.u32 $0xF7A, s1;
	s8 =	simm.s32 @!p0 $0x1BF5;
	p2 =	por !p2, p0  }
0x20: {  	[sflag:s8] =	ssyncset.s32 @!p0 $0xFFFFF086;
	s6 =	sadd.s32 @!p0 s3, s7;
	s7 =	simm.s32 @!p0 $0x108  }
0x21: {  	s3 =	sadd.s32 s3, s9;
	s6 =	sadd.s32 @!p0 $0x88, s6;
	s7 =	simm.s32 @p2 $0x1082  }
0x22: {  	[simem:s7], [sflag:s8] =	dma.local @!p0 [hbm:s6], $0xF7A  }
0x23: {  	s9 =	sor.u32 $0xD0000000, s2;
	s6 =	simm.s32 $0x108;
	_ =	swait.ge @!p0 [sflag:s8], $0x0  }
0x24: {  	s3 =	sadd.s32 $0x88, s3;
	s6 =	simm.s32 @!p1 $0x1082;
	[sflag:s4] =	ssyncset.s32 $0xFFFFF086  }
0x25: {  	[simem:s6], [sflag:s4] =	dma.local [hbm:s3], $0xF7A  }
0x26: {  	[smem:$0x3F91] =	sst s1;
	(tag) =	ssettag s2;
	_ =	strace s9  }
0x27: {  	s1 =	sld [smem:$0x3FA1]  }
0x28: {  	s2 =	sld [smem:$0x3FA2]  }
0x29: {  	s4 =	sld [smem:$0x3FA4]  }
0x2a: {  	p0 =	seq.s32 s5, $0x0;
	s5 =	sld [smem:$0x3FA5]  }
0x2b: {  	s6 =	sld [smem:$0x3FA6]  }
0x2c: {  	s7 =	sld [smem:$0x3FA7]  }
0x2d: {  	s3 =	simm.s32 $0x108;
	s8 =	sld [smem:$0x3FA8]  }
0x2e: {  	s3 =	simm.s32 @!p0 $0x1082;
	s9 =	sld [smem:$0x3FA9]  }
0x2f: {  	lr =	sadd.s32 s0, s3;
	s0 =	sld [smem:$0x3FA0]  }
0x30: {  	s3 =	sld [smem:$0x3FA3]  }
0x31: {  	[smem:$0x3FAC] =	sst s10  }
0x32: {  	s10 =	sld [smem:$0x3FAA];
	_ =	sdelay $0x3  }
0x33: {  	p0 =	seq.s32 s10, $0x1;
	s10 =	sld [smem:$0x3FAC];
	_ =	sdelay $0x3  }
0x34: {  	[smem:$0x3FAC] =	sst s10  }
0x35: {  	s10 =	sld [smem:$0x3FAB];
	_ =	sdelay $0x3  }
0x36: {  	p1 =	seq.s32 s10, $0x1;
	s10 =	sld [smem:$0x3FAC];
	_ =	sdelay $0x3  }
0x37: {  	[smem:$0x3FAC] =	sst s10  }
0x38: {  	s10 =	sld [smem:$0x3FAD]  }
0x39: {  	_ = 	snop;
	(pc) =	sbr.ind lr, $3  }
0x3a: {  	_ = 	snop  }
0x3b: {  	_ = 	snop  }
0x3c: {  	p2 =	seq.s32 s10, $0x1;
	s10 =	sld [smem:$0x3FAC]  }
0x3d: {  	_ =	shalt  }
0x3e: {  	_ =	shalt  }
0x3f: {  	_ =	shalt  }
0x40: {  	_ =	shalt  }
0x41: {  	_ =	shalt  }
0x42: {  	_ =	shalt  }
0x43: {  	_ =	shalt  }
0x44: {  	_ =	shalt  }
0x45: {  	_ =	shalt  }
0x46: {  	_ =	shalt  }
0x47: {  	_ =	shalt  }
0x48: {  	_ =	shalt  }
0x49: {  	_ =	shalt  }
0x4a: {  	_ =	shalt  }
0x4b: {  	_ =	shalt  }
0x4c: {  	_ =	shalt  }
0x4d: {  	_ =	shalt  }
0x4e: {  	_ =	shalt  }
0x4f: {  	_ =	shalt  }
0x50: {  	_ =	shalt  }
0x51: {  	_ =	shalt  }
0x52: {  	_ =	shalt  }
0x53: {  	_ =	shalt  }
0x54: {  	_ =	shalt  }
0x55: {  	_ =	shalt  }
0x56: {  	_ =	shalt  }
0x57: {  	_ =	shalt  }
0x58: {  	_ =	shalt  }
0x59: {  	_ =	shalt  }
0x5a: {  	_ =	shalt  }
0x5b: {  	_ =	shalt  }
0x5c: {  	_ =	shalt  }
0x5d: {  	_ =	shalt  }
0x5e: {  	_ =	shalt  }
0x5f: {  	_ =	shalt  }
0x60: {  	_ =	shalt  }
0x61: {  	_ =	shalt  }
0x62: {  	_ =	shalt  }
0x63: {  	_ =	shalt  }
0x64: {  	_ =	shalt  }
0x65: {  	_ =	shalt  }
0x66: {  	_ =	shalt  }
0x67: {  	_ =	shalt  }
0x68: {  	_ =	shalt  }
0x69: {  	_ =	shalt  }
0x6a: {  	_ =	shalt  }
0x6b: {  	_ =	shalt  }
0x6c: {  	_ =	shalt  }
0x6d: {  	_ =	shalt  }
0x6e: {  	_ =	shalt  }
0x6f: {  	_ =	shalt  }
0x70: {  	_ =	shalt  }
0x71: {  	_ =	shalt  }
0x72: {  	_ =	shalt  }
0x73: {  	_ =	shalt  }
0x74: {  	_ =	shalt  }
0x75: {  	_ =	shalt  }
0x76: {  	_ =	shalt  }
0x77: {  	_ =	shalt  }
0x78: {  	_ =	shalt  }
0x79: {  	_ =	shalt  }
0x7a: {  	_ =	shalt  }
0x7b: {  	_ =	shalt  }
0x7c: {  	_ =	shalt  }
0x7d: {  	_ =	shalt  }
0x7e: {  	_ =	shalt  }
0x7f: {  	_ =	shalt  }
0x80: {  	_ =	shalt  }
0x81: {  	_ =	shalt  }
0x82: {  	_ =	shalt  }
0x83: {  	_ =	shalt  }
0x84: {  	_ =	shalt  }
0x85: {  	_ =	shalt  }
0x86: {  	_ =	shalt  }
0x87: {  	_ =	shalt  }
.Lfunc_end0:
.L_simem_size_0:
called_computation.3_lowered:
.L_overlay_start_0:
0x88: {  	s2 =	sld [smem:$0x3FD9]  }
0x89: {  	s3 =	sld [smem:$0x3FFE];
	_ =	sdelay $0x1  }
0x8a: {  	s1 =	srdreg.scid  }
0x8b: {  	s0 =	sand.u32 $0x1, s1  }
0x8c: {  	s17 =	sshll.u32 s0, $0xA;
	s2 =	sadd.s32 s3, s2  }
0x8d: {  	s2 =	sadd.s32 s2, s17  }
0x8e: {  	[smem:$0x3FB8] =	sst s2  }
0x8f: {  	_ = 	snop  }
0x90: {  	s2 =	sld [smem:$0x3FD0];
	(tm) =	ssettm $0x1  }
0x91: {  	s18 =	sld [smem:$0x3FFB];
	_ =	sdelay $0x3  }
0x92: {  	_ =	strace s18  }
0x93: {  	s3 =	sld [smem:$0x3FFC];
	_ =	sdelay $0x3  }
0x94: {  	_ =	strace s3  }
0x95: {  	s3 =	sld [smem:$0x3FFD];
	_ =	sdelay $0x3  }
0x96: {  	_ =	strace s3  }
0x97: {  	_ =	strace $0x8FFFFFFF  }
0x98: {  	s19 =	sld [smem:$0x3FDB];
	_ =	sdelay $0x1  }
0x99: {  	s4 =	simm.s32 $_scs_section_size  }
0x9a: {  	s5 =	simm.s32 $_size__tile_overlayer_lowered;
	s6 =	simm.s32 $_tile_overlayer_lowered  }
0x9b: {  	s22 =	simm.s32 $0x1BFF;
	s21 =	sshll.u32 s6, $0x1;
	s3 =	sadd.s32 s4, s19  }
0x9c: {  	s7 =	simm.s32 $0x0;
	s20 =	sshll.u32 s5, $0x1;
	s5 =	sadd.s32 s21, s3  }
0x9d: {  	[timem:s7], [sflag:s22] =	dma.local [hbm:s5], s20  }
0x9e: {  	_ =	swait.ge [sflag:s22], s20  }
0x9f: {  	s4 =	ssub.s32 $0x0, s20;
	[sflag:s22] =	ssyncset.done $0x0  }
0xa0: {  	[sflag:s22] =	ssyncadd.s32 s4;
	_ =	sdelay $0x1  }
0xa1: {  	s23 =	simm.s32 $0x1B8B  }
0xa2: {  	_ =	swait.ge [sflag:s23], $0x1  }
0xa3: {  	[sflag:s23] =	ssyncset.done $0x0  }
0xa4: {  	s25 =	simm.s32 $0x1B8E;
	s24 =	sld [smem:$0x3FFE];
	[sflag:s23] =	ssyncadd.s32 $0xFFFFFFFF  }
0xa5: {  	s26 =	simm.s32 $execute0_lowered;
	[smem:$0x3FD2] =	sst s25  }
0xa6: {  	s5 =	sshll.u32 s26, $0x1;
	_ =	strace $0x8000004F;
	[dreg:$0x1] =	wrdreg $0xFFFFFFFF  }
0xa7: {  	s28 =	simm.s32 $_size_execute0_lowered;
	s3 =	sadd.s32 s3, s5;
	[dreg:$0x0] =	wrdreg $0x0  }
0xa8: {  	s5 =	sshll.u32 s28, $0x1;
	[dreg:$0x2] =	wrdreg s3  }
0xa9: {  	[dreg:$0x3] =	wrdreg s5  }
0xaa: {  	[dreg:$0x4] =	wrdreg $0xC0  }
0xab: {  	_ =	task [dreg:s7], $0x5FFFF  }
0xac: {  	[dreg:$0x1] =	wrdreg $0xFFFFFFFF  }
0xad: {  	[dreg:$0x0] =	wrdreg $0x60  }
0xae: {  	[dreg:$0x2] =	wrdreg s2  }
0xaf: {  	[dreg:$0x3] =	wrdreg s24  }
0xb0: {  	[dreg:$0x4] =	wrdreg $0xB7800  }
0xb1: {  	[dreg:$0x5] =	wrdreg $0x9  }
0xb2: {  	_ =	task.clear_ibuf [dreg:s7], $0x6FFFF;
	_ =	strace $0x9000004F  }
0xb3: {  	s29 =	simm.s32 $0x9;
	_ =	strace $0x80000051  }
0xb4: {  	_ =	swait.ge [sflag:s29], $0x1  }
0xb5: {  	[sflag:s29] =	ssyncadd.s32 $0xFFFFFFFF  }
0xb6: {  	_ =	strace $0x90000051  }
0xb7: {  	_ =	sfence  }
0xb8: {  	s30 =	sld [smem:$0x0];
	_ =	sdelay $0x2  }
0xb9: {  	s31 =	sshll.u32 s1, $0xD;
	s1 =	sshrl.u32 s1, $0x2  }
0xba: {  	s3 =	sand.u32 $0x4000, s31;
	s1 =	sadd.s32 s1, s30  }
0xbb: {  	s0 =	sor.u32 s3, s0;
	s1 =	sshll.u32 s1, $0x11  }
0xbc: {  	s0 =	sor.u32 s1, s0  }
0xbd: {  	s0 =	sadd.s32 $0x8F2B, s0  }
0xbe: {  	[sflag:s0] =	ssyncadd.remote.s32 $0x1  }
0xbf: {  	_ =	sfence.sel $0xFFFF  }
0xc0: {  	[dreg:$0x0] =	wrdreg $0xFFFFFFFF;
	(pc) =	sbr.abs _section_cstart, $3  }
0xc1: {  	[dreg:$0x1] =	wrdreg $0xFFFFFFFF  }
0xc2: {  	_ =	task.clear_ibuf [dreg:s7], $0x2FFFF;
	_ =	strace $0x9FFFFFFF  }
0xc3: {  	(tm) =	ssettm $0x7FFFFFFF  }
tec
execute0_lowered:
.L_overlay_start_1:
0x0: {  	(tag) =	ssettag $0x1  }
0x1: {  	s1 =	rddreg [dreg:$0x0]  }
0x2: {  	s2 =	srdreg.scid;
	s7 =	rddreg [dreg:$0x1]  }
0x3: {  	s0 =	stileid.u32;
	s3 =	rddreg [dreg:$0x2];
	s4 =	simm.s32 $0x0  }
0x4: {  	s18 =	simm.s32 $0x50;
	s19 =	simm.s32 $0x6780;
	s20 =	simm.s32 $0x8F80  }
0x5: {  	s21 =	simm.s32 $0x1;
	s22 =	simm.s32 $0x2;
	s6 =	sand.u32 $0x1, s2  }
0x6: {  	s23 =	sshll.u32 s0, $0x1;
	s2 =	rddreg [dreg:$0x3];
	s25 =	smul.u32 $0x2700, s0  }
0x7: {  	s24 =	sshrl.u32 s0, $0x2;
	[smem:$0x7FF] =	sst s4;
	s12 =	smul.u32 $0x4E000, s0  }
0x8: {  	s15 =	sadd.s32 $0x88A00, s7;
	s17 =	sadd.s32 $0x138000, s3;
	p0 =	sne.s32 s0, $0xF  }
0x9: {  	s31 =	sshll.u32 s0, $0x6;
	s5 =	sor.u32 s6, s23;
	s8 =	smul.u32 $0x13C00, s24  }
0xa: {  	_ =	strace $0x80000050;
	s11 =	ssub.s32 $0x2, s6;
	s14 =	smul.u32 $0x27100, s6  }
0xb: {  	s26 =	smul.u32 $0x138800, s6;
	s17 =	sshrl.u32 @!p0 s17, $0x3;
	s23 =	simm.s32 $0x6580  }
0xc: {  	s24 =	simm.s32 $0x0;
	s9 =	sshll.u32 s5, $0x7;
	s5 =	sshll.u32 s5, $0xB  }
0xd: {  	s13 =	sshrl.u32 s11, $0x1;
	s28 =	sshrl.u32 s12, $0x2;
	s12 =	simm.s32 $0x400  }
0xe: {  	s9 =	sand.u32 $0x380, s9;
	s10 =	sadd.s32 s5, s7;
	s5 =	sadd.s32 $0x1E200, s7  }
0xf: {  	s11 =	ssub.s32 s11, s13;
	s16 =	sadd.s32 s28, s3;
	s29 =	sadd.s32 s25, s14  }
0x10: {  	s30 =	sshrl.u32 s26, $0x3;
	s13 =	simm.s32 $0x3;
	s8 =	sor.u32 s8, s9  }
0x11: {  	s14 =	simm.s32 $0x2780;
	s9 =	sadd.s32 s15, s30;
	s8 =	sshrl.u32 s8, $0x3  }
0x12: {  	s16 =	sshrl.u32 s16, $0x3;
	s9 =	sadd.s32 $0x27000, s9;
	s8 =	sadd.s32 s8, s7  }
0x13: {  	s7 =	sadd.s32 $0x78A00, s10;
	s10 =	smax.u32 s11, $0x1;
	s11 =	simm.s32 $0x80  }
0x14: {  	s6 =	sadd.s32 $0x6EC00, s8;
	s8 =	sadd.s32 s15, s29;
	s15 =	sor.u32 $0x1C03, s31  }
.LBB2_1:
0x15: {  	[tilespmem:s4], [sflag:$0x3] =	stream.strided.gather [hbm4b:s6+s11], $0x2780, s12, s11, $0x38;
	[tilespmem:$0x1F000] =	vst v63  }
0x16: {  	_ =	swait.ge [sflag:s13], $0x2780  }
0x17: {  	[sflag:s13] =	ssyncset.done $0x0  }
0x18: {  	[sflag:s13] =	ssyncadd.s32 $0xFFFFD880  }
0x19: {  	[tilespmem:s14], [sflag:$0x3] =	stream.linear.gather [hbm4b:s7+s4], $0x3E80, $0x38;
	[tilespmem:$0x1F000] =	vst v63  }
0x1a: {  	_ =	swait.ge [sflag:s13], $0x3E80  }
0x1b: {  	[sflag:s13] =	ssyncset.done $0x0  }
0x1c: {  	[sflag:s13] =	ssyncadd.s32 $0xFFFFC180  }
0x1d: {  	[spmem:s16], [sflag:s15] =	dma.local [hbm:s5], $0x2700  }
0x1e: {  	_ =	swait.ge [sflag:s13], $0x2700  }
0x1f: {  	[sflag:s13] =	ssyncset.done $0x0  }
0x20: {  	s25 =	simm.s32 @!p0 $0x3;
	[sflag:s13] =	ssyncadd.s32 $0xFFFFD900  }
0x21: {  	[spmem:s17], [sflag:s15] =	dma.local @!p0 [hbm:s5], $0x100  }
0x22: {  	_ =	swait.ge @!p0 [sflag:s25], $0x100  }
0x23: {  	[sflag:s25] =	ssyncset.done @!p0 $0x0  }
0x24: {  	[sflag:s25] =	ssyncadd.s32 @!p0 $0xFFFFFF00  }
0x25: {  	[bflag:$0x0] =	sbarrier.arrive $0xFFFF  }
0x26: {  	[tilespmem:s19], [sflag:$0x1] =	stream.indirect.gather [hbm4b:s1+s18], $0x80, s4, s18, $0xb8;
	[tilespmem:$0x1F000] =	vst v63  }
0x27: {  	s26 =	simm.s32 $0x50  }
0x28: {  	[tilespmem:s20], [sflag:$0x2] =	stream.indirect.gather [hbm4b:s1+s18], $0x80, s26, s18, $0xb8;
	[tilespmem:$0x1F000] =	vst v63  }
0x29: {  	_ =	swait.ge [sflag:s21], $0x2800  }
0x2a: {  	[sflag:s21] =	ssyncset.done $0x0  }
0x2b: {  	s29 =	simm.s32 $0x2780;
	[sflag:s21] =	ssyncadd.s32 $0xFFFFD800  }
0x2c: {  	[spmem:s3] =	stream.indirect.scatter.add.f32 [tilespmem:s19], [sflag:$0x3], $0x80, s29, s18, $0xb8;
	[tilespmem:$0x1F000] =	vst v63  }
0x2d: {  	_ =	swait.ge [sflag:s13], $0x2800  }
0x2e: {  	[sflag:s13] =	ssyncset.done $0x0  }
0x2f: {  	s30 =	simm.s32 $0xA0;
	[sflag:s13] =	ssyncadd.s32 $0xFFFFD800  }
0x30: {  	[tilespmem:s19], [sflag:$0x1] =	stream.indirect.gather [hbm4b:s1+s18], $0x80, s30, s18, $0xb8;
	[tilespmem:$0x1F000] =	vst v63  }
0x31: {  	_ =	swait.ge [sflag:s22], $0x2800  }
0x32: {  	[sflag:s22] =	ssyncset.done $0x0  }
0x33: {  	s31 =	simm.s32 $0x2800;
	[sflag:s22] =	ssyncadd.s32 $0xFFFFD800  }
0x34: {  	[spmem:s3] =	stream.indirect.scatter.add.f32 [tilespmem:s20], [sflag:$0x3], $0x80, s31, s18, $0xb8;
	[tilespmem:$0x1F000] =	vst v63  }
0x35: {  	s28 =	simm.s32 $0x800;
	_ =	swait.ge [sflag:s13], $0x2800  }
0x36: {  	s25 =	simm.s32 $0x140;
	s26 =	simm.s32 $0x400;
	[sflag:s13] =	ssyncset.done $0x0  }
.LBB2_2:
0x37: {  	p1 =	sne.s32 s28, $0xF400;
	s29 =	sadd.s32 $0xFFFFFFB0, s25;
	[sflag:s13] =	ssyncadd.s32 $0xFFFFD800  }
0x38: {  	[tilespmem:s20], [sflag:$0x2] =	stream.indirect.gather [hbm4b:s1+s18], $0x80, s29, s18, $0xb8;
	[tilespmem:$0x1F000] =	vst v63  }
0x39: {  	s29 =	smov.u32 s28;
	s28 =	sadd.s32 $0x400, s28;
	_ =	swait.ge [sflag:s21], $0x2800  }
0x3a: {  	s30 =	sshra.s32 s26, $0x2;
	s26 =	smov.u32 s29;
	[sflag:s21] =	ssyncset.done $0x0  }
0x3b: {  	s29 =	sadd.s32 $0x2780, s30;
	[sflag:s21] =	ssyncadd.s32 $0xFFFFD800  }
0x3c: {  	[spmem:s3] =	stream.indirect.scatter.add.f32 [tilespmem:s19], [sflag:$0x3], $0x80, s29, s18, $0xb8;
	[tilespmem:$0x1F000] =	vst v63  }
0x3d: {  	_ =	swait.ge [sflag:s13], $0x2800  }
0x3e: {  	[sflag:s13] =	ssyncset.done $0x0  }
0x3f: {  	[sflag:s13] =	ssyncadd.s32 $0xFFFFD800  }
0x40: {  	[tilespmem:s19], [sflag:$0x1] =	stream.indirect.gather [hbm4b:s1+s18], $0x80, s25, s18, $0xb8;
	[tilespmem:$0x1F000] =	vst v63  }
0x41: {  	_ =	swait.ge [sflag:s22], $0x2800  }
.Ltmp0:
0x42: {  	[sflag:s22] =	ssyncset.done $0x0;
	(pc) =	sbr.rel @p1 .LBB2_2-.Ltmp0, $4  }
0x43: {  	s29 =	sadd.s32 $0x2800, s30;
	[sflag:s22] =	ssyncadd.s32 $0xFFFFD800  }
0x44: {  	[spmem:s3] =	stream.indirect.scatter.add.f32 [tilespmem:s20], [sflag:$0x3], $0x80, s29, s18, $0xb8;
	[tilespmem:$0x1F000] =	vst v63  }
0x45: {  	_ =	swait.ge [sflag:s13], $0x2800  }
0x46: {  	s25 =	sadd.s32 $0xA0, s25;
	[sflag:s13] =	ssyncset.done $0x0  }
0x47: {  	s28 =	sadd.s32 $0xFFFFFFB0, s25;
	[sflag:s13] =	ssyncadd.s32 $0xFFFFD800  }
0x48: {  	[tilespmem:s20], [sflag:$0x2] =	stream.indirect.gather [hbm4b:s1+s18], $0x80, s28, s18, $0xb8;
	[tilespmem:$0x1F000] =	vst v63  }
0x49: {  	_ =	swait.ge [sflag:s21], $0x2800  }
0x4a: {  	s26 =	sshra.s32 s26, $0x2;
	[sflag:s21] =	ssyncset.done $0x0  }
0x4b: {  	s30 =	sadd.s32 $0x2780, s26;
	[sflag:s21] =	ssyncadd.s32 $0xFFFFD800  }
0x4c: {  	[spmem:s3] =	stream.indirect.scatter.add.f32 [tilespmem:s19], [sflag:$0x3], $0x80, s30, s18, $0xb8;
	[tilespmem:$0x1F000] =	vst v63  }
0x4d: {  	_ =	swait.ge [sflag:s13], $0x2800  }
0x4e: {  	[sflag:s13] =	ssyncset.done $0x0  }
0x4f: {  	[sflag:s13] =	ssyncadd.s32 $0xFFFFD800  }
0x50: {  	[tilespmem:s19], [sflag:$0x1] =	stream.indirect.gather [hbm4b:s1+s18], $0x80, s25, s18, $0xb8;
	[tilespmem:$0x1F000] =	vst v63  }
0x51: {  	_ =	swait.ge [sflag:s22], $0x2800  }
0x52: {  	[sflag:s22] =	ssyncset.done $0x0  }
0x53: {  	s31 =	sadd.s32 $0x2800, s26;
	[sflag:s22] =	ssyncadd.s32 $0xFFFFD800  }
0x54: {  	[spmem:s3] =	stream.indirect.scatter.add.f32 [tilespmem:s20], [sflag:$0x3], $0x80, s31, s18, $0xb8;
	[tilespmem:$0x1F000] =	vst v63  }
0x55: {  	_ =	swait.ge [sflag:s13], $0x2800  }
0x56: {  	[sflag:s13] =	ssyncset.done $0x0  }
0x57: {  	[sflag:s13] =	ssyncadd.s32 $0xFFFFD800  }
0x58: {  	_ =	swait.ge [sflag:s21], $0x2800  }
0x59: {  	[sflag:s21] =	ssyncset.done $0x0  }
0x5a: {  	[sflag:s21] =	ssyncadd.s32 $0xFFFFD800  }
0x5b: {  	[spmem:s3] =	stream.indirect.scatter.add.f32 [tilespmem:s19], [sflag:$0x3], $0x80, s23, s18, $0xb8;
	[tilespmem:$0x1F000] =	vst v63  }
0x5c: {  	_ =	swait.ge [sflag:s13], $0x2800  }
0x5d: {  	[sflag:s13] =	ssyncset.done $0x0  }
0x5e: {  	[sflag:s13] =	ssyncadd.s32 $0xFFFFD800  }
0x5f: {  	[bflag:$0x0] =	sbarrier.arrive $0xFFFF  }
0x60: {  	[hbm:s8], [sflag:s15] =	dma.local [spmem:s16], $0x2700  }
0x61: {  	s24 =	sadd.s32 $0x1, s24;
	_ =	swait.ge [sflag:s13], $0x2700  }
0x62: {  	p1 =	sne.s32 s24, s10;
	[sflag:s13] =	ssyncset.done $0x0  }
.Ltmp1:
0x63: {  	s25 =	simm.s32 @!p0 $0x3;
	[sflag:s13] =	ssyncadd.s32 $0xFFFFD900;
	(pc) =	sbr.rel @p1 .LBB2_1-.Ltmp1, $4  }
0x64: {  	[hbm:s9], [sflag:s15] =	dma.local @!p0 [spmem:s17], $0x100  }
0x65: {  	_ =	swait.ge @!p0 [sflag:s25], $0x100  }
0x66: {  	[sflag:s25] =	ssyncset.done @!p0 $0x0  }
0x67: {  	[sflag:s25] =	ssyncadd.s32 @!p0 $0xFFFFFF00  }
0x68: {  	_ =	sfence.sel $0x180000  }
0x69: {  	[bflag:$0x0] =	sbarrier.arrive $0xFFFF  }
0x6a: {  	p0 =	sne.s32 s0, $0x0;
	_ =	strace $0x90000050  }
0x6b: {  	s0 =	sadd.s32 @!p0 $0x100000, s2;
	[bflag:$0x2] =	sbarrier.arrive $0xFFFF  }
0x6c: {  	[sflag:s0] =	ssyncadd.tile.s32 @!p0 $0x1;
	_ =	shalt  }
.Lfunc_end2:
_tile_overlayer_lowered:
.L_overlay_start_2:
0x6d: {  	(tag) =	ssettag $0x2  }
0x6e: {  	s0 =	rddreg [dreg:$0x0];
	s2 =	stileid.u32  }
0x6f: {  	s1 =	rddreg [dreg:$0x1];
	p0 =	sne.s32 s2, $0x0  }
0x70: {  	s3 =	rddreg [dreg:$0x2];
	[bflag:$0x3] =	sbarrier.arrive $0xFFFF;
	s2 =	simm.s32 @!p0 $0x1C03  }
0x71: {  	[timem:s3], [sflag:s2] =	dma.local @!p0 [hbm:s0], s1  }
0x72: {  	s0 =	simm.s32 @!p0 $0x3  }
0x73: {  	_ =	swait.ge @!p0 [sflag:s0], s1  }
0x74: {  	s1 =	ssub.s32 @!p0 $0x0, s1;
	[sflag:s0] =	ssyncset.done @!p0 $0x0  }
0x75: {  	[sflag:s0] =	ssyncadd.s32 @!p0 s1  }
0x76: {  	[bflag:$0x3] =	sbarrier.arrive $0xFFFF  }
0x77: {  	_ =	shalt  }

// kernel: edge_scatter_add.20.cloned.1.call-start
scs
__scs_entry_jumppad:
0x0: {  	(pc) =	sbr.rel $0x88, $3  }
0x1: {  	(tag) =	ssettag $0x0;
	lr =	simm.s32 $0x1  }
0x2: {  	[smem:$0x3F91] =	sst lr;
	_ =	strace $0xD0000000  }
0x3: {  	_ = 	snop  }
0x4: {  	_ = 	snop  }
0x5: {  	_ = 	snop  }
0x6: {  	_ = 	snop  }
0x7: {  	_ = 	snop  }
__scs_overlays_trampoline_lowered:
0x8: {  	[smem:$0x3FA0] =	sst s0  }
0x9: {  	[smem:$0x3FA1] =	sst s1  }
0xa: {  	[smem:$0x3FA2] =	sst s2  }
0xb: {  	[smem:$0x3FA3] =	sst s3  }
0xc: {  	[smem:$0x3FA4] =	sst s4  }
0xd: {  	[smem:$0x3FA5] =	sst s5  }
0xe: {  	[smem:$0x3FA6] =	sst s6  }
0xf: {  	[smem:$0x3FA7] =	sst s7  }
0x10: {  	[smem:$0x3FA8] =	sst s8  }
0x11: {  	[smem:$0x3FA9] =	sst s9;
	s0 =	simm.s32 @!p0 $0x0  }
0x12: {  	s1 =	sld [smem:$0x3F8F];
	s0 =	simm.s32 @p0 $0x1  }
0x13: {  	[smem:$0x3FAA] =	sst s0;
	s0 =	simm.s32 @!p1 $0x0  }
0x14: {  	s2 =	sld [smem:$0x3F8E];
	s0 =	simm.s32 @p1 $0x1  }
0x15: {  	[smem:$0x3FAB] =	sst s0;
	s0 =	simm.s32 @!p2 $0x0  }
0x16: {  	s3 =	sld [smem:$0x3FDB];
	s0 =	simm.s32 @p2 $0x1  }
0x17: {  	s4 =	simm.s32 $0x1BF5;
	[smem:$0x3FAD] =	sst s0  }
0x18: {  	s0 =	sld [smem:$0x3F90];
	_ =	swait.ge [sflag:s4], $0x0  }
0x19: {  	s7 =	sld [smem:$0x3F91]  }
0x1a: {  	s8 =	sadd.s32 $0xFFFFE003, lr  }
0x1b: {  	s9 =	sadd.s32 $0xFFFFFEF7, lr;
	s5 =	simm.s32 $0xFFFFFFFF;
	p2 =	slt.u32 s8, $0xFFFFF086  }
0x1c: {  	p1 =	slt.u32 s9, $0xF7A;
	s5 =	simm.s32 @!p2 $0x0  }
0x1d: {  	s5 =	simm.s32 @p1 $0x1;
	p0 =	seq.s32 s7, s2  }
0x1e: {  	s7 =	smul.u32 @!p0 $0xF7A, s2;
	p2 =	seq.s32 @!p0 s5, $0x0  }
0x1f: {  	s9 =	smul.u32 $0xF7A, s1;
	s8 =	simm.s32 @!p0 $0x1BF5;
	p2 =	por !p2, p0  }
0x20: {  	[sflag:s8] =	ssyncset.s32 @!p0 $0xFFFFF086;
	s6 =	sadd.s32 @!p0 s3, s7;
	s7 =	simm.s32 @!p0 $0x108  }
0x21: {  	s3 =	sadd.s32 s3, s9;
	s6 =	sadd.s32 @!p0 $0x88, s6;
	s7 =	simm.s32 @p2 $0x1082  }
0x22: {  	[simem:s7], [sflag:s8] =	dma.local @!p0 [hbm:s6], $0xF7A  }
0x23: {  	s9 =	sor.u32 $0xD0000000, s2;
	s6 =	simm.s32 $0x108;
	_ =	swait.ge @!p0 [sflag:s8], $0x0  }
0x24: {  	s3 =	sadd.s32 $0x88, s3;
	s6 =	simm.s32 @!p1 $0x1082;
	[sflag:s4] =	ssyncset.s32 $0xFFFFF086  }
0x25: {  	[simem:s6], [sflag:s4] =	dma.local [hbm:s3], $0xF7A  }
0x26: {  	[smem:$0x3F91] =	sst s1;
	(tag) =	ssettag s2;
	_ =	strace s9  }
0x27: {  	s1 =	sld [smem:$0x3FA1]  }
0x28: {  	s2 =	sld [smem:$0x3FA2]  }
0x29: {  	s4 =	sld [smem:$0x3FA4]  }
0x2a: {  	p0 =	seq.s32 s5, $0x0;
	s5 =	sld [smem:$0x3FA5]  }
0x2b: {  	s6 =	sld [smem:$0x3FA6]  }
0x2c: {  	s7 =	sld [smem:$0x3FA7]  }
0x2d: {  	s3 =	simm.s32 $0x108;
	s8 =	sld [smem:$0x3FA8]  }
0x2e: {  	s3 =	simm.s32 @!p0 $0x1082;
	s9 =	sld [smem:$0x3FA9]  }
0x2f: {  	lr =	sadd.s32 s0, s3;
	s0 =	sld [smem:$0x3FA0]  }
0x30: {  	s3 =	sld [smem:$0x3FA3]  }
0x31: {  	[smem:$0x3FAC] =	sst s10  }
0x32: {  	s10 =	sld [smem:$0x3FAA];
	_ =	sdelay $0x3  }
0x33: {  	p0 =	seq.s32 s10, $0x1;
	s10 =	sld [smem:$0x3FAC];
	_ =	sdelay $0x3  }
0x34: {  	[smem:$0x3FAC] =	sst s10  }
0x35: {  	s10 =	sld [smem:$0x3FAB];
	_ =	sdelay $0x3  }
0x36: {  	p1 =	seq.s32 s10, $0x1;
	s10 =	sld [smem:$0x3FAC];
	_ =	sdelay $0x3  }
0x37: {  	[smem:$0x3FAC] =	sst s10  }
0x38: {  	s10 =	sld [smem:$0x3FAD]  }
0x39: {  	_ = 	snop;
	(pc) =	sbr.ind lr, $3  }
0x3a: {  	_ = 	snop  }
0x3b: {  	_ = 	snop  }
0x3c: {  	p2 =	seq.s32 s10, $0x1;
	s10 =	sld [smem:$0x3FAC]  }
0x3d: {  	_ =	shalt  }
0x3e: {  	_ =	shalt  }
0x3f: {  	_ =	shalt  }
0x40: {  	_ =	shalt  }
0x41: {  	_ =	shalt  }
0x42: {  	_ =	shalt  }
0x43: {  	_ =	shalt  }
0x44: {  	_ =	shalt  }
0x45: {  	_ =	shalt  }
0x46: {  	_ =	shalt  }
0x47: {  	_ =	shalt  }
0x48: {  	_ =	shalt  }
0x49: {  	_ =	shalt  }
0x4a: {  	_ =	shalt  }
0x4b: {  	_ =	shalt  }
0x4c: {  	_ =	shalt  }
0x4d: {  	_ =	shalt  }
0x4e: {  	_ =	shalt  }
0x4f: {  	_ =	shalt  }
0x50: {  	_ =	shalt  }
0x51: {  	_ =	shalt  }
0x52: {  	_ =	shalt  }
0x53: {  	_ =	shalt  }
0x54: {  	_ =	shalt  }
0x55: {  	_ =	shalt  }
0x56: {  	_ =	shalt  }
0x57: {  	_ =	shalt  }
0x58: {  	_ =	shalt  }
0x59: {  	_ =	shalt  }
0x5a: {  	_ =	shalt  }
0x5b: {  	_ =	shalt  }
0x5c: {  	_ =	shalt  }
0x5d: {  	_ =	shalt  }
0x5e: {  	_ =	shalt  }
0x5f: {  	_ =	shalt  }
0x60: {  	_ =	shalt  }
0x61: {  	_ =	shalt  }
0x62: {  	_ =	shalt  }
0x63: {  	_ =	shalt  }
0x64: {  	_ =	shalt  }
0x65: {  	_ =	shalt  }
0x66: {  	_ =	shalt  }
0x67: {  	_ =	shalt  }
0x68: {  	_ =	shalt  }
0x69: {  	_ =	shalt  }
0x6a: {  	_ =	shalt  }
0x6b: {  	_ =	shalt  }
0x6c: {  	_ =	shalt  }
0x6d: {  	_ =	shalt  }
0x6e: {  	_ =	shalt  }
0x6f: {  	_ =	shalt  }
0x70: {  	_ =	shalt  }
0x71: {  	_ =	shalt  }
0x72: {  	_ =	shalt  }
0x73: {  	_ =	shalt  }
0x74: {  	_ =	shalt  }
0x75: {  	_ =	shalt  }
0x76: {  	_ =	shalt  }
0x77: {  	_ =	shalt  }
0x78: {  	_ =	shalt  }
0x79: {  	_ =	shalt  }
0x7a: {  	_ =	shalt  }
0x7b: {  	_ =	shalt  }
0x7c: {  	_ =	shalt  }
0x7d: {  	_ =	shalt  }
0x7e: {  	_ =	shalt  }
0x7f: {  	_ =	shalt  }
0x80: {  	_ =	shalt  }
0x81: {  	_ =	shalt  }
0x82: {  	_ =	shalt  }
0x83: {  	_ =	shalt  }
0x84: {  	_ =	shalt  }
0x85: {  	_ =	shalt  }
0x86: {  	_ =	shalt  }
0x87: {  	_ =	shalt  }
.Lfunc_end0:
.L_simem_size_0:
called_computation.4_lowered:
.L_overlay_start_0:
0x88: {  	s2 =	sld [smem:$0x3FD9]  }
0x89: {  	s3 =	sld [smem:$0x3FFE];
	_ =	sdelay $0x1  }
0x8a: {  	s1 =	srdreg.scid  }
0x8b: {  	s0 =	sand.u32 $0x1, s1  }
0x8c: {  	s17 =	sshll.u32 s0, $0xA;
	s2 =	sadd.s32 s3, s2  }
0x8d: {  	s2 =	sadd.s32 s2, s17  }
0x8e: {  	[smem:$0x3FB8] =	sst s2  }
0x8f: {  	_ = 	snop  }
0x90: {  	s2 =	sld [smem:$0x3FD0];
	(tm) =	ssettm $0x1  }
0x91: {  	s18 =	sld [smem:$0x3FFB];
	_ =	sdelay $0x3  }
0x92: {  	_ =	strace s18  }
0x93: {  	s3 =	sld [smem:$0x3FFC];
	_ =	sdelay $0x3  }
0x94: {  	_ =	strace s3  }
0x95: {  	s3 =	sld [smem:$0x3FFD];
	_ =	sdelay $0x3  }
0x96: {  	_ =	strace s3  }
0x97: {  	_ =	strace $0x8FFFFFFF  }
0x98: {  	s19 =	sld [smem:$0x3FDB];
	_ =	sdelay $0x1  }
0x99: {  	s4 =	simm.s32 $_scs_section_size  }
0x9a: {  	s5 =	simm.s32 $_size__tile_overlayer_lowered;
	s6 =	simm.s32 $_tile_overlayer_lowered  }
0x9b: {  	s22 =	simm.s32 $0x1BFF;
	s21 =	sshll.u32 s6, $0x1;
	s3 =	sadd.s32 s4, s19  }
0x9c: {  	s7 =	simm.s32 $0x0;
	s20 =	sshll.u32 s5, $0x1;
	s5 =	sadd.s32 s21, s3  }
0x9d: {  	[timem:s7], [sflag:s22] =	dma.local [hbm:s5], s20  }
0x9e: {  	_ =	swait.ge [sflag:s22], s20  }
0x9f: {  	s4 =	ssub.s32 $0x0, s20;
	[sflag:s22] =	ssyncset.done $0x0  }
0xa0: {  	[sflag:s22] =	ssyncadd.s32 s4;
	_ =	sdelay $0x1  }
0xa1: {  	s23 =	simm.s32 $0x1B8B  }
0xa2: {  	_ =	swait.ge [sflag:s23], $0x1  }
0xa3: {  	[sflag:s23] =	ssyncset.done $0x0  }
0xa4: {  	s25 =	simm.s32 $0x1B8E;
	s24 =	sld [smem:$0x3FFE];
	[sflag:s23] =	ssyncadd.s32 $0xFFFFFFFF  }
0xa5: {  	s26 =	simm.s32 $execute0_lowered;
	[smem:$0x3FD2] =	sst s25  }
0xa6: {  	s5 =	sshll.u32 s26, $0x1;
	_ =	strace $0x80000052;
	[dreg:$0x1] =	wrdreg $0xFFFFFFFF  }
0xa7: {  	s28 =	simm.s32 $_size_execute0_lowered;
	s3 =	sadd.s32 s3, s5;
	[dreg:$0x0] =	wrdreg $0x0  }
0xa8: {  	s5 =	sshll.u32 s28, $0x1;
	[dreg:$0x2] =	wrdreg s3  }
0xa9: {  	[dreg:$0x3] =	wrdreg s5  }
0xaa: {  	[dreg:$0x4] =	wrdreg $0xC0  }
0xab: {  	_ =	task [dreg:s7], $0x5FFFF  }
0xac: {  	[dreg:$0x1] =	wrdreg $0xFFFFFFFF  }
0xad: {  	[dreg:$0x0] =	wrdreg $0x60  }
0xae: {  	[dreg:$0x2] =	wrdreg s2  }
0xaf: {  	[dreg:$0x3] =	wrdreg s24  }
0xb0: {  	[dreg:$0x4] =	wrdreg $0xB7800  }
0xb1: {  	[dreg:$0x5] =	wrdreg $0x9  }
0xb2: {  	_ =	task.clear_ibuf [dreg:s7], $0x6FFFF;
	_ =	strace $0x90000052  }
0xb3: {  	s29 =	simm.s32 $0x9;
	_ =	strace $0x80000054  }
0xb4: {  	_ =	swait.ge [sflag:s29], $0x1  }
0xb5: {  	[sflag:s29] =	ssyncadd.s32 $0xFFFFFFFF  }
0xb6: {  	_ =	strace $0x90000054  }
0xb7: {  	_ =	sfence  }
0xb8: {  	s30 =	sld [smem:$0x0];
	_ =	sdelay $0x2  }
0xb9: {  	s31 =	sshll.u32 s1, $0xD;
	s1 =	sshrl.u32 s1, $0x2  }
0xba: {  	s3 =	sand.u32 $0x4000, s31;
	s1 =	sadd.s32 s1, s30  }
0xbb: {  	s0 =	sor.u32 s3, s0;
	s1 =	sshll.u32 s1, $0x11  }
0xbc: {  	s0 =	sor.u32 s1, s0  }
0xbd: {  	s0 =	sadd.s32 $0x8F2B, s0  }
0xbe: {  	[sflag:s0] =	ssyncadd.remote.s32 $0x1  }
0xbf: {  	_ =	sfence.sel $0xFFFF  }
0xc0: {  	[dreg:$0x0] =	wrdreg $0xFFFFFFFF;
	(pc) =	sbr.abs _section_cstart, $3  }
0xc1: {  	[dreg:$0x1] =	wrdreg $0xFFFFFFFF  }
0xc2: {  	_ =	task.clear_ibuf [dreg:s7], $0x2FFFF;
	_ =	strace $0x9FFFFFFF  }
0xc3: {  	(tm) =	ssettm $0x7FFFFFFF  }
tec
execute0_lowered:
.L_overlay_start_1:
0x0: {  	(tag) =	ssettag $0x1  }
0x1: {  	s1 =	rddreg [dreg:$0x0]  }
0x2: {  	s2 =	srdreg.scid;
	s7 =	rddreg [dreg:$0x1]  }
0x3: {  	s0 =	stileid.u32;
	s3 =	rddreg [dreg:$0x2];
	s4 =	simm.s32 $0x0  }
0x4: {  	s18 =	simm.s32 $0x50;
	s19 =	simm.s32 $0x6780;
	s20 =	simm.s32 $0x8F80  }
0x5: {  	s21 =	simm.s32 $0x1;
	s22 =	simm.s32 $0x2;
	s6 =	sand.u32 $0x1, s2  }
0x6: {  	s23 =	sshll.u32 s0, $0x1;
	s2 =	rddreg [dreg:$0x3];
	s25 =	smul.u32 $0x2700, s0  }
0x7: {  	s24 =	sshrl.u32 s0, $0x2;
	[smem:$0x7FF] =	sst s4;
	s12 =	smul.u32 $0x4E000, s0  }
0x8: {  	s15 =	sadd.s32 $0x88A00, s7;
	s17 =	sadd.s32 $0x138000, s3;
	p0 =	sne.s32 s0, $0xF  }
0x9: {  	s31 =	sshll.u32 s0, $0x6;
	s5 =	sor.u32 s6, s23;
	s8 =	smul.u32 $0x13C00, s24  }
0xa: {  	_ =	strace $0x80000053;
	s11 =	ssub.s32 $0x2, s6;
	s14 =	smul.u32 $0x27100, s6  }
0xb: {  	s26 =	smul.u32 $0x138800, s6;
	s17 =	sshrl.u32 @!p0 s17, $0x3;
	s23 =	simm.s32 $0x6580  }
0xc: {  	s24 =	simm.s32 $0x0;
	s9 =	sshll.u32 s5, $0x7;
	s5 =	sshll.u32 s5, $0xB  }
0xd: {  	s13 =	sshrl.u32 s11, $0x1;
	s28 =	sshrl.u32 s12, $0x2;
	s12 =	simm.s32 $0x400  }
0xe: {  	s9 =	sand.u32 $0x380, s9;
	s10 =	sadd.s32 s5, s7;
	s5 =	sadd.s32 $0x1E200, s7  }
0xf: {  	s11 =	ssub.s32 s11, s13;
	s16 =	sadd.s32 s28, s3;
	s29 =	sadd.s32 s25, s14  }
0x10: {  	s30 =	sshrl.u32 s26, $0x3;
	s13 =	simm.s32 $0x3;
	s8 =	sor.u32 s8, s9  }
0x11: {  	s14 =	simm.s32 $0x2780;
	s9 =	sadd.s32 s15, s30;
	s8 =	sshrl.u32 s8, $0x3  }
0x12: {  	s16 =	sshrl.u32 s16, $0x3;
	s9 =	sadd.s32 $0x27000, s9;
	s8 =	sadd.s32 s8, s7  }
0x13: {  	s7 =	sadd.s32 $0xE200, s10;
	s10 =	smax.u32 s11, $0x1;
	s11 =	simm.s32 $0x80  }
0x14: {  	s6 =	sadd.s32 $0x4400, s8;
	s8 =	sadd.s32 s15, s29;
	s15 =	sor.u32 $0x1C03, s31  }
.LBB2_1:
0x15: {  	[tilespmem:s4], [sflag:$0x3] =	stream.strided.gather [hbm4b:s6+s11], $0x2780, s12, s11, $0x38;
	[tilespmem:$0x1F000] =	vst v63  }
0x16: {  	_ =	swait.ge [sflag:s13], $0x2780  }
0x17: {  	[sflag:s13] =	ssyncset.done $0x0  }
0x18: {  	[sflag:s13] =	ssyncadd.s32 $0xFFFFD880  }
0x19: {  	[tilespmem:s14], [sflag:$0x3] =	stream.linear.gather [hbm4b:s7+s4], $0x3E80, $0x38;
	[tilespmem:$0x1F000] =	vst v63  }
0x1a: {  	_ =	swait.ge [sflag:s13], $0x3E80  }
0x1b: {  	[sflag:s13] =	ssyncset.done $0x0  }
0x1c: {  	[sflag:s13] =	ssyncadd.s32 $0xFFFFC180  }
0x1d: {  	[spmem:s16], [sflag:s15] =	dma.local [hbm:s5], $0x2700  }
0x1e: {  	_ =	swait.ge [sflag:s13], $0x2700  }
0x1f: {  	[sflag:s13] =	ssyncset.done $0x0  }
0x20: {  	s25 =	simm.s32 @!p0 $0x3;
	[sflag:s13] =	ssyncadd.s32 $0xFFFFD900  }
0x21: {  	[spmem:s17], [sflag:s15] =	dma.local @!p0 [hbm:s5], $0x100  }
0x22: {  	_ =	swait.ge @!p0 [sflag:s25], $0x100  }
0x23: {  	[sflag:s25] =	ssyncset.done @!p0 $0x0  }
0x24: {  	[sflag:s25] =	ssyncadd.s32 @!p0 $0xFFFFFF00  }
0x25: {  	[bflag:$0x0] =	sbarrier.arrive $0xFFFF  }
0x26: {  	[tilespmem:s19], [sflag:$0x1] =	stream.indirect.gather [hbm4b:s1+s18], $0x80, s4, s18, $0xb8;
	[tilespmem:$0x1F000] =	vst v63  }
0x27: {  	s26 =	simm.s32 $0x50  }
0x28: {  	[tilespmem:s20], [sflag:$0x2] =	stream.indirect.gather [hbm4b:s1+s18], $0x80, s26, s18, $0xb8;
	[tilespmem:$0x1F000] =	vst v63  }
0x29: {  	_ =	swait.ge [sflag:s21], $0x2800  }
0x2a: {  	[sflag:s21] =	ssyncset.done $0x0  }
0x2b: {  	s29 =	simm.s32 $0x2780;
	[sflag:s21] =	ssyncadd.s32 $0xFFFFD800  }
0x2c: {  	[spmem:s3] =	stream.indirect.scatter.add.f32 [tilespmem:s19], [sflag:$0x3], $0x80, s29, s18, $0xb8;
	[tilespmem:$0x1F000] =	vst v63  }
0x2d: {  	_ =	swait.ge [sflag:s13], $0x2800  }
0x2e: {  	[sflag:s13] =	ssyncset.done $0x0  }
0x2f: {  	s30 =	simm.s32 $0xA0;
	[sflag:s13] =	ssyncadd.s32 $0xFFFFD800  }
0x30: {  	[tilespmem:s19], [sflag:$0x1] =	stream.indirect.gather [hbm4b:s1+s18], $0x80, s30, s18, $0xb8;
	[tilespmem:$0x1F000] =	vst v63  }
0x31: {  	_ =	swait.ge [sflag:s22], $0x2800  }
0x32: {  	[sflag:s22] =	ssyncset.done $0x0  }
0x33: {  	s31 =	simm.s32 $0x2800;
	[sflag:s22] =	ssyncadd.s32 $0xFFFFD800  }
0x34: {  	[spmem:s3] =	stream.indirect.scatter.add.f32 [tilespmem:s20], [sflag:$0x3], $0x80, s31, s18, $0xb8;
	[tilespmem:$0x1F000] =	vst v63  }
0x35: {  	s28 =	simm.s32 $0x800;
	_ =	swait.ge [sflag:s13], $0x2800  }
0x36: {  	s25 =	simm.s32 $0x140;
	s26 =	simm.s32 $0x400;
	[sflag:s13] =	ssyncset.done $0x0  }
.LBB2_2:
0x37: {  	p1 =	sne.s32 s28, $0xF400;
	s29 =	sadd.s32 $0xFFFFFFB0, s25;
	[sflag:s13] =	ssyncadd.s32 $0xFFFFD800  }
0x38: {  	[tilespmem:s20], [sflag:$0x2] =	stream.indirect.gather [hbm4b:s1+s18], $0x80, s29, s18, $0xb8;
	[tilespmem:$0x1F000] =	vst v63  }
0x39: {  	s29 =	smov.u32 s28;
	s28 =	sadd.s32 $0x400, s28;
	_ =	swait.ge [sflag:s21], $0x2800  }
0x3a: {  	s30 =	sshra.s32 s26, $0x2;
	s26 =	smov.u32 s29;
	[sflag:s21] =	ssyncset.done $0x0  }
0x3b: {  	s29 =	sadd.s32 $0x2780, s30;
	[sflag:s21] =	ssyncadd.s32 $0xFFFFD800  }
0x3c: {  	[spmem:s3] =	stream.indirect.scatter.add.f32 [tilespmem:s19], [sflag:$0x3], $0x80, s29, s18, $0xb8;
	[tilespmem:$0x1F000] =	vst v63  }
0x3d: {  	_ =	swait.ge [sflag:s13], $0x2800  }
0x3e: {  	[sflag:s13] =	ssyncset.done $0x0  }
0x3f: {  	[sflag:s13] =	ssyncadd.s32 $0xFFFFD800  }
0x40: {  	[tilespmem:s19], [sflag:$0x1] =	stream.indirect.gather [hbm4b:s1+s18], $0x80, s25, s18, $0xb8;
	[tilespmem:$0x1F000] =	vst v63  }
0x41: {  	_ =	swait.ge [sflag:s22], $0x2800  }
.Ltmp0:
0x42: {  	[sflag:s22] =	ssyncset.done $0x0;
	(pc) =	sbr.rel @p1 .LBB2_2-.Ltmp0, $4  }
0x43: {  	s29 =	sadd.s32 $0x2800, s30;
	[sflag:s22] =	ssyncadd.s32 $0xFFFFD800  }
0x44: {  	[spmem:s3] =	stream.indirect.scatter.add.f32 [tilespmem:s20], [sflag:$0x3], $0x80, s29, s18, $0xb8;
	[tilespmem:$0x1F000] =	vst v63  }
0x45: {  	_ =	swait.ge [sflag:s13], $0x2800  }
0x46: {  	s25 =	sadd.s32 $0xA0, s25;
	[sflag:s13] =	ssyncset.done $0x0  }
0x47: {  	s28 =	sadd.s32 $0xFFFFFFB0, s25;
	[sflag:s13] =	ssyncadd.s32 $0xFFFFD800  }
0x48: {  	[tilespmem:s20], [sflag:$0x2] =	stream.indirect.gather [hbm4b:s1+s18], $0x80, s28, s18, $0xb8;
	[tilespmem:$0x1F000] =	vst v63  }
0x49: {  	_ =	swait.ge [sflag:s21], $0x2800  }
0x4a: {  	s26 =	sshra.s32 s26, $0x2;
	[sflag:s21] =	ssyncset.done $0x0  }
0x4b: {  	s30 =	sadd.s32 $0x2780, s26;
	[sflag:s21] =	ssyncadd.s32 $0xFFFFD800  }
0x4c: {  	[spmem:s3] =	stream.indirect.scatter.add.f32 [tilespmem:s19], [sflag:$0x3], $0x80, s30, s18, $0xb8;
	[tilespmem:$0x1F000] =	vst v63  }
0x4d: {  	_ =	swait.ge [sflag:s13], $0x2800  }
0x4e: {  	[sflag:s13] =	ssyncset.done $0x0  }
0x4f: {  	[sflag:s13] =	ssyncadd.s32 $0xFFFFD800  }
0x50: {  	[tilespmem:s19], [sflag:$0x1] =	stream.indirect.gather [hbm4b:s1+s18], $0x80, s25, s18, $0xb8;
	[tilespmem:$0x1F000] =	vst v63  }
0x51: {  	_ =	swait.ge [sflag:s22], $0x2800  }
0x52: {  	[sflag:s22] =	ssyncset.done $0x0  }
0x53: {  	s31 =	sadd.s32 $0x2800, s26;
	[sflag:s22] =	ssyncadd.s32 $0xFFFFD800  }
0x54: {  	[spmem:s3] =	stream.indirect.scatter.add.f32 [tilespmem:s20], [sflag:$0x3], $0x80, s31, s18, $0xb8;
	[tilespmem:$0x1F000] =	vst v63  }
0x55: {  	_ =	swait.ge [sflag:s13], $0x2800  }
0x56: {  	[sflag:s13] =	ssyncset.done $0x0  }
0x57: {  	[sflag:s13] =	ssyncadd.s32 $0xFFFFD800  }
0x58: {  	_ =	swait.ge [sflag:s21], $0x2800  }
0x59: {  	[sflag:s21] =	ssyncset.done $0x0  }
0x5a: {  	[sflag:s21] =	ssyncadd.s32 $0xFFFFD800  }
0x5b: {  	[spmem:s3] =	stream.indirect.scatter.add.f32 [tilespmem:s19], [sflag:$0x3], $0x80, s23, s18, $0xb8;
	[tilespmem:$0x1F000] =	vst v63  }
0x5c: {  	_ =	swait.ge [sflag:s13], $0x2800  }
0x5d: {  	[sflag:s13] =	ssyncset.done $0x0  }
0x5e: {  	[sflag:s13] =	ssyncadd.s32 $0xFFFFD800  }
0x5f: {  	[bflag:$0x0] =	sbarrier.arrive $0xFFFF  }
0x60: {  	[hbm:s8], [sflag:s15] =	dma.local [spmem:s16], $0x2700  }
0x61: {  	s24 =	sadd.s32 $0x1, s24;
	_ =	swait.ge [sflag:s13], $0x2700  }
0x62: {  	p1 =	sne.s32 s24, s10;
	[sflag:s13] =	ssyncset.done $0x0  }
.Ltmp1:
0x63: {  	s25 =	simm.s32 @!p0 $0x3;
	[sflag:s13] =	ssyncadd.s32 $0xFFFFD900;
	(pc) =	sbr.rel @p1 .LBB2_1-.Ltmp1, $4  }
0x64: {  	[hbm:s9], [sflag:s15] =	dma.local @!p0 [spmem:s17], $0x100  }
0x65: {  	_ =	swait.ge @!p0 [sflag:s25], $0x100  }
0x66: {  	[sflag:s25] =	ssyncset.done @!p0 $0x0  }
0x67: {  	[sflag:s25] =	ssyncadd.s32 @!p0 $0xFFFFFF00  }
0x68: {  	_ =	sfence.sel $0x180000  }
0x69: {  	[bflag:$0x0] =	sbarrier.arrive $0xFFFF  }
0x6a: {  	p0 =	sne.s32 s0, $0x0;
	_ =	strace $0x90000053  }
0x6b: {  	s0 =	sadd.s32 @!p0 $0x100000, s2;
	[bflag:$0x2] =	sbarrier.arrive $0xFFFF  }
0x6c: {  	[sflag:s0] =	ssyncadd.tile.s32 @!p0 $0x1;
	_ =	shalt  }
.Lfunc_end2:
_tile_overlayer_lowered:
.L_overlay_start_2:
0x6d: {  	(tag) =	ssettag $0x2  }
0x6e: {  	s0 =	rddreg [dreg:$0x0];
	s2 =	stileid.u32  }
0x6f: {  	s1 =	rddreg [dreg:$0x1];
	p0 =	sne.s32 s2, $0x0  }
0x70: {  	s3 =	rddreg [dreg:$0x2];
	[bflag:$0x3] =	sbarrier.arrive $0xFFFF;
	s2 =	simm.s32 @!p0 $0x1C03  }
0x71: {  	[timem:s3], [sflag:s2] =	dma.local @!p0 [hbm:s0], s1  }
0x72: {  	s0 =	simm.s32 @!p0 $0x3  }
0x73: {  	_ =	swait.ge @!p0 [sflag:s0], s1  }
0x74: {  	s1 =	ssub.s32 @!p0 $0x0, s1;
	[sflag:s0] =	ssyncset.done @!p0 $0x0  }
0x75: {  	[sflag:s0] =	ssyncadd.s32 @!p0 s1  }
0x76: {  	[bflag:$0x3] =	sbarrier.arrive $0xFFFF  }
0x77: {  	_ =	shalt  }

// kernel: edge_scatter_add.23.cloned.1.call-start
scs
__scs_entry_jumppad:
0x0: {  	(pc) =	sbr.rel $0x88, $3  }
0x1: {  	(tag) =	ssettag $0x0;
	lr =	simm.s32 $0x1  }
0x2: {  	[smem:$0x3F91] =	sst lr;
	_ =	strace $0xD0000000  }
0x3: {  	_ = 	snop  }
0x4: {  	_ = 	snop  }
0x5: {  	_ = 	snop  }
0x6: {  	_ = 	snop  }
0x7: {  	_ = 	snop  }
__scs_overlays_trampoline_lowered:
0x8: {  	[smem:$0x3FA0] =	sst s0  }
0x9: {  	[smem:$0x3FA1] =	sst s1  }
0xa: {  	[smem:$0x3FA2] =	sst s2  }
0xb: {  	[smem:$0x3FA3] =	sst s3  }
0xc: {  	[smem:$0x3FA4] =	sst s4  }
0xd: {  	[smem:$0x3FA5] =	sst s5  }
0xe: {  	[smem:$0x3FA6] =	sst s6  }
0xf: {  	[smem:$0x3FA7] =	sst s7  }
0x10: {  	[smem:$0x3FA8] =	sst s8  }
0x11: {  	[smem:$0x3FA9] =	sst s9;
	s0 =	simm.s32 @!p0 $0x0  }
0x12: {  	s1 =	sld [smem:$0x3F8F];
	s0 =	simm.s32 @p0 $0x1  }
0x13: {  	[smem:$0x3FAA] =	sst s0;
	s0 =	simm.s32 @!p1 $0x0  }
0x14: {  	s2 =	sld [smem:$0x3F8E];
	s0 =	simm.s32 @p1 $0x1  }
0x15: {  	[smem:$0x3FAB] =	sst s0;
	s0 =	simm.s32 @!p2 $0x0  }
0x16: {  	s3 =	sld [smem:$0x3FDB];
	s0 =	simm.s32 @p2 $0x1  }
0x17: {  	s4 =	simm.s32 $0x1BF5;
	[smem:$0x3FAD] =	sst s0  }
0x18: {  	s0 =	sld [smem:$0x3F90];
	_ =	swait.ge [sflag:s4], $0x0  }
0x19: {  	s7 =	sld [smem:$0x3F91]  }
0x1a: {  	s8 =	sadd.s32 $0xFFFFE003, lr  }
0x1b: {  	s9 =	sadd.s32 $0xFFFFFEF7, lr;
	s5 =	simm.s32 $0xFFFFFFFF;
	p2 =	slt.u32 s8, $0xFFFFF086  }
0x1c: {  	p1 =	slt.u32 s9, $0xF7A;
	s5 =	simm.s32 @!p2 $0x0  }
0x1d: {  	s5 =	simm.s32 @p1 $0x1;
	p0 =	seq.s32 s7, s2  }
0x1e: {  	s7 =	smul.u32 @!p0 $0xF7A, s2;
	p2 =	seq.s32 @!p0 s5, $0x0  }
0x1f: {  	s9 =	smul.u32 $0xF7A, s1;
	s8 =	simm.s32 @!p0 $0x1BF5;
	p2 =	por !p2, p0  }
0x20: {  	[sflag:s8] =	ssyncset.s32 @!p0 $0xFFFFF086;
	s6 =	sadd.s32 @!p0 s3, s7;
	s7 =	simm.s32 @!p0 $0x108  }
0x21: {  	s3 =	sadd.s32 s3, s9;
	s6 =	sadd.s32 @!p0 $0x88, s6;
	s7 =	simm.s32 @p2 $0x1082  }
0x22: {  	[simem:s7], [sflag:s8] =	dma.local @!p0 [hbm:s6], $0xF7A  }
0x23: {  	s9 =	sor.u32 $0xD0000000, s2;
	s6 =	simm.s32 $0x108;
	_ =	swait.ge @!p0 [sflag:s8], $0x0  }
0x24: {  	s3 =	sadd.s32 $0x88, s3;
	s6 =	simm.s32 @!p1 $0x1082;
	[sflag:s4] =	ssyncset.s32 $0xFFFFF086  }
0x25: {  	[simem:s6], [sflag:s4] =	dma.local [hbm:s3], $0xF7A  }
0x26: {  	[smem:$0x3F91] =	sst s1;
	(tag) =	ssettag s2;
	_ =	strace s9  }
0x27: {  	s1 =	sld [smem:$0x3FA1]  }
0x28: {  	s2 =	sld [smem:$0x3FA2]  }
0x29: {  	s4 =	sld [smem:$0x3FA4]  }
0x2a: {  	p0 =	seq.s32 s5, $0x0;
	s5 =	sld [smem:$0x3FA5]  }
0x2b: {  	s6 =	sld [smem:$0x3FA6]  }
0x2c: {  	s7 =	sld [smem:$0x3FA7]  }
0x2d: {  	s3 =	simm.s32 $0x108;
	s8 =	sld [smem:$0x3FA8]  }
0x2e: {  	s3 =	simm.s32 @!p0 $0x1082;
	s9 =	sld [smem:$0x3FA9]  }
0x2f: {  	lr =	sadd.s32 s0, s3;
	s0 =	sld [smem:$0x3FA0]  }
0x30: {  	s3 =	sld [smem:$0x3FA3]  }
0x31: {  	[smem:$0x3FAC] =	sst s10  }
0x32: {  	s10 =	sld [smem:$0x3FAA];
	_ =	sdelay $0x3  }
0x33: {  	p0 =	seq.s32 s10, $0x1;
	s10 =	sld [smem:$0x3FAC];
	_ =	sdelay $0x3  }
0x34: {  	[smem:$0x3FAC] =	sst s10  }
0x35: {  	s10 =	sld [smem:$0x3FAB];
	_ =	sdelay $0x3  }
0x36: {  	p1 =	seq.s32 s10, $0x1;
	s10 =	sld [smem:$0x3FAC];
	_ =	sdelay $0x3  }
0x37: {  	[smem:$0x3FAC] =	sst s10  }
0x38: {  	s10 =	sld [smem:$0x3FAD]  }
0x39: {  	_ = 	snop;
	(pc) =	sbr.ind lr, $3  }
0x3a: {  	_ = 	snop  }
0x3b: {  	_ = 	snop  }
0x3c: {  	p2 =	seq.s32 s10, $0x1;
	s10 =	sld [smem:$0x3FAC]  }
0x3d: {  	_ =	shalt  }
0x3e: {  	_ =	shalt  }
0x3f: {  	_ =	shalt  }
0x40: {  	_ =	shalt  }
0x41: {  	_ =	shalt  }
0x42: {  	_ =	shalt  }
0x43: {  	_ =	shalt  }
0x44: {  	_ =	shalt  }
0x45: {  	_ =	shalt  }
0x46: {  	_ =	shalt  }
0x47: {  	_ =	shalt  }
0x48: {  	_ =	shalt  }
0x49: {  	_ =	shalt  }
0x4a: {  	_ =	shalt  }
0x4b: {  	_ =	shalt  }
0x4c: {  	_ =	shalt  }
0x4d: {  	_ =	shalt  }
0x4e: {  	_ =	shalt  }
0x4f: {  	_ =	shalt  }
0x50: {  	_ =	shalt  }
0x51: {  	_ =	shalt  }
0x52: {  	_ =	shalt  }
0x53: {  	_ =	shalt  }
0x54: {  	_ =	shalt  }
0x55: {  	_ =	shalt  }
0x56: {  	_ =	shalt  }
0x57: {  	_ =	shalt  }
0x58: {  	_ =	shalt  }
0x59: {  	_ =	shalt  }
0x5a: {  	_ =	shalt  }
0x5b: {  	_ =	shalt  }
0x5c: {  	_ =	shalt  }
0x5d: {  	_ =	shalt  }
0x5e: {  	_ =	shalt  }
0x5f: {  	_ =	shalt  }
0x60: {  	_ =	shalt  }
0x61: {  	_ =	shalt  }
0x62: {  	_ =	shalt  }
0x63: {  	_ =	shalt  }
0x64: {  	_ =	shalt  }
0x65: {  	_ =	shalt  }
0x66: {  	_ =	shalt  }
0x67: {  	_ =	shalt  }
0x68: {  	_ =	shalt  }
0x69: {  	_ =	shalt  }
0x6a: {  	_ =	shalt  }
0x6b: {  	_ =	shalt  }
0x6c: {  	_ =	shalt  }
0x6d: {  	_ =	shalt  }
0x6e: {  	_ =	shalt  }
0x6f: {  	_ =	shalt  }
0x70: {  	_ =	shalt  }
0x71: {  	_ =	shalt  }
0x72: {  	_ =	shalt  }
0x73: {  	_ =	shalt  }
0x74: {  	_ =	shalt  }
0x75: {  	_ =	shalt  }
0x76: {  	_ =	shalt  }
0x77: {  	_ =	shalt  }
0x78: {  	_ =	shalt  }
0x79: {  	_ =	shalt  }
0x7a: {  	_ =	shalt  }
0x7b: {  	_ =	shalt  }
0x7c: {  	_ =	shalt  }
0x7d: {  	_ =	shalt  }
0x7e: {  	_ =	shalt  }
0x7f: {  	_ =	shalt  }
0x80: {  	_ =	shalt  }
0x81: {  	_ =	shalt  }
0x82: {  	_ =	shalt  }
0x83: {  	_ =	shalt  }
0x84: {  	_ =	shalt  }
0x85: {  	_ =	shalt  }
0x86: {  	_ =	shalt  }
0x87: {  	_ =	shalt  }
.Lfunc_end0:
.L_simem_size_0:
called_computation.5_lowered:
.L_overlay_start_0:
0x88: {  	s2 =	sld [smem:$0x3FD9]  }
0x89: {  	s3 =	sld [smem:$0x3FFE];
	_ =	sdelay $0x1  }
0x8a: {  	s1 =	srdreg.scid  }
0x8b: {  	s0 =	sand.u32 $0x1, s1  }
0x8c: {  	s17 =	sshll.u32 s0, $0xA;
	s2 =	sadd.s32 s3, s2  }
0x8d: {  	s2 =	sadd.s32 s2, s17  }
0x8e: {  	[smem:$0x3FB8] =	sst s2  }
0x8f: {  	_ = 	snop  }
0x90: {  	s2 =	sld [smem:$0x3FD0];
	(tm) =	ssettm $0x1  }
0x91: {  	s18 =	sld [smem:$0x3FFB];
	_ =	sdelay $0x3  }
0x92: {  	_ =	strace s18  }
0x93: {  	s3 =	sld [smem:$0x3FFC];
	_ =	sdelay $0x3  }
0x94: {  	_ =	strace s3  }
0x95: {  	s3 =	sld [smem:$0x3FFD];
	_ =	sdelay $0x3  }
0x96: {  	_ =	strace s3  }
0x97: {  	_ =	strace $0x8FFFFFFF  }
0x98: {  	s19 =	sld [smem:$0x3FDB];
	_ =	sdelay $0x1  }
0x99: {  	s4 =	simm.s32 $_scs_section_size  }
0x9a: {  	s5 =	simm.s32 $_size__tile_overlayer_lowered;
	s6 =	simm.s32 $_tile_overlayer_lowered  }
0x9b: {  	s22 =	simm.s32 $0x1BFF;
	s21 =	sshll.u32 s6, $0x1;
	s3 =	sadd.s32 s4, s19  }
0x9c: {  	s7 =	simm.s32 $0x0;
	s20 =	sshll.u32 s5, $0x1;
	s5 =	sadd.s32 s21, s3  }
0x9d: {  	[timem:s7], [sflag:s22] =	dma.local [hbm:s5], s20  }
0x9e: {  	_ =	swait.ge [sflag:s22], s20  }
0x9f: {  	s4 =	ssub.s32 $0x0, s20;
	[sflag:s22] =	ssyncset.done $0x0  }
0xa0: {  	[sflag:s22] =	ssyncadd.s32 s4;
	_ =	sdelay $0x1  }
0xa1: {  	s23 =	simm.s32 $0x1B8B  }
0xa2: {  	_ =	swait.ge [sflag:s23], $0x1  }
0xa3: {  	[sflag:s23] =	ssyncset.done $0x0  }
0xa4: {  	s25 =	simm.s32 $0x1B8E;
	s24 =	sld [smem:$0x3FFE];
	[sflag:s23] =	ssyncadd.s32 $0xFFFFFFFF  }
0xa5: {  	s26 =	simm.s32 $execute0_lowered;
	[smem:$0x3FD2] =	sst s25  }
0xa6: {  	s5 =	sshll.u32 s26, $0x1;
	_ =	strace $0x80000055;
	[dreg:$0x1] =	wrdreg $0xFFFFFFFF  }
0xa7: {  	s28 =	simm.s32 $_size_execute0_lowered;
	s3 =	sadd.s32 s3, s5;
	[dreg:$0x0] =	wrdreg $0x0  }
0xa8: {  	s5 =	sshll.u32 s28, $0x1;
	[dreg:$0x2] =	wrdreg s3  }
0xa9: {  	[dreg:$0x3] =	wrdreg s5  }
0xaa: {  	[dreg:$0x4] =	wrdreg $0xC0  }
0xab: {  	_ =	task [dreg:s7], $0x5FFFF  }
0xac: {  	[dreg:$0x1] =	wrdreg $0xFFFFFFFF  }
0xad: {  	[dreg:$0x0] =	wrdreg $0x60  }
0xae: {  	[dreg:$0x2] =	wrdreg s2  }
0xaf: {  	[dreg:$0x3] =	wrdreg s24  }
0xb0: {  	[dreg:$0x4] =	wrdreg $0xB7800  }
0xb1: {  	[dreg:$0x5] =	wrdreg $0x9  }
0xb2: {  	_ =	task.clear_ibuf [dreg:s7], $0x6FFFF;
	_ =	strace $0x90000055  }
0xb3: {  	s29 =	simm.s32 $0x9;
	_ =	strace $0x80000057  }
0xb4: {  	_ =	swait.ge [sflag:s29], $0x1  }
0xb5: {  	[sflag:s29] =	ssyncadd.s32 $0xFFFFFFFF  }
0xb6: {  	_ =	strace $0x90000057  }
0xb7: {  	_ =	sfence  }
0xb8: {  	s30 =	sld [smem:$0x0];
	_ =	sdelay $0x2  }
0xb9: {  	s31 =	sshll.u32 s1, $0xD;
	s1 =	sshrl.u32 s1, $0x2  }
0xba: {  	s3 =	sand.u32 $0x4000, s31;
	s1 =	sadd.s32 s1, s30  }
0xbb: {  	s0 =	sor.u32 s3, s0;
	s1 =	sshll.u32 s1, $0x11  }
0xbc: {  	s0 =	sor.u32 s1, s0  }
0xbd: {  	s0 =	sadd.s32 $0x8F2B, s0  }
0xbe: {  	[sflag:s0] =	ssyncadd.remote.s32 $0x1  }
0xbf: {  	_ =	sfence.sel $0xFFFF  }
0xc0: {  	[dreg:$0x0] =	wrdreg $0xFFFFFFFF;
	(pc) =	sbr.abs _section_cstart, $3  }
0xc1: {  	[dreg:$0x1] =	wrdreg $0xFFFFFFFF  }
0xc2: {  	_ =	task.clear_ibuf [dreg:s7], $0x2FFFF;
	_ =	strace $0x9FFFFFFF  }
0xc3: {  	(tm) =	ssettm $0x7FFFFFFF  }
tec
execute0_lowered:
.L_overlay_start_1:
0x0: {  	(tag) =	ssettag $0x1  }
0x1: {  	s1 =	rddreg [dreg:$0x0]  }
0x2: {  	s2 =	srdreg.scid;
	s7 =	rddreg [dreg:$0x1]  }
0x3: {  	s0 =	stileid.u32;
	s3 =	rddreg [dreg:$0x2];
	s4 =	simm.s32 $0x0  }
0x4: {  	s18 =	simm.s32 $0x50;
	s19 =	simm.s32 $0x6780;
	s20 =	simm.s32 $0x8F80  }
0x5: {  	s21 =	simm.s32 $0x1;
	s22 =	simm.s32 $0x2;
	s6 =	sand.u32 $0x1, s2  }
0x6: {  	s23 =	sshll.u32 s0, $0x1;
	s2 =	rddreg [dreg:$0x3];
	s25 =	smul.u32 $0x2700, s0  }
0x7: {  	s24 =	sshrl.u32 s0, $0x2;
	[smem:$0x7FF] =	sst s4;
	s12 =	smul.u32 $0x4E000, s0  }
0x8: {  	s15 =	sadd.s32 $0x88A00, s7;
	s17 =	sadd.s32 $0x138000, s3;
	p0 =	sne.s32 s0, $0xF  }
0x9: {  	s31 =	sshll.u32 s0, $0x6;
	s5 =	sor.u32 s6, s23;
	s8 =	smul.u32 $0x13C00, s24  }
0xa: {  	_ =	strace $0x80000056;
	s11 =	ssub.s32 $0x2, s6;
	s14 =	smul.u32 $0x27100, s6  }
0xb: {  	s26 =	smul.u32 $0x138800, s6;
	s17 =	sshrl.u32 @!p0 s17, $0x3;
	s23 =	simm.s32 $0x6580  }
0xc: {  	s24 =	simm.s32 $0x0;
	s9 =	sshll.u32 s5, $0x7;
	s5 =	sshll.u32 s5, $0xB  }
0xd: {  	s13 =	sshrl.u32 s11, $0x1;
	s28 =	sshrl.u32 s12, $0x2;
	s12 =	simm.s32 $0x400  }
0xe: {  	s9 =	sand.u32 $0x380, s9;
	s10 =	sadd.s32 s5, s7;
	s5 =	sadd.s32 $0x1E200, s7  }
0xf: {  	s11 =	ssub.s32 s11, s13;
	s16 =	sadd.s32 s28, s3;
	s29 =	sadd.s32 s25, s14  }
0x10: {  	s30 =	sshrl.u32 s26, $0x3;
	s13 =	simm.s32 $0x3;
	s8 =	sor.u32 s8, s9  }
0x11: {  	s14 =	simm.s32 $0x2780;
	s9 =	sadd.s32 s15, s30;
	s8 =	sshrl.u32 s8, $0x3  }
0x12: {  	s16 =	sshrl.u32 s16, $0x3;
	s9 =	sadd.s32 $0x27000, s9;
	s8 =	sadd.s32 s8, s7  }
0x13: {  	s7 =	sadd.s32 $0x78A00, s10;
	s10 =	smax.u32 s11, $0x1;
	s11 =	simm.s32 $0x80  }
0x14: {  	s6 =	sadd.s32 $0x6EC00, s8;
	s8 =	sadd.s32 s15, s29;
	s15 =	sor.u32 $0x1C03, s31  }
.LBB2_1:
0x15: {  	[tilespmem:s4], [sflag:$0x3] =	stream.strided.gather [hbm4b:s6+s11], $0x2780, s12, s11, $0x38;
	[tilespmem:$0x1F000] =	vst v63  }
0x16: {  	_ =	swait.ge [sflag:s13], $0x2780  }
0x17: {  	[sflag:s13] =	ssyncset.done $0x0  }
0x18: {  	[sflag:s13] =	ssyncadd.s32 $0xFFFFD880  }
0x19: {  	[tilespmem:s14], [sflag:$0x3] =	stream.linear.gather [hbm4b:s7+s4], $0x3E80, $0x38;
	[tilespmem:$0x1F000] =	vst v63  }
0x1a: {  	_ =	swait.ge [sflag:s13], $0x3E80  }
0x1b: {  	[sflag:s13] =	ssyncset.done $0x0  }
0x1c: {  	[sflag:s13] =	ssyncadd.s32 $0xFFFFC180  }
0x1d: {  	[spmem:s16], [sflag:s15] =	dma.local [hbm:s5], $0x2700  }
0x1e: {  	_ =	swait.ge [sflag:s13], $0x2700  }
0x1f: {  	[sflag:s13] =	ssyncset.done $0x0  }
0x20: {  	s25 =	simm.s32 @!p0 $0x3;
	[sflag:s13] =	ssyncadd.s32 $0xFFFFD900  }
0x21: {  	[spmem:s17], [sflag:s15] =	dma.local @!p0 [hbm:s5], $0x100  }
0x22: {  	_ =	swait.ge @!p0 [sflag:s25], $0x100  }
0x23: {  	[sflag:s25] =	ssyncset.done @!p0 $0x0  }
0x24: {  	[sflag:s25] =	ssyncadd.s32 @!p0 $0xFFFFFF00  }
0x25: {  	[bflag:$0x0] =	sbarrier.arrive $0xFFFF  }
0x26: {  	[tilespmem:s19], [sflag:$0x1] =	stream.indirect.gather [hbm4b:s1+s18], $0x80, s4, s18, $0xb8;
	[tilespmem:$0x1F000] =	vst v63  }
0x27: {  	s26 =	simm.s32 $0x50  }
0x28: {  	[tilespmem:s20], [sflag:$0x2] =	stream.indirect.gather [hbm4b:s1+s18], $0x80, s26, s18, $0xb8;
	[tilespmem:$0x1F000] =	vst v63  }
0x29: {  	_ =	swait.ge [sflag:s21], $0x2800  }
0x2a: {  	[sflag:s21] =	ssyncset.done $0x0  }
0x2b: {  	s29 =	simm.s32 $0x2780;
	[sflag:s21] =	ssyncadd.s32 $0xFFFFD800  }
0x2c: {  	[spmem:s3] =	stream.indirect.scatter.add.f32 [tilespmem:s19], [sflag:$0x3], $0x80, s29, s18, $0xb8;
	[tilespmem:$0x1F000] =	vst v63  }
0x2d: {  	_ =	swait.ge [sflag:s13], $0x2800  }
0x2e: {  	[sflag:s13] =	ssyncset.done $0x0  }
0x2f: {  	s30 =	simm.s32 $0xA0;
	[sflag:s13] =	ssyncadd.s32 $0xFFFFD800  }
0x30: {  	[tilespmem:s19], [sflag:$0x1] =	stream.indirect.gather [hbm4b:s1+s18], $0x80, s30, s18, $0xb8;
	[tilespmem:$0x1F000] =	vst v63  }
0x31: {  	_ =	swait.ge [sflag:s22], $0x2800  }
0x32: {  	[sflag:s22] =	ssyncset.done $0x0  }
0x33: {  	s31 =	simm.s32 $0x2800;
	[sflag:s22] =	ssyncadd.s32 $0xFFFFD800  }
0x34: {  	[spmem:s3] =	stream.indirect.scatter.add.f32 [tilespmem:s20], [sflag:$0x3], $0x80, s31, s18, $0xb8;
	[tilespmem:$0x1F000] =	vst v63  }
0x35: {  	s28 =	simm.s32 $0x800;
	_ =	swait.ge [sflag:s13], $0x2800  }
0x36: {  	s25 =	simm.s32 $0x140;
	s26 =	simm.s32 $0x400;
	[sflag:s13] =	ssyncset.done $0x0  }
.LBB2_2:
0x37: {  	p1 =	sne.s32 s28, $0xF400;
	s29 =	sadd.s32 $0xFFFFFFB0, s25;
	[sflag:s13] =	ssyncadd.s32 $0xFFFFD800  }
0x38: {  	[tilespmem:s20], [sflag:$0x2] =	stream.indirect.gather [hbm4b:s1+s18], $0x80, s29, s18, $0xb8;
	[tilespmem:$0x1F000] =	vst v63  }
0x39: {  	s29 =	smov.u32 s28;
	s28 =	sadd.s32 $0x400, s28;
	_ =	swait.ge [sflag:s21], $0x2800  }
0x3a: {  	s30 =	sshra.s32 s26, $0x2;
	s26 =	smov.u32 s29;
	[sflag:s21] =	ssyncset.done $0x0  }
0x3b: {  	s29 =	sadd.s32 $0x2780, s30;
	[sflag:s21] =	ssyncadd.s32 $0xFFFFD800  }
0x3c: {  	[spmem:s3] =	stream.indirect.scatter.add.f32 [tilespmem:s19], [sflag:$0x3], $0x80, s29, s18, $0xb8;
	[tilespmem:$0x1F000] =	vst v63  }
0x3d: {  	_ =	swait.ge [sflag:s13], $0x2800  }
0x3e: {  	[sflag:s13] =	ssyncset.done $0x0  }
0x3f: {  	[sflag:s13] =	ssyncadd.s32 $0xFFFFD800  }
0x40: {  	[tilespmem:s19], [sflag:$0x1] =	stream.indirect.gather [hbm4b:s1+s18], $0x80, s25, s18, $0xb8;
	[tilespmem:$0x1F000] =	vst v63  }
0x41: {  	_ =	swait.ge [sflag:s22], $0x2800  }
.Ltmp0:
0x42: {  	[sflag:s22] =	ssyncset.done $0x0;
	(pc) =	sbr.rel @p1 .LBB2_2-.Ltmp0, $4  }
0x43: {  	s29 =	sadd.s32 $0x2800, s30;
	[sflag:s22] =	ssyncadd.s32 $0xFFFFD800  }
0x44: {  	[spmem:s3] =	stream.indirect.scatter.add.f32 [tilespmem:s20], [sflag:$0x3], $0x80, s29, s18, $0xb8;
	[tilespmem:$0x1F000] =	vst v63  }
0x45: {  	_ =	swait.ge [sflag:s13], $0x2800  }
0x46: {  	s25 =	sadd.s32 $0xA0, s25;
	[sflag:s13] =	ssyncset.done $0x0  }
0x47: {  	s28 =	sadd.s32 $0xFFFFFFB0, s25;
	[sflag:s13] =	ssyncadd.s32 $0xFFFFD800  }
0x48: {  	[tilespmem:s20], [sflag:$0x2] =	stream.indirect.gather [hbm4b:s1+s18], $0x80, s28, s18, $0xb8;
	[tilespmem:$0x1F000] =	vst v63  }
0x49: {  	_ =	swait.ge [sflag:s21], $0x2800  }
0x4a: {  	s26 =	sshra.s32 s26, $0x2;
	[sflag:s21] =	ssyncset.done $0x0  }
0x4b: {  	s30 =	sadd.s32 $0x2780, s26;
	[sflag:s21] =	ssyncadd.s32 $0xFFFFD800  }
0x4c: {  	[spmem:s3] =	stream.indirect.scatter.add.f32 [tilespmem:s19], [sflag:$0x3], $0x80, s30, s18, $0xb8;
	[tilespmem:$0x1F000] =	vst v63  }
0x4d: {  	_ =	swait.ge [sflag:s13], $0x2800  }
0x4e: {  	[sflag:s13] =	ssyncset.done $0x0  }
0x4f: {  	[sflag:s13] =	ssyncadd.s32 $0xFFFFD800  }
0x50: {  	[tilespmem:s19], [sflag:$0x1] =	stream.indirect.gather [hbm4b:s1+s18], $0x80, s25, s18, $0xb8;
	[tilespmem:$0x1F000] =	vst v63  }
0x51: {  	_ =	swait.ge [sflag:s22], $0x2800  }
0x52: {  	[sflag:s22] =	ssyncset.done $0x0  }
0x53: {  	s31 =	sadd.s32 $0x2800, s26;
	[sflag:s22] =	ssyncadd.s32 $0xFFFFD800  }
0x54: {  	[spmem:s3] =	stream.indirect.scatter.add.f32 [tilespmem:s20], [sflag:$0x3], $0x80, s31, s18, $0xb8;
	[tilespmem:$0x1F000] =	vst v63  }
0x55: {  	_ =	swait.ge [sflag:s13], $0x2800  }
0x56: {  	[sflag:s13] =	ssyncset.done $0x0  }
0x57: {  	[sflag:s13] =	ssyncadd.s32 $0xFFFFD800  }
0x58: {  	_ =	swait.ge [sflag:s21], $0x2800  }
0x59: {  	[sflag:s21] =	ssyncset.done $0x0  }
0x5a: {  	[sflag:s21] =	ssyncadd.s32 $0xFFFFD800  }
0x5b: {  	[spmem:s3] =	stream.indirect.scatter.add.f32 [tilespmem:s19], [sflag:$0x3], $0x80, s23, s18, $0xb8;
	[tilespmem:$0x1F000] =	vst v63  }
0x5c: {  	_ =	swait.ge [sflag:s13], $0x2800  }
0x5d: {  	[sflag:s13] =	ssyncset.done $0x0  }
0x5e: {  	[sflag:s13] =	ssyncadd.s32 $0xFFFFD800  }
0x5f: {  	[bflag:$0x0] =	sbarrier.arrive $0xFFFF  }
0x60: {  	[hbm:s8], [sflag:s15] =	dma.local [spmem:s16], $0x2700  }
0x61: {  	s24 =	sadd.s32 $0x1, s24;
	_ =	swait.ge [sflag:s13], $0x2700  }
0x62: {  	p1 =	sne.s32 s24, s10;
	[sflag:s13] =	ssyncset.done $0x0  }
.Ltmp1:
0x63: {  	s25 =	simm.s32 @!p0 $0x3;
	[sflag:s13] =	ssyncadd.s32 $0xFFFFD900;
	(pc) =	sbr.rel @p1 .LBB2_1-.Ltmp1, $4  }
0x64: {  	[hbm:s9], [sflag:s15] =	dma.local @!p0 [spmem:s17], $0x100  }
0x65: {  	_ =	swait.ge @!p0 [sflag:s25], $0x100  }
0x66: {  	[sflag:s25] =	ssyncset.done @!p0 $0x0  }
0x67: {  	[sflag:s25] =	ssyncadd.s32 @!p0 $0xFFFFFF00  }
0x68: {  	_ =	sfence.sel $0x180000  }
0x69: {  	[bflag:$0x0] =	sbarrier.arrive $0xFFFF  }
0x6a: {  	p0 =	sne.s32 s0, $0x0;
	_ =	strace $0x90000056  }
0x6b: {  	s0 =	sadd.s32 @!p0 $0x100000, s2;
	[bflag:$0x2] =	sbarrier.arrive $0xFFFF  }
0x6c: {  	[sflag:s0] =	ssyncadd.tile.s32 @!p0 $0x1;
	_ =	shalt  }
.Lfunc_end2:
_tile_overlayer_lowered:
.L_overlay_start_2:
0x6d: {  	(tag) =	ssettag $0x2  }
0x6e: {  	s0 =	rddreg [dreg:$0x0];
	s2 =	stileid.u32  }
0x6f: {  	s1 =	rddreg [dreg:$0x1];
	p0 =	sne.s32 s2, $0x0  }
0x70: {  	s3 =	rddreg [dreg:$0x2];
	[bflag:$0x3] =	sbarrier.arrive $0xFFFF;
	s2 =	simm.s32 @!p0 $0x1C03  }
0x71: {  	[timem:s3], [sflag:s2] =	dma.local @!p0 [hbm:s0], s1  }
0x72: {  	s0 =	simm.s32 @!p0 $0x3  }
0x73: {  	_ =	swait.ge @!p0 [sflag:s0], s1  }
0x74: {  	s1 =	ssub.s32 @!p0 $0x0, s1;
	[sflag:s0] =	ssyncset.done @!p0 $0x0  }
0x75: {  	[sflag:s0] =	ssyncadd.s32 @!p0 s1  }
0x76: {  	[bflag:$0x3] =	sbarrier.arrive $0xFFFF  }
0x77: {  	_ =	shalt  }

// kernel: edge_scatter_add.8.cloned.1.call-start
scs
__scs_entry_jumppad:
0x0: {  	(pc) =	sbr.rel $0x88, $3  }
0x1: {  	(tag) =	ssettag $0x0;
	lr =	simm.s32 $0x1  }
0x2: {  	[smem:$0x3F91] =	sst lr;
	_ =	strace $0xD0000000  }
0x3: {  	_ = 	snop  }
0x4: {  	_ = 	snop  }
0x5: {  	_ = 	snop  }
0x6: {  	_ = 	snop  }
0x7: {  	_ = 	snop  }
__scs_overlays_trampoline_lowered:
0x8: {  	[smem:$0x3FA0] =	sst s0  }
0x9: {  	[smem:$0x3FA1] =	sst s1  }
0xa: {  	[smem:$0x3FA2] =	sst s2  }
0xb: {  	[smem:$0x3FA3] =	sst s3  }
0xc: {  	[smem:$0x3FA4] =	sst s4  }
0xd: {  	[smem:$0x3FA5] =	sst s5  }
0xe: {  	[smem:$0x3FA6] =	sst s6  }
0xf: {  	[smem:$0x3FA7] =	sst s7  }
0x10: {  	[smem:$0x3FA8] =	sst s8  }
0x11: {  	[smem:$0x3FA9] =	sst s9;
	s0 =	simm.s32 @!p0 $0x0  }
0x12: {  	s1 =	sld [smem:$0x3F8F];
	s0 =	simm.s32 @p0 $0x1  }
0x13: {  	[smem:$0x3FAA] =	sst s0;
	s0 =	simm.s32 @!p1 $0x0  }
0x14: {  	s2 =	sld [smem:$0x3F8E];
	s0 =	simm.s32 @p1 $0x1  }
0x15: {  	[smem:$0x3FAB] =	sst s0;
	s0 =	simm.s32 @!p2 $0x0  }
0x16: {  	s3 =	sld [smem:$0x3FDB];
	s0 =	simm.s32 @p2 $0x1  }
0x17: {  	s4 =	simm.s32 $0x1BF5;
	[smem:$0x3FAD] =	sst s0  }
0x18: {  	s0 =	sld [smem:$0x3F90];
	_ =	swait.ge [sflag:s4], $0x0  }
0x19: {  	s7 =	sld [smem:$0x3F91]  }
0x1a: {  	s8 =	sadd.s32 $0xFFFFE003, lr  }
0x1b: {  	s9 =	sadd.s32 $0xFFFFFEF7, lr;
	s5 =	simm.s32 $0xFFFFFFFF;
	p2 =	slt.u32 s8, $0xFFFFF086  }
0x1c: {  	p1 =	slt.u32 s9, $0xF7A;
	s5 =	simm.s32 @!p2 $0x0  }
0x1d: {  	s5 =	simm.s32 @p1 $0x1;
	p0 =	seq.s32 s7, s2  }
0x1e: {  	s7 =	smul.u32 @!p0 $0xF7A, s2;
	p2 =	seq.s32 @!p0 s5, $0x0  }
0x1f: {  	s9 =	smul.u32 $0xF7A, s1;
	s8 =	simm.s32 @!p0 $0x1BF5;
	p2 =	por !p2, p0  }
0x20: {  	[sflag:s8] =	ssyncset.s32 @!p0 $0xFFFFF086;
	s6 =	sadd.s32 @!p0 s3, s7;
	s7 =	simm.s32 @!p0 $0x108  }
0x21: {  	s3 =	sadd.s32 s3, s9;
	s6 =	sadd.s32 @!p0 $0x88, s6;
	s7 =	simm.s32 @p2 $0x1082  }
0x22: {  	[simem:s7], [sflag:s8] =	dma.local @!p0 [hbm:s6], $0xF7A  }
0x23: {  	s9 =	sor.u32 $0xD0000000, s2;
	s6 =	simm.s32 $0x108;
	_ =	swait.ge @!p0 [sflag:s8], $0x0  }
0x24: {  	s3 =	sadd.s32 $0x88, s3;
	s6 =	simm.s32 @!p1 $0x1082;
	[sflag:s4] =	ssyncset.s32 $0xFFFFF086  }
0x25: {  	[simem:s6], [sflag:s4] =	dma.local [hbm:s3], $0xF7A  }
0x26: {  	[smem:$0x3F91] =	sst s1;
	(tag) =	ssettag s2;
	_ =	strace s9  }
0x27: {  	s1 =	sld [smem:$0x3FA1]  }
0x28: {  	s2 =	sld [smem:$0x3FA2]  }
0x29: {  	s4 =	sld [smem:$0x3FA4]  }
0x2a: {  	p0 =	seq.s32 s5, $0x0;
	s5 =	sld [smem:$0x3FA5]  }
0x2b: {  	s6 =	sld [smem:$0x3FA6]  }
0x2c: {  	s7 =	sld [smem:$0x3FA7]  }
0x2d: {  	s3 =	simm.s32 $0x108;
	s8 =	sld [smem:$0x3FA8]  }
0x2e: {  	s3 =	simm.s32 @!p0 $0x1082;
	s9 =	sld [smem:$0x3FA9]  }
0x2f: {  	lr =	sadd.s32 s0, s3;
	s0 =	sld [smem:$0x3FA0]  }
0x30: {  	s3 =	sld [smem:$0x3FA3]  }
0x31: {  	[smem:$0x3FAC] =	sst s10  }
0x32: {  	s10 =	sld [smem:$0x3FAA];
	_ =	sdelay $0x3  }
0x33: {  	p0 =	seq.s32 s10, $0x1;
	s10 =	sld [smem:$0x3FAC];
	_ =	sdelay $0x3  }
0x34: {  	[smem:$0x3FAC] =	sst s10  }
0x35: {  	s10 =	sld [smem:$0x3FAB];
	_ =	sdelay $0x3  }
0x36: {  	p1 =	seq.s32 s10, $0x1;
	s10 =	sld [smem:$0x3FAC];
	_ =	sdelay $0x3  }
0x37: {  	[smem:$0x3FAC] =	sst s10  }
0x38: {  	s10 =	sld [smem:$0x3FAD]  }
0x39: {  	_ = 	snop;
	(pc) =	sbr.ind lr, $3  }
0x3a: {  	_ = 	snop  }
0x3b: {  	_ = 	snop  }
0x3c: {  	p2 =	seq.s32 s10, $0x1;
	s10 =	sld [smem:$0x3FAC]  }
0x3d: {  	_ =	shalt  }
0x3e: {  	_ =	shalt  }
0x3f: {  	_ =	shalt  }
0x40: {  	_ =	shalt  }
0x41: {  	_ =	shalt  }
0x42: {  	_ =	shalt  }
0x43: {  	_ =	shalt  }
0x44: {  	_ =	shalt  }
0x45: {  	_ =	shalt  }
0x46: {  	_ =	shalt  }
0x47: {  	_ =	shalt  }
0x48: {  	_ =	shalt  }
0x49: {  	_ =	shalt  }
0x4a: {  	_ =	shalt  }
0x4b: {  	_ =	shalt  }
0x4c: {  	_ =	shalt  }
0x4d: {  	_ =	shalt  }
0x4e: {  	_ =	shalt  }
0x4f: {  	_ =	shalt  }
0x50: {  	_ =	shalt  }
0x51: {  	_ =	shalt  }
0x52: {  	_ =	shalt  }
0x53: {  	_ =	shalt  }
0x54: {  	_ =	shalt  }
0x55: {  	_ =	shalt  }
0x56: {  	_ =	shalt  }
0x57: {  	_ =	shalt  }
0x58: {  	_ =	shalt  }
0x59: {  	_ =	shalt  }
0x5a: {  	_ =	shalt  }
0x5b: {  	_ =	shalt  }
0x5c: {  	_ =	shalt  }
0x5d: {  	_ =	shalt  }
0x5e: {  	_ =	shalt  }
0x5f: {  	_ =	shalt  }
0x60: {  	_ =	shalt  }
0x61: {  	_ =	shalt  }
0x62: {  	_ =	shalt  }
0x63: {  	_ =	shalt  }
0x64: {  	_ =	shalt  }
0x65: {  	_ =	shalt  }
0x66: {  	_ =	shalt  }
0x67: {  	_ =	shalt  }
0x68: {  	_ =	shalt  }
0x69: {  	_ =	shalt  }
0x6a: {  	_ =	shalt  }
0x6b: {  	_ =	shalt  }
0x6c: {  	_ =	shalt  }
0x6d: {  	_ =	shalt  }
0x6e: {  	_ =	shalt  }
0x6f: {  	_ =	shalt  }
0x70: {  	_ =	shalt  }
0x71: {  	_ =	shalt  }
0x72: {  	_ =	shalt  }
0x73: {  	_ =	shalt  }
0x74: {  	_ =	shalt  }
0x75: {  	_ =	shalt  }
0x76: {  	_ =	shalt  }
0x77: {  	_ =	shalt  }
0x78: {  	_ =	shalt  }
0x79: {  	_ =	shalt  }
0x7a: {  	_ =	shalt  }
0x7b: {  	_ =	shalt  }
0x7c: {  	_ =	shalt  }
0x7d: {  	_ =	shalt  }
0x7e: {  	_ =	shalt  }
0x7f: {  	_ =	shalt  }
0x80: {  	_ =	shalt  }
0x81: {  	_ =	shalt  }
0x82: {  	_ =	shalt  }
0x83: {  	_ =	shalt  }
0x84: {  	_ =	shalt  }
0x85: {  	_ =	shalt  }
0x86: {  	_ =	shalt  }
0x87: {  	_ =	shalt  }
.Lfunc_end0:
.L_simem_size_0:
called_computation_lowered:
.L_overlay_start_0:
0x88: {  	s2 =	sld [smem:$0x3FD9]  }
0x89: {  	s3 =	sld [smem:$0x3FFE];
	_ =	sdelay $0x1  }
0x8a: {  	s1 =	srdreg.scid  }
0x8b: {  	s0 =	sand.u32 $0x1, s1  }
0x8c: {  	s17 =	sshll.u32 s0, $0xA;
	s2 =	sadd.s32 s3, s2  }
0x8d: {  	s2 =	sadd.s32 s2, s17  }
0x8e: {  	[smem:$0x3FB8] =	sst s2  }
0x8f: {  	_ = 	snop  }
0x90: {  	s2 =	sld [smem:$0x3FD0];
	(tm) =	ssettm $0x1  }
0x91: {  	s18 =	sld [smem:$0x3FFB];
	_ =	sdelay $0x3  }
0x92: {  	_ =	strace s18  }
0x93: {  	s3 =	sld [smem:$0x3FFC];
	_ =	sdelay $0x3  }
0x94: {  	_ =	strace s3  }
0x95: {  	s3 =	sld [smem:$0x3FFD];
	_ =	sdelay $0x3  }
0x96: {  	_ =	strace s3  }
0x97: {  	_ =	strace $0x8FFFFFFF  }
0x98: {  	s19 =	sld [smem:$0x3FDB];
	_ =	sdelay $0x1  }
0x99: {  	s4 =	simm.s32 $_scs_section_size  }
0x9a: {  	s5 =	simm.s32 $_size__tile_overlayer_lowered;
	s6 =	simm.s32 $_tile_overlayer_lowered  }
0x9b: {  	s22 =	simm.s32 $0x1BFF;
	s21 =	sshll.u32 s6, $0x1;
	s3 =	sadd.s32 s4, s19  }
0x9c: {  	s7 =	simm.s32 $0x0;
	s20 =	sshll.u32 s5, $0x1;
	s5 =	sadd.s32 s21, s3  }
0x9d: {  	[timem:s7], [sflag:s22] =	dma.local [hbm:s5], s20  }
0x9e: {  	_ =	swait.ge [sflag:s22], s20  }
0x9f: {  	s4 =	ssub.s32 $0x0, s20;
	[sflag:s22] =	ssyncset.done $0x0  }
0xa0: {  	[sflag:s22] =	ssyncadd.s32 s4;
	_ =	sdelay $0x1  }
0xa1: {  	s23 =	simm.s32 $0x1B8B  }
0xa2: {  	_ =	swait.ge [sflag:s23], $0x1  }
0xa3: {  	[sflag:s23] =	ssyncset.done $0x0  }
0xa4: {  	s25 =	simm.s32 $0x1B8E;
	s24 =	sld [smem:$0x3FFE];
	[sflag:s23] =	ssyncadd.s32 $0xFFFFFFFF  }
0xa5: {  	s26 =	simm.s32 $execute0_lowered;
	[smem:$0x3FD2] =	sst s25  }
0xa6: {  	s5 =	sshll.u32 s26, $0x1;
	_ =	strace $0x80000046;
	[dreg:$0x1] =	wrdreg $0xFFFFFFFF  }
0xa7: {  	s28 =	simm.s32 $_size_execute0_lowered;
	s3 =	sadd.s32 s3, s5;
	[dreg:$0x0] =	wrdreg $0x0  }
0xa8: {  	s5 =	sshll.u32 s28, $0x1;
	[dreg:$0x2] =	wrdreg s3  }
0xa9: {  	[dreg:$0x3] =	wrdreg s5  }
0xaa: {  	[dreg:$0x4] =	wrdreg $0xC0  }
0xab: {  	_ =	task [dreg:s7], $0x5FFFF  }
0xac: {  	[dreg:$0x1] =	wrdreg $0xFFFFFFFF  }
0xad: {  	[dreg:$0x0] =	wrdreg $0x60  }
0xae: {  	[dreg:$0x2] =	wrdreg s2  }
0xaf: {  	[dreg:$0x3] =	wrdreg s24  }
0xb0: {  	[dreg:$0x4] =	wrdreg $0xB7800  }
0xb1: {  	[dreg:$0x5] =	wrdreg $0x9  }
0xb2: {  	_ =	task.clear_ibuf [dreg:s7], $0x6FFFF;
	_ =	strace $0x90000046  }
0xb3: {  	s29 =	simm.s32 $0x9;
	_ =	strace $0x80000048  }
0xb4: {  	_ =	swait.ge [sflag:s29], $0x1  }
0xb5: {  	[sflag:s29] =	ssyncadd.s32 $0xFFFFFFFF  }
0xb6: {  	_ =	strace $0x90000048  }
0xb7: {  	_ =	sfence  }
0xb8: {  	s30 =	sld [smem:$0x0];
	_ =	sdelay $0x2  }
0xb9: {  	s31 =	sshll.u32 s1, $0xD;
	s1 =	sshrl.u32 s1, $0x2  }
0xba: {  	s3 =	sand.u32 $0x4000, s31;
	s1 =	sadd.s32 s1, s30  }
0xbb: {  	s0 =	sor.u32 s3, s0;
	s1 =	sshll.u32 s1, $0x11  }
0xbc: {  	s0 =	sor.u32 s1, s0  }
0xbd: {  	s0 =	sadd.s32 $0x8F2B, s0  }
0xbe: {  	[sflag:s0] =	ssyncadd.remote.s32 $0x1  }
0xbf: {  	_ =	sfence.sel $0xFFFF  }
0xc0: {  	[dreg:$0x0] =	wrdreg $0xFFFFFFFF;
	(pc) =	sbr.abs _section_cstart, $3  }
0xc1: {  	[dreg:$0x1] =	wrdreg $0xFFFFFFFF  }
0xc2: {  	_ =	task.clear_ibuf [dreg:s7], $0x2FFFF;
	_ =	strace $0x9FFFFFFF  }
0xc3: {  	(tm) =	ssettm $0x7FFFFFFF  }
tec
execute0_lowered:
.L_overlay_start_1:
0x0: {  	(tag) =	ssettag $0x1  }
0x1: {  	s1 =	rddreg [dreg:$0x0]  }
0x2: {  	s2 =	srdreg.scid;
	s7 =	rddreg [dreg:$0x1]  }
0x3: {  	s0 =	stileid.u32;
	s3 =	rddreg [dreg:$0x2];
	s4 =	simm.s32 $0x0  }
0x4: {  	s18 =	simm.s32 $0x50;
	s19 =	simm.s32 $0x6780;
	s20 =	simm.s32 $0x8F80  }
0x5: {  	s21 =	simm.s32 $0x1;
	s22 =	simm.s32 $0x2;
	s6 =	sand.u32 $0x1, s2  }
0x6: {  	s23 =	sshll.u32 s0, $0x1;
	s2 =	rddreg [dreg:$0x3];
	s25 =	smul.u32 $0x2700, s0  }
0x7: {  	s24 =	sshrl.u32 s0, $0x2;
	[smem:$0x7FF] =	sst s4;
	s12 =	smul.u32 $0x4E000, s0  }
0x8: {  	s15 =	sadd.s32 $0x20A00, s7;
	s17 =	sadd.s32 $0x138000, s3;
	p0 =	sne.s32 s0, $0xF  }
0x9: {  	s31 =	sshll.u32 s0, $0x6;
	s5 =	sor.u32 s6, s23;
	s8 =	smul.u32 $0x13C00, s24  }
0xa: {  	_ =	strace $0x80000047;
	s11 =	ssub.s32 $0x2, s6;
	s14 =	smul.u32 $0x27100, s6  }
0xb: {  	s26 =	smul.u32 $0x138800, s6;
	s17 =	sshrl.u32 @!p0 s17, $0x3;
	s23 =	simm.s32 $0x6580  }
0xc: {  	s24 =	simm.s32 $0x0;
	s9 =	sshll.u32 s5, $0x7;
	s5 =	sshll.u32 s5, $0xB  }
0xd: {  	s13 =	sshrl.u32 s11, $0x1;
	s28 =	sshrl.u32 s12, $0x2;
	s12 =	simm.s32 $0x400  }
0xe: {  	s9 =	sand.u32 $0x380, s9;
	s10 =	sadd.s32 s5, s7;
	s5 =	sadd.s32 $0x1E200, s7  }
0xf: {  	s11 =	ssub.s32 s11, s13;
	s16 =	sadd.s32 s28, s3;
	s29 =	sadd.s32 s25, s14  }
0x10: {  	s30 =	sshrl.u32 s26, $0x3;
	s13 =	simm.s32 $0x3;
	s8 =	sor.u32 s8, s9  }
0x11: {  	s14 =	simm.s32 $0x2780;
	s9 =	sadd.s32 s15, s30;
	s8 =	sshrl.u32 s8, $0x3  }
0x12: {  	s16 =	sshrl.u32 s16, $0x3;
	s9 =	sadd.s32 $0x27000, s9;
	s8 =	sadd.s32 s8, s7  }
0x13: {  	s7 =	sadd.s32 $0xE200, s10;
	s10 =	smax.u32 s11, $0x1;
	s11 =	simm.s32 $0x80  }
0x14: {  	s6 =	sadd.s32 $0x4400, s8;
	s8 =	sadd.s32 s15, s29;
	s15 =	sor.u32 $0x1C03, s31  }
.LBB2_1:
0x15: {  	[tilespmem:s4], [sflag:$0x3] =	stream.strided.gather [hbm4b:s6+s11], $0x2780, s12, s11, $0x38;
	[tilespmem:$0x1F000] =	vst v63  }
0x16: {  	_ =	swait.ge [sflag:s13], $0x2780  }
0x17: {  	[sflag:s13] =	ssyncset.done $0x0  }
0x18: {  	[sflag:s13] =	ssyncadd.s32 $0xFFFFD880  }
0x19: {  	[tilespmem:s14], [sflag:$0x3] =	stream.linear.gather [hbm4b:s7+s4], $0x3E80, $0x38;
	[tilespmem:$0x1F000] =	vst v63  }
0x1a: {  	_ =	swait.ge [sflag:s13], $0x3E80  }
0x1b: {  	[sflag:s13] =	ssyncset.done $0x0  }
0x1c: {  	[sflag:s13] =	ssyncadd.s32 $0xFFFFC180  }
0x1d: {  	[spmem:s16], [sflag:s15] =	dma.local [hbm:s5], $0x2700  }
0x1e: {  	_ =	swait.ge [sflag:s13], $0x2700  }
0x1f: {  	[sflag:s13] =	ssyncset.done $0x0  }
0x20: {  	s25 =	simm.s32 @!p0 $0x3;
	[sflag:s13] =	ssyncadd.s32 $0xFFFFD900  }
0x21: {  	[spmem:s17], [sflag:s15] =	dma.local @!p0 [hbm:s5], $0x100  }
0x22: {  	_ =	swait.ge @!p0 [sflag:s25], $0x100  }
0x23: {  	[sflag:s25] =	ssyncset.done @!p0 $0x0  }
0x24: {  	[sflag:s25] =	ssyncadd.s32 @!p0 $0xFFFFFF00  }
0x25: {  	[bflag:$0x0] =	sbarrier.arrive $0xFFFF  }
0x26: {  	[tilespmem:s19], [sflag:$0x1] =	stream.indirect.gather [hbm4b:s1+s18], $0x80, s4, s18, $0xb8;
	[tilespmem:$0x1F000] =	vst v63  }
0x27: {  	s26 =	simm.s32 $0x50  }
0x28: {  	[tilespmem:s20], [sflag:$0x2] =	stream.indirect.gather [hbm4b:s1+s18], $0x80, s26, s18, $0xb8;
	[tilespmem:$0x1F000] =	vst v63  }
0x29: {  	_ =	swait.ge [sflag:s21], $0x2800  }
0x2a: {  	[sflag:s21] =	ssyncset.done $0x0  }
0x2b: {  	s29 =	simm.s32 $0x2780;
	[sflag:s21] =	ssyncadd.s32 $0xFFFFD800  }
0x2c: {  	[spmem:s3] =	stream.indirect.scatter.add.f32 [tilespmem:s19], [sflag:$0x3], $0x80, s29, s18, $0xb8;
	[tilespmem:$0x1F000] =	vst v63  }
0x2d: {  	_ =	swait.ge [sflag:s13], $0x2800  }
0x2e: {  	[sflag:s13] =	ssyncset.done $0x0  }
0x2f: {  	s30 =	simm.s32 $0xA0;
	[sflag:s13] =	ssyncadd.s32 $0xFFFFD800  }
0x30: {  	[tilespmem:s19], [sflag:$0x1] =	stream.indirect.gather [hbm4b:s1+s18], $0x80, s30, s18, $0xb8;
	[tilespmem:$0x1F000] =	vst v63  }
0x31: {  	_ =	swait.ge [sflag:s22], $0x2800  }
0x32: {  	[sflag:s22] =	ssyncset.done $0x0  }
0x33: {  	s31 =	simm.s32 $0x2800;
	[sflag:s22] =	ssyncadd.s32 $0xFFFFD800  }
0x34: {  	[spmem:s3] =	stream.indirect.scatter.add.f32 [tilespmem:s20], [sflag:$0x3], $0x80, s31, s18, $0xb8;
	[tilespmem:$0x1F000] =	vst v63  }
0x35: {  	s28 =	simm.s32 $0x800;
	_ =	swait.ge [sflag:s13], $0x2800  }
0x36: {  	s25 =	simm.s32 $0x140;
	s26 =	simm.s32 $0x400;
	[sflag:s13] =	ssyncset.done $0x0  }
.LBB2_2:
0x37: {  	p1 =	sne.s32 s28, $0xF400;
	s29 =	sadd.s32 $0xFFFFFFB0, s25;
	[sflag:s13] =	ssyncadd.s32 $0xFFFFD800  }
0x38: {  	[tilespmem:s20], [sflag:$0x2] =	stream.indirect.gather [hbm4b:s1+s18], $0x80, s29, s18, $0xb8;
	[tilespmem:$0x1F000] =	vst v63  }
0x39: {  	s29 =	smov.u32 s28;
	s28 =	sadd.s32 $0x400, s28;
	_ =	swait.ge [sflag:s21], $0x2800  }
0x3a: {  	s30 =	sshra.s32 s26, $0x2;
	s26 =	smov.u32 s29;
	[sflag:s21] =	ssyncset.done $0x0  }
0x3b: {  	s29 =	sadd.s32 $0x2780, s30;
	[sflag:s21] =	ssyncadd.s32 $0xFFFFD800  }
0x3c: {  	[spmem:s3] =	stream.indirect.scatter.add.f32 [tilespmem:s19], [sflag:$0x3], $0x80, s29, s18, $0xb8;
	[tilespmem:$0x1F000] =	vst v63  }
0x3d: {  	_ =	swait.ge [sflag:s13], $0x2800  }
0x3e: {  	[sflag:s13] =	ssyncset.done $0x0  }
0x3f: {  	[sflag:s13] =	ssyncadd.s32 $0xFFFFD800  }
0x40: {  	[tilespmem:s19], [sflag:$0x1] =	stream.indirect.gather [hbm4b:s1+s18], $0x80, s25, s18, $0xb8;
	[tilespmem:$0x1F000] =	vst v63  }
0x41: {  	_ =	swait.ge [sflag:s22], $0x2800  }
.Ltmp0:
0x42: {  	[sflag:s22] =	ssyncset.done $0x0;
	(pc) =	sbr.rel @p1 .LBB2_2-.Ltmp0, $4  }
0x43: {  	s29 =	sadd.s32 $0x2800, s30;
	[sflag:s22] =	ssyncadd.s32 $0xFFFFD800  }
0x44: {  	[spmem:s3] =	stream.indirect.scatter.add.f32 [tilespmem:s20], [sflag:$0x3], $0x80, s29, s18, $0xb8;
	[tilespmem:$0x1F000] =	vst v63  }
0x45: {  	_ =	swait.ge [sflag:s13], $0x2800  }
0x46: {  	s25 =	sadd.s32 $0xA0, s25;
	[sflag:s13] =	ssyncset.done $0x0  }
0x47: {  	s28 =	sadd.s32 $0xFFFFFFB0, s25;
	[sflag:s13] =	ssyncadd.s32 $0xFFFFD800  }
0x48: {  	[tilespmem:s20], [sflag:$0x2] =	stream.indirect.gather [hbm4b:s1+s18], $0x80, s28, s18, $0xb8;
	[tilespmem:$0x1F000] =	vst v63  }
0x49: {  	_ =	swait.ge [sflag:s21], $0x2800  }
0x4a: {  	s26 =	sshra.s32 s26, $0x2;
	[sflag:s21] =	ssyncset.done $0x0  }
0x4b: {  	s30 =	sadd.s32 $0x2780, s26;
	[sflag:s21] =	ssyncadd.s32 $0xFFFFD800  }
0x4c: {  	[spmem:s3] =	stream.indirect.scatter.add.f32 [tilespmem:s19], [sflag:$0x3], $0x80, s30, s18, $0xb8;
	[tilespmem:$0x1F000] =	vst v63  }
0x4d: {  	_ =	swait.ge [sflag:s13], $0x2800  }
0x4e: {  	[sflag:s13] =	ssyncset.done $0x0  }
0x4f: {  	[sflag:s13] =	ssyncadd.s32 $0xFFFFD800  }
0x50: {  	[tilespmem:s19], [sflag:$0x1] =	stream.indirect.gather [hbm4b:s1+s18], $0x80, s25, s18, $0xb8;
	[tilespmem:$0x1F000] =	vst v63  }
0x51: {  	_ =	swait.ge [sflag:s22], $0x2800  }
0x52: {  	[sflag:s22] =	ssyncset.done $0x0  }
0x53: {  	s31 =	sadd.s32 $0x2800, s26;
	[sflag:s22] =	ssyncadd.s32 $0xFFFFD800  }
0x54: {  	[spmem:s3] =	stream.indirect.scatter.add.f32 [tilespmem:s20], [sflag:$0x3], $0x80, s31, s18, $0xb8;
	[tilespmem:$0x1F000] =	vst v63  }
0x55: {  	_ =	swait.ge [sflag:s13], $0x2800  }
0x56: {  	[sflag:s13] =	ssyncset.done $0x0  }
0x57: {  	[sflag:s13] =	ssyncadd.s32 $0xFFFFD800  }
0x58: {  	_ =	swait.ge [sflag:s21], $0x2800  }
0x59: {  	[sflag:s21] =	ssyncset.done $0x0  }
0x5a: {  	[sflag:s21] =	ssyncadd.s32 $0xFFFFD800  }
0x5b: {  	[spmem:s3] =	stream.indirect.scatter.add.f32 [tilespmem:s19], [sflag:$0x3], $0x80, s23, s18, $0xb8;
	[tilespmem:$0x1F000] =	vst v63  }
0x5c: {  	_ =	swait.ge [sflag:s13], $0x2800  }
0x5d: {  	[sflag:s13] =	ssyncset.done $0x0  }
0x5e: {  	[sflag:s13] =	ssyncadd.s32 $0xFFFFD800  }
0x5f: {  	[bflag:$0x0] =	sbarrier.arrive $0xFFFF  }
0x60: {  	[hbm:s8], [sflag:s15] =	dma.local [spmem:s16], $0x2700  }
0x61: {  	s24 =	sadd.s32 $0x1, s24;
	_ =	swait.ge [sflag:s13], $0x2700  }
0x62: {  	p1 =	sne.s32 s24, s10;
	[sflag:s13] =	ssyncset.done $0x0  }
.Ltmp1:
0x63: {  	s25 =	simm.s32 @!p0 $0x3;
	[sflag:s13] =	ssyncadd.s32 $0xFFFFD900;
	(pc) =	sbr.rel @p1 .LBB2_1-.Ltmp1, $4  }
0x64: {  	[hbm:s9], [sflag:s15] =	dma.local @!p0 [spmem:s17], $0x100  }
0x65: {  	_ =	swait.ge @!p0 [sflag:s25], $0x100  }
0x66: {  	[sflag:s25] =	ssyncset.done @!p0 $0x0  }
0x67: {  	[sflag:s25] =	ssyncadd.s32 @!p0 $0xFFFFFF00  }
0x68: {  	_ =	sfence.sel $0x180000  }
0x69: {  	[bflag:$0x0] =	sbarrier.arrive $0xFFFF  }
0x6a: {  	p0 =	sne.s32 s0, $0x0;
	_ =	strace $0x90000047  }
0x6b: {  	s0 =	sadd.s32 @!p0 $0x100000, s2;
	[bflag:$0x2] =	sbarrier.arrive $0xFFFF  }
0x6c: {  	[sflag:s0] =	ssyncadd.tile.s32 @!p0 $0x1;
	_ =	shalt  }
.Lfunc_end2:
_tile_overlayer_lowered:
.L_overlay_start_2:
0x6d: {  	(tag) =	ssettag $0x2  }
0x6e: {  	s0 =	rddreg [dreg:$0x0];
	s2 =	stileid.u32  }
0x6f: {  	s1 =	rddreg [dreg:$0x1];
	p0 =	sne.s32 s2, $0x0  }
0x70: {  	s3 =	rddreg [dreg:$0x2];
	[bflag:$0x3] =	sbarrier.arrive $0xFFFF;
	s2 =	simm.s32 @!p0 $0x1C03  }
0x71: {  	[timem:s3], [sflag:s2] =	dma.local @!p0 [hbm:s0], s1  }
0x72: {  	s0 =	simm.s32 @!p0 $0x3  }
0x73: {  	_ =	swait.ge @!p0 [sflag:s0], s1  }
0x74: {  	s1 =	ssub.s32 @!p0 $0x0, s1;
	[sflag:s0] =	ssyncset.done @!p0 $0x0  }
0x75: {  	[sflag:s0] =	ssyncadd.s32 @!p0 s1  }
0x76: {  	[bflag:$0x3] =	sbarrier.arrive $0xFFFF  }
0x77: {  	_ =	shalt  }

</sc_bundles>
